<compile_context>
chip_gen: v7x
topology: tpu7x:2x2x1
jax: 0.10.2.dev20260603
libtpu: 0.0.44.dev20260713+nightly
codegen_flags: <defaults>
</compile_context>

<pallas_src>
import functools

import jax
import jax.numpy as jnp
from jax import lax
from jax.experimental import pallas as pl
from jax.experimental.pallas import tpu as pltpu
from jax.experimental.pallas import tpu_sc as plsc

N_NODES = 10000
N_EDGES = 320000
D_IN, D_HID, D_OUT = 128, 256, 128

LANES = 16
N_CORES = 2
N_SUB = 16
EB = 128
NA = 10112
DUMMY = N_NODES
RZ = NA // N_SUB
OT = 10
RO = N_NODES // OT

BLK = 1000


def _round_up(v, m):
    return (v + m - 1) // m * m



def _zero_fill(buf, nrows, width):
    zero16 = jnp.zeros((LANES,), jnp.float32)

    def row(i, c):
        for j in range(width // LANES):
            buf[i, pl.ds(j * LANES, LANES)] = zero16
        return c

    lax.fori_loop(0, nrows, row, 0)


def _copy_zeros(src_buf, acc, base, total):
    off = 0
    while off < total:
        cnt = min(EB, total - off)
        pltpu.sync_copy(src_buf.at[pl.ds(0, cnt)], acc.at[pl.ds(base + off, cnt)])
        off += cnt


CH = 16


CW = 128


def _make_segsum(nb, npass):
    assert nb % CH == 0
    mesh = plsc.VectorSubcoreMesh(core_axis_name="c", subcore_axis_name="s")

    @functools.partial(
        pl.kernel,
        mesh=mesh,
        out_type=jax.ShapeDtypeStruct((N_CORES * npass * N_NODES, CW), jnp.float32),
        scratch_types=[
            pltpu.VMEM((CH, EB), jnp.int32),
            pltpu.VMEM((CH, EB), jnp.int32),
            pltpu.VMEM((2, EB, CW), jnp.float32),
            pltpu.VMEM_SHARED((NA, CW), jnp.float32),
        ]
        + [pltpu.SemaphoreType.DMA] * 4,
    )
    def seg(table, srcr, dstr, out, sidx, didx, rows, acc, *sems):
        cid = lax.axis_index("c")
        sid = lax.axis_index("s")
        semg = sems[:2]
        sems_ = sems[2:]

        zero16 = jnp.zeros((LANES,), jnp.float32)

        def _rezero(i, c):
            for j in range(CW // LANES):
                rows[0, i, pl.ds(j * LANES, LANES)] = zero16
            return c

        def gather(u, b):
            pltpu.async_copy(table.at[sidx.at[u]], rows.at[b], semg[b])

        def gather_wait(b):
            pltpu.make_async_copy(table.at[sidx.at[0]], rows.at[b], semg[b]).wait()

        def scatter(u, b):
            pltpu.async_copy(rows.at[b], acc.at[didx.at[u]], sems_[b], add=True)

        def scatter_wait(b):
            pltpu.make_async_copy(rows.at[b], acc.at[didx.at[0]], sems_[b]).wait()

        def chunk(c, carry):
            pltpu.sync_copy(srcr.at[kk[0] * N_SUB + sid, pl.ds(c * CH, CH)], sidx)
            pltpu.sync_copy(dstr.at[kk[0] * N_SUB + sid, pl.ds(c * CH, CH)], didx)

            @pl.when(c > 0)
            def _():
                scatter_wait(0)

            gather(0, 0)
            for u in range(CH):
                b = u % 2
                gather_wait(b)
                if u == 0:
                    @pl.when(c > 0)
                    def _():
                        scatter_wait(1)

                scatter(u, b)
                if u + 1 < CH:
                    if u >= 1:
                        scatter_wait(1 - b)
                    gather(u + 1, 1 - b)
            return carry

        for p in range(npass):
            k = cid * npass + p
            kk = [k]

            lax.fori_loop(0, EB, _rezero, 0)
            _copy_zeros(rows.at[0], acc, sid * RZ, RZ)
            plsc.subcore_barrier()

            lax.fori_loop(0, nb // CH, chunk, 0)
            scatter_wait(0)
            scatter_wait(1)
            plsc.subcore_barrier()

            @pl.when(sid < OT)
            def _():
                pltpu.sync_copy(
                    acc.at[pl.ds(sid * RO, RO)],
                    out.at[pl.ds(k * N_NODES + sid * RO, RO)],
                )

            if p + 1 < npass:
                plsc.subcore_barrier()

    return seg


def _make_degree(nb):
    mesh = plsc.VectorSubcoreMesh(core_axis_name="c", subcore_axis_name="s")

    @functools.partial(
        pl.kernel,
        mesh=mesh,
        out_type=jax.ShapeDtypeStruct((N_CORES * N_NODES, CW), jnp.float32),
        scratch_types=[
            pltpu.VMEM((nb, EB), jnp.int32),
            pltpu.VMEM((EB, CW), jnp.float32),
            pltpu.VMEM_SHARED((NA, CW), jnp.float32),
            pltpu.SemaphoreType.DMA,
        ],
    )
    def deg(dstr, out, didx, ones, acc, sem):
        cid = lax.axis_index("c")
        sid = lax.axis_index("s")
        wid = cid * N_SUB + sid

        pltpu.sync_copy(dstr.at[wid], didx)

        _zero_fill(ones, EB, CW)
        _copy_zeros(ones, acc, sid * RZ, RZ)

        one16 = jnp.ones((LANES,), jnp.float32)

        def orow(i, c):
            for j in range(CW // LANES):
                ones[i, pl.ds(j * LANES, LANES)] = one16
            return c

        lax.fori_loop(0, EB, orow, 0)
        plsc.subcore_barrier()

        def swait():
            pltpu.make_async_copy(ones, acc.at[didx.at[0]], sem).wait()

        def body(j, c):
            pltpu.async_copy(ones, acc.at[didx.at[j]], sem, add=True)

            @pl.when(j >= 4)
            def _():
                swait()

            return c

        lax.fori_loop(0, nb, body, 0)
        for _ in range(4):
            swait()
        plsc.subcore_barrier()

        @pl.when(sid < OT)
        def _():
            obase = sid * RO
            pltpu.sync_copy(
                acc.at[pl.ds(obase, RO)],
                out.at[pl.ds(cid * N_NODES + obase, RO)],
            )

    return deg



def _deg_from_ref(degr):
    return degr[0, :, 0] + degr[1, :, 0] + 1.0


def _mm1_body(degr, xr, wr, hs_r, hself_r):
    deg = _deg_from_ref(degr)
    dis = lax.rsqrt(deg)
    h = jnp.dot(xr[...], wr[...], preferred_element_type=jnp.float32)
    hs = h * dis[:, None]
    for k in range(D_HID // CW):
        hs_r[k] = hs[:, k * CW:(k + 1) * CW]
    hself_r[...] = h * (1.0 / deg)[:, None]


def _mm2_body(degr, accr, hselfr, b1r, w2r, hs2_r, hself2_r):
    deg = _deg_from_ref(degr)
    dis = lax.rsqrt(deg)
    acc = jnp.concatenate([accr[k] for k in range(D_HID // CW)], axis=-1)
    z = jnp.maximum(acc * dis[:, None] + hselfr[...] + b1r[...], 0.0)
    h2 = jnp.dot(z, w2r[...], preferred_element_type=jnp.float32)
    hs2 = h2 * dis[:, None]
    for k in range(D_OUT // CW):
        hs2_r[k] = hs2[:, k * CW:(k + 1) * CW]
    hself2_r[...] = h2 * (1.0 / deg)[:, None]


def _final_body(degr, accr, hself2r, b2r, outr):
    deg = _deg_from_ref(degr)
    dis = lax.rsqrt(deg)
    acc = accr[0] + accr[1]
    outr[...] = jnp.maximum(acc * dis[:, None] + hself2r[...] + b2r[...], 0.0)


def _deg_spec():
    return pl.BlockSpec((2, BLK, CW), lambda i: (0, i, 0))


def _row_spec(d):
    return pl.BlockSpec((BLK, d), lambda i: (i, 0))


def _full_spec(a, b):
    return pl.BlockSpec((a, b), lambda i: (0, 0))


def _chunk_spec(nk):
    return pl.BlockSpec((nk, BLK, CW), lambda i: (0, i, 0))


_mm1 = pl.pallas_call(
    _mm1_body,
    grid=(N_NODES // BLK,),
    in_specs=[_deg_spec(), _row_spec(D_IN), _full_spec(D_IN, D_HID)],
    out_specs=[_chunk_spec(D_HID // CW), _row_spec(D_HID)],
    out_shape=[
        jax.ShapeDtypeStruct((D_HID // CW, N_NODES, CW), jnp.float32),
        jax.ShapeDtypeStruct((N_NODES, D_HID), jnp.float32),
    ],
)

_mm2 = pl.pallas_call(
    _mm2_body,
    grid=(N_NODES // BLK,),
    in_specs=[
        _deg_spec(),
        _chunk_spec(D_HID // CW),
        _row_spec(D_HID),
        _full_spec(1, D_HID),
        _full_spec(D_HID, D_OUT),
    ],
    out_specs=[_chunk_spec(D_OUT // CW), _row_spec(D_OUT)],
    out_shape=[
        jax.ShapeDtypeStruct((D_OUT // CW, N_NODES, CW), jnp.float32),
        jax.ShapeDtypeStruct((N_NODES, D_OUT), jnp.float32),
    ],
)

_final = pl.pallas_call(
    _final_body,
    grid=(N_NODES // BLK,),
    in_specs=[
        _deg_spec(),
        _chunk_spec(N_CORES),
        _row_spec(D_OUT),
        _full_spec(1, D_OUT),
    ],
    out_specs=_row_spec(D_OUT),
    out_shape=jax.ShapeDtypeStruct((N_NODES, D_OUT), jnp.float32),
)



def _pad_per_tile(a, n_tiles, pad_value):
    per = a.shape[0] // n_tiles
    nb = _round_up(per, 4 * EB) // EB
    a2 = a.reshape(n_tiles, per)
    a2 = jnp.pad(a2, ((0, 0), (0, nb * EB - per)), constant_values=pad_value)
    return a2.reshape(n_tiles, nb, EB), nb


def kernel(x, edge_index, W1, b1, W2, b2):
    src = edge_index[0].astype(jnp.int32)
    dst = edge_index[1].astype(jnp.int32)

    src_cs, nb_cs = _pad_per_tile(src, N_SUB, 0)
    dst_cs, _ = _pad_per_tile(dst, N_SUB, DUMMY)
    src1_off = jnp.concatenate([src_cs, src_cs + N_NODES], axis=0)
    dst1 = jnp.concatenate([dst_cs, dst_cs], axis=0)

    src_es, nb_es = _pad_per_tile(src, N_CORES * N_SUB, 0)
    dst_es, _ = _pad_per_tile(dst, N_CORES * N_SUB, DUMMY)

    seg1 = _make_segsum(nb_cs, 1)
    seg2 = _make_segsum(nb_es, 1)
    degk = _make_degree(nb_es)

    degp = degk(dst_es).reshape(2, N_NODES, CW)

    nk1 = D_HID // CW
    hs_chunks, hself = _mm1(degp, x, W1)
    acc1 = seg1(hs_chunks.reshape(nk1 * N_NODES, CW), src1_off, dst1)
    hs2, hself2 = _mm2(
        degp, acc1.reshape(nk1, N_NODES, CW), hself, b1.reshape(1, D_HID), W2
    )
    acc2 = seg2(hs2.reshape(N_NODES, CW), src_es, dst_es)
    return _final(
        degp, acc2.reshape(N_CORES, N_NODES, CW), hself2, b2.reshape(1, D_OUT)
    )

# --- scband reference (transcript-rebuilt; emitter-appended) ---
"""Pipeline reference for scband-gnn-encoder-32306744000890 (READ-ONLY COPY).

The authoritative reference and input builder live on the scoring server;
editing this copy changes nothing except your own understanding.
"""

import jax, jax.numpy as jnp
import numpy as np


def gcn_conv(x, edge_index, W, b):
    # Faithful GCNConv: add self-loops, symmetric normalization, linear transform, scatter-add aggregation, bias.
    num_nodes = x.shape[0]
    src = edge_index[0]
    dst = edge_index[1]
    loop = jnp.arange(num_nodes, dtype=edge_index.dtype)
    src = jnp.concatenate([src, loop])
    dst = jnp.concatenate([dst, loop])
    deg = jnp.zeros((num_nodes,), dtype=x.dtype).at[dst].add(1.0)
    deg_inv_sqrt = jnp.where(deg > 0, deg ** -0.5, 0.0)
    norm = deg_inv_sqrt[src] * deg_inv_sqrt[dst]
    h = x @ W
    msg = h[src] * norm[:, None]
    out = jnp.zeros((num_nodes, W.shape[1]), dtype=x.dtype).at[dst].add(msg)
    return out + b


def setup_inputs(seed: int = 0) -> dict:
    key = jax.random.key(seed)
    k_x, k_e, k_w1, k_w2 = jax.random.split(key, 4)
    n_nodes, n_edges = 10000, 320000
    d_in, d_hid, d_out = 128, 256, 128
    x = jax.random.normal(k_x, (n_nodes, d_in), dtype=jnp.float32)
    edge_index = jax.random.randint(k_e, (2, n_edges), 0, n_nodes, dtype=jnp.int64)
    W1 = jax.random.normal(k_w1, (d_in, d_hid), dtype=jnp.float32) * (1.0 / np.sqrt(d_in))
    b1 = jnp.zeros((d_hid,), dtype=jnp.float32)
    W2 = jax.random.normal(k_w2, (d_hid, d_out), dtype=jnp.float32) * (1.0 / np.sqrt(d_hid))
    b2 = jnp.zeros((d_out,), dtype=jnp.float32)
    return {"x": x, "edge_index": edge_index, "W1": W1, "b1": b1, "W2": W2, "b2": b2}


def reference(x, edge_index, W1, b1, W2, b2):
    h = jax.nn.relu(gcn_conv(x, edge_index, W1, b1))
    out = jax.nn.relu(gcn_conv(h, edge_index, W2, b2))
    return out

if __name__ == "__main__":
    import jax
    _d = setup_inputs()
    print(jax.jit(kernel)(*tuple(_d.values())))

</pallas_src>

<mosaic_0001>
#map = affine_map<(d0, d1) -> (0, 0)>
#map1 = affine_map<(d0, d1) -> (0, 0, 0)>
module attributes {stable_mosaic.version = 14 : i64} {
  func.func @seg(%arg0: i32, %arg1: i32, %arg2: memref<20000x128xf32, #tpu.memory_space<hbm>>, %arg3: memref<32x160x128xi32, #tpu.memory_space<hbm>>, %arg4: memref<32x160x128xi32, #tpu.memory_space<hbm>>, %arg5: memref<20000x128xf32, #tpu.memory_space<hbm>>, %arg6: memref<16x128xi32, #tpu.memory_space<vmem>>, %arg7: memref<16x128xi32, #tpu.memory_space<vmem>>, %arg8: memref<2x128x128xf32, #tpu.memory_space<vmem>>, %arg9: memref<10112x128xf32, #tpu.memory_space<vmem_shared>>, %arg10: memref<!tpu.dma_semaphore, #tpu.memory_space<semaphore_mem>>, %arg11: memref<!tpu.dma_semaphore, #tpu.memory_space<semaphore_mem>>, %arg12: memref<!tpu.dma_semaphore, #tpu.memory_space<semaphore_mem>>, %arg13: memref<!tpu.dma_semaphore, #tpu.memory_space<semaphore_mem>>) attributes {dimension_semantics = [#tpu.dimension_semantics<core_parallel>, #tpu.dimension_semantics<subcore_parallel>], iteration_bounds = array<i64: 2, 16>, scalar_prefetch = 0 : i64, scratch_operands = 8 : i64, tpu.core_type = #tpu.core_type<sc_vector_subcore>, window_params = [{transform_indices = #map}, {transform_indices = #map1}, {transform_indices = #map1}, {transform_indices = #map}]} {
    %broadcast_in_dim3A = arith.constant 0.000000e+00 : f32
    %broadcast_in_dim3A_0 = vector.broadcast %broadcast_in_dim3A : f32 to vector<16xf32>
    %mul3A = arith.constant 1 : i32
    %mul3A_1 = arith.muli %arg0, %mul3A : i32
    %add3A = arith.constant 0 : i32
    %add3A_2 = arith.addi %mul3A_1, %add3A : i32
    %scan3A = arith.constant 0 : i32
    %scan3A_3 = arith.constant 0 : i32
    %scan3A_4 = arith.constant 128 : i32
    %scan3A_5 = arith.addi %scan3A_3, %scan3A_4 : i32
    %scan3A_6 = arith.constant 1 : i32
    scf.for %scan3A_56 = %scan3A_3 to %scan3A_5 step %scan3A_6  : i32 {
      %swap3A = arith.constant 0 : i32
      %swap3A_57 = arith.index_cast %swap3A : i32 to index
      %swap3A_58 = arith.index_cast %scan3A_56 : i32 to index
      %swap3A_59 = arith.constant 0 : index
      %swap3A_60 = tpu.vector_load %arg8[%swap3A_57, %swap3A_58, %swap3A_59] {strides = array<i32>} : memref<2x128x128xf32, #tpu.memory_space<vmem>>, vector<1x1x16xf32>,
      %swap3A_61 = vector.shape_cast %swap3A_60 : vector<1x1x16xf32> to vector<16xf32>
      %swap3A_62 = vector.shape_cast %broadcast_in_dim3A_0 : vector<16xf32> to vector<1x1x16xf32>
      tpu.vector_store %arg8[%swap3A_57, %swap3A_58, %swap3A_59], %swap3A_62 {strides = array<i32>} : memref<2x128x128xf32, #tpu.memory_space<vmem>>, vector<1x1x16xf32>,
      %swap3A_63 = arith.constant 0 : i32
      %swap3A_64 = arith.index_cast %swap3A_63 : i32 to index
      %swap3A_65 = arith.index_cast %scan3A_56 : i32 to index
      %swap3A_66 = arith.constant 16 : index
      %swap3A_67 = tpu.vector_load %arg8[%swap3A_64, %swap3A_65, %swap3A_66] {strides = array<i32>} : memref<2x128x128xf32, #tpu.memory_space<vmem>>, vector<1x1x16xf32>,
      %swap3A_68 = vector.shape_cast %swap3A_67 : vector<1x1x16xf32> to vector<16xf32>
      %swap3A_69 = vector.shape_cast %broadcast_in_dim3A_0 : vector<16xf32> to vector<1x1x16xf32>
      tpu.vector_store %arg8[%swap3A_64, %swap3A_65, %swap3A_66], %swap3A_69 {strides = array<i32>} : memref<2x128x128xf32, #tpu.memory_space<vmem>>, vector<1x1x16xf32>,
      %swap3A_70 = arith.constant 0 : i32
      %swap3A_71 = arith.index_cast %swap3A_70 : i32 to index
      %swap3A_72 = arith.index_cast %scan3A_56 : i32 to index
      %swap3A_73 = arith.constant 32 : index
      %swap3A_74 = tpu.vector_load %arg8[%swap3A_71, %swap3A_72, %swap3A_73] {strides = array<i32>} : memref<2x128x128xf32, #tpu.memory_space<vmem>>, vector<1x1x16xf32>,
      %swap3A_75 = vector.shape_cast %swap3A_74 : vector<1x1x16xf32> to vector<16xf32>
      %swap3A_76 = vector.shape_cast %broadcast_in_dim3A_0 : vector<16xf32> to vector<1x1x16xf32>
      tpu.vector_store %arg8[%swap3A_71, %swap3A_72, %swap3A_73], %swap3A_76 {strides = array<i32>} : memref<2x128x128xf32, #tpu.memory_space<vmem>>, vector<1x1x16xf32>,
      %swap3A_77 = arith.constant 0 : i32
      %swap3A_78 = arith.index_cast %swap3A_77 : i32 to index
      %swap3A_79 = arith.index_cast %scan3A_56 : i32 to index
      %swap3A_80 = arith.constant 48 : index
      %swap3A_81 = tpu.vector_load %arg8[%swap3A_78, %swap3A_79, %swap3A_80] {strides = array<i32>} : memref<2x128x128xf32, #tpu.memory_space<vmem>>, vector<1x1x16xf32>,
      %swap3A_82 = vector.shape_cast %swap3A_81 : vector<1x1x16xf32> to vector<16xf32>
      %swap3A_83 = vector.shape_cast %broadcast_in_dim3A_0 : vector<16xf32> to vector<1x1x16xf32>
      tpu.vector_store %arg8[%swap3A_78, %swap3A_79, %swap3A_80], %swap3A_83 {strides = array<i32>} : memref<2x128x128xf32, #tpu.memory_space<vmem>>, vector<1x1x16xf32>,
      %swap3A_84 = arith.constant 0 : i32
      %swap3A_85 = arith.index_cast %swap3A_84 : i32 to index
      %swap3A_86 = arith.index_cast %scan3A_56 : i32 to index
      %swap3A_87 = arith.constant 64 : index
      %swap3A_88 = tpu.vector_load %arg8[%swap3A_85, %swap3A_86, %swap3A_87] {strides = array<i32>} : memref<2x128x128xf32, #tpu.memory_space<vmem>>, vector<1x1x16xf32>,
      %swap3A_89 = vector.shape_cast %swap3A_88 : vector<1x1x16xf32> to vector<16xf32>
      %swap3A_90 = vector.shape_cast %broadcast_in_dim3A_0 : vector<16xf32> to vector<1x1x16xf32>
      tpu.vector_store %arg8[%swap3A_85, %swap3A_86, %swap3A_87], %swap3A_90 {strides = array<i32>} : memref<2x128x128xf32, #tpu.memory_space<vmem>>, vector<1x1x16xf32>,
      %swap3A_91 = arith.constant 0 : i32
      %swap3A_92 = arith.index_cast %swap3A_91 : i32 to index
      %swap3A_93 = arith.index_cast %scan3A_56 : i32 to index
      %swap3A_94 = arith.constant 80 : index
      %swap3A_95 = tpu.vector_load %arg8[%swap3A_92, %swap3A_93, %swap3A_94] {strides = array<i32>} : memref<2x128x128xf32, #tpu.memory_space<vmem>>, vector<1x1x16xf32>,
      %swap3A_96 = vector.shape_cast %swap3A_95 : vector<1x1x16xf32> to vector<16xf32>
      %swap3A_97 = vector.shape_cast %broadcast_in_dim3A_0 : vector<16xf32> to vector<1x1x16xf32>
      tpu.vector_store %arg8[%swap3A_92, %swap3A_93, %swap3A_94], %swap3A_97 {strides = array<i32>} : memref<2x128x128xf32, #tpu.memory_space<vmem>>, vector<1x1x16xf32>,
      %swap3A_98 = arith.constant 0 : i32
      %swap3A_99 = arith.index_cast %swap3A_98 : i32 to index
      %swap3A_100 = arith.index_cast %scan3A_56 : i32 to index
      %swap3A_101 = arith.constant 96 : index
      %swap3A_102 = tpu.vector_load %arg8[%swap3A_99, %swap3A_100, %swap3A_101] {strides = array<i32>} : memref<2x128x128xf32, #tpu.memory_space<vmem>>, vector<1x1x16xf32>,
      %swap3A_103 = vector.shape_cast %swap3A_102 : vector<1x1x16xf32> to vector<16xf32>
      %swap3A_104 = vector.shape_cast %broadcast_in_dim3A_0 : vector<16xf32> to vector<1x1x16xf32>
      tpu.vector_store %arg8[%swap3A_99, %swap3A_100, %swap3A_101], %swap3A_104 {strides = array<i32>} : memref<2x128x128xf32, #tpu.memory_space<vmem>>, vector<1x1x16xf32>,
      %swap3A_105 = arith.constant 0 : i32
      %swap3A_106 = arith.index_cast %swap3A_105 : i32 to index
      %swap3A_107 = arith.index_cast %scan3A_56 : i32 to index
      %swap3A_108 = arith.constant 112 : index
      %swap3A_109 = tpu.vector_load %arg8[%swap3A_106, %swap3A_107, %swap3A_108] {strides = array<i32>} : memref<2x128x128xf32, #tpu.memory_space<vmem>>, vector<1x1x16xf32>,
      %swap3A_110 = vector.shape_cast %swap3A_109 : vector<1x1x16xf32> to vector<16xf32>
      %swap3A_111 = vector.shape_cast %broadcast_in_dim3A_0 : vector<16xf32> to vector<1x1x16xf32>
      tpu.vector_store %arg8[%swap3A_106, %swap3A_107, %swap3A_108], %swap3A_111 {strides = array<i32>} : memref<2x128x128xf32, #tpu.memory_space<vmem>>, vector<1x1x16xf32>,
    }
    %scan3A_7 = arith.constant 128 : i32
    %mul3A_8 = arith.constant 632 : i32
    %mul3A_9 = arith.muli %arg1, %mul3A_8 : i32
    %add3A_10 = arith.constant 0 : i32
    %add3A_11 = arith.addi %mul3A_9, %add3A_10 : i32
    %run_scoped3A = arith.constant 0 : i32
    "tpu.region"() ({
      %run_scoped3A_56 = tpu.sem_alloc : memref<!tpu.dma_semaphore, #tpu.memory_space<semaphore_mem>>
      %dma_start3A = arith.constant 0 : i32
      %dma_start3A_57 = arith.constant 0 : i32
      %dma_start3A_58 = tpu.memref_slice %arg8[%run_scoped3A, %dma_start3A, %dma_start3A_57] : memref<2x128x128xf32, #tpu.memory_space<vmem>> -> memref<1x128x128xf32, #tpu.memory_space<vmem>>
      %dma_start3A_59 = tpu.memref_squeeze %dma_start3A_58 : memref<1x128x128xf32, #tpu.memory_space<vmem>> -> memref<128x128xf32, #tpu.memory_space<vmem>>
      %dma_start3A_60 = arith.constant 0 : i32
      %dma_start3A_61 = arith.constant 0 : i32
      %dma_start3A_62 = tpu.memref_slice %dma_start3A_59[%dma_start3A_60, %dma_start3A_61] : memref<128x128xf32, #tpu.memory_space<vmem>> -> memref<128x128xf32, #tpu.memory_space<vmem>>
      %dma_start3A_63 = arith.constant 0 : i32
      %dma_start3A_64 = tpu.memref_slice %arg9[%add3A_11, %dma_start3A_63] : memref<10112x128xf32, #tpu.memory_space<vmem_shared>> -> memref<128x128xf32, #tpu.memory_space<vmem_shared>>
      %dma_start3A_65 = arith.constant 0 : i32
      %dma_start3A_66 = tpu.memref_slice %arg9[%add3A_11, %dma_start3A_65] : memref<10112x128xf32, #tpu.memory_space<vmem_shared>> -> memref<128x128xf32, #tpu.memory_space<vmem_shared>>
      %dma_start3A_67 = arith.constant 0 : i32
      %dma_start3A_68 = arith.constant 0 : i32
      %dma_start3A_69 = tpu.memref_slice %arg8[%run_scoped3A, %dma_start3A_67, %dma_start3A_68] : memref<2x128x128xf32, #tpu.memory_space<vmem>> -> memref<1x128x128xf32, #tpu.memory_space<vmem>>
      %dma_start3A_70 = tpu.memref_squeeze %dma_start3A_69 : memref<1x128x128xf32, #tpu.memory_space<vmem>> -> memref<128x128xf32, #tpu.memory_space<vmem>>
      %dma_start3A_71 = arith.constant 0 : i32
      %dma_start3A_72 = arith.constant 0 : i32
      %dma_start3A_73 = tpu.memref_slice %dma_start3A_70[%dma_start3A_71, %dma_start3A_72] : memref<128x128xf32, #tpu.memory_space<vmem>> -> memref<128x128xf32, #tpu.memory_space<vmem>>
      tpu.enqueue_dma source(%dma_start3A_73 : memref<128x128xf32, #tpu.memory_space<vmem>>) target(%dma_start3A_66 : memref<128x128xf32, #tpu.memory_space<vmem_shared>>) target_semaphore(%run_scoped3A_56 : memref<!tpu.dma_semaphore, #tpu.memory_space<semaphore_mem>>)
      %dma_wait3A_74 = arith.constant 0 : i32
      %dma_wait3A_75 = arith.constant 0 : i32
      %dma_wait3A_76 = tpu.memref_slice %arg8[%run_scoped3A, %dma_wait3A_74, %dma_wait3A_75] : memref<2x128x128xf32, #tpu.memory_space<vmem>> -> memref<1x128x128xf32, #tpu.memory_space<vmem>>
      %dma_wait3A_77 = tpu.memref_squeeze %dma_wait3A_76 : memref<1x128x128xf32, #tpu.memory_space<vmem>> -> memref<128x128xf32, #tpu.memory_space<vmem>>
      %dma_wait3A_78 = arith.constant 0 : i32
      %dma_wait3A_79 = arith.constant 0 : i32
      %dma_wait3A_80 = tpu.memref_slice %dma_wait3A_77[%dma_wait3A_78, %dma_wait3A_79] : memref<128x128xf32, #tpu.memory_space<vmem>> -> memref<128x128xf32, #tpu.memory_space<vmem>>
      %dma_wait3A_81 = arith.constant 0 : i32
      %dma_wait3A_82 = tpu.memref_slice %arg9[%add3A_11, %dma_wait3A_81] : memref<10112x128xf32, #tpu.memory_space<vmem_shared>> -> memref<128x128xf32, #tpu.memory_space<vmem_shared>>
      %dma_wait3A_83 = arith.constant 0 : i32
      %dma_wait3A_84 = tpu.memref_slice %arg9[%add3A_11, %dma_wait3A_83] : memref<10112x128xf32, #tpu.memory_space<vmem_shared>> -> memref<128x128xf32, #tpu.memory_space<vmem_shared>>
      %dma_wait3A_85 = arith.constant 0 : i32
      %dma_wait3A_86 = arith.constant 0 : i32
      %dma_wait3A_87 = tpu.memref_slice %arg8[%run_scoped3A, %dma_wait3A_85, %dma_wait3A_86] : memref<2x128x128xf32, #tpu.memory_space<vmem>> -> memref<1x128x128xf32, #tpu.memory_space<vmem>>
      %dma_wait3A_88 = tpu.memref_squeeze %dma_wait3A_87 : memref<1x128x128xf32, #tpu.memory_space<vmem>> -> memref<128x128xf32, #tpu.memory_space<vmem>>
      %dma_wait3A_89 = arith.constant 0 : i32
      %dma_wait3A_90 = arith.constant 0 : i32
      %dma_wait3A_91 = tpu.memref_slice %dma_wait3A_88[%dma_wait3A_89, %dma_wait3A_90] : memref<128x128xf32, #tpu.memory_space<vmem>> -> memref<128x128xf32, #tpu.memory_space<vmem>>
      tpu.wait_dma2 semaphore(%run_scoped3A_56 : memref<!tpu.dma_semaphore, #tpu.memory_space<semaphore_mem>>) src(%dma_wait3A_91 : memref<128x128xf32, #tpu.memory_space<vmem>>) dst(%dma_wait3A_84 : memref<128x128xf32, #tpu.memory_space<vmem_shared>>)
      tpu.yield
    }) : () -> ()
    %add3A_12 = arith.constant 128 : i32
    %add3A_13 = arith.addi %mul3A_9, %add3A_12 : i32
    %run_scoped3A_14 = arith.constant 0 : i32
    "tpu.region"() ({
      %run_scoped3A_56 = tpu.sem_alloc : memref<!tpu.dma_semaphore, #tpu.memory_space<semaphore_mem>>
      %dma_start3A = arith.constant 0 : i32
      %dma_start3A_57 = arith.constant 0 : i32
      %dma_start3A_58 = tpu.memref_slice %arg8[%run_scoped3A_14, %dma_start3A, %dma_start3A_57] : memref<2x128x128xf32, #tpu.memory_space<vmem>> -> memref<1x128x128xf32, #tpu.memory_space<vmem>>
      %dma_start3A_59 = tpu.memref_squeeze %dma_start3A_58 : memref<1x128x128xf32, #tpu.memory_space<vmem>> -> memref<128x128xf32, #tpu.memory_space<vmem>>
      %dma_start3A_60 = arith.constant 0 : i32
      %dma_start3A_61 = arith.constant 0 : i32
      %dma_start3A_62 = tpu.memref_slice %dma_start3A_59[%dma_start3A_60, %dma_start3A_61] : memref<128x128xf32, #tpu.memory_space<vmem>> -> memref<128x128xf32, #tpu.memory_space<vmem>>
      %dma_start3A_63 = arith.constant 0 : i32
      %dma_start3A_64 = tpu.memref_slice %arg9[%add3A_13, %dma_start3A_63] : memref<10112x128xf32, #tpu.memory_space<vmem_shared>> -> memref<128x128xf32, #tpu.memory_space<vmem_shared>>
      %dma_start3A_65 = arith.constant 0 : i32
      %dma_start3A_66 = tpu.memref_slice %arg9[%add3A_13, %dma_start3A_65] : memref<10112x128xf32, #tpu.memory_space<vmem_shared>> -> memref<128x128xf32, #tpu.memory_space<vmem_shared>>
      %dma_start3A_67 = arith.constant 0 : i32
      %dma_start3A_68 = arith.constant 0 : i32
      %dma_start3A_69 = tpu.memref_slice %arg8[%run_scoped3A_14, %dma_start3A_67, %dma_start3A_68] : memref<2x128x128xf32, #tpu.memory_space<vmem>> -> memref<1x128x128xf32, #tpu.memory_space<vmem>>
      %dma_start3A_70 = tpu.memref_squeeze %dma_start3A_69 : memref<1x128x128xf32, #tpu.memory_space<vmem>> -> memref<128x128xf32, #tpu.memory_space<vmem>>
      %dma_start3A_71 = arith.constant 0 : i32
      %dma_start3A_72 = arith.constant 0 : i32
      %dma_start3A_73 = tpu.memref_slice %dma_start3A_70[%dma_start3A_71, %dma_start3A_72] : memref<128x128xf32, #tpu.memory_space<vmem>> -> memref<128x128xf32, #tpu.memory_space<vmem>>
      tpu.enqueue_dma source(%dma_start3A_73 : memref<128x128xf32, #tpu.memory_space<vmem>>) target(%dma_start3A_66 : memref<128x128xf32, #tpu.memory_space<vmem_shared>>) target_semaphore(%run_scoped3A_56 : memref<!tpu.dma_semaphore, #tpu.memory_space<semaphore_mem>>)
      %dma_wait3A_74 = arith.constant 0 : i32
      %dma_wait3A_75 = arith.constant 0 : i32
      %dma_wait3A_76 = tpu.memref_slice %arg8[%run_scoped3A_14, %dma_wait3A_74, %dma_wait3A_75] : memref<2x128x128xf32, #tpu.memory_space<vmem>> -> memref<1x128x128xf32, #tpu.memory_space<vmem>>
      %dma_wait3A_77 = tpu.memref_squeeze %dma_wait3A_76 : memref<1x128x128xf32, #tpu.memory_space<vmem>> -> memref<128x128xf32, #tpu.memory_space<vmem>>
      %dma_wait3A_78 = arith.constant 0 : i32
      %dma_wait3A_79 = arith.constant 0 : i32
      %dma_wait3A_80 = tpu.memref_slice %dma_wait3A_77[%dma_wait3A_78, %dma_wait3A_79] : memref<128x128xf32, #tpu.memory_space<vmem>> -> memref<128x128xf32, #tpu.memory_space<vmem>>
      %dma_wait3A_81 = arith.constant 0 : i32
      %dma_wait3A_82 = tpu.memref_slice %arg9[%add3A_13, %dma_wait3A_81] : memref<10112x128xf32, #tpu.memory_space<vmem_shared>> -> memref<128x128xf32, #tpu.memory_space<vmem_shared>>
      %dma_wait3A_83 = arith.constant 0 : i32
      %dma_wait3A_84 = tpu.memref_slice %arg9[%add3A_13, %dma_wait3A_83] : memref<10112x128xf32, #tpu.memory_space<vmem_shared>> -> memref<128x128xf32, #tpu.memory_space<vmem_shared>>
      %dma_wait3A_85 = arith.constant 0 : i32
      %dma_wait3A_86 = arith.constant 0 : i32
      %dma_wait3A_87 = tpu.memref_slice %arg8[%run_scoped3A_14, %dma_wait3A_85, %dma_wait3A_86] : memref<2x128x128xf32, #tpu.memory_space<vmem>> -> memref<1x128x128xf32, #tpu.memory_space<vmem>>
      %dma_wait3A_88 = tpu.memref_squeeze %dma_wait3A_87 : memref<1x128x128xf32, #tpu.memory_space<vmem>> -> memref<128x128xf32, #tpu.memory_space<vmem>>
      %dma_wait3A_89 = arith.constant 0 : i32
      %dma_wait3A_90 = arith.constant 0 : i32
      %dma_wait3A_91 = tpu.memref_slice %dma_wait3A_88[%dma_wait3A_89, %dma_wait3A_90] : memref<128x128xf32, #tpu.memory_space<vmem>> -> memref<128x128xf32, #tpu.memory_space<vmem>>
      tpu.wait_dma2 semaphore(%run_scoped3A_56 : memref<!tpu.dma_semaphore, #tpu.memory_space<semaphore_mem>>) src(%dma_wait3A_91 : memref<128x128xf32, #tpu.memory_space<vmem>>) dst(%dma_wait3A_84 : memref<128x128xf32, #tpu.memory_space<vmem_shared>>)
      tpu.yield
    }) : () -> ()
    %add3A_15 = arith.constant 256 : i32
    %add3A_16 = arith.addi %mul3A_9, %add3A_15 : i32
    %run_scoped3A_17 = arith.constant 0 : i32
    "tpu.region"() ({
      %run_scoped3A_56 = tpu.sem_alloc : memref<!tpu.dma_semaphore, #tpu.memory_space<semaphore_mem>>
      %dma_start3A = arith.constant 0 : i32
      %dma_start3A_57 = arith.constant 0 : i32
      %dma_start3A_58 = tpu.memref_slice %arg8[%run_scoped3A_17, %dma_start3A, %dma_start3A_57] : memref<2x128x128xf32, #tpu.memory_space<vmem>> -> memref<1x128x128xf32, #tpu.memory_space<vmem>>
      %dma_start3A_59 = tpu.memref_squeeze %dma_start3A_58 : memref<1x128x128xf32, #tpu.memory_space<vmem>> -> memref<128x128xf32, #tpu.memory_space<vmem>>
      %dma_start3A_60 = arith.constant 0 : i32
      %dma_start3A_61 = arith.constant 0 : i32
      %dma_start3A_62 = tpu.memref_slice %dma_start3A_59[%dma_start3A_60, %dma_start3A_61] : memref<128x128xf32, #tpu.memory_space<vmem>> -> memref<128x128xf32, #tpu.memory_space<vmem>>
      %dma_start3A_63 = arith.constant 0 : i32
      %dma_start3A_64 = tpu.memref_slice %arg9[%add3A_16, %dma_start3A_63] : memref<10112x128xf32, #tpu.memory_space<vmem_shared>> -> memref<128x128xf32, #tpu.memory_space<vmem_shared>>
      %dma_start3A_65 = arith.constant 0 : i32
      %dma_start3A_66 = tpu.memref_slice %arg9[%add3A_16, %dma_start3A_65] : memref<10112x128xf32, #tpu.memory_space<vmem_shared>> -> memref<128x128xf32, #tpu.memory_space<vmem_shared>>
      %dma_start3A_67 = arith.constant 0 : i32
      %dma_start3A_68 = arith.constant 0 : i32
      %dma_start3A_69 = tpu.memref_slice %arg8[%run_scoped3A_17, %dma_start3A_67, %dma_start3A_68] : memref<2x128x128xf32, #tpu.memory_space<vmem>> -> memref<1x128x128xf32, #tpu.memory_space<vmem>>
      %dma_start3A_70 = tpu.memref_squeeze %dma_start3A_69 : memref<1x128x128xf32, #tpu.memory_space<vmem>> -> memref<128x128xf32, #tpu.memory_space<vmem>>
      %dma_start3A_71 = arith.constant 0 : i32
      %dma_start3A_72 = arith.constant 0 : i32
      %dma_start3A_73 = tpu.memref_slice %dma_start3A_70[%dma_start3A_71, %dma_start3A_72] : memref<128x128xf32, #tpu.memory_space<vmem>> -> memref<128x128xf32, #tpu.memory_space<vmem>>
      tpu.enqueue_dma source(%dma_start3A_73 : memref<128x128xf32, #tpu.memory_space<vmem>>) target(%dma_start3A_66 : memref<128x128xf32, #tpu.memory_space<vmem_shared>>) target_semaphore(%run_scoped3A_56 : memref<!tpu.dma_semaphore, #tpu.memory_space<semaphore_mem>>)
      %dma_wait3A_74 = arith.constant 0 : i32
      %dma_wait3A_75 = arith.constant 0 : i32
      %dma_wait3A_76 = tpu.memref_slice %arg8[%run_scoped3A_17, %dma_wait3A_74, %dma_wait3A_75] : memref<2x128x128xf32, #tpu.memory_space<vmem>> -> memref<1x128x128xf32, #tpu.memory_space<vmem>>
      %dma_wait3A_77 = tpu.memref_squeeze %dma_wait3A_76 : memref<1x128x128xf32, #tpu.memory_space<vmem>> -> memref<128x128xf32, #tpu.memory_space<vmem>>
      %dma_wait3A_78 = arith.constant 0 : i32
      %dma_wait3A_79 = arith.constant 0 : i32
      %dma_wait3A_80 = tpu.memref_slice %dma_wait3A_77[%dma_wait3A_78, %dma_wait3A_79] : memref<128x128xf32, #tpu.memory_space<vmem>> -> memref<128x128xf32, #tpu.memory_space<vmem>>
      %dma_wait3A_81 = arith.constant 0 : i32
      %dma_wait3A_82 = tpu.memref_slice %arg9[%add3A_16, %dma_wait3A_81] : memref<10112x128xf32, #tpu.memory_space<vmem_shared>> -> memref<128x128xf32, #tpu.memory_space<vmem_shared>>
      %dma_wait3A_83 = arith.constant 0 : i32
      %dma_wait3A_84 = tpu.memref_slice %arg9[%add3A_16, %dma_wait3A_83] : memref<10112x128xf32, #tpu.memory_space<vmem_shared>> -> memref<128x128xf32, #tpu.memory_space<vmem_shared>>
      %dma_wait3A_85 = arith.constant 0 : i32
      %dma_wait3A_86 = arith.constant 0 : i32
      %dma_wait3A_87 = tpu.memref_slice %arg8[%run_scoped3A_17, %dma_wait3A_85, %dma_wait3A_86] : memref<2x128x128xf32, #tpu.memory_space<vmem>> -> memref<1x128x128xf32, #tpu.memory_space<vmem>>
      %dma_wait3A_88 = tpu.memref_squeeze %dma_wait3A_87 : memref<1x128x128xf32, #tpu.memory_space<vmem>> -> memref<128x128xf32, #tpu.memory_space<vmem>>
      %dma_wait3A_89 = arith.constant 0 : i32
      %dma_wait3A_90 = arith.constant 0 : i32
      %dma_wait3A_91 = tpu.memref_slice %dma_wait3A_88[%dma_wait3A_89, %dma_wait3A_90] : memref<128x128xf32, #tpu.memory_space<vmem>> -> memref<128x128xf32, #tpu.memory_space<vmem>>
      tpu.wait_dma2 semaphore(%run_scoped3A_56 : memref<!tpu.dma_semaphore, #tpu.memory_space<semaphore_mem>>) src(%dma_wait3A_91 : memref<128x128xf32, #tpu.memory_space<vmem>>) dst(%dma_wait3A_84 : memref<128x128xf32, #tpu.memory_space<vmem_shared>>)
      tpu.yield
    }) : () -> ()
    %add3A_18 = arith.constant 384 : i32
    %add3A_19 = arith.addi %mul3A_9, %add3A_18 : i32
    %run_scoped3A_20 = arith.constant 0 : i32
    "tpu.region"() ({
      %run_scoped3A_56 = tpu.sem_alloc : memref<!tpu.dma_semaphore, #tpu.memory_space<semaphore_mem>>
      %dma_start3A = arith.constant 0 : i32
      %dma_start3A_57 = arith.constant 0 : i32
      %dma_start3A_58 = tpu.memref_slice %arg8[%run_scoped3A_20, %dma_start3A, %dma_start3A_57] : memref<2x128x128xf32, #tpu.memory_space<vmem>> -> memref<1x128x128xf32, #tpu.memory_space<vmem>>
      %dma_start3A_59 = tpu.memref_squeeze %dma_start3A_58 : memref<1x128x128xf32, #tpu.memory_space<vmem>> -> memref<128x128xf32, #tpu.memory_space<vmem>>
      %dma_start3A_60 = arith.constant 0 : i32
      %dma_start3A_61 = arith.constant 0 : i32
      %dma_start3A_62 = tpu.memref_slice %dma_start3A_59[%dma_start3A_60, %dma_start3A_61] : memref<128x128xf32, #tpu.memory_space<vmem>> -> memref<128x128xf32, #tpu.memory_space<vmem>>
      %dma_start3A_63 = arith.constant 0 : i32
      %dma_start3A_64 = tpu.memref_slice %arg9[%add3A_19, %dma_start3A_63] : memref<10112x128xf32, #tpu.memory_space<vmem_shared>> -> memref<128x128xf32, #tpu.memory_space<vmem_shared>>
      %dma_start3A_65 = arith.constant 0 : i32
      %dma_start3A_66 = tpu.memref_slice %arg9[%add3A_19, %dma_start3A_65] : memref<10112x128xf32, #tpu.memory_space<vmem_shared>> -> memref<128x128xf32, #tpu.memory_space<vmem_shared>>
      %dma_start3A_67 = arith.constant 0 : i32
      %dma_start3A_68 = arith.constant 0 : i32
      %dma_start3A_69 = tpu.memref_slice %arg8[%run_scoped3A_20, %dma_start3A_67, %dma_start3A_68] : memref<2x128x128xf32, #tpu.memory_space<vmem>> -> memref<1x128x128xf32, #tpu.memory_space<vmem>>
      %dma_start3A_70 = tpu.memref_squeeze %dma_start3A_69 : memref<1x128x128xf32, #tpu.memory_space<vmem>> -> memref<128x128xf32, #tpu.memory_space<vmem>>
      %dma_start3A_71 = arith.constant 0 : i32
      %dma_start3A_72 = arith.constant 0 : i32
      %dma_start3A_73 = tpu.memref_slice %dma_start3A_70[%dma_start3A_71, %dma_start3A_72] : memref<128x128xf32, #tpu.memory_space<vmem>> -> memref<128x128xf32, #tpu.memory_space<vmem>>
      tpu.enqueue_dma source(%dma_start3A_73 : memref<128x128xf32, #tpu.memory_space<vmem>>) target(%dma_start3A_66 : memref<128x128xf32, #tpu.memory_space<vmem_shared>>) target_semaphore(%run_scoped3A_56 : memref<!tpu.dma_semaphore, #tpu.memory_space<semaphore_mem>>)
      %dma_wait3A_74 = arith.constant 0 : i32
      %dma_wait3A_75 = arith.constant 0 : i32
      %dma_wait3A_76 = tpu.memref_slice %arg8[%run_scoped3A_20, %dma_wait3A_74, %dma_wait3A_75] : memref<2x128x128xf32, #tpu.memory_space<vmem>> -> memref<1x128x128xf32, #tpu.memory_space<vmem>>
      %dma_wait3A_77 = tpu.memref_squeeze %dma_wait3A_76 : memref<1x128x128xf32, #tpu.memory_space<vmem>> -> memref<128x128xf32, #tpu.memory_space<vmem>>
      %dma_wait3A_78 = arith.constant 0 : i32
      %dma_wait3A_79 = arith.constant 0 : i32
      %dma_wait3A_80 = tpu.memref_slice %dma_wait3A_77[%dma_wait3A_78, %dma_wait3A_79] : memref<128x128xf32, #tpu.memory_space<vmem>> -> memref<128x128xf32, #tpu.memory_space<vmem>>
      %dma_wait3A_81 = arith.constant 0 : i32
      %dma_wait3A_82 = tpu.memref_slice %arg9[%add3A_19, %dma_wait3A_81] : memref<10112x128xf32, #tpu.memory_space<vmem_shared>> -> memref<128x128xf32, #tpu.memory_space<vmem_shared>>
      %dma_wait3A_83 = arith.constant 0 : i32
      %dma_wait3A_84 = tpu.memref_slice %arg9[%add3A_19, %dma_wait3A_83] : memref<10112x128xf32, #tpu.memory_space<vmem_shared>> -> memref<128x128xf32, #tpu.memory_space<vmem_shared>>
      %dma_wait3A_85 = arith.constant 0 : i32
      %dma_wait3A_86 = arith.constant 0 : i32
      %dma_wait3A_87 = tpu.memref_slice %arg8[%run_scoped3A_20, %dma_wait3A_85, %dma_wait3A_86] : memref<2x128x128xf32, #tpu.memory_space<vmem>> -> memref<1x128x128xf32, #tpu.memory_space<vmem>>
      %dma_wait3A_88 = tpu.memref_squeeze %dma_wait3A_87 : memref<1x128x128xf32, #tpu.memory_space<vmem>> -> memref<128x128xf32, #tpu.memory_space<vmem>>
      %dma_wait3A_89 = arith.constant 0 : i32
      %dma_wait3A_90 = arith.constant 0 : i32
      %dma_wait3A_91 = tpu.memref_slice %dma_wait3A_88[%dma_wait3A_89, %dma_wait3A_90] : memref<128x128xf32, #tpu.memory_space<vmem>> -> memref<128x128xf32, #tpu.memory_space<vmem>>
      tpu.wait_dma2 semaphore(%run_scoped3A_56 : memref<!tpu.dma_semaphore, #tpu.memory_space<semaphore_mem>>) src(%dma_wait3A_91 : memref<128x128xf32, #tpu.memory_space<vmem>>) dst(%dma_wait3A_84 : memref<128x128xf32, #tpu.memory_space<vmem_shared>>)
      tpu.yield
    }) : () -> ()
    %add3A_21 = arith.constant 512 : i32
    %add3A_22 = arith.addi %mul3A_9, %add3A_21 : i32
    %run_scoped3A_23 = arith.constant 0 : i32
    "tpu.region"() ({
      %run_scoped3A_56 = tpu.sem_alloc : memref<!tpu.dma_semaphore, #tpu.memory_space<semaphore_mem>>
      %dma_start3A = arith.constant 0 : i32
      %dma_start3A_57 = arith.constant 0 : i32
      %dma_start3A_58 = tpu.memref_slice %arg8[%run_scoped3A_23, %dma_start3A, %dma_start3A_57] : memref<2x128x128xf32, #tpu.memory_space<vmem>> -> memref<1x128x128xf32, #tpu.memory_space<vmem>>
      %dma_start3A_59 = tpu.memref_squeeze %dma_start3A_58 : memref<1x128x128xf32, #tpu.memory_space<vmem>> -> memref<128x128xf32, #tpu.memory_space<vmem>>
      %dma_start3A_60 = arith.constant 0 : i32
      %dma_start3A_61 = arith.constant 0 : i32
      %dma_start3A_62 = tpu.memref_slice %dma_start3A_59[%dma_start3A_60, %dma_start3A_61] : memref<128x128xf32, #tpu.memory_space<vmem>> -> memref<120x128xf32, #tpu.memory_space<vmem>>
      %dma_start3A_63 = arith.constant 0 : i32
      %dma_start3A_64 = tpu.memref_slice %arg9[%add3A_22, %dma_start3A_63] : memref<10112x128xf32, #tpu.memory_space<vmem_shared>> -> memref<120x128xf32, #tpu.memory_space<vmem_shared>>
      %dma_start3A_65 = arith.constant 0 : i32
      %dma_start3A_66 = tpu.memref_slice %arg9[%add3A_22, %dma_start3A_65] : memref<10112x128xf32, #tpu.memory_space<vmem_shared>> -> memref<120x128xf32, #tpu.memory_space<vmem_shared>>
      %dma_start3A_67 = arith.constant 0 : i32
      %dma_start3A_68 = arith.constant 0 : i32
      %dma_start3A_69 = tpu.memref_slice %arg8[%run_scoped3A_23, %dma_start3A_67, %dma_start3A_68] : memref<2x128x128xf32, #tpu.memory_space<vmem>> -> memref<1x128x128xf32, #tpu.memory_space<vmem>>
      %dma_start3A_70 = tpu.memref_squeeze %dma_start3A_69 : memref<1x128x128xf32, #tpu.memory_space<vmem>> -> memref<128x128xf32, #tpu.memory_space<vmem>>
      %dma_start3A_71 = arith.constant 0 : i32
      %dma_start3A_72 = arith.constant 0 : i32
      %dma_start3A_73 = tpu.memref_slice %dma_start3A_70[%dma_start3A_71, %dma_start3A_72] : memref<128x128xf32, #tpu.memory_space<vmem>> -> memref<120x128xf32, #tpu.memory_space<vmem>>
      tpu.enqueue_dma source(%dma_start3A_73 : memref<120x128xf32, #tpu.memory_space<vmem>>) target(%dma_start3A_66 : memref<120x128xf32, #tpu.memory_space<vmem_shared>>) target_semaphore(%run_scoped3A_56 : memref<!tpu.dma_semaphore, #tpu.memory_space<semaphore_mem>>)
      %dma_wait3A_74 = arith.constant 0 : i32
      %dma_wait3A_75 = arith.constant 0 : i32
      %dma_wait3A_76 = tpu.memref_slice %arg8[%run_scoped3A_23, %dma_wait3A_74, %dma_wait3A_75] : memref<2x128x128xf32, #tpu.memory_space<vmem>> -> memref<1x128x128xf32, #tpu.memory_space<vmem>>
      %dma_wait3A_77 = tpu.memref_squeeze %dma_wait3A_76 : memref<1x128x128xf32, #tpu.memory_space<vmem>> -> memref<128x128xf32, #tpu.memory_space<vmem>>
      %dma_wait3A_78 = arith.constant 0 : i32
      %dma_wait3A_79 = arith.constant 0 : i32
      %dma_wait3A_80 = tpu.memref_slice %dma_wait3A_77[%dma_wait3A_78, %dma_wait3A_79] : memref<128x128xf32, #tpu.memory_space<vmem>> -> memref<120x128xf32, #tpu.memory_space<vmem>>
      %dma_wait3A_81 = arith.constant 0 : i32
      %dma_wait3A_82 = tpu.memref_slice %arg9[%add3A_22, %dma_wait3A_81] : memref<10112x128xf32, #tpu.memory_space<vmem_shared>> -> memref<120x128xf32, #tpu.memory_space<vmem_shared>>
      %dma_wait3A_83 = arith.constant 0 : i32
      %dma_wait3A_84 = tpu.memref_slice %arg9[%add3A_22, %dma_wait3A_83] : memref<10112x128xf32, #tpu.memory_space<vmem_shared>> -> memref<120x128xf32, #tpu.memory_space<vmem_shared>>
      %dma_wait3A_85 = arith.constant 0 : i32
      %dma_wait3A_86 = arith.constant 0 : i32
      %dma_wait3A_87 = tpu.memref_slice %arg8[%run_scoped3A_23, %dma_wait3A_85, %dma_wait3A_86] : memref<2x128x128xf32, #tpu.memory_space<vmem>> -> memref<1x128x128xf32, #tpu.memory_space<vmem>>
      %dma_wait3A_88 = tpu.memref_squeeze %dma_wait3A_87 : memref<1x128x128xf32, #tpu.memory_space<vmem>> -> memref<128x128xf32, #tpu.memory_space<vmem>>
      %dma_wait3A_89 = arith.constant 0 : i32
      %dma_wait3A_90 = arith.constant 0 : i32
      %dma_wait3A_91 = tpu.memref_slice %dma_wait3A_88[%dma_wait3A_89, %dma_wait3A_90] : memref<128x128xf32, #tpu.memory_space<vmem>> -> memref<120x128xf32, #tpu.memory_space<vmem>>
      tpu.wait_dma2 semaphore(%run_scoped3A_56 : memref<!tpu.dma_semaphore, #tpu.memory_space<semaphore_mem>>) src(%dma_wait3A_91 : memref<120x128xf32, #tpu.memory_space<vmem>>) dst(%dma_wait3A_84 : memref<120x128xf32, #tpu.memory_space<vmem_shared>>)
      tpu.yield
    }) : () -> ()
    %barrier3A = arith.constant 0 : index
    tpu.barrier barrier_id(%barrier3A)
    %scan3A_24 = arith.constant 0 : i32
    %scan3A_25 = arith.constant 0 : i32
    %scan3A_26 = arith.constant 10 : i32
    %scan3A_27 = arith.addi %scan3A_25, %scan3A_26 : i32
    %scan3A_28 = arith.constant 1 : i32
    scf.for %scan3A_56 = %scan3A_25 to %scan3A_27 step %scan3A_28  : i32 {
      %mul3A_57 = arith.constant 16 : i32
      %mul3A_58 = arith.muli %add3A_2, %mul3A_57 : i32
      %add3A_59 = arith.addi %mul3A_58, %arg1 : i32
      %mul3A_60 = arith.constant 16 : i32
      %mul3A_61 = arith.muli %scan3A_56, %mul3A_60 : i32
      "tpu.region"() ({
        %run_scoped3A_819 = tpu.sem_alloc : memref<!tpu.dma_semaphore, #tpu.memory_space<semaphore_mem>>
        %dma_start3A_820 = arith.constant 0 : i32
        %dma_start3A_821 = tpu.memref_slice %arg3[%add3A_59, %mul3A_61, %dma_start3A_820] : memref<32x160x128xi32, #tpu.memory_space<hbm>> -> memref<1x16x128xi32, #tpu.memory_space<hbm>>
        %dma_start3A_822 = tpu.memref_squeeze %dma_start3A_821 : memref<1x16x128xi32, #tpu.memory_space<hbm>> -> memref<16x128xi32, #tpu.memory_space<hbm>>
        %dma_start3A_823 = arith.constant 0 : i32
        %dma_start3A_824 = tpu.memref_slice %arg3[%add3A_59, %mul3A_61, %dma_start3A_823] : memref<32x160x128xi32, #tpu.memory_space<hbm>> -> memref<1x16x128xi32, #tpu.memory_space<hbm>>
        %dma_start3A_825 = tpu.memref_squeeze %dma_start3A_824 : memref<1x16x128xi32, #tpu.memory_space<hbm>> -> memref<16x128xi32, #tpu.memory_space<hbm>>
        tpu.enqueue_dma source(%dma_start3A_825 : memref<16x128xi32, #tpu.memory_space<hbm>>) target(%arg6 : memref<16x128xi32, #tpu.memory_space<vmem>>) target_semaphore(%run_scoped3A_819 : memref<!tpu.dma_semaphore, #tpu.memory_space<semaphore_mem>>)
        %dma_wait3A_826 = arith.constant 0 : i32
        %dma_wait3A_827 = tpu.memref_slice %arg3[%add3A_59, %mul3A_61, %dma_wait3A_826] : memref<32x160x128xi32, #tpu.memory_space<hbm>> -> memref<1x16x128xi32, #tpu.memory_space<hbm>>
        %dma_wait3A_828 = tpu.memref_squeeze %dma_wait3A_827 : memref<1x16x128xi32, #tpu.memory_space<hbm>> -> memref<16x128xi32, #tpu.memory_space<hbm>>
        %dma_wait3A_829 = arith.constant 0 : i32
        %dma_wait3A_830 = tpu.memref_slice %arg3[%add3A_59, %mul3A_61, %dma_wait3A_829] : memref<32x160x128xi32, #tpu.memory_space<hbm>> -> memref<1x16x128xi32, #tpu.memory_space<hbm>>
        %dma_wait3A_831 = tpu.memref_squeeze %dma_wait3A_830 : memref<1x16x128xi32, #tpu.memory_space<hbm>> -> memref<16x128xi32, #tpu.memory_space<hbm>>
        tpu.wait_dma2 semaphore(%run_scoped3A_819 : memref<!tpu.dma_semaphore, #tpu.memory_space<semaphore_mem>>) src(%dma_wait3A_831 : memref<16x128xi32, #tpu.memory_space<hbm>>) dst(%arg6 : memref<16x128xi32, #tpu.memory_space<vmem>>)
        tpu.yield
      }) : () -> ()
      %mul3A_62 = arith.constant 16 : i32
      %mul3A_63 = arith.muli %add3A_2, %mul3A_62 : i32
      %add3A_64 = arith.addi %mul3A_63, %arg1 : i32
      %mul3A_65 = arith.constant 16 : i32
      %mul3A_66 = arith.muli %scan3A_56, %mul3A_65 : i32
      "tpu.region"() ({
        %run_scoped3A_819 = tpu.sem_alloc : memref<!tpu.dma_semaphore, #tpu.memory_space<semaphore_mem>>
        %dma_start3A_820 = arith.constant 0 : i32
        %dma_start3A_821 = tpu.memref_slice %arg4[%add3A_64, %mul3A_66, %dma_start3A_820] : memref<32x160x128xi32, #tpu.memory_space<hbm>> -> memref<1x16x128xi32, #tpu.memory_space<hbm>>
        %dma_start3A_822 = tpu.memref_squeeze %dma_start3A_821 : memref<1x16x128xi32, #tpu.memory_space<hbm>> -> memref<16x128xi32, #tpu.memory_space<hbm>>
        %dma_start3A_823 = arith.constant 0 : i32
        %dma_start3A_824 = tpu.memref_slice %arg4[%add3A_64, %mul3A_66, %dma_start3A_823] : memref<32x160x128xi32, #tpu.memory_space<hbm>> -> memref<1x16x128xi32, #tpu.memory_space<hbm>>
        %dma_start3A_825 = tpu.memref_squeeze %dma_start3A_824 : memref<1x16x128xi32, #tpu.memory_space<hbm>> -> memref<16x128xi32, #tpu.memory_space<hbm>>
        tpu.enqueue_dma source(%dma_start3A_825 : memref<16x128xi32, #tpu.memory_space<hbm>>) target(%arg7 : memref<16x128xi32, #tpu.memory_space<vmem>>) target_semaphore(%run_scoped3A_819 : memref<!tpu.dma_semaphore, #tpu.memory_space<semaphore_mem>>)
        %dma_wait3A_826 = arith.constant 0 : i32
        %dma_wait3A_827 = tpu.memref_slice %arg4[%add3A_64, %mul3A_66, %dma_wait3A_826] : memref<32x160x128xi32, #tpu.memory_space<hbm>> -> memref<1x16x128xi32, #tpu.memory_space<hbm>>
        %dma_wait3A_828 = tpu.memref_squeeze %dma_wait3A_827 : memref<1x16x128xi32, #tpu.memory_space<hbm>> -> memref<16x128xi32, #tpu.memory_space<hbm>>
        %dma_wait3A_829 = arith.constant 0 : i32
        %dma_wait3A_830 = tpu.memref_slice %arg4[%add3A_64, %mul3A_66, %dma_wait3A_829] : memref<32x160x128xi32, #tpu.memory_space<hbm>> -> memref<1x16x128xi32, #tpu.memory_space<hbm>>
        %dma_wait3A_831 = tpu.memref_squeeze %dma_wait3A_830 : memref<1x16x128xi32, #tpu.memory_space<hbm>> -> memref<16x128xi32, #tpu.memory_space<hbm>>
        tpu.wait_dma2 semaphore(%run_scoped3A_819 : memref<!tpu.dma_semaphore, #tpu.memory_space<semaphore_mem>>) src(%dma_wait3A_831 : memref<16x128xi32, #tpu.memory_space<hbm>>) dst(%arg7 : memref<16x128xi32, #tpu.memory_space<vmem>>)
        tpu.yield
      }) : () -> ()
      %gt3A = arith.constant 0 : i32
      %gt3A_67 = arith.cmpi sgt, %scan3A_56, %gt3A : i32
      %convert_element_type3A_68 = arith.extui %gt3A_67 : i1 to i32
      %cond3A_69 = arith.constant 0 : i32
      %cond3A_70 = arith.cmpi ne, %convert_element_type3A_68, %cond3A_69 : i32
      scf.if %cond3A_70 {
        %dma_wait3A_819 = arith.constant 0 : i32
        %dma_wait3A_820 = arith.constant 0 : i32
        %dma_wait3A_821 = arith.constant 0 : i32
        %dma_wait3A_822 = arith.constant 0 : i32
        %dma_wait3A_823 = tpu.memref_slice %arg8[%dma_wait3A_819, %dma_wait3A_821, %dma_wait3A_822] : memref<2x128x128xf32, #tpu.memory_space<vmem>> -> memref<1x128x128xf32, #tpu.memory_space<vmem>>
        %dma_wait3A_824 = tpu.memref_squeeze %dma_wait3A_823 : memref<1x128x128xf32, #tpu.memory_space<vmem>> -> memref<128x128xf32, #tpu.memory_space<vmem>>
        %dma_wait3A_825 = arith.constant 0 : i32
        %dma_wait3A_826 = tpu.memref_slice %arg7[%dma_wait3A_820, %dma_wait3A_825] : memref<16x128xi32, #tpu.memory_space<vmem>> -> memref<1x128xi32, #tpu.memory_space<vmem>>
        %dma_wait3A_827 = tpu.memref_squeeze %dma_wait3A_826 : memref<1x128xi32, #tpu.memory_space<vmem>> -> memref<128xi32, #tpu.memory_space<vmem>>
        %dma_wait3A_828 = arith.constant 0 : i32
        %dma_wait3A_829 = arith.constant 0 : i32
        %dma_wait3A_830 = tpu.memref_slice %arg9[%dma_wait3A_828, %dma_wait3A_829] : memref<10112x128xf32, #tpu.memory_space<vmem_shared>> -> memref<10112x128xf32, #tpu.memory_space<vmem_shared>>
        tpu.wait_indirect_dma semaphore(%arg12 : memref<!tpu.dma_semaphore, #tpu.memory_space<semaphore_mem>>) src(%dma_wait3A_824 : memref<128x128xf32, #tpu.memory_space<vmem>>) dst(%dma_wait3A_830 : memref<10112x128xf32, #tpu.memory_space<vmem_shared>>)
      } else {
      }
      %dma_start3A = arith.constant 0 : i32
      %dma_start3A_71 = arith.constant 0 : i32
      %dma_start3A_72 = arith.constant 0 : i32
      %dma_start3A_73 = arith.constant 0 : i32
      %dma_start3A_74 = tpu.memref_slice %arg8[%dma_start3A_71, %dma_start3A_72, %dma_start3A_73] : memref<2x128x128xf32, #tpu.memory_space<vmem>> -> memref<1x128x128xf32, #tpu.memory_space<vmem>>
      %dma_start3A_75 = tpu.memref_squeeze %dma_start3A_74 : memref<1x128x128xf32, #tpu.memory_space<vmem>> -> memref<128x128xf32, #tpu.memory_space<vmem>>
      %dma_start3A_76 = arith.constant 0 : i32
      %dma_start3A_77 = tpu.memref_slice %arg6[%dma_start3A, %dma_start3A_76] : memref<16x128xi32, #tpu.memory_space<vmem>> -> memref<1x128xi32, #tpu.memory_space<vmem>>
      %dma_start3A_78 = tpu.memref_squeeze %dma_start3A_77 : memref<1x128xi32, #tpu.memory_space<vmem>> -> memref<128xi32, #tpu.memory_space<vmem>>
      %dma_start3A_79 = arith.constant 0 : i32
      %dma_start3A_80 = arith.constant 0 : i32
      %dma_start3A_81 = tpu.memref_slice %arg2[%dma_start3A_79, %dma_start3A_80] : memref<20000x128xf32, #tpu.memory_space<hbm>> -> memref<20000x128xf32, #tpu.memory_space<hbm>>
      tpu.enqueue_indirect_dma source(%dma_start3A_81 : memref<20000x128xf32, #tpu.memory_space<hbm>>) target(%dma_start3A_75 : memref<128x128xf32, #tpu.memory_space<vmem>>) offsets(%dma_start3A_78 : memref<128xi32, #tpu.memory_space<vmem>>) semaphore(%arg10 : memref<!tpu.dma_semaphore, #tpu.memory_space<semaphore_mem>>)
      %dma_wait3A_82 = arith.constant 0 : i32
      %dma_wait3A_83 = arith.constant 0 : i32
      %dma_wait3A_84 = arith.constant 0 : i32
      %dma_wait3A_85 = arith.constant 0 : i32
      %dma_wait3A_86 = tpu.memref_slice %arg8[%dma_wait3A_83, %dma_wait3A_84, %dma_wait3A_85] : memref<2x128x128xf32, #tpu.memory_space<vmem>> -> memref<1x128x128xf32, #tpu.memory_space<vmem>>
      %dma_wait3A_87 = tpu.memref_squeeze %dma_wait3A_86 : memref<1x128x128xf32, #tpu.memory_space<vmem>> -> memref<128x128xf32, #tpu.memory_space<vmem>>
      %dma_wait3A_88 = arith.constant 0 : i32
      %dma_wait3A_89 = tpu.memref_slice %arg6[%dma_wait3A_82, %dma_wait3A_88] : memref<16x128xi32, #tpu.memory_space<vmem>> -> memref<1x128xi32, #tpu.memory_space<vmem>>
      %dma_wait3A_90 = tpu.memref_squeeze %dma_wait3A_89 : memref<1x128xi32, #tpu.memory_space<vmem>> -> memref<128xi32, #tpu.memory_space<vmem>>
      %dma_wait3A_91 = arith.constant 0 : i32
      %dma_wait3A_92 = arith.constant 0 : i32
      %dma_wait3A_93 = tpu.memref_slice %arg2[%dma_wait3A_91, %dma_wait3A_92] : memref<20000x128xf32, #tpu.memory_space<hbm>> -> memref<20000x128xf32, #tpu.memory_space<hbm>>
      tpu.wait_indirect_dma semaphore(%arg10 : memref<!tpu.dma_semaphore, #tpu.memory_space<semaphore_mem>>) src(%dma_wait3A_93 : memref<20000x128xf32, #tpu.memory_space<hbm>>) dst(%dma_wait3A_87 : memref<128x128xf32, #tpu.memory_space<vmem>>)
      %gt3A_94 = arith.constant 0 : i32
      %gt3A_95 = arith.cmpi sgt, %scan3A_56, %gt3A_94 : i32
      %convert_element_type3A_96 = arith.extui %gt3A_95 : i1 to i32
      %cond3A_97 = arith.constant 0 : i32
      %cond3A_98 = arith.cmpi ne, %convert_element_type3A_96, %cond3A_97 : i32
      scf.if %cond3A_98 {
        %dma_wait3A_819 = arith.constant 1 : i32
        %dma_wait3A_820 = arith.constant 0 : i32
        %dma_wait3A_821 = arith.constant 0 : i32
        %dma_wait3A_822 = arith.constant 0 : i32
        %dma_wait3A_823 = tpu.memref_slice %arg8[%dma_wait3A_819, %dma_wait3A_821, %dma_wait3A_822] : memref<2x128x128xf32, #tpu.memory_space<vmem>> -> memref<1x128x128xf32, #tpu.memory_space<vmem>>
        %dma_wait3A_824 = tpu.memref_squeeze %dma_wait3A_823 : memref<1x128x128xf32, #tpu.memory_space<vmem>> -> memref<128x128xf32, #tpu.memory_space<vmem>>
        %dma_wait3A_825 = arith.constant 0 : i32
        %dma_wait3A_826 = tpu.memref_slice %arg7[%dma_wait3A_820, %dma_wait3A_825] : memref<16x128xi32, #tpu.memory_space<vmem>> -> memref<1x128xi32, #tpu.memory_space<vmem>>
        %dma_wait3A_827 = tpu.memref_squeeze %dma_wait3A_826 : memref<1x128xi32, #tpu.memory_space<vmem>> -> memref<128xi32, #tpu.memory_space<vmem>>
        %dma_wait3A_828 = arith.constant 0 : i32
        %dma_wait3A_829 = arith.constant 0 : i32
        %dma_wait3A_830 = tpu.memref_slice %arg9[%dma_wait3A_828, %dma_wait3A_829] : memref<10112x128xf32, #tpu.memory_space<vmem_shared>> -> memref<10112x128xf32, #tpu.memory_space<vmem_shared>>
        tpu.wait_indirect_dma semaphore(%arg13 : memref<!tpu.dma_semaphore, #tpu.memory_space<semaphore_mem>>) src(%dma_wait3A_824 : memref<128x128xf32, #tpu.memory_space<vmem>>) dst(%dma_wait3A_830 : memref<10112x128xf32, #tpu.memory_space<vmem_shared>>)
      } else {
      }
      %dma_start3A_99 = arith.constant 0 : i32
      %dma_start3A_100 = arith.constant 0 : i32
      %dma_start3A_101 = arith.constant 0 : i32
      %dma_start3A_102 = arith.constant 0 : i32
      %dma_start3A_103 = tpu.memref_slice %arg8[%dma_start3A_99, %dma_start3A_101, %dma_start3A_102] : memref<2x128x128xf32, #tpu.memory_space<vmem>> -> memref<1x128x128xf32, #tpu.memory_space<vmem>>
      %dma_start3A_104 = tpu.memref_squeeze %dma_start3A_103 : memref<1x128x128xf32, #tpu.memory_space<vmem>> -> memref<128x128xf32, #tpu.memory_space<vmem>>
      %dma_start3A_105 = arith.constant 0 : i32
      %dma_start3A_106 = tpu.memref_slice %arg7[%dma_start3A_100, %dma_start3A_105] : memref<16x128xi32, #tpu.memory_space<vmem>> -> memref<1x128xi32, #tpu.memory_space<vmem>>
      %dma_start3A_107 = tpu.memref_squeeze %dma_start3A_106 : memref<1x128xi32, #tpu.memory_space<vmem>> -> memref<128xi32, #tpu.memory_space<vmem>>
      %dma_start3A_108 = arith.constant 0 : i32
      %dma_start3A_109 = arith.constant 0 : i32
      %dma_start3A_110 = tpu.memref_slice %arg9[%dma_start3A_108, %dma_start3A_109] : memref<10112x128xf32, #tpu.memory_space<vmem_shared>> -> memref<10112x128xf32, #tpu.memory_space<vmem_shared>>
      tpu.enqueue_indirect_dma source(%dma_start3A_104 : memref<128x128xf32, #tpu.memory_space<vmem>>) target(%dma_start3A_110 : memref<10112x128xf32, #tpu.memory_space<vmem_shared>>) offsets(%dma_start3A_107 : memref<128xi32, #tpu.memory_space<vmem>>) semaphore(%arg12 : memref<!tpu.dma_semaphore, #tpu.memory_space<semaphore_mem>>) {add = true}
      %dma_start3A_111 = arith.constant 1 : i32
      %dma_start3A_112 = arith.constant 1 : i32
      %dma_start3A_113 = arith.constant 0 : i32
      %dma_start3A_114 = arith.constant 0 : i32
      %dma_start3A_115 = tpu.memref_slice %arg8[%dma_start3A_112, %dma_start3A_113, %dma_start3A_114] : memref<2x128x128xf32, #tpu.memory_space<vmem>> -> memref<1x128x128xf32, #tpu.memory_space<vmem>>
      %dma_start3A_116 = tpu.memref_squeeze %dma_start3A_115 : memref<1x128x128xf32, #tpu.memory_space<vmem>> -> memref<128x128xf32, #tpu.memory_space<vmem>>
      %dma_start3A_117 = arith.constant 0 : i32
      %dma_start3A_118 = tpu.memref_slice %arg6[%dma_start3A_111, %dma_start3A_117] : memref<16x128xi32, #tpu.memory_space<vmem>> -> memref<1x128xi32, #tpu.memory_space<vmem>>
      %dma_start3A_119 = tpu.memref_squeeze %dma_start3A_118 : memref<1x128xi32, #tpu.memory_space<vmem>> -> memref<128xi32, #tpu.memory_space<vmem>>
      %dma_start3A_120 = arith.constant 0 : i32
      %dma_start3A_121 = arith.constant 0 : i32
      %dma_start3A_122 = tpu.memref_slice %arg2[%dma_start3A_120, %dma_start3A_121] : memref<20000x128xf32, #tpu.memory_space<hbm>> -> memref<20000x128xf32, #tpu.memory_space<hbm>>
      tpu.enqueue_indirect_dma source(%dma_start3A_122 : memref<20000x128xf32, #tpu.memory_space<hbm>>) target(%dma_start3A_116 : memref<128x128xf32, #tpu.memory_space<vmem>>) offsets(%dma_start3A_119 : memref<128xi32, #tpu.memory_space<vmem>>) semaphore(%arg11 : memref<!tpu.dma_semaphore, #tpu.memory_space<semaphore_mem>>)
      %dma_wait3A_123 = arith.constant 0 : i32
      %dma_wait3A_124 = arith.constant 1 : i32
      %dma_wait3A_125 = arith.constant 0 : i32
      %dma_wait3A_126 = arith.constant 0 : i32
      %dma_wait3A_127 = tpu.memref_slice %arg8[%dma_wait3A_124, %dma_wait3A_125, %dma_wait3A_126] : memref<2x128x128xf32, #tpu.memory_space<vmem>> -> memref<1x128x128xf32, #tpu.memory_space<vmem>>
      %dma_wait3A_128 = tpu.memref_squeeze %dma_wait3A_127 : memref<1x128x128xf32, #tpu.memory_space<vmem>> -> memref<128x128xf32, #tpu.memory_space<vmem>>
      %dma_wait3A_129 = arith.constant 0 : i32
      %dma_wait3A_130 = tpu.memref_slice %arg6[%dma_wait3A_123, %dma_wait3A_129] : memref<16x128xi32, #tpu.memory_space<vmem>> -> memref<1x128xi32, #tpu.memory_space<vmem>>
      %dma_wait3A_131 = tpu.memref_squeeze %dma_wait3A_130 : memref<1x128xi32, #tpu.memory_space<vmem>> -> memref<128xi32, #tpu.memory_space<vmem>>
      %dma_wait3A_132 = arith.constant 0 : i32
      %dma_wait3A_133 = arith.constant 0 : i32
      %dma_wait3A_134 = tpu.memref_slice %arg2[%dma_wait3A_132, %dma_wait3A_133] : memref<20000x128xf32, #tpu.memory_space<hbm>> -> memref<20000x128xf32, #tpu.memory_space<hbm>>
      tpu.wait_indirect_dma semaphore(%arg11 : memref<!tpu.dma_semaphore, #tpu.memory_space<semaphore_mem>>) src(%dma_wait3A_134 : memref<20000x128xf32, #tpu.memory_space<hbm>>) dst(%dma_wait3A_128 : memref<128x128xf32, #tpu.memory_space<vmem>>)
      %dma_start3A_135 = arith.constant 1 : i32
      %dma_start3A_136 = arith.constant 1 : i32
      %dma_start3A_137 = arith.constant 0 : i32
      %dma_start3A_138 = arith.constant 0 : i32
      %dma_start3A_139 = tpu.memref_slice %arg8[%dma_start3A_135, %dma_start3A_137, %dma_start3A_138] : memref<2x128x128xf32, #tpu.memory_space<vmem>> -> memref<1x128x128xf32, #tpu.memory_space<vmem>>
      %dma_start3A_140 = tpu.memref_squeeze %dma_start3A_139 : memref<1x128x128xf32, #tpu.memory_space<vmem>> -> memref<128x128xf32, #tpu.memory_space<vmem>>
      %dma_start3A_141 = arith.constant 0 : i32
      %dma_start3A_142 = tpu.memref_slice %arg7[%dma_start3A_136, %dma_start3A_141] : memref<16x128xi32, #tpu.memory_space<vmem>> -> memref<1x128xi32, #tpu.memory_space<vmem>>
      %dma_start3A_143 = tpu.memref_squeeze %dma_start3A_142 : memref<1x128xi32, #tpu.memory_space<vmem>> -> memref<128xi32, #tpu.memory_space<vmem>>
      %dma_start3A_144 = arith.constant 0 : i32
      %dma_start3A_145 = arith.constant 0 : i32
      %dma_start3A_146 = tpu.memref_slice %arg9[%dma_start3A_144, %dma_start3A_145] : memref<10112x128xf32, #tpu.memory_space<vmem_shared>> -> memref<10112x128xf32, #tpu.memory_space<vmem_shared>>
      tpu.enqueue_indirect_dma source(%dma_start3A_140 : memref<128x128xf32, #tpu.memory_space<vmem>>) target(%dma_start3A_146 : memref<10112x128xf32, #tpu.memory_space<vmem_shared>>) offsets(%dma_start3A_143 : memref<128xi32, #tpu.memory_space<vmem>>) semaphore(%arg13 : memref<!tpu.dma_semaphore, #tpu.memory_space<semaphore_mem>>) {add = true}
      %dma_wait3A_147 = arith.constant 0 : i32
      %dma_wait3A_148 = arith.constant 0 : i32
      %dma_wait3A_149 = arith.constant 0 : i32
      %dma_wait3A_150 = arith.constant 0 : i32
      %dma_wait3A_151 = tpu.memref_slice %arg8[%dma_wait3A_147, %dma_wait3A_149, %dma_wait3A_150] : memref<2x128x128xf32, #tpu.memory_space<vmem>> -> memref<1x128x128xf32, #tpu.memory_space<vmem>>
      %dma_wait3A_152 = tpu.memref_squeeze %dma_wait3A_151 : memref<1x128x128xf32, #tpu.memory_space<vmem>> -> memref<128x128xf32, #tpu.memory_space<vmem>>
      %dma_wait3A_153 = arith.constant 0 : i32
      %dma_wait3A_154 = tpu.memref_slice %arg7[%dma_wait3A_148, %dma_wait3A_153] : memref<16x128xi32, #tpu.memory_space<vmem>> -> memref<1x128xi32, #tpu.memory_space<vmem>>
      %dma_wait3A_155 = tpu.memref_squeeze %dma_wait3A_154 : memref<1x128xi32, #tpu.memory_space<vmem>> -> memref<128xi32, #tpu.memory_space<vmem>>
      %dma_wait3A_156 = arith.constant 0 : i32
      %dma_wait3A_157 = arith.constant 0 : i32
      %dma_wait3A_158 = tpu.memref_slice %arg9[%dma_wait3A_156, %dma_wait3A_157] : memref<10112x128xf32, #tpu.memory_space<vmem_shared>> -> memref<10112x128xf32, #tpu.memory_space<vmem_shared>>
      tpu.wait_indirect_dma semaphore(%arg12 : memref<!tpu.dma_semaphore, #tpu.memory_space<semaphore_mem>>) src(%dma_wait3A_152 : memref<128x128xf32, #tpu.memory_space<vmem>>) dst(%dma_wait3A_158 : memref<10112x128xf32, #tpu.memory_space<vmem_shared>>)
      %dma_start3A_159 = arith.constant 2 : i32
      %dma_start3A_160 = arith.constant 0 : i32
      %dma_start3A_161 = arith.constant 0 : i32
      %dma_start3A_162 = arith.constant 0 : i32
      %dma_start3A_163 = tpu.memref_slice %arg8[%dma_start3A_160, %dma_start3A_161, %dma_start3A_162] : memref<2x128x128xf32, #tpu.memory_space<vmem>> -> memref<1x128x128xf32, #tpu.memory_space<vmem>>
      %dma_start3A_164 = tpu.memref_squeeze %dma_start3A_163 : memref<1x128x128xf32, #tpu.memory_space<vmem>> -> memref<128x128xf32, #tpu.memory_space<vmem>>
      %dma_start3A_165 = arith.constant 0 : i32
      %dma_start3A_166 = tpu.memref_slice %arg6[%dma_start3A_159, %dma_start3A_165] : memref<16x128xi32, #tpu.memory_space<vmem>> -> memref<1x128xi32, #tpu.memory_space<vmem>>
      %dma_start3A_167 = tpu.memref_squeeze %dma_start3A_166 : memref<1x128xi32, #tpu.memory_space<vmem>> -> memref<128xi32, #tpu.memory_space<vmem>>
      %dma_start3A_168 = arith.constant 0 : i32
      %dma_start3A_169 = arith.constant 0 : i32
      %dma_start3A_170 = tpu.memref_slice %arg2[%dma_start3A_168, %dma_start3A_169] : memref<20000x128xf32, #tpu.memory_space<hbm>> -> memref<20000x128xf32, #tpu.memory_space<hbm>>
      tpu.enqueue_indirect_dma source(%dma_start3A_170 : memref<20000x128xf32, #tpu.memory_space<hbm>>) target(%dma_start3A_164 : memref<128x128xf32, #tpu.memory_space<vmem>>) offsets(%dma_start3A_167 : memref<128xi32, #tpu.memory_space<vmem>>) semaphore(%arg10 : memref<!tpu.dma_semaphore, #tpu.memory_space<semaphore_mem>>)
      %dma_wait3A_171 = arith.constant 0 : i32
      %dma_wait3A_172 = arith.constant 0 : i32
      %dma_wait3A_173 = arith.constant 0 : i32
      %dma_wait3A_174 = arith.constant 0 : i32
      %dma_wait3A_175 = tpu.memref_slice %arg8[%dma_wait3A_172, %dma_wait3A_173, %dma_wait3A_174] : memref<2x128x128xf32, #tpu.memory_space<vmem>> -> memref<1x128x128xf32, #tpu.memory_space<vmem>>
      %dma_wait3A_176 = tpu.memref_squeeze %dma_wait3A_175 : memref<1x128x128xf32, #tpu.memory_space<vmem>> -> memref<128x128xf32, #tpu.memory_space<vmem>>
      %dma_wait3A_177 = arith.constant 0 : i32
      %dma_wait3A_178 = tpu.memref_slice %arg6[%dma_wait3A_171, %dma_wait3A_177] : memref<16x128xi32, #tpu.memory_space<vmem>> -> memref<1x128xi32, #tpu.memory_space<vmem>>
      %dma_wait3A_179 = tpu.memref_squeeze %dma_wait3A_178 : memref<1x128xi32, #tpu.memory_space<vmem>> -> memref<128xi32, #tpu.memory_space<vmem>>
      %dma_wait3A_180 = arith.constant 0 : i32
      %dma_wait3A_181 = arith.constant 0 : i32
      %dma_wait3A_182 = tpu.memref_slice %arg2[%dma_wait3A_180, %dma_wait3A_181] : memref<20000x128xf32, #tpu.memory_space<hbm>> -> memref<20000x128xf32, #tpu.memory_space<hbm>>
      tpu.wait_indirect_dma semaphore(%arg10 : memref<!tpu.dma_semaphore, #tpu.memory_space<semaphore_mem>>) src(%dma_wait3A_182 : memref<20000x128xf32, #tpu.memory_space<hbm>>) dst(%dma_wait3A_176 : memref<128x128xf32, #tpu.memory_space<vmem>>)
      %dma_start3A_183 = arith.constant 0 : i32
      %dma_start3A_184 = arith.constant 2 : i32
      %dma_start3A_185 = arith.constant 0 : i32
      %dma_start3A_186 = arith.constant 0 : i32
      %dma_start3A_187 = tpu.memref_slice %arg8[%dma_start3A_183, %dma_start3A_185, %dma_start3A_186] : memref<2x128x128xf32, #tpu.memory_space<vmem>> -> memref<1x128x128xf32, #tpu.memory_space<vmem>>
      %dma_start3A_188 = tpu.memref_squeeze %dma_start3A_187 : memref<1x128x128xf32, #tpu.memory_space<vmem>> -> memref<128x128xf32, #tpu.memory_space<vmem>>
      %dma_start3A_189 = arith.constant 0 : i32
      %dma_start3A_190 = tpu.memref_slice %arg7[%dma_start3A_184, %dma_start3A_189] : memref<16x128xi32, #tpu.memory_space<vmem>> -> memref<1x128xi32, #tpu.memory_space<vmem>>
      %dma_start3A_191 = tpu.memref_squeeze %dma_start3A_190 : memref<1x128xi32, #tpu.memory_space<vmem>> -> memref<128xi32, #tpu.memory_space<vmem>>
      %dma_start3A_192 = arith.constant 0 : i32
      %dma_start3A_193 = arith.constant 0 : i32
      %dma_start3A_194 = tpu.memref_slice %arg9[%dma_start3A_192, %dma_start3A_193] : memref<10112x128xf32, #tpu.memory_space<vmem_shared>> -> memref<10112x128xf32, #tpu.memory_space<vmem_shared>>
      tpu.enqueue_indirect_dma source(%dma_start3A_188 : memref<128x128xf32, #tpu.memory_space<vmem>>) target(%dma_start3A_194 : memref<10112x128xf32, #tpu.memory_space<vmem_shared>>) offsets(%dma_start3A_191 : memref<128xi32, #tpu.memory_space<vmem>>) semaphore(%arg12 : memref<!tpu.dma_semaphore, #tpu.memory_space<semaphore_mem>>) {add = true}
      %dma_wait3A_195 = arith.constant 1 : i32
      %dma_wait3A_196 = arith.constant 0 : i32
      %dma_wait3A_197 = arith.constant 0 : i32
      %dma_wait3A_198 = arith.constant 0 : i32
      %dma_wait3A_199 = tpu.memref_slice %arg8[%dma_wait3A_195, %dma_wait3A_197, %dma_wait3A_198] : memref<2x128x128xf32, #tpu.memory_space<vmem>> -> memref<1x128x128xf32, #tpu.memory_space<vmem>>
      %dma_wait3A_200 = tpu.memref_squeeze %dma_wait3A_199 : memref<1x128x128xf32, #tpu.memory_space<vmem>> -> memref<128x128xf32, #tpu.memory_space<vmem>>
      %dma_wait3A_201 = arith.constant 0 : i32
      %dma_wait3A_202 = tpu.memref_slice %arg7[%dma_wait3A_196, %dma_wait3A_201] : memref<16x128xi32, #tpu.memory_space<vmem>> -> memref<1x128xi32, #tpu.memory_space<vmem>>
      %dma_wait3A_203 = tpu.memref_squeeze %dma_wait3A_202 : memref<1x128xi32, #tpu.memory_space<vmem>> -> memref<128xi32, #tpu.memory_space<vmem>>
      %dma_wait3A_204 = arith.constant 0 : i32
      %dma_wait3A_205 = arith.constant 0 : i32
      %dma_wait3A_206 = tpu.memref_slice %arg9[%dma_wait3A_204, %dma_wait3A_205] : memref<10112x128xf32, #tpu.memory_space<vmem_shared>> -> memref<10112x128xf32, #tpu.memory_space<vmem_shared>>
      tpu.wait_indirect_dma semaphore(%arg13 : memref<!tpu.dma_semaphore, #tpu.memory_space<semaphore_mem>>) src(%dma_wait3A_200 : memref<128x128xf32, #tpu.memory_space<vmem>>) dst(%dma_wait3A_206 : memref<10112x128xf32, #tpu.memory_space<vmem_shared>>)
      %dma_start3A_207 = arith.constant 3 : i32
      %dma_start3A_208 = arith.constant 1 : i32
      %dma_start3A_209 = arith.constant 0 : i32
      %dma_start3A_210 = arith.constant 0 : i32
      %dma_start3A_211 = tpu.memref_slice %arg8[%dma_start3A_208, %dma_start3A_209, %dma_start3A_210] : memref<2x128x128xf32, #tpu.memory_space<vmem>> -> memref<1x128x128xf32, #tpu.memory_space<vmem>>
      %dma_start3A_212 = tpu.memref_squeeze %dma_start3A_211 : memref<1x128x128xf32, #tpu.memory_space<vmem>> -> memref<128x128xf32, #tpu.memory_space<vmem>>
      %dma_start3A_213 = arith.constant 0 : i32
      %dma_start3A_214 = tpu.memref_slice %arg6[%dma_start3A_207, %dma_start3A_213] : memref<16x128xi32, #tpu.memory_space<vmem>> -> memref<1x128xi32, #tpu.memory_space<vmem>>
      %dma_start3A_215 = tpu.memref_squeeze %dma_start3A_214 : memref<1x128xi32, #tpu.memory_space<vmem>> -> memref<128xi32, #tpu.memory_space<vmem>>
      %dma_start3A_216 = arith.constant 0 : i32
      %dma_start3A_217 = arith.constant 0 : i32
      %dma_start3A_218 = tpu.memref_slice %arg2[%dma_start3A_216, %dma_start3A_217] : memref<20000x128xf32, #tpu.memory_space<hbm>> -> memref<20000x128xf32, #tpu.memory_space<hbm>>
      tpu.enqueue_indirect_dma source(%dma_start3A_218 : memref<20000x128xf32, #tpu.memory_space<hbm>>) target(%dma_start3A_212 : memref<128x128xf32, #tpu.memory_space<vmem>>) offsets(%dma_start3A_215 : memref<128xi32, #tpu.memory_space<vmem>>) semaphore(%arg11 : memref<!tpu.dma_semaphore, #tpu.memory_space<semaphore_mem>>)
      %dma_wait3A_219 = arith.constant 0 : i32
      %dma_wait3A_220 = arith.constant 1 : i32
      %dma_wait3A_221 = arith.constant 0 : i32
      %dma_wait3A_222 = arith.constant 0 : i32
      %dma_wait3A_223 = tpu.memref_slice %arg8[%dma_wait3A_220, %dma_wait3A_221, %dma_wait3A_222] : memref<2x128x128xf32, #tpu.memory_space<vmem>> -> memref<1x128x128xf32, #tpu.memory_space<vmem>>
      %dma_wait3A_224 = tpu.memref_squeeze %dma_wait3A_223 : memref<1x128x128xf32, #tpu.memory_space<vmem>> -> memref<128x128xf32, #tpu.memory_space<vmem>>
      %dma_wait3A_225 = arith.constant 0 : i32
      %dma_wait3A_226 = tpu.memref_slice %arg6[%dma_wait3A_219, %dma_wait3A_225] : memref<16x128xi32, #tpu.memory_space<vmem>> -> memref<1x128xi32, #tpu.memory_space<vmem>>
      %dma_wait3A_227 = tpu.memref_squeeze %dma_wait3A_226 : memref<1x128xi32, #tpu.memory_space<vmem>> -> memref<128xi32, #tpu.memory_space<vmem>>
      %dma_wait3A_228 = arith.constant 0 : i32
      %dma_wait3A_229 = arith.constant 0 : i32
      %dma_wait3A_230 = tpu.memref_slice %arg2[%dma_wait3A_228, %dma_wait3A_229] : memref<20000x128xf32, #tpu.memory_space<hbm>> -> memref<20000x128xf32, #tpu.memory_space<hbm>>
      tpu.wait_indirect_dma semaphore(%arg11 : memref<!tpu.dma_semaphore, #tpu.memory_space<semaphore_mem>>) src(%dma_wait3A_230 : memref<20000x128xf32, #tpu.memory_space<hbm>>) dst(%dma_wait3A_224 : memref<128x128xf32, #tpu.memory_space<vmem>>)
      %dma_start3A_231 = arith.constant 1 : i32
      %dma_start3A_232 = arith.constant 3 : i32
      %dma_start3A_233 = arith.constant 0 : i32
      %dma_start3A_234 = arith.constant 0 : i32
      %dma_start3A_235 = tpu.memref_slice %arg8[%dma_start3A_231, %dma_start3A_233, %dma_start3A_234] : memref<2x128x128xf32, #tpu.memory_space<vmem>> -> memref<1x128x128xf32, #tpu.memory_space<vmem>>
      %dma_start3A_236 = tpu.memref_squeeze %dma_start3A_235 : memref<1x128x128xf32, #tpu.memory_space<vmem>> -> memref<128x128xf32, #tpu.memory_space<vmem>>
      %dma_start3A_237 = arith.constant 0 : i32
      %dma_start3A_238 = tpu.memref_slice %arg7[%dma_start3A_232, %dma_start3A_237] : memref<16x128xi32, #tpu.memory_space<vmem>> -> memref<1x128xi32, #tpu.memory_space<vmem>>
      %dma_start3A_239 = tpu.memref_squeeze %dma_start3A_238 : memref<1x128xi32, #tpu.memory_space<vmem>> -> memref<128xi32, #tpu.memory_space<vmem>>
      %dma_start3A_240 = arith.constant 0 : i32
      %dma_start3A_241 = arith.constant 0 : i32
      %dma_start3A_242 = tpu.memref_slice %arg9[%dma_start3A_240, %dma_start3A_241] : memref<10112x128xf32, #tpu.memory_space<vmem_shared>> -> memref<10112x128xf32, #tpu.memory_space<vmem_shared>>
      tpu.enqueue_indirect_dma source(%dma_start3A_236 : memref<128x128xf32, #tpu.memory_space<vmem>>) target(%dma_start3A_242 : memref<10112x128xf32, #tpu.memory_space<vmem_shared>>) offsets(%dma_start3A_239 : memref<128xi32, #tpu.memory_space<vmem>>) semaphore(%arg13 : memref<!tpu.dma_semaphore, #tpu.memory_space<semaphore_mem>>) {add = true}
      %dma_wait3A_243 = arith.constant 0 : i32
      %dma_wait3A_244 = arith.constant 0 : i32
      %dma_wait3A_245 = arith.constant 0 : i32
      %dma_wait3A_246 = arith.constant 0 : i32
      %dma_wait3A_247 = tpu.memref_slice %arg8[%dma_wait3A_243, %dma_wait3A_245, %dma_wait3A_246] : memref<2x128x128xf32, #tpu.memory_space<vmem>> -> memref<1x128x128xf32, #tpu.memory_space<vmem>>
      %dma_wait3A_248 = tpu.memref_squeeze %dma_wait3A_247 : memref<1x128x128xf32, #tpu.memory_space<vmem>> -> memref<128x128xf32, #tpu.memory_space<vmem>>
      %dma_wait3A_249 = arith.constant 0 : i32
      %dma_wait3A_250 = tpu.memref_slice %arg7[%dma_wait3A_244, %dma_wait3A_249] : memref<16x128xi32, #tpu.memory_space<vmem>> -> memref<1x128xi32, #tpu.memory_space<vmem>>
      %dma_wait3A_251 = tpu.memref_squeeze %dma_wait3A_250 : memref<1x128xi32, #tpu.memory_space<vmem>> -> memref<128xi32, #tpu.memory_space<vmem>>
      %dma_wait3A_252 = arith.constant 0 : i32
      %dma_wait3A_253 = arith.constant 0 : i32
      %dma_wait3A_254 = tpu.memref_slice %arg9[%dma_wait3A_252, %dma_wait3A_253] : memref<10112x128xf32, #tpu.memory_space<vmem_shared>> -> memref<10112x128xf32, #tpu.memory_space<vmem_shared>>
      tpu.wait_indirect_dma semaphore(%arg12 : memref<!tpu.dma_semaphore, #tpu.memory_space<semaphore_mem>>) src(%dma_wait3A_248 : memref<128x128xf32, #tpu.memory_space<vmem>>) dst(%dma_wait3A_254 : memref<10112x128xf32, #tpu.memory_space<vmem_shared>>)
      %dma_start3A_255 = arith.constant 4 : i32
      %dma_start3A_256 = arith.constant 0 : i32
      %dma_start3A_257 = arith.constant 0 : i32
      %dma_start3A_258 = arith.constant 0 : i32
      %dma_start3A_259 = tpu.memref_slice %arg8[%dma_start3A_256, %dma_start3A_257, %dma_start3A_258] : memref<2x128x128xf32, #tpu.memory_space<vmem>> -> memref<1x128x128xf32, #tpu.memory_space<vmem>>
      %dma_start3A_260 = tpu.memref_squeeze %dma_start3A_259 : memref<1x128x128xf32, #tpu.memory_space<vmem>> -> memref<128x128xf32, #tpu.memory_space<vmem>>
      %dma_start3A_261 = arith.constant 0 : i32
      %dma_start3A_262 = tpu.memref_slice %arg6[%dma_start3A_255, %dma_start3A_261] : memref<16x128xi32, #tpu.memory_space<vmem>> -> memref<1x128xi32, #tpu.memory_space<vmem>>
      %dma_start3A_263 = tpu.memref_squeeze %dma_start3A_262 : memref<1x128xi32, #tpu.memory_space<vmem>> -> memref<128xi32, #tpu.memory_space<vmem>>
      %dma_start3A_264 = arith.constant 0 : i32
      %dma_start3A_265 = arith.constant 0 : i32
      %dma_start3A_266 = tpu.memref_slice %arg2[%dma_start3A_264, %dma_start3A_265] : memref<20000x128xf32, #tpu.memory_space<hbm>> -> memref<20000x128xf32, #tpu.memory_space<hbm>>
      tpu.enqueue_indirect_dma source(%dma_start3A_266 : memref<20000x128xf32, #tpu.memory_space<hbm>>) target(%dma_start3A_260 : memref<128x128xf32, #tpu.memory_space<vmem>>) offsets(%dma_start3A_263 : memref<128xi32, #tpu.memory_space<vmem>>) semaphore(%arg10 : memref<!tpu.dma_semaphore, #tpu.memory_space<semaphore_mem>>)
      %dma_wait3A_267 = arith.constant 0 : i32
      %dma_wait3A_268 = arith.constant 0 : i32
      %dma_wait3A_269 = arith.constant 0 : i32
      %dma_wait3A_270 = arith.constant 0 : i32
      %dma_wait3A_271 = tpu.memref_slice %arg8[%dma_wait3A_268, %dma_wait3A_269, %dma_wait3A_270] : memref<2x128x128xf32, #tpu.memory_space<vmem>> -> memref<1x128x128xf32, #tpu.memory_space<vmem>>
      %dma_wait3A_272 = tpu.memref_squeeze %dma_wait3A_271 : memref<1x128x128xf32, #tpu.memory_space<vmem>> -> memref<128x128xf32, #tpu.memory_space<vmem>>
      %dma_wait3A_273 = arith.constant 0 : i32
      %dma_wait3A_274 = tpu.memref_slice %arg6[%dma_wait3A_267, %dma_wait3A_273] : memref<16x128xi32, #tpu.memory_space<vmem>> -> memref<1x128xi32, #tpu.memory_space<vmem>>
      %dma_wait3A_275 = tpu.memref_squeeze %dma_wait3A_274 : memref<1x128xi32, #tpu.memory_space<vmem>> -> memref<128xi32, #tpu.memory_space<vmem>>
      %dma_wait3A_276 = arith.constant 0 : i32
      %dma_wait3A_277 = arith.constant 0 : i32
      %dma_wait3A_278 = tpu.memref_slice %arg2[%dma_wait3A_276, %dma_wait3A_277] : memref<20000x128xf32, #tpu.memory_space<hbm>> -> memref<20000x128xf32, #tpu.memory_space<hbm>>
      tpu.wait_indirect_dma semaphore(%arg10 : memref<!tpu.dma_semaphore, #tpu.memory_space<semaphore_mem>>) src(%dma_wait3A_278 : memref<20000x128xf32, #tpu.memory_space<hbm>>) dst(%dma_wait3A_272 : memref<128x128xf32, #tpu.memory_space<vmem>>)
      %dma_start3A_279 = arith.constant 0 : i32
      %dma_start3A_280 = arith.constant 4 : i32
      %dma_start3A_281 = arith.constant 0 : i32
      %dma_start3A_282 = arith.constant 0 : i32
      %dma_start3A_283 = tpu.memref_slice %arg8[%dma_start3A_279, %dma_start3A_281, %dma_start3A_282] : memref<2x128x128xf32, #tpu.memory_space<vmem>> -> memref<1x128x128xf32, #tpu.memory_space<vmem>>
      %dma_start3A_284 = tpu.memref_squeeze %dma_start3A_283 : memref<1x128x128xf32, #tpu.memory_space<vmem>> -> memref<128x128xf32, #tpu.memory_space<vmem>>
      %dma_start3A_285 = arith.constant 0 : i32
      %dma_start3A_286 = tpu.memref_slice %arg7[%dma_start3A_280, %dma_start3A_285] : memref<16x128xi32, #tpu.memory_space<vmem>> -> memref<1x128xi32, #tpu.memory_space<vmem>>
      %dma_start3A_287 = tpu.memref_squeeze %dma_start3A_286 : memref<1x128xi32, #tpu.memory_space<vmem>> -> memref<128xi32, #tpu.memory_space<vmem>>
      %dma_start3A_288 = arith.constant 0 : i32
      %dma_start3A_289 = arith.constant 0 : i32
      %dma_start3A_290 = tpu.memref_slice %arg9[%dma_start3A_288, %dma_start3A_289] : memref<10112x128xf32, #tpu.memory_space<vmem_shared>> -> memref<10112x128xf32, #tpu.memory_space<vmem_shared>>
      tpu.enqueue_indirect_dma source(%dma_start3A_284 : memref<128x128xf32, #tpu.memory_space<vmem>>) target(%dma_start3A_290 : memref<10112x128xf32, #tpu.memory_space<vmem_shared>>) offsets(%dma_start3A_287 : memref<128xi32, #tpu.memory_space<vmem>>) semaphore(%arg12 : memref<!tpu.dma_semaphore, #tpu.memory_space<semaphore_mem>>) {add = true}
      %dma_wait3A_291 = arith.constant 1 : i32
      %dma_wait3A_292 = arith.constant 0 : i32
      %dma_wait3A_293 = arith.constant 0 : i32
      %dma_wait3A_294 = arith.constant 0 : i32
      %dma_wait3A_295 = tpu.memref_slice %arg8[%dma_wait3A_291, %dma_wait3A_293, %dma_wait3A_294] : memref<2x128x128xf32, #tpu.memory_space<vmem>> -> memref<1x128x128xf32, #tpu.memory_space<vmem>>
      %dma_wait3A_296 = tpu.memref_squeeze %dma_wait3A_295 : memref<1x128x128xf32, #tpu.memory_space<vmem>> -> memref<128x128xf32, #tpu.memory_space<vmem>>
      %dma_wait3A_297 = arith.constant 0 : i32
      %dma_wait3A_298 = tpu.memref_slice %arg7[%dma_wait3A_292, %dma_wait3A_297] : memref<16x128xi32, #tpu.memory_space<vmem>> -> memref<1x128xi32, #tpu.memory_space<vmem>>
      %dma_wait3A_299 = tpu.memref_squeeze %dma_wait3A_298 : memref<1x128xi32, #tpu.memory_space<vmem>> -> memref<128xi32, #tpu.memory_space<vmem>>
      %dma_wait3A_300 = arith.constant 0 : i32
      %dma_wait3A_301 = arith.constant 0 : i32
      %dma_wait3A_302 = tpu.memref_slice %arg9[%dma_wait3A_300, %dma_wait3A_301] : memref<10112x128xf32, #tpu.memory_space<vmem_shared>> -> memref<10112x128xf32, #tpu.memory_space<vmem_shared>>
      tpu.wait_indirect_dma semaphore(%arg13 : memref<!tpu.dma_semaphore, #tpu.memory_space<semaphore_mem>>) src(%dma_wait3A_296 : memref<128x128xf32, #tpu.memory_space<vmem>>) dst(%dma_wait3A_302 : memref<10112x128xf32, #tpu.memory_space<vmem_shared>>)
      %dma_start3A_303 = arith.constant 5 : i32
      %dma_start3A_304 = arith.constant 1 : i32
      %dma_start3A_305 = arith.constant 0 : i32
      %dma_start3A_306 = arith.constant 0 : i32
      %dma_start3A_307 = tpu.memref_slice %arg8[%dma_start3A_304, %dma_start3A_305, %dma_start3A_306] : memref<2x128x128xf32, #tpu.memory_space<vmem>> -> memref<1x128x128xf32, #tpu.memory_space<vmem>>
      %dma_start3A_308 = tpu.memref_squeeze %dma_start3A_307 : memref<1x128x128xf32, #tpu.memory_space<vmem>> -> memref<128x128xf32, #tpu.memory_space<vmem>>
      %dma_start3A_309 = arith.constant 0 : i32
      %dma_start3A_310 = tpu.memref_slice %arg6[%dma_start3A_303, %dma_start3A_309] : memref<16x128xi32, #tpu.memory_space<vmem>> -> memref<1x128xi32, #tpu.memory_space<vmem>>
      %dma_start3A_311 = tpu.memref_squeeze %dma_start3A_310 : memref<1x128xi32, #tpu.memory_space<vmem>> -> memref<128xi32, #tpu.memory_space<vmem>>
      %dma_start3A_312 = arith.constant 0 : i32
      %dma_start3A_313 = arith.constant 0 : i32
      %dma_start3A_314 = tpu.memref_slice %arg2[%dma_start3A_312, %dma_start3A_313] : memref<20000x128xf32, #tpu.memory_space<hbm>> -> memref<20000x128xf32, #tpu.memory_space<hbm>>
      tpu.enqueue_indirect_dma source(%dma_start3A_314 : memref<20000x128xf32, #tpu.memory_space<hbm>>) target(%dma_start3A_308 : memref<128x128xf32, #tpu.memory_space<vmem>>) offsets(%dma_start3A_311 : memref<128xi32, #tpu.memory_space<vmem>>) semaphore(%arg11 : memref<!tpu.dma_semaphore, #tpu.memory_space<semaphore_mem>>)
      %dma_wait3A_315 = arith.constant 0 : i32
      %dma_wait3A_316 = arith.constant 1 : i32
      %dma_wait3A_317 = arith.constant 0 : i32
      %dma_wait3A_318 = arith.constant 0 : i32
      %dma_wait3A_319 = tpu.memref_slice %arg8[%dma_wait3A_316, %dma_wait3A_317, %dma_wait3A_318] : memref<2x128x128xf32, #tpu.memory_space<vmem>> -> memref<1x128x128xf32, #tpu.memory_space<vmem>>
      %dma_wait3A_320 = tpu.memref_squeeze %dma_wait3A_319 : memref<1x128x128xf32, #tpu.memory_space<vmem>> -> memref<128x128xf32, #tpu.memory_space<vmem>>
      %dma_wait3A_321 = arith.constant 0 : i32
      %dma_wait3A_322 = tpu.memref_slice %arg6[%dma_wait3A_315, %dma_wait3A_321] : memref<16x128xi32, #tpu.memory_space<vmem>> -> memref<1x128xi32, #tpu.memory_space<vmem>>
      %dma_wait3A_323 = tpu.memref_squeeze %dma_wait3A_322 : memref<1x128xi32, #tpu.memory_space<vmem>> -> memref<128xi32, #tpu.memory_space<vmem>>
      %dma_wait3A_324 = arith.constant 0 : i32
      %dma_wait3A_325 = arith.constant 0 : i32
      %dma_wait3A_326 = tpu.memref_slice %arg2[%dma_wait3A_324, %dma_wait3A_325] : memref<20000x128xf32, #tpu.memory_space<hbm>> -> memref<20000x128xf32, #tpu.memory_space<hbm>>
      tpu.wait_indirect_dma semaphore(%arg11 : memref<!tpu.dma_semaphore, #tpu.memory_space<semaphore_mem>>) src(%dma_wait3A_326 : memref<20000x128xf32, #tpu.memory_space<hbm>>) dst(%dma_wait3A_320 : memref<128x128xf32, #tpu.memory_space<vmem>>)
      %dma_start3A_327 = arith.constant 1 : i32
      %dma_start3A_328 = arith.constant 5 : i32
      %dma_start3A_329 = arith.constant 0 : i32
      %dma_start3A_330 = arith.constant 0 : i32
      %dma_start3A_331 = tpu.memref_slice %arg8[%dma_start3A_327, %dma_start3A_329, %dma_start3A_330] : memref<2x128x128xf32, #tpu.memory_space<vmem>> -> memref<1x128x128xf32, #tpu.memory_space<vmem>>
      %dma_start3A_332 = tpu.memref_squeeze %dma_start3A_331 : memref<1x128x128xf32, #tpu.memory_space<vmem>> -> memref<128x128xf32, #tpu.memory_space<vmem>>
      %dma_start3A_333 = arith.constant 0 : i32
      %dma_start3A_334 = tpu.memref_slice %arg7[%dma_start3A_328, %dma_start3A_333] : memref<16x128xi32, #tpu.memory_space<vmem>> -> memref<1x128xi32, #tpu.memory_space<vmem>>
      %dma_start3A_335 = tpu.memref_squeeze %dma_start3A_334 : memref<1x128xi32, #tpu.memory_space<vmem>> -> memref<128xi32, #tpu.memory_space<vmem>>
      %dma_start3A_336 = arith.constant 0 : i32
      %dma_start3A_337 = arith.constant 0 : i32
      %dma_start3A_338 = tpu.memref_slice %arg9[%dma_start3A_336, %dma_start3A_337] : memref<10112x128xf32, #tpu.memory_space<vmem_shared>> -> memref<10112x128xf32, #tpu.memory_space<vmem_shared>>
      tpu.enqueue_indirect_dma source(%dma_start3A_332 : memref<128x128xf32, #tpu.memory_space<vmem>>) target(%dma_start3A_338 : memref<10112x128xf32, #tpu.memory_space<vmem_shared>>) offsets(%dma_start3A_335 : memref<128xi32, #tpu.memory_space<vmem>>) semaphore(%arg13 : memref<!tpu.dma_semaphore, #tpu.memory_space<semaphore_mem>>) {add = true}
      %dma_wait3A_339 = arith.constant 0 : i32
      %dma_wait3A_340 = arith.constant 0 : i32
      %dma_wait3A_341 = arith.constant 0 : i32
      %dma_wait3A_342 = arith.constant 0 : i32
      %dma_wait3A_343 = tpu.memref_slice %arg8[%dma_wait3A_339, %dma_wait3A_341, %dma_wait3A_342] : memref<2x128x128xf32, #tpu.memory_space<vmem>> -> memref<1x128x128xf32, #tpu.memory_space<vmem>>
      %dma_wait3A_344 = tpu.memref_squeeze %dma_wait3A_343 : memref<1x128x128xf32, #tpu.memory_space<vmem>> -> memref<128x128xf32, #tpu.memory_space<vmem>>
      %dma_wait3A_345 = arith.constant 0 : i32
      %dma_wait3A_346 = tpu.memref_slice %arg7[%dma_wait3A_340, %dma_wait3A_345] : memref<16x128xi32, #tpu.memory_space<vmem>> -> memref<1x128xi32, #tpu.memory_space<vmem>>
      %dma_wait3A_347 = tpu.memref_squeeze %dma_wait3A_346 : memref<1x128xi32, #tpu.memory_space<vmem>> -> memref<128xi32, #tpu.memory_space<vmem>>
      %dma_wait3A_348 = arith.constant 0 : i32
      %dma_wait3A_349 = arith.constant 0 : i32
      %dma_wait3A_350 = tpu.memref_slice %arg9[%dma_wait3A_348, %dma_wait3A_349] : memref<10112x128xf32, #tpu.memory_space<vmem_shared>> -> memref<10112x128xf32, #tpu.memory_space<vmem_shared>>
      tpu.wait_indirect_dma semaphore(%arg12 : memref<!tpu.dma_semaphore, #tpu.memory_space<semaphore_mem>>) src(%dma_wait3A_344 : memref<128x128xf32, #tpu.memory_space<vmem>>) dst(%dma_wait3A_350 : memref<10112x128xf32, #tpu.memory_space<vmem_shared>>)
      %dma_start3A_351 = arith.constant 6 : i32
      %dma_start3A_352 = arith.constant 0 : i32
      %dma_start3A_353 = arith.constant 0 : i32
      %dma_start3A_354 = arith.constant 0 : i32
      %dma_start3A_355 = tpu.memref_slice %arg8[%dma_start3A_352, %dma_start3A_353, %dma_start3A_354] : memref<2x128x128xf32, #tpu.memory_space<vmem>> -> memref<1x128x128xf32, #tpu.memory_space<vmem>>
      %dma_start3A_356 = tpu.memref_squeeze %dma_start3A_355 : memref<1x128x128xf32, #tpu.memory_space<vmem>> -> memref<128x128xf32, #tpu.memory_space<vmem>>
      %dma_start3A_357 = arith.constant 0 : i32
      %dma_start3A_358 = tpu.memref_slice %arg6[%dma_start3A_351, %dma_start3A_357] : memref<16x128xi32, #tpu.memory_space<vmem>> -> memref<1x128xi32, #tpu.memory_space<vmem>>
      %dma_start3A_359 = tpu.memref_squeeze %dma_start3A_358 : memref<1x128xi32, #tpu.memory_space<vmem>> -> memref<128xi32, #tpu.memory_space<vmem>>
      %dma_start3A_360 = arith.constant 0 : i32
      %dma_start3A_361 = arith.constant 0 : i32
      %dma_start3A_362 = tpu.memref_slice %arg2[%dma_start3A_360, %dma_start3A_361] : memref<20000x128xf32, #tpu.memory_space<hbm>> -> memref<20000x128xf32, #tpu.memory_space<hbm>>
      tpu.enqueue_indirect_dma source(%dma_start3A_362 : memref<20000x128xf32, #tpu.memory_space<hbm>>) target(%dma_start3A_356 : memref<128x128xf32, #tpu.memory_space<vmem>>) offsets(%dma_start3A_359 : memref<128xi32, #tpu.memory_space<vmem>>) semaphore(%arg10 : memref<!tpu.dma_semaphore, #tpu.memory_space<semaphore_mem>>)
      %dma_wait3A_363 = arith.constant 0 : i32
      %dma_wait3A_364 = arith.constant 0 : i32
      %dma_wait3A_365 = arith.constant 0 : i32
      %dma_wait3A_366 = arith.constant 0 : i32
      %dma_wait3A_367 = tpu.memref_slice %arg8[%dma_wait3A_364, %dma_wait3A_365, %dma_wait3A_366] : memref<2x128x128xf32, #tpu.memory_space<vmem>> -> memref<1x128x128xf32, #tpu.memory_space<vmem>>
      %dma_wait3A_368 = tpu.memref_squeeze %dma_wait3A_367 : memref<1x128x128xf32, #tpu.memory_space<vmem>> -> memref<128x128xf32, #tpu.memory_space<vmem>>
      %dma_wait3A_369 = arith.constant 0 : i32
      %dma_wait3A_370 = tpu.memref_slice %arg6[%dma_wait3A_363, %dma_wait3A_369] : memref<16x128xi32, #tpu.memory_space<vmem>> -> memref<1x128xi32, #tpu.memory_space<vmem>>
      %dma_wait3A_371 = tpu.memref_squeeze %dma_wait3A_370 : memref<1x128xi32, #tpu.memory_space<vmem>> -> memref<128xi32, #tpu.memory_space<vmem>>
      %dma_wait3A_372 = arith.constant 0 : i32
      %dma_wait3A_373 = arith.constant 0 : i32
      %dma_wait3A_374 = tpu.memref_slice %arg2[%dma_wait3A_372, %dma_wait3A_373] : memref<20000x128xf32, #tpu.memory_space<hbm>> -> memref<20000x128xf32, #tpu.memory_space<hbm>>
      tpu.wait_indirect_dma semaphore(%arg10 : memref<!tpu.dma_semaphore, #tpu.memory_space<semaphore_mem>>) src(%dma_wait3A_374 : memref<20000x128xf32, #tpu.memory_space<hbm>>) dst(%dma_wait3A_368 : memref<128x128xf32, #tpu.memory_space<vmem>>)
      %dma_start3A_375 = arith.constant 0 : i32
      %dma_start3A_376 = arith.constant 6 : i32
      %dma_start3A_377 = arith.constant 0 : i32
      %dma_start3A_378 = arith.constant 0 : i32
      %dma_start3A_379 = tpu.memref_slice %arg8[%dma_start3A_375, %dma_start3A_377, %dma_start3A_378] : memref<2x128x128xf32, #tpu.memory_space<vmem>> -> memref<1x128x128xf32, #tpu.memory_space<vmem>>
      %dma_start3A_380 = tpu.memref_squeeze %dma_start3A_379 : memref<1x128x128xf32, #tpu.memory_space<vmem>> -> memref<128x128xf32, #tpu.memory_space<vmem>>
      %dma_start3A_381 = arith.constant 0 : i32
      %dma_start3A_382 = tpu.memref_slice %arg7[%dma_start3A_376, %dma_start3A_381] : memref<16x128xi32, #tpu.memory_space<vmem>> -> memref<1x128xi32, #tpu.memory_space<vmem>>
      %dma_start3A_383 = tpu.memref_squeeze %dma_start3A_382 : memref<1x128xi32, #tpu.memory_space<vmem>> -> memref<128xi32, #tpu.memory_space<vmem>>
      %dma_start3A_384 = arith.constant 0 : i32
      %dma_start3A_385 = arith.constant 0 : i32
      %dma_start3A_386 = tpu.memref_slice %arg9[%dma_start3A_384, %dma_start3A_385] : memref<10112x128xf32, #tpu.memory_space<vmem_shared>> -> memref<10112x128xf32, #tpu.memory_space<vmem_shared>>
      tpu.enqueue_indirect_dma source(%dma_start3A_380 : memref<128x128xf32, #tpu.memory_space<vmem>>) target(%dma_start3A_386 : memref<10112x128xf32, #tpu.memory_space<vmem_shared>>) offsets(%dma_start3A_383 : memref<128xi32, #tpu.memory_space<vmem>>) semaphore(%arg12 : memref<!tpu.dma_semaphore, #tpu.memory_space<semaphore_mem>>) {add = true}
      %dma_wait3A_387 = arith.constant 1 : i32
      %dma_wait3A_388 = arith.constant 0 : i32
      %dma_wait3A_389 = arith.constant 0 : i32
      %dma_wait3A_390 = arith.constant 0 : i32
      %dma_wait3A_391 = tpu.memref_slice %arg8[%dma_wait3A_387, %dma_wait3A_389, %dma_wait3A_390] : memref<2x128x128xf32, #tpu.memory_space<vmem>> -> memref<1x128x128xf32, #tpu.memory_space<vmem>>
      %dma_wait3A_392 = tpu.memref_squeeze %dma_wait3A_391 : memref<1x128x128xf32, #tpu.memory_space<vmem>> -> memref<128x128xf32, #tpu.memory_space<vmem>>
      %dma_wait3A_393 = arith.constant 0 : i32
      %dma_wait3A_394 = tpu.memref_slice %arg7[%dma_wait3A_388, %dma_wait3A_393] : memref<16x128xi32, #tpu.memory_space<vmem>> -> memref<1x128xi32, #tpu.memory_space<vmem>>
      %dma_wait3A_395 = tpu.memref_squeeze %dma_wait3A_394 : memref<1x128xi32, #tpu.memory_space<vmem>> -> memref<128xi32, #tpu.memory_space<vmem>>
      %dma_wait3A_396 = arith.constant 0 : i32
      %dma_wait3A_397 = arith.constant 0 : i32
      %dma_wait3A_398 = tpu.memref_slice %arg9[%dma_wait3A_396, %dma_wait3A_397] : memref<10112x128xf32, #tpu.memory_space<vmem_shared>> -> memref<10112x128xf32, #tpu.memory_space<vmem_shared>>
      tpu.wait_indirect_dma semaphore(%arg13 : memref<!tpu.dma_semaphore, #tpu.memory_space<semaphore_mem>>) src(%dma_wait3A_392 : memref<128x128xf32, #tpu.memory_space<vmem>>) dst(%dma_wait3A_398 : memref<10112x128xf32, #tpu.memory_space<vmem_shared>>)
      %dma_start3A_399 = arith.constant 7 : i32
      %dma_start3A_400 = arith.constant 1 : i32
      %dma_start3A_401 = arith.constant 0 : i32
      %dma_start3A_402 = arith.constant 0 : i32
      %dma_start3A_403 = tpu.memref_slice %arg8[%dma_start3A_400, %dma_start3A_401, %dma_start3A_402] : memref<2x128x128xf32, #tpu.memory_space<vmem>> -> memref<1x128x128xf32, #tpu.memory_space<vmem>>
      %dma_start3A_404 = tpu.memref_squeeze %dma_start3A_403 : memref<1x128x128xf32, #tpu.memory_space<vmem>> -> memref<128x128xf32, #tpu.memory_space<vmem>>
      %dma_start3A_405 = arith.constant 0 : i32
      %dma_start3A_406 = tpu.memref_slice %arg6[%dma_start3A_399, %dma_start3A_405] : memref<16x128xi32, #tpu.memory_space<vmem>> -> memref<1x128xi32, #tpu.memory_space<vmem>>
      %dma_start3A_407 = tpu.memref_squeeze %dma_start3A_406 : memref<1x128xi32, #tpu.memory_space<vmem>> -> memref<128xi32, #tpu.memory_space<vmem>>
      %dma_start3A_408 = arith.constant 0 : i32
      %dma_start3A_409 = arith.constant 0 : i32
      %dma_start3A_410 = tpu.memref_slice %arg2[%dma_start3A_408, %dma_start3A_409] : memref<20000x128xf32, #tpu.memory_space<hbm>> -> memref<20000x128xf32, #tpu.memory_space<hbm>>
      tpu.enqueue_indirect_dma source(%dma_start3A_410 : memref<20000x128xf32, #tpu.memory_space<hbm>>) target(%dma_start3A_404 : memref<128x128xf32, #tpu.memory_space<vmem>>) offsets(%dma_start3A_407 : memref<128xi32, #tpu.memory_space<vmem>>) semaphore(%arg11 : memref<!tpu.dma_semaphore, #tpu.memory_space<semaphore_mem>>)
      %dma_wait3A_411 = arith.constant 0 : i32
      %dma_wait3A_412 = arith.constant 1 : i32
      %dma_wait3A_413 = arith.constant 0 : i32
      %dma_wait3A_414 = arith.constant 0 : i32
      %dma_wait3A_415 = tpu.memref_slice %arg8[%dma_wait3A_412, %dma_wait3A_413, %dma_wait3A_414] : memref<2x128x128xf32, #tpu.memory_space<vmem>> -> memref<1x128x128xf32, #tpu.memory_space<vmem>>
      %dma_wait3A_416 = tpu.memref_squeeze %dma_wait3A_415 : memref<1x128x128xf32, #tpu.memory_space<vmem>> -> memref<128x128xf32, #tpu.memory_space<vmem>>
      %dma_wait3A_417 = arith.constant 0 : i32
      %dma_wait3A_418 = tpu.memref_slice %arg6[%dma_wait3A_411, %dma_wait3A_417] : memref<16x128xi32, #tpu.memory_space<vmem>> -> memref<1x128xi32, #tpu.memory_space<vmem>>
      %dma_wait3A_419 = tpu.memref_squeeze %dma_wait3A_418 : memref<1x128xi32, #tpu.memory_space<vmem>> -> memref<128xi32, #tpu.memory_space<vmem>>
      %dma_wait3A_420 = arith.constant 0 : i32
      %dma_wait3A_421 = arith.constant 0 : i32
      %dma_wait3A_422 = tpu.memref_slice %arg2[%dma_wait3A_420, %dma_wait3A_421] : memref<20000x128xf32, #tpu.memory_space<hbm>> -> memref<20000x128xf32, #tpu.memory_space<hbm>>
      tpu.wait_indirect_dma semaphore(%arg11 : memref<!tpu.dma_semaphore, #tpu.memory_space<semaphore_mem>>) src(%dma_wait3A_422 : memref<20000x128xf32, #tpu.memory_space<hbm>>) dst(%dma_wait3A_416 : memref<128x128xf32, #tpu.memory_space<vmem>>)
      %dma_start3A_423 = arith.constant 1 : i32
      %dma_start3A_424 = arith.constant 7 : i32
      %dma_start3A_425 = arith.constant 0 : i32
      %dma_start3A_426 = arith.constant 0 : i32
      %dma_start3A_427 = tpu.memref_slice %arg8[%dma_start3A_423, %dma_start3A_425, %dma_start3A_426] : memref<2x128x128xf32, #tpu.memory_space<vmem>> -> memref<1x128x128xf32, #tpu.memory_space<vmem>>
      %dma_start3A_428 = tpu.memref_squeeze %dma_start3A_427 : memref<1x128x128xf32, #tpu.memory_space<vmem>> -> memref<128x128xf32, #tpu.memory_space<vmem>>
      %dma_start3A_429 = arith.constant 0 : i32
      %dma_start3A_430 = tpu.memref_slice %arg7[%dma_start3A_424, %dma_start3A_429] : memref<16x128xi32, #tpu.memory_space<vmem>> -> memref<1x128xi32, #tpu.memory_space<vmem>>
      %dma_start3A_431 = tpu.memref_squeeze %dma_start3A_430 : memref<1x128xi32, #tpu.memory_space<vmem>> -> memref<128xi32, #tpu.memory_space<vmem>>
      %dma_start3A_432 = arith.constant 0 : i32
      %dma_start3A_433 = arith.constant 0 : i32
      %dma_start3A_434 = tpu.memref_slice %arg9[%dma_start3A_432, %dma_start3A_433] : memref<10112x128xf32, #tpu.memory_space<vmem_shared>> -> memref<10112x128xf32, #tpu.memory_space<vmem_shared>>
      tpu.enqueue_indirect_dma source(%dma_start3A_428 : memref<128x128xf32, #tpu.memory_space<vmem>>) target(%dma_start3A_434 : memref<10112x128xf32, #tpu.memory_space<vmem_shared>>) offsets(%dma_start3A_431 : memref<128xi32, #tpu.memory_space<vmem>>) semaphore(%arg13 : memref<!tpu.dma_semaphore, #tpu.memory_space<semaphore_mem>>) {add = true}
      %dma_wait3A_435 = arith.constant 0 : i32
      %dma_wait3A_436 = arith.constant 0 : i32
      %dma_wait3A_437 = arith.constant 0 : i32
      %dma_wait3A_438 = arith.constant 0 : i32
      %dma_wait3A_439 = tpu.memref_slice %arg8[%dma_wait3A_435, %dma_wait3A_437, %dma_wait3A_438] : memref<2x128x128xf32, #tpu.memory_space<vmem>> -> memref<1x128x128xf32, #tpu.memory_space<vmem>>
      %dma_wait3A_440 = tpu.memref_squeeze %dma_wait3A_439 : memref<1x128x128xf32, #tpu.memory_space<vmem>> -> memref<128x128xf32, #tpu.memory_space<vmem>>
      %dma_wait3A_441 = arith.constant 0 : i32
      %dma_wait3A_442 = tpu.memref_slice %arg7[%dma_wait3A_436, %dma_wait3A_441] : memref<16x128xi32, #tpu.memory_space<vmem>> -> memref<1x128xi32, #tpu.memory_space<vmem>>
      %dma_wait3A_443 = tpu.memref_squeeze %dma_wait3A_442 : memref<1x128xi32, #tpu.memory_space<vmem>> -> memref<128xi32, #tpu.memory_space<vmem>>
      %dma_wait3A_444 = arith.constant 0 : i32
      %dma_wait3A_445 = arith.constant 0 : i32
      %dma_wait3A_446 = tpu.memref_slice %arg9[%dma_wait3A_444, %dma_wait3A_445] : memref<10112x128xf32, #tpu.memory_space<vmem_shared>> -> memref<10112x128xf32, #tpu.memory_space<vmem_shared>>
      tpu.wait_indirect_dma semaphore(%arg12 : memref<!tpu.dma_semaphore, #tpu.memory_space<semaphore_mem>>) src(%dma_wait3A_440 : memref<128x128xf32, #tpu.memory_space<vmem>>) dst(%dma_wait3A_446 : memref<10112x128xf32, #tpu.memory_space<vmem_shared>>)
      %dma_start3A_447 = arith.constant 8 : i32
      %dma_start3A_448 = arith.constant 0 : i32
      %dma_start3A_449 = arith.constant 0 : i32
      %dma_start3A_450 = arith.constant 0 : i32
      %dma_start3A_451 = tpu.memref_slice %arg8[%dma_start3A_448, %dma_start3A_449, %dma_start3A_450] : memref<2x128x128xf32, #tpu.memory_space<vmem>> -> memref<1x128x128xf32, #tpu.memory_space<vmem>>
      %dma_start3A_452 = tpu.memref_squeeze %dma_start3A_451 : memref<1x128x128xf32, #tpu.memory_space<vmem>> -> memref<128x128xf32, #tpu.memory_space<vmem>>
      %dma_start3A_453 = arith.constant 0 : i32
      %dma_start3A_454 = tpu.memref_slice %arg6[%dma_start3A_447, %dma_start3A_453] : memref<16x128xi32, #tpu.memory_space<vmem>> -> memref<1x128xi32, #tpu.memory_space<vmem>>
      %dma_start3A_455 = tpu.memref_squeeze %dma_start3A_454 : memref<1x128xi32, #tpu.memory_space<vmem>> -> memref<128xi32, #tpu.memory_space<vmem>>
      %dma_start3A_456 = arith.constant 0 : i32
      %dma_start3A_457 = arith.constant 0 : i32
      %dma_start3A_458 = tpu.memref_slice %arg2[%dma_start3A_456, %dma_start3A_457] : memref<20000x128xf32, #tpu.memory_space<hbm>> -> memref<20000x128xf32, #tpu.memory_space<hbm>>
      tpu.enqueue_indirect_dma source(%dma_start3A_458 : memref<20000x128xf32, #tpu.memory_space<hbm>>) target(%dma_start3A_452 : memref<128x128xf32, #tpu.memory_space<vmem>>) offsets(%dma_start3A_455 : memref<128xi32, #tpu.memory_space<vmem>>) semaphore(%arg10 : memref<!tpu.dma_semaphore, #tpu.memory_space<semaphore_mem>>)
      %dma_wait3A_459 = arith.constant 0 : i32
      %dma_wait3A_460 = arith.constant 0 : i32
      %dma_wait3A_461 = arith.constant 0 : i32
      %dma_wait3A_462 = arith.constant 0 : i32
      %dma_wait3A_463 = tpu.memref_slice %arg8[%dma_wait3A_460, %dma_wait3A_461, %dma_wait3A_462] : memref<2x128x128xf32, #tpu.memory_space<vmem>> -> memref<1x128x128xf32, #tpu.memory_space<vmem>>
      %dma_wait3A_464 = tpu.memref_squeeze %dma_wait3A_463 : memref<1x128x128xf32, #tpu.memory_space<vmem>> -> memref<128x128xf32, #tpu.memory_space<vmem>>
      %dma_wait3A_465 = arith.constant 0 : i32
      %dma_wait3A_466 = tpu.memref_slice %arg6[%dma_wait3A_459, %dma_wait3A_465] : memref<16x128xi32, #tpu.memory_space<vmem>> -> memref<1x128xi32, #tpu.memory_space<vmem>>
      %dma_wait3A_467 = tpu.memref_squeeze %dma_wait3A_466 : memref<1x128xi32, #tpu.memory_space<vmem>> -> memref<128xi32, #tpu.memory_space<vmem>>
      %dma_wait3A_468 = arith.constant 0 : i32
      %dma_wait3A_469 = arith.constant 0 : i32
      %dma_wait3A_470 = tpu.memref_slice %arg2[%dma_wait3A_468, %dma_wait3A_469] : memref<20000x128xf32, #tpu.memory_space<hbm>> -> memref<20000x128xf32, #tpu.memory_space<hbm>>
      tpu.wait_indirect_dma semaphore(%arg10 : memref<!tpu.dma_semaphore, #tpu.memory_space<semaphore_mem>>) src(%dma_wait3A_470 : memref<20000x128xf32, #tpu.memory_space<hbm>>) dst(%dma_wait3A_464 : memref<128x128xf32, #tpu.memory_space<vmem>>)
      %dma_start3A_471 = arith.constant 0 : i32
      %dma_start3A_472 = arith.constant 8 : i32
      %dma_start3A_473 = arith.constant 0 : i32
      %dma_start3A_474 = arith.constant 0 : i32
      %dma_start3A_475 = tpu.memref_slice %arg8[%dma_start3A_471, %dma_start3A_473, %dma_start3A_474] : memref<2x128x128xf32, #tpu.memory_space<vmem>> -> memref<1x128x128xf32, #tpu.memory_space<vmem>>
      %dma_start3A_476 = tpu.memref_squeeze %dma_start3A_475 : memref<1x128x128xf32, #tpu.memory_space<vmem>> -> memref<128x128xf32, #tpu.memory_space<vmem>>
      %dma_start3A_477 = arith.constant 0 : i32
      %dma_start3A_478 = tpu.memref_slice %arg7[%dma_start3A_472, %dma_start3A_477] : memref<16x128xi32, #tpu.memory_space<vmem>> -> memref<1x128xi32, #tpu.memory_space<vmem>>
      %dma_start3A_479 = tpu.memref_squeeze %dma_start3A_478 : memref<1x128xi32, #tpu.memory_space<vmem>> -> memref<128xi32, #tpu.memory_space<vmem>>
      %dma_start3A_480 = arith.constant 0 : i32
      %dma_start3A_481 = arith.constant 0 : i32
      %dma_start3A_482 = tpu.memref_slice %arg9[%dma_start3A_480, %dma_start3A_481] : memref<10112x128xf32, #tpu.memory_space<vmem_shared>> -> memref<10112x128xf32, #tpu.memory_space<vmem_shared>>
      tpu.enqueue_indirect_dma source(%dma_start3A_476 : memref<128x128xf32, #tpu.memory_space<vmem>>) target(%dma_start3A_482 : memref<10112x128xf32, #tpu.memory_space<vmem_shared>>) offsets(%dma_start3A_479 : memref<128xi32, #tpu.memory_space<vmem>>) semaphore(%arg12 : memref<!tpu.dma_semaphore, #tpu.memory_space<semaphore_mem>>) {add = true}
      %dma_wait3A_483 = arith.constant 1 : i32
      %dma_wait3A_484 = arith.constant 0 : i32
      %dma_wait3A_485 = arith.constant 0 : i32
      %dma_wait3A_486 = arith.constant 0 : i32
      %dma_wait3A_487 = tpu.memref_slice %arg8[%dma_wait3A_483, %dma_wait3A_485, %dma_wait3A_486] : memref<2x128x128xf32, #tpu.memory_space<vmem>> -> memref<1x128x128xf32, #tpu.memory_space<vmem>>
      %dma_wait3A_488 = tpu.memref_squeeze %dma_wait3A_487 : memref<1x128x128xf32, #tpu.memory_space<vmem>> -> memref<128x128xf32, #tpu.memory_space<vmem>>
      %dma_wait3A_489 = arith.constant 0 : i32
      %dma_wait3A_490 = tpu.memref_slice %arg7[%dma_wait3A_484, %dma_wait3A_489] : memref<16x128xi32, #tpu.memory_space<vmem>> -> memref<1x128xi32, #tpu.memory_space<vmem>>
      %dma_wait3A_491 = tpu.memref_squeeze %dma_wait3A_490 : memref<1x128xi32, #tpu.memory_space<vmem>> -> memref<128xi32, #tpu.memory_space<vmem>>
      %dma_wait3A_492 = arith.constant 0 : i32
      %dma_wait3A_493 = arith.constant 0 : i32
      %dma_wait3A_494 = tpu.memref_slice %arg9[%dma_wait3A_492, %dma_wait3A_493] : memref<10112x128xf32, #tpu.memory_space<vmem_shared>> -> memref<10112x128xf32, #tpu.memory_space<vmem_shared>>
      tpu.wait_indirect_dma semaphore(%arg13 : memref<!tpu.dma_semaphore, #tpu.memory_space<semaphore_mem>>) src(%dma_wait3A_488 : memref<128x128xf32, #tpu.memory_space<vmem>>) dst(%dma_wait3A_494 : memref<10112x128xf32, #tpu.memory_space<vmem_shared>>)
      %dma_start3A_495 = arith.constant 9 : i32
      %dma_start3A_496 = arith.constant 1 : i32
      %dma_start3A_497 = arith.constant 0 : i32
      %dma_start3A_498 = arith.constant 0 : i32
      %dma_start3A_499 = tpu.memref_slice %arg8[%dma_start3A_496, %dma_start3A_497, %dma_start3A_498] : memref<2x128x128xf32, #tpu.memory_space<vmem>> -> memref<1x128x128xf32, #tpu.memory_space<vmem>>
      %dma_start3A_500 = tpu.memref_squeeze %dma_start3A_499 : memref<1x128x128xf32, #tpu.memory_space<vmem>> -> memref<128x128xf32, #tpu.memory_space<vmem>>
      %dma_start3A_501 = arith.constant 0 : i32
      %dma_start3A_502 = tpu.memref_slice %arg6[%dma_start3A_495, %dma_start3A_501] : memref<16x128xi32, #tpu.memory_space<vmem>> -> memref<1x128xi32, #tpu.memory_space<vmem>>
      %dma_start3A_503 = tpu.memref_squeeze %dma_start3A_502 : memref<1x128xi32, #tpu.memory_space<vmem>> -> memref<128xi32, #tpu.memory_space<vmem>>
      %dma_start3A_504 = arith.constant 0 : i32
      %dma_start3A_505 = arith.constant 0 : i32
      %dma_start3A_506 = tpu.memref_slice %arg2[%dma_start3A_504, %dma_start3A_505] : memref<20000x128xf32, #tpu.memory_space<hbm>> -> memref<20000x128xf32, #tpu.memory_space<hbm>>
      tpu.enqueue_indirect_dma source(%dma_start3A_506 : memref<20000x128xf32, #tpu.memory_space<hbm>>) target(%dma_start3A_500 : memref<128x128xf32, #tpu.memory_space<vmem>>) offsets(%dma_start3A_503 : memref<128xi32, #tpu.memory_space<vmem>>) semaphore(%arg11 : memref<!tpu.dma_semaphore, #tpu.memory_space<semaphore_mem>>)
      %dma_wait3A_507 = arith.constant 0 : i32
      %dma_wait3A_508 = arith.constant 1 : i32
      %dma_wait3A_509 = arith.constant 0 : i32
      %dma_wait3A_510 = arith.constant 0 : i32
      %dma_wait3A_511 = tpu.memref_slice %arg8[%dma_wait3A_508, %dma_wait3A_509, %dma_wait3A_510] : memref<2x128x128xf32, #tpu.memory_space<vmem>> -> memref<1x128x128xf32, #tpu.memory_space<vmem>>
      %dma_wait3A_512 = tpu.memref_squeeze %dma_wait3A_511 : memref<1x128x128xf32, #tpu.memory_space<vmem>> -> memref<128x128xf32, #tpu.memory_space<vmem>>
      %dma_wait3A_513 = arith.constant 0 : i32
      %dma_wait3A_514 = tpu.memref_slice %arg6[%dma_wait3A_507, %dma_wait3A_513] : memref<16x128xi32, #tpu.memory_space<vmem>> -> memref<1x128xi32, #tpu.memory_space<vmem>>
      %dma_wait3A_515 = tpu.memref_squeeze %dma_wait3A_514 : memref<1x128xi32, #tpu.memory_space<vmem>> -> memref<128xi32, #tpu.memory_space<vmem>>
      %dma_wait3A_516 = arith.constant 0 : i32
      %dma_wait3A_517 = arith.constant 0 : i32
      %dma_wait3A_518 = tpu.memref_slice %arg2[%dma_wait3A_516, %dma_wait3A_517] : memref<20000x128xf32, #tpu.memory_space<hbm>> -> memref<20000x128xf32, #tpu.memory_space<hbm>>
      tpu.wait_indirect_dma semaphore(%arg11 : memref<!tpu.dma_semaphore, #tpu.memory_space<semaphore_mem>>) src(%dma_wait3A_518 : memref<20000x128xf32, #tpu.memory_space<hbm>>) dst(%dma_wait3A_512 : memref<128x128xf32, #tpu.memory_space<vmem>>)
      %dma_start3A_519 = arith.constant 1 : i32
      %dma_start3A_520 = arith.constant 9 : i32
      %dma_start3A_521 = arith.constant 0 : i32
      %dma_start3A_522 = arith.constant 0 : i32
      %dma_start3A_523 = tpu.memref_slice %arg8[%dma_start3A_519, %dma_start3A_521, %dma_start3A_522] : memref<2x128x128xf32, #tpu.memory_space<vmem>> -> memref<1x128x128xf32, #tpu.memory_space<vmem>>
      %dma_start3A_524 = tpu.memref_squeeze %dma_start3A_523 : memref<1x128x128xf32, #tpu.memory_space<vmem>> -> memref<128x128xf32, #tpu.memory_space<vmem>>
      %dma_start3A_525 = arith.constant 0 : i32
      %dma_start3A_526 = tpu.memref_slice %arg7[%dma_start3A_520, %dma_start3A_525] : memref<16x128xi32, #tpu.memory_space<vmem>> -> memref<1x128xi32, #tpu.memory_space<vmem>>
      %dma_start3A_527 = tpu.memref_squeeze %dma_start3A_526 : memref<1x128xi32, #tpu.memory_space<vmem>> -> memref<128xi32, #tpu.memory_space<vmem>>
      %dma_start3A_528 = arith.constant 0 : i32
      %dma_start3A_529 = arith.constant 0 : i32
      %dma_start3A_530 = tpu.memref_slice %arg9[%dma_start3A_528, %dma_start3A_529] : memref<10112x128xf32, #tpu.memory_space<vmem_shared>> -> memref<10112x128xf32, #tpu.memory_space<vmem_shared>>
      tpu.enqueue_indirect_dma source(%dma_start3A_524 : memref<128x128xf32, #tpu.memory_space<vmem>>) target(%dma_start3A_530 : memref<10112x128xf32, #tpu.memory_space<vmem_shared>>) offsets(%dma_start3A_527 : memref<128xi32, #tpu.memory_space<vmem>>) semaphore(%arg13 : memref<!tpu.dma_semaphore, #tpu.memory_space<semaphore_mem>>) {add = true}
      %dma_wait3A_531 = arith.constant 0 : i32
      %dma_wait3A_532 = arith.constant 0 : i32
      %dma_wait3A_533 = arith.constant 0 : i32
      %dma_wait3A_534 = arith.constant 0 : i32
      %dma_wait3A_535 = tpu.memref_slice %arg8[%dma_wait3A_531, %dma_wait3A_533, %dma_wait3A_534] : memref<2x128x128xf32, #tpu.memory_space<vmem>> -> memref<1x128x128xf32, #tpu.memory_space<vmem>>
      %dma_wait3A_536 = tpu.memref_squeeze %dma_wait3A_535 : memref<1x128x128xf32, #tpu.memory_space<vmem>> -> memref<128x128xf32, #tpu.memory_space<vmem>>
      %dma_wait3A_537 = arith.constant 0 : i32
      %dma_wait3A_538 = tpu.memref_slice %arg7[%dma_wait3A_532, %dma_wait3A_537] : memref<16x128xi32, #tpu.memory_space<vmem>> -> memref<1x128xi32, #tpu.memory_space<vmem>>
      %dma_wait3A_539 = tpu.memref_squeeze %dma_wait3A_538 : memref<1x128xi32, #tpu.memory_space<vmem>> -> memref<128xi32, #tpu.memory_space<vmem>>
      %dma_wait3A_540 = arith.constant 0 : i32
      %dma_wait3A_541 = arith.constant 0 : i32
      %dma_wait3A_542 = tpu.memref_slice %arg9[%dma_wait3A_540, %dma_wait3A_541] : memref<10112x128xf32, #tpu.memory_space<vmem_shared>> -> memref<10112x128xf32, #tpu.memory_space<vmem_shared>>
      tpu.wait_indirect_dma semaphore(%arg12 : memref<!tpu.dma_semaphore, #tpu.memory_space<semaphore_mem>>) src(%dma_wait3A_536 : memref<128x128xf32, #tpu.memory_space<vmem>>) dst(%dma_wait3A_542 : memref<10112x128xf32, #tpu.memory_space<vmem_shared>>)
      %dma_start3A_543 = arith.constant 10 : i32
      %dma_start3A_544 = arith.constant 0 : i32
      %dma_start3A_545 = arith.constant 0 : i32
      %dma_start3A_546 = arith.constant 0 : i32
      %dma_start3A_547 = tpu.memref_slice %arg8[%dma_start3A_544, %dma_start3A_545, %dma_start3A_546] : memref<2x128x128xf32, #tpu.memory_space<vmem>> -> memref<1x128x128xf32, #tpu.memory_space<vmem>>
      %dma_start3A_548 = tpu.memref_squeeze %dma_start3A_547 : memref<1x128x128xf32, #tpu.memory_space<vmem>> -> memref<128x128xf32, #tpu.memory_space<vmem>>
      %dma_start3A_549 = arith.constant 0 : i32
      %dma_start3A_550 = tpu.memref_slice %arg6[%dma_start3A_543, %dma_start3A_549] : memref<16x128xi32, #tpu.memory_space<vmem>> -> memref<1x128xi32, #tpu.memory_space<vmem>>
      %dma_start3A_551 = tpu.memref_squeeze %dma_start3A_550 : memref<1x128xi32, #tpu.memory_space<vmem>> -> memref<128xi32, #tpu.memory_space<vmem>>
      %dma_start3A_552 = arith.constant 0 : i32
      %dma_start3A_553 = arith.constant 0 : i32
      %dma_start3A_554 = tpu.memref_slice %arg2[%dma_start3A_552, %dma_start3A_553] : memref<20000x128xf32, #tpu.memory_space<hbm>> -> memref<20000x128xf32, #tpu.memory_space<hbm>>
      tpu.enqueue_indirect_dma source(%dma_start3A_554 : memref<20000x128xf32, #tpu.memory_space<hbm>>) target(%dma_start3A_548 : memref<128x128xf32, #tpu.memory_space<vmem>>) offsets(%dma_start3A_551 : memref<128xi32, #tpu.memory_space<vmem>>) semaphore(%arg10 : memref<!tpu.dma_semaphore, #tpu.memory_space<semaphore_mem>>)
      %dma_wait3A_555 = arith.constant 0 : i32
      %dma_wait3A_556 = arith.constant 0 : i32
      %dma_wait3A_557 = arith.constant 0 : i32
      %dma_wait3A_558 = arith.constant 0 : i32
      %dma_wait3A_559 = tpu.memref_slice %arg8[%dma_wait3A_556, %dma_wait3A_557, %dma_wait3A_558] : memref<2x128x128xf32, #tpu.memory_space<vmem>> -> memref<1x128x128xf32, #tpu.memory_space<vmem>>
      %dma_wait3A_560 = tpu.memref_squeeze %dma_wait3A_559 : memref<1x128x128xf32, #tpu.memory_space<vmem>> -> memref<128x128xf32, #tpu.memory_space<vmem>>
      %dma_wait3A_561 = arith.constant 0 : i32
      %dma_wait3A_562 = tpu.memref_slice %arg6[%dma_wait3A_555, %dma_wait3A_561] : memref<16x128xi32, #tpu.memory_space<vmem>> -> memref<1x128xi32, #tpu.memory_space<vmem>>
      %dma_wait3A_563 = tpu.memref_squeeze %dma_wait3A_562 : memref<1x128xi32, #tpu.memory_space<vmem>> -> memref<128xi32, #tpu.memory_space<vmem>>
      %dma_wait3A_564 = arith.constant 0 : i32
      %dma_wait3A_565 = arith.constant 0 : i32
      %dma_wait3A_566 = tpu.memref_slice %arg2[%dma_wait3A_564, %dma_wait3A_565] : memref<20000x128xf32, #tpu.memory_space<hbm>> -> memref<20000x128xf32, #tpu.memory_space<hbm>>
      tpu.wait_indirect_dma semaphore(%arg10 : memref<!tpu.dma_semaphore, #tpu.memory_space<semaphore_mem>>) src(%dma_wait3A_566 : memref<20000x128xf32, #tpu.memory_space<hbm>>) dst(%dma_wait3A_560 : memref<128x128xf32, #tpu.memory_space<vmem>>)
      %dma_start3A_567 = arith.constant 0 : i32
      %dma_start3A_568 = arith.constant 10 : i32
      %dma_start3A_569 = arith.constant 0 : i32
      %dma_start3A_570 = arith.constant 0 : i32
      %dma_start3A_571 = tpu.memref_slice %arg8[%dma_start3A_567, %dma_start3A_569, %dma_start3A_570] : memref<2x128x128xf32, #tpu.memory_space<vmem>> -> memref<1x128x128xf32, #tpu.memory_space<vmem>>
      %dma_start3A_572 = tpu.memref_squeeze %dma_start3A_571 : memref<1x128x128xf32, #tpu.memory_space<vmem>> -> memref<128x128xf32, #tpu.memory_space<vmem>>
      %dma_start3A_573 = arith.constant 0 : i32
      %dma_start3A_574 = tpu.memref_slice %arg7[%dma_start3A_568, %dma_start3A_573] : memref<16x128xi32, #tpu.memory_space<vmem>> -> memref<1x128xi32, #tpu.memory_space<vmem>>
      %dma_start3A_575 = tpu.memref_squeeze %dma_start3A_574 : memref<1x128xi32, #tpu.memory_space<vmem>> -> memref<128xi32, #tpu.memory_space<vmem>>
      %dma_start3A_576 = arith.constant 0 : i32
      %dma_start3A_577 = arith.constant 0 : i32
      %dma_start3A_578 = tpu.memref_slice %arg9[%dma_start3A_576, %dma_start3A_577] : memref<10112x128xf32, #tpu.memory_space<vmem_shared>> -> memref<10112x128xf32, #tpu.memory_space<vmem_shared>>
      tpu.enqueue_indirect_dma source(%dma_start3A_572 : memref<128x128xf32, #tpu.memory_space<vmem>>) target(%dma_start3A_578 : memref<10112x128xf32, #tpu.memory_space<vmem_shared>>) offsets(%dma_start3A_575 : memref<128xi32, #tpu.memory_space<vmem>>) semaphore(%arg12 : memref<!tpu.dma_semaphore, #tpu.memory_space<semaphore_mem>>) {add = true}
      %dma_wait3A_579 = arith.constant 1 : i32
      %dma_wait3A_580 = arith.constant 0 : i32
      %dma_wait3A_581 = arith.constant 0 : i32
      %dma_wait3A_582 = arith.constant 0 : i32
      %dma_wait3A_583 = tpu.memref_slice %arg8[%dma_wait3A_579, %dma_wait3A_581, %dma_wait3A_582] : memref<2x128x128xf32, #tpu.memory_space<vmem>> -> memref<1x128x128xf32, #tpu.memory_space<vmem>>
      %dma_wait3A_584 = tpu.memref_squeeze %dma_wait3A_583 : memref<1x128x128xf32, #tpu.memory_space<vmem>> -> memref<128x128xf32, #tpu.memory_space<vmem>>
      %dma_wait3A_585 = arith.constant 0 : i32
      %dma_wait3A_586 = tpu.memref_slice %arg7[%dma_wait3A_580, %dma_wait3A_585] : memref<16x128xi32, #tpu.memory_space<vmem>> -> memref<1x128xi32, #tpu.memory_space<vmem>>
      %dma_wait3A_587 = tpu.memref_squeeze %dma_wait3A_586 : memref<1x128xi32, #tpu.memory_space<vmem>> -> memref<128xi32, #tpu.memory_space<vmem>>
      %dma_wait3A_588 = arith.constant 0 : i32
      %dma_wait3A_589 = arith.constant 0 : i32
      %dma_wait3A_590 = tpu.memref_slice %arg9[%dma_wait3A_588, %dma_wait3A_589] : memref<10112x128xf32, #tpu.memory_space<vmem_shared>> -> memref<10112x128xf32, #tpu.memory_space<vmem_shared>>
      tpu.wait_indirect_dma semaphore(%arg13 : memref<!tpu.dma_semaphore, #tpu.memory_space<semaphore_mem>>) src(%dma_wait3A_584 : memref<128x128xf32, #tpu.memory_space<vmem>>) dst(%dma_wait3A_590 : memref<10112x128xf32, #tpu.memory_space<vmem_shared>>)
      %dma_start3A_591 = arith.constant 11 : i32
      %dma_start3A_592 = arith.constant 1 : i32
      %dma_start3A_593 = arith.constant 0 : i32
      %dma_start3A_594 = arith.constant 0 : i32
      %dma_start3A_595 = tpu.memref_slice %arg8[%dma_start3A_592, %dma_start3A_593, %dma_start3A_594] : memref<2x128x128xf32, #tpu.memory_space<vmem>> -> memref<1x128x128xf32, #tpu.memory_space<vmem>>
      %dma_start3A_596 = tpu.memref_squeeze %dma_start3A_595 : memref<1x128x128xf32, #tpu.memory_space<vmem>> -> memref<128x128xf32, #tpu.memory_space<vmem>>
      %dma_start3A_597 = arith.constant 0 : i32
      %dma_start3A_598 = tpu.memref_slice %arg6[%dma_start3A_591, %dma_start3A_597] : memref<16x128xi32, #tpu.memory_space<vmem>> -> memref<1x128xi32, #tpu.memory_space<vmem>>
      %dma_start3A_599 = tpu.memref_squeeze %dma_start3A_598 : memref<1x128xi32, #tpu.memory_space<vmem>> -> memref<128xi32, #tpu.memory_space<vmem>>
      %dma_start3A_600 = arith.constant 0 : i32
      %dma_start3A_601 = arith.constant 0 : i32
      %dma_start3A_602 = tpu.memref_slice %arg2[%dma_start3A_600, %dma_start3A_601] : memref<20000x128xf32, #tpu.memory_space<hbm>> -> memref<20000x128xf32, #tpu.memory_space<hbm>>
      tpu.enqueue_indirect_dma source(%dma_start3A_602 : memref<20000x128xf32, #tpu.memory_space<hbm>>) target(%dma_start3A_596 : memref<128x128xf32, #tpu.memory_space<vmem>>) offsets(%dma_start3A_599 : memref<128xi32, #tpu.memory_space<vmem>>) semaphore(%arg11 : memref<!tpu.dma_semaphore, #tpu.memory_space<semaphore_mem>>)
      %dma_wait3A_603 = arith.constant 0 : i32
      %dma_wait3A_604 = arith.constant 1 : i32
      %dma_wait3A_605 = arith.constant 0 : i32
      %dma_wait3A_606 = arith.constant 0 : i32
      %dma_wait3A_607 = tpu.memref_slice %arg8[%dma_wait3A_604, %dma_wait3A_605, %dma_wait3A_606] : memref<2x128x128xf32, #tpu.memory_space<vmem>> -> memref<1x128x128xf32, #tpu.memory_space<vmem>>
      %dma_wait3A_608 = tpu.memref_squeeze %dma_wait3A_607 : memref<1x128x128xf32, #tpu.memory_space<vmem>> -> memref<128x128xf32, #tpu.memory_space<vmem>>
      %dma_wait3A_609 = arith.constant 0 : i32
      %dma_wait3A_610 = tpu.memref_slice %arg6[%dma_wait3A_603, %dma_wait3A_609] : memref<16x128xi32, #tpu.memory_space<vmem>> -> memref<1x128xi32, #tpu.memory_space<vmem>>
      %dma_wait3A_611 = tpu.memref_squeeze %dma_wait3A_610 : memref<1x128xi32, #tpu.memory_space<vmem>> -> memref<128xi32, #tpu.memory_space<vmem>>
      %dma_wait3A_612 = arith.constant 0 : i32
      %dma_wait3A_613 = arith.constant 0 : i32
      %dma_wait3A_614 = tpu.memref_slice %arg2[%dma_wait3A_612, %dma_wait3A_613] : memref<20000x128xf32, #tpu.memory_space<hbm>> -> memref<20000x128xf32, #tpu.memory_space<hbm>>
      tpu.wait_indirect_dma semaphore(%arg11 : memref<!tpu.dma_semaphore, #tpu.memory_space<semaphore_mem>>) src(%dma_wait3A_614 : memref<20000x128xf32, #tpu.memory_space<hbm>>) dst(%dma_wait3A_608 : memref<128x128xf32, #tpu.memory_space<vmem>>)
      %dma_start3A_615 = arith.constant 1 : i32
      %dma_start3A_616 = arith.constant 11 : i32
      %dma_start3A_617 = arith.constant 0 : i32
      %dma_start3A_618 = arith.constant 0 : i32
      %dma_start3A_619 = tpu.memref_slice %arg8[%dma_start3A_615, %dma_start3A_617, %dma_start3A_618] : memref<2x128x128xf32, #tpu.memory_space<vmem>> -> memref<1x128x128xf32, #tpu.memory_space<vmem>>
      %dma_start3A_620 = tpu.memref_squeeze %dma_start3A_619 : memref<1x128x128xf32, #tpu.memory_space<vmem>> -> memref<128x128xf32, #tpu.memory_space<vmem>>
      %dma_start3A_621 = arith.constant 0 : i32
      %dma_start3A_622 = tpu.memref_slice %arg7[%dma_start3A_616, %dma_start3A_621] : memref<16x128xi32, #tpu.memory_space<vmem>> -> memref<1x128xi32, #tpu.memory_space<vmem>>
      %dma_start3A_623 = tpu.memref_squeeze %dma_start3A_622 : memref<1x128xi32, #tpu.memory_space<vmem>> -> memref<128xi32, #tpu.memory_space<vmem>>
      %dma_start3A_624 = arith.constant 0 : i32
      %dma_start3A_625 = arith.constant 0 : i32
      %dma_start3A_626 = tpu.memref_slice %arg9[%dma_start3A_624, %dma_start3A_625] : memref<10112x128xf32, #tpu.memory_space<vmem_shared>> -> memref<10112x128xf32, #tpu.memory_space<vmem_shared>>
      tpu.enqueue_indirect_dma source(%dma_start3A_620 : memref<128x128xf32, #tpu.memory_space<vmem>>) target(%dma_start3A_626 : memref<10112x128xf32, #tpu.memory_space<vmem_shared>>) offsets(%dma_start3A_623 : memref<128xi32, #tpu.memory_space<vmem>>) semaphore(%arg13 : memref<!tpu.dma_semaphore, #tpu.memory_space<semaphore_mem>>) {add = true}
      %dma_wait3A_627 = arith.constant 0 : i32
      %dma_wait3A_628 = arith.constant 0 : i32
      %dma_wait3A_629 = arith.constant 0 : i32
      %dma_wait3A_630 = arith.constant 0 : i32
      %dma_wait3A_631 = tpu.memref_slice %arg8[%dma_wait3A_627, %dma_wait3A_629, %dma_wait3A_630] : memref<2x128x128xf32, #tpu.memory_space<vmem>> -> memref<1x128x128xf32, #tpu.memory_space<vmem>>
      %dma_wait3A_632 = tpu.memref_squeeze %dma_wait3A_631 : memref<1x128x128xf32, #tpu.memory_space<vmem>> -> memref<128x128xf32, #tpu.memory_space<vmem>>
      %dma_wait3A_633 = arith.constant 0 : i32
      %dma_wait3A_634 = tpu.memref_slice %arg7[%dma_wait3A_628, %dma_wait3A_633] : memref<16x128xi32, #tpu.memory_space<vmem>> -> memref<1x128xi32, #tpu.memory_space<vmem>>
      %dma_wait3A_635 = tpu.memref_squeeze %dma_wait3A_634 : memref<1x128xi32, #tpu.memory_space<vmem>> -> memref<128xi32, #tpu.memory_space<vmem>>
      %dma_wait3A_636 = arith.constant 0 : i32
      %dma_wait3A_637 = arith.constant 0 : i32
      %dma_wait3A_638 = tpu.memref_slice %arg9[%dma_wait3A_636, %dma_wait3A_637] : memref<10112x128xf32, #tpu.memory_space<vmem_shared>> -> memref<10112x128xf32, #tpu.memory_space<vmem_shared>>
      tpu.wait_indirect_dma semaphore(%arg12 : memref<!tpu.dma_semaphore, #tpu.memory_space<semaphore_mem>>) src(%dma_wait3A_632 : memref<128x128xf32, #tpu.memory_space<vmem>>) dst(%dma_wait3A_638 : memref<10112x128xf32, #tpu.memory_space<vmem_shared>>)
      %dma_start3A_639 = arith.constant 12 : i32
      %dma_start3A_640 = arith.constant 0 : i32
      %dma_start3A_641 = arith.constant 0 : i32
      %dma_start3A_642 = arith.constant 0 : i32
      %dma_start3A_643 = tpu.memref_slice %arg8[%dma_start3A_640, %dma_start3A_641, %dma_start3A_642] : memref<2x128x128xf32, #tpu.memory_space<vmem>> -> memref<1x128x128xf32, #tpu.memory_space<vmem>>
      %dma_start3A_644 = tpu.memref_squeeze %dma_start3A_643 : memref<1x128x128xf32, #tpu.memory_space<vmem>> -> memref<128x128xf32, #tpu.memory_space<vmem>>
      %dma_start3A_645 = arith.constant 0 : i32
      %dma_start3A_646 = tpu.memref_slice %arg6[%dma_start3A_639, %dma_start3A_645] : memref<16x128xi32, #tpu.memory_space<vmem>> -> memref<1x128xi32, #tpu.memory_space<vmem>>
      %dma_start3A_647 = tpu.memref_squeeze %dma_start3A_646 : memref<1x128xi32, #tpu.memory_space<vmem>> -> memref<128xi32, #tpu.memory_space<vmem>>
      %dma_start3A_648 = arith.constant 0 : i32
      %dma_start3A_649 = arith.constant 0 : i32
      %dma_start3A_650 = tpu.memref_slice %arg2[%dma_start3A_648, %dma_start3A_649] : memref<20000x128xf32, #tpu.memory_space<hbm>> -> memref<20000x128xf32, #tpu.memory_space<hbm>>
      tpu.enqueue_indirect_dma source(%dma_start3A_650 : memref<20000x128xf32, #tpu.memory_space<hbm>>) target(%dma_start3A_644 : memref<128x128xf32, #tpu.memory_space<vmem>>) offsets(%dma_start3A_647 : memref<128xi32, #tpu.memory_space<vmem>>) semaphore(%arg10 : memref<!tpu.dma_semaphore, #tpu.memory_space<semaphore_mem>>)
      %dma_wait3A_651 = arith.constant 0 : i32
      %dma_wait3A_652 = arith.constant 0 : i32
      %dma_wait3A_653 = arith.constant 0 : i32
      %dma_wait3A_654 = arith.constant 0 : i32
      %dma_wait3A_655 = tpu.memref_slice %arg8[%dma_wait3A_652, %dma_wait3A_653, %dma_wait3A_654] : memref<2x128x128xf32, #tpu.memory_space<vmem>> -> memref<1x128x128xf32, #tpu.memory_space<vmem>>
      %dma_wait3A_656 = tpu.memref_squeeze %dma_wait3A_655 : memref<1x128x128xf32, #tpu.memory_space<vmem>> -> memref<128x128xf32, #tpu.memory_space<vmem>>
      %dma_wait3A_657 = arith.constant 0 : i32
      %dma_wait3A_658 = tpu.memref_slice %arg6[%dma_wait3A_651, %dma_wait3A_657] : memref<16x128xi32, #tpu.memory_space<vmem>> -> memref<1x128xi32, #tpu.memory_space<vmem>>
      %dma_wait3A_659 = tpu.memref_squeeze %dma_wait3A_658 : memref<1x128xi32, #tpu.memory_space<vmem>> -> memref<128xi32, #tpu.memory_space<vmem>>
      %dma_wait3A_660 = arith.constant 0 : i32
      %dma_wait3A_661 = arith.constant 0 : i32
      %dma_wait3A_662 = tpu.memref_slice %arg2[%dma_wait3A_660, %dma_wait3A_661] : memref<20000x128xf32, #tpu.memory_space<hbm>> -> memref<20000x128xf32, #tpu.memory_space<hbm>>
      tpu.wait_indirect_dma semaphore(%arg10 : memref<!tpu.dma_semaphore, #tpu.memory_space<semaphore_mem>>) src(%dma_wait3A_662 : memref<20000x128xf32, #tpu.memory_space<hbm>>) dst(%dma_wait3A_656 : memref<128x128xf32, #tpu.memory_space<vmem>>)
      %dma_start3A_663 = arith.constant 0 : i32
      %dma_start3A_664 = arith.constant 12 : i32
      %dma_start3A_665 = arith.constant 0 : i32
      %dma_start3A_666 = arith.constant 0 : i32
      %dma_start3A_667 = tpu.memref_slice %arg8[%dma_start3A_663, %dma_start3A_665, %dma_start3A_666] : memref<2x128x128xf32, #tpu.memory_space<vmem>> -> memref<1x128x128xf32, #tpu.memory_space<vmem>>
      %dma_start3A_668 = tpu.memref_squeeze %dma_start3A_667 : memref<1x128x128xf32, #tpu.memory_space<vmem>> -> memref<128x128xf32, #tpu.memory_space<vmem>>
      %dma_start3A_669 = arith.constant 0 : i32
      %dma_start3A_670 = tpu.memref_slice %arg7[%dma_start3A_664, %dma_start3A_669] : memref<16x128xi32, #tpu.memory_space<vmem>> -> memref<1x128xi32, #tpu.memory_space<vmem>>
      %dma_start3A_671 = tpu.memref_squeeze %dma_start3A_670 : memref<1x128xi32, #tpu.memory_space<vmem>> -> memref<128xi32, #tpu.memory_space<vmem>>
      %dma_start3A_672 = arith.constant 0 : i32
      %dma_start3A_673 = arith.constant 0 : i32
      %dma_start3A_674 = tpu.memref_slice %arg9[%dma_start3A_672, %dma_start3A_673] : memref<10112x128xf32, #tpu.memory_space<vmem_shared>> -> memref<10112x128xf32, #tpu.memory_space<vmem_shared>>
      tpu.enqueue_indirect_dma source(%dma_start3A_668 : memref<128x128xf32, #tpu.memory_space<vmem>>) target(%dma_start3A_674 : memref<10112x128xf32, #tpu.memory_space<vmem_shared>>) offsets(%dma_start3A_671 : memref<128xi32, #tpu.memory_space<vmem>>) semaphore(%arg12 : memref<!tpu.dma_semaphore, #tpu.memory_space<semaphore_mem>>) {add = true}
      %dma_wait3A_675 = arith.constant 1 : i32
      %dma_wait3A_676 = arith.constant 0 : i32
      %dma_wait3A_677 = arith.constant 0 : i32
      %dma_wait3A_678 = arith.constant 0 : i32
      %dma_wait3A_679 = tpu.memref_slice %arg8[%dma_wait3A_675, %dma_wait3A_677, %dma_wait3A_678] : memref<2x128x128xf32, #tpu.memory_space<vmem>> -> memref<1x128x128xf32, #tpu.memory_space<vmem>>
      %dma_wait3A_680 = tpu.memref_squeeze %dma_wait3A_679 : memref<1x128x128xf32, #tpu.memory_space<vmem>> -> memref<128x128xf32, #tpu.memory_space<vmem>>
      %dma_wait3A_681 = arith.constant 0 : i32
      %dma_wait3A_682 = tpu.memref_slice %arg7[%dma_wait3A_676, %dma_wait3A_681] : memref<16x128xi32, #tpu.memory_space<vmem>> -> memref<1x128xi32, #tpu.memory_space<vmem>>
      %dma_wait3A_683 = tpu.memref_squeeze %dma_wait3A_682 : memref<1x128xi32, #tpu.memory_space<vmem>> -> memref<128xi32, #tpu.memory_space<vmem>>
      %dma_wait3A_684 = arith.constant 0 : i32
      %dma_wait3A_685 = arith.constant 0 : i32
      %dma_wait3A_686 = tpu.memref_slice %arg9[%dma_wait3A_684, %dma_wait3A_685] : memref<10112x128xf32, #tpu.memory_space<vmem_shared>> -> memref<10112x128xf32, #tpu.memory_space<vmem_shared>>
      tpu.wait_indirect_dma semaphore(%arg13 : memref<!tpu.dma_semaphore, #tpu.memory_space<semaphore_mem>>) src(%dma_wait3A_680 : memref<128x128xf32, #tpu.memory_space<vmem>>) dst(%dma_wait3A_686 : memref<10112x128xf32, #tpu.memory_space<vmem_shared>>)
      %dma_start3A_687 = arith.constant 13 : i32
      %dma_start3A_688 = arith.constant 1 : i32
      %dma_start3A_689 = arith.constant 0 : i32
      %dma_start3A_690 = arith.constant 0 : i32
      %dma_start3A_691 = tpu.memref_slice %arg8[%dma_start3A_688, %dma_start3A_689, %dma_start3A_690] : memref<2x128x128xf32, #tpu.memory_space<vmem>> -> memref<1x128x128xf32, #tpu.memory_space<vmem>>
      %dma_start3A_692 = tpu.memref_squeeze %dma_start3A_691 : memref<1x128x128xf32, #tpu.memory_space<vmem>> -> memref<128x128xf32, #tpu.memory_space<vmem>>
      %dma_start3A_693 = arith.constant 0 : i32
      %dma_start3A_694 = tpu.memref_slice %arg6[%dma_start3A_687, %dma_start3A_693] : memref<16x128xi32, #tpu.memory_space<vmem>> -> memref<1x128xi32, #tpu.memory_space<vmem>>
      %dma_start3A_695 = tpu.memref_squeeze %dma_start3A_694 : memref<1x128xi32, #tpu.memory_space<vmem>> -> memref<128xi32, #tpu.memory_space<vmem>>
      %dma_start3A_696 = arith.constant 0 : i32
      %dma_start3A_697 = arith.constant 0 : i32
      %dma_start3A_698 = tpu.memref_slice %arg2[%dma_start3A_696, %dma_start3A_697] : memref<20000x128xf32, #tpu.memory_space<hbm>> -> memref<20000x128xf32, #tpu.memory_space<hbm>>
      tpu.enqueue_indirect_dma source(%dma_start3A_698 : memref<20000x128xf32, #tpu.memory_space<hbm>>) target(%dma_start3A_692 : memref<128x128xf32, #tpu.memory_space<vmem>>) offsets(%dma_start3A_695 : memref<128xi32, #tpu.memory_space<vmem>>) semaphore(%arg11 : memref<!tpu.dma_semaphore, #tpu.memory_space<semaphore_mem>>)
      %dma_wait3A_699 = arith.constant 0 : i32
      %dma_wait3A_700 = arith.constant 1 : i32
      %dma_wait3A_701 = arith.constant 0 : i32
      %dma_wait3A_702 = arith.constant 0 : i32
      %dma_wait3A_703 = tpu.memref_slice %arg8[%dma_wait3A_700, %dma_wait3A_701, %dma_wait3A_702] : memref<2x128x128xf32, #tpu.memory_space<vmem>> -> memref<1x128x128xf32, #tpu.memory_space<vmem>>
      %dma_wait3A_704 = tpu.memref_squeeze %dma_wait3A_703 : memref<1x128x128xf32, #tpu.memory_space<vmem>> -> memref<128x128xf32, #tpu.memory_space<vmem>>
      %dma_wait3A_705 = arith.constant 0 : i32
      %dma_wait3A_706 = tpu.memref_slice %arg6[%dma_wait3A_699, %dma_wait3A_705] : memref<16x128xi32, #tpu.memory_space<vmem>> -> memref<1x128xi32, #tpu.memory_space<vmem>>
      %dma_wait3A_707 = tpu.memref_squeeze %dma_wait3A_706 : memref<1x128xi32, #tpu.memory_space<vmem>> -> memref<128xi32, #tpu.memory_space<vmem>>
      %dma_wait3A_708 = arith.constant 0 : i32
      %dma_wait3A_709 = arith.constant 0 : i32
      %dma_wait3A_710 = tpu.memref_slice %arg2[%dma_wait3A_708, %dma_wait3A_709] : memref<20000x128xf32, #tpu.memory_space<hbm>> -> memref<20000x128xf32, #tpu.memory_space<hbm>>
      tpu.wait_indirect_dma semaphore(%arg11 : memref<!tpu.dma_semaphore, #tpu.memory_space<semaphore_mem>>) src(%dma_wait3A_710 : memref<20000x128xf32, #tpu.memory_space<hbm>>) dst(%dma_wait3A_704 : memref<128x128xf32, #tpu.memory_space<vmem>>)
      %dma_start3A_711 = arith.constant 1 : i32
      %dma_start3A_712 = arith.constant 13 : i32
      %dma_start3A_713 = arith.constant 0 : i32
      %dma_start3A_714 = arith.constant 0 : i32
      %dma_start3A_715 = tpu.memref_slice %arg8[%dma_start3A_711, %dma_start3A_713, %dma_start3A_714] : memref<2x128x128xf32, #tpu.memory_space<vmem>> -> memref<1x128x128xf32, #tpu.memory_space<vmem>>
      %dma_start3A_716 = tpu.memref_squeeze %dma_start3A_715 : memref<1x128x128xf32, #tpu.memory_space<vmem>> -> memref<128x128xf32, #tpu.memory_space<vmem>>
      %dma_start3A_717 = arith.constant 0 : i32
      %dma_start3A_718 = tpu.memref_slice %arg7[%dma_start3A_712, %dma_start3A_717] : memref<16x128xi32, #tpu.memory_space<vmem>> -> memref<1x128xi32, #tpu.memory_space<vmem>>
      %dma_start3A_719 = tpu.memref_squeeze %dma_start3A_718 : memref<1x128xi32, #tpu.memory_space<vmem>> -> memref<128xi32, #tpu.memory_space<vmem>>
      %dma_start3A_720 = arith.constant 0 : i32
      %dma_start3A_721 = arith.constant 0 : i32
      %dma_start3A_722 = tpu.memref_slice %arg9[%dma_start3A_720, %dma_start3A_721] : memref<10112x128xf32, #tpu.memory_space<vmem_shared>> -> memref<10112x128xf32, #tpu.memory_space<vmem_shared>>
      tpu.enqueue_indirect_dma source(%dma_start3A_716 : memref<128x128xf32, #tpu.memory_space<vmem>>) target(%dma_start3A_722 : memref<10112x128xf32, #tpu.memory_space<vmem_shared>>) offsets(%dma_start3A_719 : memref<128xi32, #tpu.memory_space<vmem>>) semaphore(%arg13 : memref<!tpu.dma_semaphore, #tpu.memory_space<semaphore_mem>>) {add = true}
      %dma_wait3A_723 = arith.constant 0 : i32
      %dma_wait3A_724 = arith.constant 0 : i32
      %dma_wait3A_725 = arith.constant 0 : i32
      %dma_wait3A_726 = arith.constant 0 : i32
      %dma_wait3A_727 = tpu.memref_slice %arg8[%dma_wait3A_723, %dma_wait3A_725, %dma_wait3A_726] : memref<2x128x128xf32, #tpu.memory_space<vmem>> -> memref<1x128x128xf32, #tpu.memory_space<vmem>>
      %dma_wait3A_728 = tpu.memref_squeeze %dma_wait3A_727 : memref<1x128x128xf32, #tpu.memory_space<vmem>> -> memref<128x128xf32, #tpu.memory_space<vmem>>
      %dma_wait3A_729 = arith.constant 0 : i32
      %dma_wait3A_730 = tpu.memref_slice %arg7[%dma_wait3A_724, %dma_wait3A_729] : memref<16x128xi32, #tpu.memory_space<vmem>> -> memref<1x128xi32, #tpu.memory_space<vmem>>
      %dma_wait3A_731 = tpu.memref_squeeze %dma_wait3A_730 : memref<1x128xi32, #tpu.memory_space<vmem>> -> memref<128xi32, #tpu.memory_space<vmem>>
      %dma_wait3A_732 = arith.constant 0 : i32
      %dma_wait3A_733 = arith.constant 0 : i32
      %dma_wait3A_734 = tpu.memref_slice %arg9[%dma_wait3A_732, %dma_wait3A_733] : memref<10112x128xf32, #tpu.memory_space<vmem_shared>> -> memref<10112x128xf32, #tpu.memory_space<vmem_shared>>
      tpu.wait_indirect_dma semaphore(%arg12 : memref<!tpu.dma_semaphore, #tpu.memory_space<semaphore_mem>>) src(%dma_wait3A_728 : memref<128x128xf32, #tpu.memory_space<vmem>>) dst(%dma_wait3A_734 : memref<10112x128xf32, #tpu.memory_space<vmem_shared>>)
      %dma_start3A_735 = arith.constant 14 : i32
      %dma_start3A_736 = arith.constant 0 : i32
      %dma_start3A_737 = arith.constant 0 : i32
      %dma_start3A_738 = arith.constant 0 : i32
      %dma_start3A_739 = tpu.memref_slice %arg8[%dma_start3A_736, %dma_start3A_737, %dma_start3A_738] : memref<2x128x128xf32, #tpu.memory_space<vmem>> -> memref<1x128x128xf32, #tpu.memory_space<vmem>>
      %dma_start3A_740 = tpu.memref_squeeze %dma_start3A_739 : memref<1x128x128xf32, #tpu.memory_space<vmem>> -> memref<128x128xf32, #tpu.memory_space<vmem>>
      %dma_start3A_741 = arith.constant 0 : i32
      %dma_start3A_742 = tpu.memref_slice %arg6[%dma_start3A_735, %dma_start3A_741] : memref<16x128xi32, #tpu.memory_space<vmem>> -> memref<1x128xi32, #tpu.memory_space<vmem>>
      %dma_start3A_743 = tpu.memref_squeeze %dma_start3A_742 : memref<1x128xi32, #tpu.memory_space<vmem>> -> memref<128xi32, #tpu.memory_space<vmem>>
      %dma_start3A_744 = arith.constant 0 : i32
      %dma_start3A_745 = arith.constant 0 : i32
      %dma_start3A_746 = tpu.memref_slice %arg2[%dma_start3A_744, %dma_start3A_745] : memref<20000x128xf32, #tpu.memory_space<hbm>> -> memref<20000x128xf32, #tpu.memory_space<hbm>>
      tpu.enqueue_indirect_dma source(%dma_start3A_746 : memref<20000x128xf32, #tpu.memory_space<hbm>>) target(%dma_start3A_740 : memref<128x128xf32, #tpu.memory_space<vmem>>) offsets(%dma_start3A_743 : memref<128xi32, #tpu.memory_space<vmem>>) semaphore(%arg10 : memref<!tpu.dma_semaphore, #tpu.memory_space<semaphore_mem>>)
      %dma_wait3A_747 = arith.constant 0 : i32
      %dma_wait3A_748 = arith.constant 0 : i32
      %dma_wait3A_749 = arith.constant 0 : i32
      %dma_wait3A_750 = arith.constant 0 : i32
      %dma_wait3A_751 = tpu.memref_slice %arg8[%dma_wait3A_748, %dma_wait3A_749, %dma_wait3A_750] : memref<2x128x128xf32, #tpu.memory_space<vmem>> -> memref<1x128x128xf32, #tpu.memory_space<vmem>>
      %dma_wait3A_752 = tpu.memref_squeeze %dma_wait3A_751 : memref<1x128x128xf32, #tpu.memory_space<vmem>> -> memref<128x128xf32, #tpu.memory_space<vmem>>
      %dma_wait3A_753 = arith.constant 0 : i32
      %dma_wait3A_754 = tpu.memref_slice %arg6[%dma_wait3A_747, %dma_wait3A_753] : memref<16x128xi32, #tpu.memory_space<vmem>> -> memref<1x128xi32, #tpu.memory_space<vmem>>
      %dma_wait3A_755 = tpu.memref_squeeze %dma_wait3A_754 : memref<1x128xi32, #tpu.memory_space<vmem>> -> memref<128xi32, #tpu.memory_space<vmem>>
      %dma_wait3A_756 = arith.constant 0 : i32
      %dma_wait3A_757 = arith.constant 0 : i32
      %dma_wait3A_758 = tpu.memref_slice %arg2[%dma_wait3A_756, %dma_wait3A_757] : memref<20000x128xf32, #tpu.memory_space<hbm>> -> memref<20000x128xf32, #tpu.memory_space<hbm>>
      tpu.wait_indirect_dma semaphore(%arg10 : memref<!tpu.dma_semaphore, #tpu.memory_space<semaphore_mem>>) src(%dma_wait3A_758 : memref<20000x128xf32, #tpu.memory_space<hbm>>) dst(%dma_wait3A_752 : memref<128x128xf32, #tpu.memory_space<vmem>>)
      %dma_start3A_759 = arith.constant 0 : i32
      %dma_start3A_760 = arith.constant 14 : i32
      %dma_start3A_761 = arith.constant 0 : i32
      %dma_start3A_762 = arith.constant 0 : i32
      %dma_start3A_763 = tpu.memref_slice %arg8[%dma_start3A_759, %dma_start3A_761, %dma_start3A_762] : memref<2x128x128xf32, #tpu.memory_space<vmem>> -> memref<1x128x128xf32, #tpu.memory_space<vmem>>
      %dma_start3A_764 = tpu.memref_squeeze %dma_start3A_763 : memref<1x128x128xf32, #tpu.memory_space<vmem>> -> memref<128x128xf32, #tpu.memory_space<vmem>>
      %dma_start3A_765 = arith.constant 0 : i32
      %dma_start3A_766 = tpu.memref_slice %arg7[%dma_start3A_760, %dma_start3A_765] : memref<16x128xi32, #tpu.memory_space<vmem>> -> memref<1x128xi32, #tpu.memory_space<vmem>>
      %dma_start3A_767 = tpu.memref_squeeze %dma_start3A_766 : memref<1x128xi32, #tpu.memory_space<vmem>> -> memref<128xi32, #tpu.memory_space<vmem>>
      %dma_start3A_768 = arith.constant 0 : i32
      %dma_start3A_769 = arith.constant 0 : i32
      %dma_start3A_770 = tpu.memref_slice %arg9[%dma_start3A_768, %dma_start3A_769] : memref<10112x128xf32, #tpu.memory_space<vmem_shared>> -> memref<10112x128xf32, #tpu.memory_space<vmem_shared>>
      tpu.enqueue_indirect_dma source(%dma_start3A_764 : memref<128x128xf32, #tpu.memory_space<vmem>>) target(%dma_start3A_770 : memref<10112x128xf32, #tpu.memory_space<vmem_shared>>) offsets(%dma_start3A_767 : memref<128xi32, #tpu.memory_space<vmem>>) semaphore(%arg12 : memref<!tpu.dma_semaphore, #tpu.memory_space<semaphore_mem>>) {add = true}
      %dma_wait3A_771 = arith.constant 1 : i32
      %dma_wait3A_772 = arith.constant 0 : i32
      %dma_wait3A_773 = arith.constant 0 : i32
      %dma_wait3A_774 = arith.constant 0 : i32
      %dma_wait3A_775 = tpu.memref_slice %arg8[%dma_wait3A_771, %dma_wait3A_773, %dma_wait3A_774] : memref<2x128x128xf32, #tpu.memory_space<vmem>> -> memref<1x128x128xf32, #tpu.memory_space<vmem>>
      %dma_wait3A_776 = tpu.memref_squeeze %dma_wait3A_775 : memref<1x128x128xf32, #tpu.memory_space<vmem>> -> memref<128x128xf32, #tpu.memory_space<vmem>>
      %dma_wait3A_777 = arith.constant 0 : i32
      %dma_wait3A_778 = tpu.memref_slice %arg7[%dma_wait3A_772, %dma_wait3A_777] : memref<16x128xi32, #tpu.memory_space<vmem>> -> memref<1x128xi32, #tpu.memory_space<vmem>>
      %dma_wait3A_779 = tpu.memref_squeeze %dma_wait3A_778 : memref<1x128xi32, #tpu.memory_space<vmem>> -> memref<128xi32, #tpu.memory_space<vmem>>
      %dma_wait3A_780 = arith.constant 0 : i32
      %dma_wait3A_781 = arith.constant 0 : i32
      %dma_wait3A_782 = tpu.memref_slice %arg9[%dma_wait3A_780, %dma_wait3A_781] : memref<10112x128xf32, #tpu.memory_space<vmem_shared>> -> memref<10112x128xf32, #tpu.memory_space<vmem_shared>>
      tpu.wait_indirect_dma semaphore(%arg13 : memref<!tpu.dma_semaphore, #tpu.memory_space<semaphore_mem>>) src(%dma_wait3A_776 : memref<128x128xf32, #tpu.memory_space<vmem>>) dst(%dma_wait3A_782 : memref<10112x128xf32, #tpu.memory_space<vmem_shared>>)
      %dma_start3A_783 = arith.constant 15 : i32
      %dma_start3A_784 = arith.constant 1 : i32
      %dma_start3A_785 = arith.constant 0 : i32
      %dma_start3A_786 = arith.constant 0 : i32
      %dma_start3A_787 = tpu.memref_slice %arg8[%dma_start3A_784, %dma_start3A_785, %dma_start3A_786] : memref<2x128x128xf32, #tpu.memory_space<vmem>> -> memref<1x128x128xf32, #tpu.memory_space<vmem>>
      %dma_start3A_788 = tpu.memref_squeeze %dma_start3A_787 : memref<1x128x128xf32, #tpu.memory_space<vmem>> -> memref<128x128xf32, #tpu.memory_space<vmem>>
      %dma_start3A_789 = arith.constant 0 : i32
      %dma_start3A_790 = tpu.memref_slice %arg6[%dma_start3A_783, %dma_start3A_789] : memref<16x128xi32, #tpu.memory_space<vmem>> -> memref<1x128xi32, #tpu.memory_space<vmem>>
      %dma_start3A_791 = tpu.memref_squeeze %dma_start3A_790 : memref<1x128xi32, #tpu.memory_space<vmem>> -> memref<128xi32, #tpu.memory_space<vmem>>
      %dma_start3A_792 = arith.constant 0 : i32
      %dma_start3A_793 = arith.constant 0 : i32
      %dma_start3A_794 = tpu.memref_slice %arg2[%dma_start3A_792, %dma_start3A_793] : memref<20000x128xf32, #tpu.memory_space<hbm>> -> memref<20000x128xf32, #tpu.memory_space<hbm>>
      tpu.enqueue_indirect_dma source(%dma_start3A_794 : memref<20000x128xf32, #tpu.memory_space<hbm>>) target(%dma_start3A_788 : memref<128x128xf32, #tpu.memory_space<vmem>>) offsets(%dma_start3A_791 : memref<128xi32, #tpu.memory_space<vmem>>) semaphore(%arg11 : memref<!tpu.dma_semaphore, #tpu.memory_space<semaphore_mem>>)
      %dma_wait3A_795 = arith.constant 0 : i32
      %dma_wait3A_796 = arith.constant 1 : i32
      %dma_wait3A_797 = arith.constant 0 : i32
      %dma_wait3A_798 = arith.constant 0 : i32
      %dma_wait3A_799 = tpu.memref_slice %arg8[%dma_wait3A_796, %dma_wait3A_797, %dma_wait3A_798] : memref<2x128x128xf32, #tpu.memory_space<vmem>> -> memref<1x128x128xf32, #tpu.memory_space<vmem>>
      %dma_wait3A_800 = tpu.memref_squeeze %dma_wait3A_799 : memref<1x128x128xf32, #tpu.memory_space<vmem>> -> memref<128x128xf32, #tpu.memory_space<vmem>>
      %dma_wait3A_801 = arith.constant 0 : i32
      %dma_wait3A_802 = tpu.memref_slice %arg6[%dma_wait3A_795, %dma_wait3A_801] : memref<16x128xi32, #tpu.memory_space<vmem>> -> memref<1x128xi32, #tpu.memory_space<vmem>>
      %dma_wait3A_803 = tpu.memref_squeeze %dma_wait3A_802 : memref<1x128xi32, #tpu.memory_space<vmem>> -> memref<128xi32, #tpu.memory_space<vmem>>
      %dma_wait3A_804 = arith.constant 0 : i32
      %dma_wait3A_805 = arith.constant 0 : i32
      %dma_wait3A_806 = tpu.memref_slice %arg2[%dma_wait3A_804, %dma_wait3A_805] : memref<20000x128xf32, #tpu.memory_space<hbm>> -> memref<20000x128xf32, #tpu.memory_space<hbm>>
      tpu.wait_indirect_dma semaphore(%arg11 : memref<!tpu.dma_semaphore, #tpu.memory_space<semaphore_mem>>) src(%dma_wait3A_806 : memref<20000x128xf32, #tpu.memory_space<hbm>>) dst(%dma_wait3A_800 : memref<128x128xf32, #tpu.memory_space<vmem>>)
      %dma_start3A_807 = arith.constant 1 : i32
      %dma_start3A_808 = arith.constant 15 : i32
      %dma_start3A_809 = arith.constant 0 : i32
      %dma_start3A_810 = arith.constant 0 : i32
      %dma_start3A_811 = tpu.memref_slice %arg8[%dma_start3A_807, %dma_start3A_809, %dma_start3A_810] : memref<2x128x128xf32, #tpu.memory_space<vmem>> -> memref<1x128x128xf32, #tpu.memory_space<vmem>>
      %dma_start3A_812 = tpu.memref_squeeze %dma_start3A_811 : memref<1x128x128xf32, #tpu.memory_space<vmem>> -> memref<128x128xf32, #tpu.memory_space<vmem>>
      %dma_start3A_813 = arith.constant 0 : i32
      %dma_start3A_814 = tpu.memref_slice %arg7[%dma_start3A_808, %dma_start3A_813] : memref<16x128xi32, #tpu.memory_space<vmem>> -> memref<1x128xi32, #tpu.memory_space<vmem>>
      %dma_start3A_815 = tpu.memref_squeeze %dma_start3A_814 : memref<1x128xi32, #tpu.memory_space<vmem>> -> memref<128xi32, #tpu.memory_space<vmem>>
      %dma_start3A_816 = arith.constant 0 : i32
      %dma_start3A_817 = arith.constant 0 : i32
      %dma_start3A_818 = tpu.memref_slice %arg9[%dma_start3A_816, %dma_start3A_817] : memref<10112x128xf32, #tpu.memory_space<vmem_shared>> -> memref<10112x128xf32, #tpu.memory_space<vmem_shared>>
      tpu.enqueue_indirect_dma source(%dma_start3A_812 : memref<128x128xf32, #tpu.memory_space<vmem>>) target(%dma_start3A_818 : memref<10112x128xf32, #tpu.memory_space<vmem_shared>>) offsets(%dma_start3A_815 : memref<128xi32, #tpu.memory_space<vmem>>) semaphore(%arg13 : memref<!tpu.dma_semaphore, #tpu.memory_space<semaphore_mem>>) {add = true}
    }
    %scan3A_29 = arith.constant 10 : i32
    %dma_wait3A = arith.constant 0 : i32
    %dma_wait3A_30 = arith.constant 0 : i32
    %dma_wait3A_31 = arith.constant 0 : i32
    %dma_wait3A_32 = arith.constant 0 : i32
    %dma_wait3A_33 = tpu.memref_slice %arg8[%dma_wait3A, %dma_wait3A_31, %dma_wait3A_32] : memref<2x128x128xf32, #tpu.memory_space<vmem>> -> memref<1x128x128xf32, #tpu.memory_space<vmem>>
    %dma_wait3A_34 = tpu.memref_squeeze %dma_wait3A_33 : memref<1x128x128xf32, #tpu.memory_space<vmem>> -> memref<128x128xf32, #tpu.memory_space<vmem>>
    %dma_wait3A_35 = arith.constant 0 : i32
    %dma_wait3A_36 = tpu.memref_slice %arg7[%dma_wait3A_30, %dma_wait3A_35] : memref<16x128xi32, #tpu.memory_space<vmem>> -> memref<1x128xi32, #tpu.memory_space<vmem>>
    %dma_wait3A_37 = tpu.memref_squeeze %dma_wait3A_36 : memref<1x128xi32, #tpu.memory_space<vmem>> -> memref<128xi32, #tpu.memory_space<vmem>>
    %dma_wait3A_38 = arith.constant 0 : i32
    %dma_wait3A_39 = arith.constant 0 : i32
    %dma_wait3A_40 = tpu.memref_slice %arg9[%dma_wait3A_38, %dma_wait3A_39] : memref<10112x128xf32, #tpu.memory_space<vmem_shared>> -> memref<10112x128xf32, #tpu.memory_space<vmem_shared>>
    tpu.wait_indirect_dma semaphore(%arg12 : memref<!tpu.dma_semaphore, #tpu.memory_space<semaphore_mem>>) src(%dma_wait3A_34 : memref<128x128xf32, #tpu.memory_space<vmem>>) dst(%dma_wait3A_40 : memref<10112x128xf32, #tpu.memory_space<vmem_shared>>)
    %dma_wait3A_41 = arith.constant 1 : i32
    %dma_wait3A_42 = arith.constant 0 : i32
    %dma_wait3A_43 = arith.constant 0 : i32
    %dma_wait3A_44 = arith.constant 0 : i32
    %dma_wait3A_45 = tpu.memref_slice %arg8[%dma_wait3A_41, %dma_wait3A_43, %dma_wait3A_44] : memref<2x128x128xf32, #tpu.memory_space<vmem>> -> memref<1x128x128xf32, #tpu.memory_space<vmem>>
    %dma_wait3A_46 = tpu.memref_squeeze %dma_wait3A_45 : memref<1x128x128xf32, #tpu.memory_space<vmem>> -> memref<128x128xf32, #tpu.memory_space<vmem>>
    %dma_wait3A_47 = arith.constant 0 : i32
    %dma_wait3A_48 = tpu.memref_slice %arg7[%dma_wait3A_42, %dma_wait3A_47] : memref<16x128xi32, #tpu.memory_space<vmem>> -> memref<1x128xi32, #tpu.memory_space<vmem>>
    %dma_wait3A_49 = tpu.memref_squeeze %dma_wait3A_48 : memref<1x128xi32, #tpu.memory_space<vmem>> -> memref<128xi32, #tpu.memory_space<vmem>>
    %dma_wait3A_50 = arith.constant 0 : i32
    %dma_wait3A_51 = arith.constant 0 : i32
    %dma_wait3A_52 = tpu.memref_slice %arg9[%dma_wait3A_50, %dma_wait3A_51] : memref<10112x128xf32, #tpu.memory_space<vmem_shared>> -> memref<10112x128xf32, #tpu.memory_space<vmem_shared>>
    tpu.wait_indirect_dma semaphore(%arg13 : memref<!tpu.dma_semaphore, #tpu.memory_space<semaphore_mem>>) src(%dma_wait3A_46 : memref<128x128xf32, #tpu.memory_space<vmem>>) dst(%dma_wait3A_52 : memref<10112x128xf32, #tpu.memory_space<vmem_shared>>)
    %barrier3A_53 = arith.constant 0 : index
    tpu.barrier barrier_id(%barrier3A_53)
    %lt3A = arith.constant 10 : i32
    %lt3A_54 = arith.cmpi slt, %arg1, %lt3A : i32
    %convert_element_type3A = arith.extui %lt3A_54 : i1 to i32
    %cond3A = arith.constant 0 : i32
    %cond3A_55 = arith.cmpi ne, %convert_element_type3A, %cond3A : i32
    scf.if %cond3A_55 {
      %mul3A_56 = arith.constant 1000 : i32
      %mul3A_57 = arith.muli %arg1, %mul3A_56 : i32
      %mul3A_58 = arith.constant 10000 : i32
      %mul3A_59 = arith.muli %add3A_2, %mul3A_58 : i32
      %mul3A_60 = arith.constant 1000 : i32
      %mul3A_61 = arith.muli %arg1, %mul3A_60 : i32
      %add3A_62 = arith.addi %mul3A_59, %mul3A_61 : i32
      "tpu.region"() ({
        %run_scoped3A_63 = tpu.sem_alloc : memref<!tpu.dma_semaphore, #tpu.memory_space<semaphore_mem>>
        %dma_start3A = arith.constant 0 : i32
        %dma_start3A_64 = tpu.memref_slice %arg5[%add3A_62, %dma_start3A] : memref<20000x128xf32, #tpu.memory_space<hbm>> -> memref<1000x128xf32, #tpu.memory_space<hbm>>
        %dma_start3A_65 = arith.constant 0 : i32
        %dma_start3A_66 = tpu.memref_slice %arg9[%mul3A_57, %dma_start3A_65] : memref<10112x128xf32, #tpu.memory_space<vmem_shared>> -> memref<1000x128xf32, #tpu.memory_space<vmem_shared>>
        tpu.enqueue_dma source(%dma_start3A_66 : memref<1000x128xf32, #tpu.memory_space<vmem_shared>>) target(%dma_start3A_64 : memref<1000x128xf32, #tpu.memory_space<hbm>>) target_semaphore(%run_scoped3A_63 : memref<!tpu.dma_semaphore, #tpu.memory_space<semaphore_mem>>)
        %dma_wait3A_67 = arith.constant 0 : i32
        %dma_wait3A_68 = tpu.memref_slice %arg5[%add3A_62, %dma_wait3A_67] : memref<20000x128xf32, #tpu.memory_space<hbm>> -> memref<1000x128xf32, #tpu.memory_space<hbm>>
        %dma_wait3A_69 = arith.constant 0 : i32
        %dma_wait3A_70 = tpu.memref_slice %arg9[%mul3A_57, %dma_wait3A_69] : memref<10112x128xf32, #tpu.memory_space<vmem_shared>> -> memref<1000x128xf32, #tpu.memory_space<vmem_shared>>
        tpu.wait_dma2 semaphore(%run_scoped3A_63 : memref<!tpu.dma_semaphore, #tpu.memory_space<semaphore_mem>>) src(%dma_wait3A_70 : memref<1000x128xf32, #tpu.memory_space<vmem_shared>>) dst(%dma_wait3A_68 : memref<1000x128xf32, #tpu.memory_space<hbm>>)
        tpu.yield
      }) : () -> ()
    } else {
    }
    return
  }
}

#map = affine_map<(d0, d1) -> (0, 0)>
#map1 = affine_map<(d0, d1) -> (0, 0, 0)>
module attributes {stable_mosaic.version = 14 : i64} {
  func.func @seg(%arg0: i32, %arg1: i32, %arg2: memref<10000x128xf32, #tpu.memory_space<hbm>>, %arg3: memref<32x80x128xi32, #tpu.memory_space<hbm>>, %arg4: memref<32x80x128xi32, #tpu.memory_space<hbm>>, %arg5: memref<20000x128xf32, #tpu.memory_space<hbm>>, %arg6: memref<16x128xi32, #tpu.memory_space<vmem>>, %arg7: memref<16x128xi32, #tpu.memory_space<vmem>>, %arg8: memref<2x128x128xf32, #tpu.memory_space<vmem>>, %arg9: memref<10112x128xf32, #tpu.memory_space<vmem_shared>>, %arg10: memref<!tpu.dma_semaphore, #tpu.memory_space<semaphore_mem>>, %arg11: memref<!tpu.dma_semaphore, #tpu.memory_space<semaphore_mem>>, %arg12: memref<!tpu.dma_semaphore, #tpu.memory_space<semaphore_mem>>, %arg13: memref<!tpu.dma_semaphore, #tpu.memory_space<semaphore_mem>>) attributes {dimension_semantics = [#tpu.dimension_semantics<core_parallel>, #tpu.dimension_semantics<subcore_parallel>], iteration_bounds = array<i64: 2, 16>, scalar_prefetch = 0 : i64, scratch_operands = 8 : i64, tpu.core_type = #tpu.core_type<sc_vector_subcore>, window_params = [{transform_indices = #map}, {transform_indices = #map1}, {transform_indices = #map1}, {transform_indices = #map}]} {
    %broadcast_in_dim3A = arith.constant 0.000000e+00 : f32
    %broadcast_in_dim3A_0 = vector.broadcast %broadcast_in_dim3A : f32 to vector<16xf32>
    %mul3A = arith.constant 1 : i32
    %mul3A_1 = arith.muli %arg0, %mul3A : i32
    %add3A = arith.constant 0 : i32
    %add3A_2 = arith.addi %mul3A_1, %add3A : i32
    %scan3A = arith.constant 0 : i32
    %scan3A_3 = arith.constant 0 : i32
    %scan3A_4 = arith.constant 128 : i32
    %scan3A_5 = arith.addi %scan3A_3, %scan3A_4 : i32
    %scan3A_6 = arith.constant 1 : i32
    scf.for %scan3A_56 = %scan3A_3 to %scan3A_5 step %scan3A_6  : i32 {
      %swap3A = arith.constant 0 : i32
      %swap3A_57 = arith.index_cast %swap3A : i32 to index
      %swap3A_58 = arith.index_cast %scan3A_56 : i32 to index
      %swap3A_59 = arith.constant 0 : index
      %swap3A_60 = tpu.vector_load %arg8[%swap3A_57, %swap3A_58, %swap3A_59] {strides = array<i32>} : memref<2x128x128xf32, #tpu.memory_space<vmem>>, vector<1x1x16xf32>,
      %swap3A_61 = vector.shape_cast %swap3A_60 : vector<1x1x16xf32> to vector<16xf32>
      %swap3A_62 = vector.shape_cast %broadcast_in_dim3A_0 : vector<16xf32> to vector<1x1x16xf32>
      tpu.vector_store %arg8[%swap3A_57, %swap3A_58, %swap3A_59], %swap3A_62 {strides = array<i32>} : memref<2x128x128xf32, #tpu.memory_space<vmem>>, vector<1x1x16xf32>,
      %swap3A_63 = arith.constant 0 : i32
      %swap3A_64 = arith.index_cast %swap3A_63 : i32 to index
      %swap3A_65 = arith.index_cast %scan3A_56 : i32 to index
      %swap3A_66 = arith.constant 16 : index
      %swap3A_67 = tpu.vector_load %arg8[%swap3A_64, %swap3A_65, %swap3A_66] {strides = array<i32>} : memref<2x128x128xf32, #tpu.memory_space<vmem>>, vector<1x1x16xf32>,
      %swap3A_68 = vector.shape_cast %swap3A_67 : vector<1x1x16xf32> to vector<16xf32>
      %swap3A_69 = vector.shape_cast %broadcast_in_dim3A_0 : vector<16xf32> to vector<1x1x16xf32>
      tpu.vector_store %arg8[%swap3A_64, %swap3A_65, %swap3A_66], %swap3A_69 {strides = array<i32>} : memref<2x128x128xf32, #tpu.memory_space<vmem>>, vector<1x1x16xf32>,
      %swap3A_70 = arith.constant 0 : i32
      %swap3A_71 = arith.index_cast %swap3A_70 : i32 to index
      %swap3A_72 = arith.index_cast %scan3A_56 : i32 to index
      %swap3A_73 = arith.constant 32 : index
      %swap3A_74 = tpu.vector_load %arg8[%swap3A_71, %swap3A_72, %swap3A_73] {strides = array<i32>} : memref<2x128x128xf32, #tpu.memory_space<vmem>>, vector<1x1x16xf32>,
      %swap3A_75 = vector.shape_cast %swap3A_74 : vector<1x1x16xf32> to vector<16xf32>
      %swap3A_76 = vector.shape_cast %broadcast_in_dim3A_0 : vector<16xf32> to vector<1x1x16xf32>
      tpu.vector_store %arg8[%swap3A_71, %swap3A_72, %swap3A_73], %swap3A_76 {strides = array<i32>} : memref<2x128x128xf32, #tpu.memory_space<vmem>>, vector<1x1x16xf32>,
      %swap3A_77 = arith.constant 0 : i32
      %swap3A_78 = arith.index_cast %swap3A_77 : i32 to index
      %swap3A_79 = arith.index_cast %scan3A_56 : i32 to index
      %swap3A_80 = arith.constant 48 : index
      %swap3A_81 = tpu.vector_load %arg8[%swap3A_78, %swap3A_79, %swap3A_80] {strides = array<i32>} : memref<2x128x128xf32, #tpu.memory_space<vmem>>, vector<1x1x16xf32>,
      %swap3A_82 = vector.shape_cast %swap3A_81 : vector<1x1x16xf32> to vector<16xf32>
      %swap3A_83 = vector.shape_cast %broadcast_in_dim3A_0 : vector<16xf32> to vector<1x1x16xf32>
      tpu.vector_store %arg8[%swap3A_78, %swap3A_79, %swap3A_80], %swap3A_83 {strides = array<i32>} : memref<2x128x128xf32, #tpu.memory_space<vmem>>, vector<1x1x16xf32>,
      %swap3A_84 = arith.constant 0 : i32
      %swap3A_85 = arith.index_cast %swap3A_84 : i32 to index
      %swap3A_86 = arith.index_cast %scan3A_56 : i32 to index
      %swap3A_87 = arith.constant 64 : index
      %swap3A_88 = tpu.vector_load %arg8[%swap3A_85, %swap3A_86, %swap3A_87] {strides = array<i32>} : memref<2x128x128xf32, #tpu.memory_space<vmem>>, vector<1x1x16xf32>,
      %swap3A_89 = vector.shape_cast %swap3A_88 : vector<1x1x16xf32> to vector<16xf32>
      %swap3A_90 = vector.shape_cast %broadcast_in_dim3A_0 : vector<16xf32> to vector<1x1x16xf32>
      tpu.vector_store %arg8[%swap3A_85, %swap3A_86, %swap3A_87], %swap3A_90 {strides = array<i32>} : memref<2x128x128xf32, #tpu.memory_space<vmem>>, vector<1x1x16xf32>,
      %swap3A_91 = arith.constant 0 : i32
      %swap3A_92 = arith.index_cast %swap3A_91 : i32 to index
      %swap3A_93 = arith.index_cast %scan3A_56 : i32 to index
      %swap3A_94 = arith.constant 80 : index
      %swap3A_95 = tpu.vector_load %arg8[%swap3A_92, %swap3A_93, %swap3A_94] {strides = array<i32>} : memref<2x128x128xf32, #tpu.memory_space<vmem>>, vector<1x1x16xf32>,
      %swap3A_96 = vector.shape_cast %swap3A_95 : vector<1x1x16xf32> to vector<16xf32>
      %swap3A_97 = vector.shape_cast %broadcast_in_dim3A_0 : vector<16xf32> to vector<1x1x16xf32>
      tpu.vector_store %arg8[%swap3A_92, %swap3A_93, %swap3A_94], %swap3A_97 {strides = array<i32>} : memref<2x128x128xf32, #tpu.memory_space<vmem>>, vector<1x1x16xf32>,
      %swap3A_98 = arith.constant 0 : i32
      %swap3A_99 = arith.index_cast %swap3A_98 : i32 to index
      %swap3A_100 = arith.index_cast %scan3A_56 : i32 to index
      %swap3A_101 = arith.constant 96 : index
      %swap3A_102 = tpu.vector_load %arg8[%swap3A_99, %swap3A_100, %swap3A_101] {strides = array<i32>} : memref<2x128x128xf32, #tpu.memory_space<vmem>>, vector<1x1x16xf32>,
      %swap3A_103 = vector.shape_cast %swap3A_102 : vector<1x1x16xf32> to vector<16xf32>
      %swap3A_104 = vector.shape_cast %broadcast_in_dim3A_0 : vector<16xf32> to vector<1x1x16xf32>
      tpu.vector_store %arg8[%swap3A_99, %swap3A_100, %swap3A_101], %swap3A_104 {strides = array<i32>} : memref<2x128x128xf32, #tpu.memory_space<vmem>>, vector<1x1x16xf32>,
      %swap3A_105 = arith.constant 0 : i32
      %swap3A_106 = arith.index_cast %swap3A_105 : i32 to index
      %swap3A_107 = arith.index_cast %scan3A_56 : i32 to index
      %swap3A_108 = arith.constant 112 : index
      %swap3A_109 = tpu.vector_load %arg8[%swap3A_106, %swap3A_107, %swap3A_108] {strides = array<i32>} : memref<2x128x128xf32, #tpu.memory_space<vmem>>, vector<1x1x16xf32>,
      %swap3A_110 = vector.shape_cast %swap3A_109 : vector<1x1x16xf32> to vector<16xf32>
      %swap3A_111 = vector.shape_cast %broadcast_in_dim3A_0 : vector<16xf32> to vector<1x1x16xf32>
      tpu.vector_store %arg8[%swap3A_106, %swap3A_107, %swap3A_108], %swap3A_111 {strides = array<i32>} : memref<2x128x128xf32, #tpu.memory_space<vmem>>, vector<1x1x16xf32>,
    }
    %scan3A_7 = arith.constant 128 : i32
    %mul3A_8 = arith.constant 632 : i32
    %mul3A_9 = arith.muli %arg1, %mul3A_8 : i32
    %add3A_10 = arith.constant 0 : i32
    %add3A_11 = arith.addi %mul3A_9, %add3A_10 : i32
    %run_scoped3A = arith.constant 0 : i32
    "tpu.region"() ({
      %run_scoped3A_56 = tpu.sem_alloc : memref<!tpu.dma_semaphore, #tpu.memory_space<semaphore_mem>>
      %dma_start3A = arith.constant 0 : i32
      %dma_start3A_57 = arith.constant 0 : i32
      %dma_start3A_58 = tpu.memref_slice %arg8[%run_scoped3A, %dma_start3A, %dma_start3A_57] : memref<2x128x128xf32, #tpu.memory_space<vmem>> -> memref<1x128x128xf32, #tpu.memory_space<vmem>>
      %dma_start3A_59 = tpu.memref_squeeze %dma_start3A_58 : memref<1x128x128xf32, #tpu.memory_space<vmem>> -> memref<128x128xf32, #tpu.memory_space<vmem>>
      %dma_start3A_60 = arith.constant 0 : i32
      %dma_start3A_61 = arith.constant 0 : i32
      %dma_start3A_62 = tpu.memref_slice %dma_start3A_59[%dma_start3A_60, %dma_start3A_61] : memref<128x128xf32, #tpu.memory_space<vmem>> -> memref<128x128xf32, #tpu.memory_space<vmem>>
      %dma_start3A_63 = arith.constant 0 : i32
      %dma_start3A_64 = tpu.memref_slice %arg9[%add3A_11, %dma_start3A_63] : memref<10112x128xf32, #tpu.memory_space<vmem_shared>> -> memref<128x128xf32, #tpu.memory_space<vmem_shared>>
      %dma_start3A_65 = arith.constant 0 : i32
      %dma_start3A_66 = tpu.memref_slice %arg9[%add3A_11, %dma_start3A_65] : memref<10112x128xf32, #tpu.memory_space<vmem_shared>> -> memref<128x128xf32, #tpu.memory_space<vmem_shared>>
      %dma_start3A_67 = arith.constant 0 : i32
      %dma_start3A_68 = arith.constant 0 : i32
      %dma_start3A_69 = tpu.memref_slice %arg8[%run_scoped3A, %dma_start3A_67, %dma_start3A_68] : memref<2x128x128xf32, #tpu.memory_space<vmem>> -> memref<1x128x128xf32, #tpu.memory_space<vmem>>
      %dma_start3A_70 = tpu.memref_squeeze %dma_start3A_69 : memref<1x128x128xf32, #tpu.memory_space<vmem>> -> memref<128x128xf32, #tpu.memory_space<vmem>>
      %dma_start3A_71 = arith.constant 0 : i32
      %dma_start3A_72 = arith.constant 0 : i32
      %dma_start3A_73 = tpu.memref_slice %dma_start3A_70[%dma_start3A_71, %dma_start3A_72] : memref<128x128xf32, #tpu.memory_space<vmem>> -> memref<128x128xf32, #tpu.memory_space<vmem>>
      tpu.enqueue_dma source(%dma_start3A_73 : memref<128x128xf32, #tpu.memory_space<vmem>>) target(%dma_start3A_66 : memref<128x128xf32, #tpu.memory_space<vmem_shared>>) target_semaphore(%run_scoped3A_56 : memref<!tpu.dma_semaphore, #tpu.memory_space<semaphore_mem>>)
      %dma_wait3A_74 = arith.constant 0 : i32
      %dma_wait3A_75 = arith.constant 0 : i32
      %dma_wait3A_76 = tpu.memref_slice %arg8[%run_scoped3A, %dma_wait3A_74, %dma_wait3A_75] : memref<2x128x128xf32, #tpu.memory_space<vmem>> -> memref<1x128x128xf32, #tpu.memory_space<vmem>>
      %dma_wait3A_77 = tpu.memref_squeeze %dma_wait3A_76 : memref<1x128x128xf32, #tpu.memory_space<vmem>> -> memref<128x128xf32, #tpu.memory_space<vmem>>
      %dma_wait3A_78 = arith.constant 0 : i32
      %dma_wait3A_79 = arith.constant 0 : i32
      %dma_wait3A_80 = tpu.memref_slice %dma_wait3A_77[%dma_wait3A_78, %dma_wait3A_79] : memref<128x128xf32, #tpu.memory_space<vmem>> -> memref<128x128xf32, #tpu.memory_space<vmem>>
      %dma_wait3A_81 = arith.constant 0 : i32
      %dma_wait3A_82 = tpu.memref_slice %arg9[%add3A_11, %dma_wait3A_81] : memref<10112x128xf32, #tpu.memory_space<vmem_shared>> -> memref<128x128xf32, #tpu.memory_space<vmem_shared>>
      %dma_wait3A_83 = arith.constant 0 : i32
      %dma_wait3A_84 = tpu.memref_slice %arg9[%add3A_11, %dma_wait3A_83] : memref<10112x128xf32, #tpu.memory_space<vmem_shared>> -> memref<128x128xf32, #tpu.memory_space<vmem_shared>>
      %dma_wait3A_85 = arith.constant 0 : i32
      %dma_wait3A_86 = arith.constant 0 : i32
      %dma_wait3A_87 = tpu.memref_slice %arg8[%run_scoped3A, %dma_wait3A_85, %dma_wait3A_86] : memref<2x128x128xf32, #tpu.memory_space<vmem>> -> memref<1x128x128xf32, #tpu.memory_space<vmem>>
      %dma_wait3A_88 = tpu.memref_squeeze %dma_wait3A_87 : memref<1x128x128xf32, #tpu.memory_space<vmem>> -> memref<128x128xf32, #tpu.memory_space<vmem>>
      %dma_wait3A_89 = arith.constant 0 : i32
      %dma_wait3A_90 = arith.constant 0 : i32
      %dma_wait3A_91 = tpu.memref_slice %dma_wait3A_88[%dma_wait3A_89, %dma_wait3A_90] : memref<128x128xf32, #tpu.memory_space<vmem>> -> memref<128x128xf32, #tpu.memory_space<vmem>>
      tpu.wait_dma2 semaphore(%run_scoped3A_56 : memref<!tpu.dma_semaphore, #tpu.memory_space<semaphore_mem>>) src(%dma_wait3A_91 : memref<128x128xf32, #tpu.memory_space<vmem>>) dst(%dma_wait3A_84 : memref<128x128xf32, #tpu.memory_space<vmem_shared>>)
      tpu.yield
    }) : () -> ()
    %add3A_12 = arith.constant 128 : i32
    %add3A_13 = arith.addi %mul3A_9, %add3A_12 : i32
    %run_scoped3A_14 = arith.constant 0 : i32
    "tpu.region"() ({
      %run_scoped3A_56 = tpu.sem_alloc : memref<!tpu.dma_semaphore, #tpu.memory_space<semaphore_mem>>
      %dma_start3A = arith.constant 0 : i32
      %dma_start3A_57 = arith.constant 0 : i32
      %dma_start3A_58 = tpu.memref_slice %arg8[%run_scoped3A_14, %dma_start3A, %dma_start3A_57] : memref<2x128x128xf32, #tpu.memory_space<vmem>> -> memref<1x128x128xf32, #tpu.memory_space<vmem>>
      %dma_start3A_59 = tpu.memref_squeeze %dma_start3A_58 : memref<1x128x128xf32, #tpu.memory_space<vmem>> -> memref<128x128xf32, #tpu.memory_space<vmem>>
      %dma_start3A_60 = arith.constant 0 : i32
      %dma_start3A_61 = arith.constant 0 : i32
      %dma_start3A_62 = tpu.memref_slice %dma_start3A_59[%dma_start3A_60, %dma_start3A_61] : memref<128x128xf32, #tpu.memory_space<vmem>> -> memref<128x128xf32, #tpu.memory_space<vmem>>
      %dma_start3A_63 = arith.constant 0 : i32
      %dma_start3A_64 = tpu.memref_slice %arg9[%add3A_13, %dma_start3A_63] : memref<10112x128xf32, #tpu.memory_space<vmem_shared>> -> memref<128x128xf32, #tpu.memory_space<vmem_shared>>
      %dma_start3A_65 = arith.constant 0 : i32
      %dma_start3A_66 = tpu.memref_slice %arg9[%add3A_13, %dma_start3A_65] : memref<10112x128xf32, #tpu.memory_space<vmem_shared>> -> memref<128x128xf32, #tpu.memory_space<vmem_shared>>
      %dma_start3A_67 = arith.constant 0 : i32
      %dma_start3A_68 = arith.constant 0 : i32
      %dma_start3A_69 = tpu.memref_slice %arg8[%run_scoped3A_14, %dma_start3A_67, %dma_start3A_68] : memref<2x128x128xf32, #tpu.memory_space<vmem>> -> memref<1x128x128xf32, #tpu.memory_space<vmem>>
      %dma_start3A_70 = tpu.memref_squeeze %dma_start3A_69 : memref<1x128x128xf32, #tpu.memory_space<vmem>> -> memref<128x128xf32, #tpu.memory_space<vmem>>
      %dma_start3A_71 = arith.constant 0 : i32
      %dma_start3A_72 = arith.constant 0 : i32
      %dma_start3A_73 = tpu.memref_slice %dma_start3A_70[%dma_start3A_71, %dma_start3A_72] : memref<128x128xf32, #tpu.memory_space<vmem>> -> memref<128x128xf32, #tpu.memory_space<vmem>>
      tpu.enqueue_dma source(%dma_start3A_73 : memref<128x128xf32, #tpu.memory_space<vmem>>) target(%dma_start3A_66 : memref<128x128xf32, #tpu.memory_space<vmem_shared>>) target_semaphore(%run_scoped3A_56 : memref<!tpu.dma_semaphore, #tpu.memory_space<semaphore_mem>>)
      %dma_wait3A_74 = arith.constant 0 : i32
      %dma_wait3A_75 = arith.constant 0 : i32
      %dma_wait3A_76 = tpu.memref_slice %arg8[%run_scoped3A_14, %dma_wait3A_74, %dma_wait3A_75] : memref<2x128x128xf32, #tpu.memory_space<vmem>> -> memref<1x128x128xf32, #tpu.memory_space<vmem>>
      %dma_wait3A_77 = tpu.memref_squeeze %dma_wait3A_76 : memref<1x128x128xf32, #tpu.memory_space<vmem>> -> memref<128x128xf32, #tpu.memory_space<vmem>>
      %dma_wait3A_78 = arith.constant 0 : i32
      %dma_wait3A_79 = arith.constant 0 : i32
      %dma_wait3A_80 = tpu.memref_slice %dma_wait3A_77[%dma_wait3A_78, %dma_wait3A_79] : memref<128x128xf32, #tpu.memory_space<vmem>> -> memref<128x128xf32, #tpu.memory_space<vmem>>
      %dma_wait3A_81 = arith.constant 0 : i32
      %dma_wait3A_82 = tpu.memref_slice %arg9[%add3A_13, %dma_wait3A_81] : memref<10112x128xf32, #tpu.memory_space<vmem_shared>> -> memref<128x128xf32, #tpu.memory_space<vmem_shared>>
      %dma_wait3A_83 = arith.constant 0 : i32
      %dma_wait3A_84 = tpu.memref_slice %arg9[%add3A_13, %dma_wait3A_83] : memref<10112x128xf32, #tpu.memory_space<vmem_shared>> -> memref<128x128xf32, #tpu.memory_space<vmem_shared>>
      %dma_wait3A_85 = arith.constant 0 : i32
      %dma_wait3A_86 = arith.constant 0 : i32
      %dma_wait3A_87 = tpu.memref_slice %arg8[%run_scoped3A_14, %dma_wait3A_85, %dma_wait3A_86] : memref<2x128x128xf32, #tpu.memory_space<vmem>> -> memref<1x128x128xf32, #tpu.memory_space<vmem>>
      %dma_wait3A_88 = tpu.memref_squeeze %dma_wait3A_87 : memref<1x128x128xf32, #tpu.memory_space<vmem>> -> memref<128x128xf32, #tpu.memory_space<vmem>>
      %dma_wait3A_89 = arith.constant 0 : i32
      %dma_wait3A_90 = arith.constant 0 : i32
      %dma_wait3A_91 = tpu.memref_slice %dma_wait3A_88[%dma_wait3A_89, %dma_wait3A_90] : memref<128x128xf32, #tpu.memory_space<vmem>> -> memref<128x128xf32, #tpu.memory_space<vmem>>
      tpu.wait_dma2 semaphore(%run_scoped3A_56 : memref<!tpu.dma_semaphore, #tpu.memory_space<semaphore_mem>>) src(%dma_wait3A_91 : memref<128x128xf32, #tpu.memory_space<vmem>>) dst(%dma_wait3A_84 : memref<128x128xf32, #tpu.memory_space<vmem_shared>>)
      tpu.yield
    }) : () -> ()
    %add3A_15 = arith.constant 256 : i32
    %add3A_16 = arith.addi %mul3A_9, %add3A_15 : i32
    %run_scoped3A_17 = arith.constant 0 : i32
    "tpu.region"() ({
      %run_scoped3A_56 = tpu.sem_alloc : memref<!tpu.dma_semaphore, #tpu.memory_space<semaphore_mem>>
      %dma_start3A = arith.constant 0 : i32
      %dma_start3A_57 = arith.constant 0 : i32
      %dma_start3A_58 = tpu.memref_slice %arg8[%run_scoped3A_17, %dma_start3A, %dma_start3A_57] : memref<2x128x128xf32, #tpu.memory_space<vmem>> -> memref<1x128x128xf32, #tpu.memory_space<vmem>>
      %dma_start3A_59 = tpu.memref_squeeze %dma_start3A_58 : memref<1x128x128xf32, #tpu.memory_space<vmem>> -> memref<128x128xf32, #tpu.memory_space<vmem>>
      %dma_start3A_60 = arith.constant 0 : i32
      %dma_start3A_61 = arith.constant 0 : i32
      %dma_start3A_62 = tpu.memref_slice %dma_start3A_59[%dma_start3A_60, %dma_start3A_61] : memref<128x128xf32, #tpu.memory_space<vmem>> -> memref<128x128xf32, #tpu.memory_space<vmem>>
      %dma_start3A_63 = arith.constant 0 : i32
      %dma_start3A_64 = tpu.memref_slice %arg9[%add3A_16, %dma_start3A_63] : memref<10112x128xf32, #tpu.memory_space<vmem_shared>> -> memref<128x128xf32, #tpu.memory_space<vmem_shared>>
      %dma_start3A_65 = arith.constant 0 : i32
      %dma_start3A_66 = tpu.memref_slice %arg9[%add3A_16, %dma_start3A_65] : memref<10112x128xf32, #tpu.memory_space<vmem_shared>> -> memref<128x128xf32, #tpu.memory_space<vmem_shared>>
      %dma_start3A_67 = arith.constant 0 : i32
      %dma_start3A_68 = arith.constant 0 : i32
      %dma_start3A_69 = tpu.memref_slice %arg8[%run_scoped3A_17, %dma_start3A_67, %dma_start3A_68] : memref<2x128x128xf32, #tpu.memory_space<vmem>> -> memref<1x128x128xf32, #tpu.memory_space<vmem>>
      %dma_start3A_70 = tpu.memref_squeeze %dma_start3A_69 : memref<1x128x128xf32, #tpu.memory_space<vmem>> -> memref<128x128xf32, #tpu.memory_space<vmem>>
      %dma_start3A_71 = arith.constant 0 : i32
      %dma_start3A_72 = arith.constant 0 : i32
      %dma_start3A_73 = tpu.memref_slice %dma_start3A_70[%dma_start3A_71, %dma_start3A_72] : memref<128x128xf32, #tpu.memory_space<vmem>> -> memref<128x128xf32, #tpu.memory_space<vmem>>
      tpu.enqueue_dma source(%dma_start3A_73 : memref<128x128xf32, #tpu.memory_space<vmem>>) target(%dma_start3A_66 : memref<128x128xf32, #tpu.memory_space<vmem_shared>>) target_semaphore(%run_scoped3A_56 : memref<!tpu.dma_semaphore, #tpu.memory_space<semaphore_mem>>)
      %dma_wait3A_74 = arith.constant 0 : i32
      %dma_wait3A_75 = arith.constant 0 : i32
      %dma_wait3A_76 = tpu.memref_slice %arg8[%run_scoped3A_17, %dma_wait3A_74, %dma_wait3A_75] : memref<2x128x128xf32, #tpu.memory_space<vmem>> -> memref<1x128x128xf32, #tpu.memory_space<vmem>>
      %dma_wait3A_77 = tpu.memref_squeeze %dma_wait3A_76 : memref<1x128x128xf32, #tpu.memory_space<vmem>> -> memref<128x128xf32, #tpu.memory_space<vmem>>
      %dma_wait3A_78 = arith.constant 0 : i32
      %dma_wait3A_79 = arith.constant 0 : i32
      %dma_wait3A_80 = tpu.memref_slice %dma_wait3A_77[%dma_wait3A_78, %dma_wait3A_79] : memref<128x128xf32, #tpu.memory_space<vmem>> -> memref<128x128xf32, #tpu.memory_space<vmem>>
      %dma_wait3A_81 = arith.constant 0 : i32
      %dma_wait3A_82 = tpu.memref_slice %arg9[%add3A_16, %dma_wait3A_81] : memref<10112x128xf32, #tpu.memory_space<vmem_shared>> -> memref<128x128xf32, #tpu.memory_space<vmem_shared>>
      %dma_wait3A_83 = arith.constant 0 : i32
      %dma_wait3A_84 = tpu.memref_slice %arg9[%add3A_16, %dma_wait3A_83] : memref<10112x128xf32, #tpu.memory_space<vmem_shared>> -> memref<128x128xf32, #tpu.memory_space<vmem_shared>>
      %dma_wait3A_85 = arith.constant 0 : i32
      %dma_wait3A_86 = arith.constant 0 : i32
      %dma_wait3A_87 = tpu.memref_slice %arg8[%run_scoped3A_17, %dma_wait3A_85, %dma_wait3A_86] : memref<2x128x128xf32, #tpu.memory_space<vmem>> -> memref<1x128x128xf32, #tpu.memory_space<vmem>>
      %dma_wait3A_88 = tpu.memref_squeeze %dma_wait3A_87 : memref<1x128x128xf32, #tpu.memory_space<vmem>> -> memref<128x128xf32, #tpu.memory_space<vmem>>
      %dma_wait3A_89 = arith.constant 0 : i32
      %dma_wait3A_90 = arith.constant 0 : i32
      %dma_wait3A_91 = tpu.memref_slice %dma_wait3A_88[%dma_wait3A_89, %dma_wait3A_90] : memref<128x128xf32, #tpu.memory_space<vmem>> -> memref<128x128xf32, #tpu.memory_space<vmem>>
      tpu.wait_dma2 semaphore(%run_scoped3A_56 : memref<!tpu.dma_semaphore, #tpu.memory_space<semaphore_mem>>) src(%dma_wait3A_91 : memref<128x128xf32, #tpu.memory_space<vmem>>) dst(%dma_wait3A_84 : memref<128x128xf32, #tpu.memory_space<vmem_shared>>)
      tpu.yield
    }) : () -> ()
    %add3A_18 = arith.constant 384 : i32
    %add3A_19 = arith.addi %mul3A_9, %add3A_18 : i32
    %run_scoped3A_20 = arith.constant 0 : i32
    "tpu.region"() ({
      %run_scoped3A_56 = tpu.sem_alloc : memref<!tpu.dma_semaphore, #tpu.memory_space<semaphore_mem>>
      %dma_start3A = arith.constant 0 : i32
      %dma_start3A_57 = arith.constant 0 : i32
      %dma_start3A_58 = tpu.memref_slice %arg8[%run_scoped3A_20, %dma_start3A, %dma_start3A_57] : memref<2x128x128xf32, #tpu.memory_space<vmem>> -> memref<1x128x128xf32, #tpu.memory_space<vmem>>
      %dma_start3A_59 = tpu.memref_squeeze %dma_start3A_58 : memref<1x128x128xf32, #tpu.memory_space<vmem>> -> memref<128x128xf32, #tpu.memory_space<vmem>>
      %dma_start3A_60 = arith.constant 0 : i32
      %dma_start3A_61 = arith.constant 0 : i32
      %dma_start3A_62 = tpu.memref_slice %dma_start3A_59[%dma_start3A_60, %dma_start3A_61] : memref<128x128xf32, #tpu.memory_space<vmem>> -> memref<128x128xf32, #tpu.memory_space<vmem>>
      %dma_start3A_63 = arith.constant 0 : i32
      %dma_start3A_64 = tpu.memref_slice %arg9[%add3A_19, %dma_start3A_63] : memref<10112x128xf32, #tpu.memory_space<vmem_shared>> -> memref<128x128xf32, #tpu.memory_space<vmem_shared>>
      %dma_start3A_65 = arith.constant 0 : i32
      %dma_start3A_66 = tpu.memref_slice %arg9[%add3A_19, %dma_start3A_65] : memref<10112x128xf32, #tpu.memory_space<vmem_shared>> -> memref<128x128xf32, #tpu.memory_space<vmem_shared>>
      %dma_start3A_67 = arith.constant 0 : i32
      %dma_start3A_68 = arith.constant 0 : i32
      %dma_start3A_69 = tpu.memref_slice %arg8[%run_scoped3A_20, %dma_start3A_67, %dma_start3A_68] : memref<2x128x128xf32, #tpu.memory_space<vmem>> -> memref<1x128x128xf32, #tpu.memory_space<vmem>>
      %dma_start3A_70 = tpu.memref_squeeze %dma_start3A_69 : memref<1x128x128xf32, #tpu.memory_space<vmem>> -> memref<128x128xf32, #tpu.memory_space<vmem>>
      %dma_start3A_71 = arith.constant 0 : i32
      %dma_start3A_72 = arith.constant 0 : i32
      %dma_start3A_73 = tpu.memref_slice %dma_start3A_70[%dma_start3A_71, %dma_start3A_72] : memref<128x128xf32, #tpu.memory_space<vmem>> -> memref<128x128xf32, #tpu.memory_space<vmem>>
      tpu.enqueue_dma source(%dma_start3A_73 : memref<128x128xf32, #tpu.memory_space<vmem>>) target(%dma_start3A_66 : memref<128x128xf32, #tpu.memory_space<vmem_shared>>) target_semaphore(%run_scoped3A_56 : memref<!tpu.dma_semaphore, #tpu.memory_space<semaphore_mem>>)
      %dma_wait3A_74 = arith.constant 0 : i32
      %dma_wait3A_75 = arith.constant 0 : i32
      %dma_wait3A_76 = tpu.memref_slice %arg8[%run_scoped3A_20, %dma_wait3A_74, %dma_wait3A_75] : memref<2x128x128xf32, #tpu.memory_space<vmem>> -> memref<1x128x128xf32, #tpu.memory_space<vmem>>
      %dma_wait3A_77 = tpu.memref_squeeze %dma_wait3A_76 : memref<1x128x128xf32, #tpu.memory_space<vmem>> -> memref<128x128xf32, #tpu.memory_space<vmem>>
      %dma_wait3A_78 = arith.constant 0 : i32
      %dma_wait3A_79 = arith.constant 0 : i32
      %dma_wait3A_80 = tpu.memref_slice %dma_wait3A_77[%dma_wait3A_78, %dma_wait3A_79] : memref<128x128xf32, #tpu.memory_space<vmem>> -> memref<128x128xf32, #tpu.memory_space<vmem>>
      %dma_wait3A_81 = arith.constant 0 : i32
      %dma_wait3A_82 = tpu.memref_slice %arg9[%add3A_19, %dma_wait3A_81] : memref<10112x128xf32, #tpu.memory_space<vmem_shared>> -> memref<128x128xf32, #tpu.memory_space<vmem_shared>>
      %dma_wait3A_83 = arith.constant 0 : i32
      %dma_wait3A_84 = tpu.memref_slice %arg9[%add3A_19, %dma_wait3A_83] : memref<10112x128xf32, #tpu.memory_space<vmem_shared>> -> memref<128x128xf32, #tpu.memory_space<vmem_shared>>
      %dma_wait3A_85 = arith.constant 0 : i32
      %dma_wait3A_86 = arith.constant 0 : i32
      %dma_wait3A_87 = tpu.memref_slice %arg8[%run_scoped3A_20, %dma_wait3A_85, %dma_wait3A_86] : memref<2x128x128xf32, #tpu.memory_space<vmem>> -> memref<1x128x128xf32, #tpu.memory_space<vmem>>
      %dma_wait3A_88 = tpu.memref_squeeze %dma_wait3A_87 : memref<1x128x128xf32, #tpu.memory_space<vmem>> -> memref<128x128xf32, #tpu.memory_space<vmem>>
      %dma_wait3A_89 = arith.constant 0 : i32
      %dma_wait3A_90 = arith.constant 0 : i32
      %dma_wait3A_91 = tpu.memref_slice %dma_wait3A_88[%dma_wait3A_89, %dma_wait3A_90] : memref<128x128xf32, #tpu.memory_space<vmem>> -> memref<128x128xf32, #tpu.memory_space<vmem>>
      tpu.wait_dma2 semaphore(%run_scoped3A_56 : memref<!tpu.dma_semaphore, #tpu.memory_space<semaphore_mem>>) src(%dma_wait3A_91 : memref<128x128xf32, #tpu.memory_space<vmem>>) dst(%dma_wait3A_84 : memref<128x128xf32, #tpu.memory_space<vmem_shared>>)
      tpu.yield
    }) : () -> ()
    %add3A_21 = arith.constant 512 : i32
    %add3A_22 = arith.addi %mul3A_9, %add3A_21 : i32
    %run_scoped3A_23 = arith.constant 0 : i32
    "tpu.region"() ({
      %run_scoped3A_56 = tpu.sem_alloc : memref<!tpu.dma_semaphore, #tpu.memory_space<semaphore_mem>>
      %dma_start3A = arith.constant 0 : i32
      %dma_start3A_57 = arith.constant 0 : i32
      %dma_start3A_58 = tpu.memref_slice %arg8[%run_scoped3A_23, %dma_start3A, %dma_start3A_57] : memref<2x128x128xf32, #tpu.memory_space<vmem>> -> memref<1x128x128xf32, #tpu.memory_space<vmem>>
      %dma_start3A_59 = tpu.memref_squeeze %dma_start3A_58 : memref<1x128x128xf32, #tpu.memory_space<vmem>> -> memref<128x128xf32, #tpu.memory_space<vmem>>
      %dma_start3A_60 = arith.constant 0 : i32
      %dma_start3A_61 = arith.constant 0 : i32
      %dma_start3A_62 = tpu.memref_slice %dma_start3A_59[%dma_start3A_60, %dma_start3A_61] : memref<128x128xf32, #tpu.memory_space<vmem>> -> memref<120x128xf32, #tpu.memory_space<vmem>>
      %dma_start3A_63 = arith.constant 0 : i32
      %dma_start3A_64 = tpu.memref_slice %arg9[%add3A_22, %dma_start3A_63] : memref<10112x128xf32, #tpu.memory_space<vmem_shared>> -> memref<120x128xf32, #tpu.memory_space<vmem_shared>>
      %dma_start3A_65 = arith.constant 0 : i32
      %dma_start3A_66 = tpu.memref_slice %arg9[%add3A_22, %dma_start3A_65] : memref<10112x128xf32, #tpu.memory_space<vmem_shared>> -> memref<120x128xf32, #tpu.memory_space<vmem_shared>>
      %dma_start3A_67 = arith.constant 0 : i32
      %dma_start3A_68 = arith.constant 0 : i32
      %dma_start3A_69 = tpu.memref_slice %arg8[%run_scoped3A_23, %dma_start3A_67, %dma_start3A_68] : memref<2x128x128xf32, #tpu.memory_space<vmem>> -> memref<1x128x128xf32, #tpu.memory_space<vmem>>
      %dma_start3A_70 = tpu.memref_squeeze %dma_start3A_69 : memref<1x128x128xf32, #tpu.memory_space<vmem>> -> memref<128x128xf32, #tpu.memory_space<vmem>>
      %dma_start3A_71 = arith.constant 0 : i32
      %dma_start3A_72 = arith.constant 0 : i32
      %dma_start3A_73 = tpu.memref_slice %dma_start3A_70[%dma_start3A_71, %dma_start3A_72] : memref<128x128xf32, #tpu.memory_space<vmem>> -> memref<120x128xf32, #tpu.memory_space<vmem>>
      tpu.enqueue_dma source(%dma_start3A_73 : memref<120x128xf32, #tpu.memory_space<vmem>>) target(%dma_start3A_66 : memref<120x128xf32, #tpu.memory_space<vmem_shared>>) target_semaphore(%run_scoped3A_56 : memref<!tpu.dma_semaphore, #tpu.memory_space<semaphore_mem>>)
      %dma_wait3A_74 = arith.constant 0 : i32
      %dma_wait3A_75 = arith.constant 0 : i32
      %dma_wait3A_76 = tpu.memref_slice %arg8[%run_scoped3A_23, %dma_wait3A_74, %dma_wait3A_75] : memref<2x128x128xf32, #tpu.memory_space<vmem>> -> memref<1x128x128xf32, #tpu.memory_space<vmem>>
      %dma_wait3A_77 = tpu.memref_squeeze %dma_wait3A_76 : memref<1x128x128xf32, #tpu.memory_space<vmem>> -> memref<128x128xf32, #tpu.memory_space<vmem>>
      %dma_wait3A_78 = arith.constant 0 : i32
      %dma_wait3A_79 = arith.constant 0 : i32
      %dma_wait3A_80 = tpu.memref_slice %dma_wait3A_77[%dma_wait3A_78, %dma_wait3A_79] : memref<128x128xf32, #tpu.memory_space<vmem>> -> memref<120x128xf32, #tpu.memory_space<vmem>>
      %dma_wait3A_81 = arith.constant 0 : i32
      %dma_wait3A_82 = tpu.memref_slice %arg9[%add3A_22, %dma_wait3A_81] : memref<10112x128xf32, #tpu.memory_space<vmem_shared>> -> memref<120x128xf32, #tpu.memory_space<vmem_shared>>
      %dma_wait3A_83 = arith.constant 0 : i32
      %dma_wait3A_84 = tpu.memref_slice %arg9[%add3A_22, %dma_wait3A_83] : memref<10112x128xf32, #tpu.memory_space<vmem_shared>> -> memref<120x128xf32, #tpu.memory_space<vmem_shared>>
      %dma_wait3A_85 = arith.constant 0 : i32
      %dma_wait3A_86 = arith.constant 0 : i32
      %dma_wait3A_87 = tpu.memref_slice %arg8[%run_scoped3A_23, %dma_wait3A_85, %dma_wait3A_86] : memref<2x128x128xf32, #tpu.memory_space<vmem>> -> memref<1x128x128xf32, #tpu.memory_space<vmem>>
      %dma_wait3A_88 = tpu.memref_squeeze %dma_wait3A_87 : memref<1x128x128xf32, #tpu.memory_space<vmem>> -> memref<128x128xf32, #tpu.memory_space<vmem>>
      %dma_wait3A_89 = arith.constant 0 : i32
      %dma_wait3A_90 = arith.constant 0 : i32
      %dma_wait3A_91 = tpu.memref_slice %dma_wait3A_88[%dma_wait3A_89, %dma_wait3A_90] : memref<128x128xf32, #tpu.memory_space<vmem>> -> memref<120x128xf32, #tpu.memory_space<vmem>>
      tpu.wait_dma2 semaphore(%run_scoped3A_56 : memref<!tpu.dma_semaphore, #tpu.memory_space<semaphore_mem>>) src(%dma_wait3A_91 : memref<120x128xf32, #tpu.memory_space<vmem>>) dst(%dma_wait3A_84 : memref<120x128xf32, #tpu.memory_space<vmem_shared>>)
      tpu.yield
    }) : () -> ()
    %barrier3A = arith.constant 0 : index
    tpu.barrier barrier_id(%barrier3A)
    %scan3A_24 = arith.constant 0 : i32
    %scan3A_25 = arith.constant 0 : i32
    %scan3A_26 = arith.constant 5 : i32
    %scan3A_27 = arith.addi %scan3A_25, %scan3A_26 : i32
    %scan3A_28 = arith.constant 1 : i32
    scf.for %scan3A_56 = %scan3A_25 to %scan3A_27 step %scan3A_28  : i32 {
      %mul3A_57 = arith.constant 16 : i32
      %mul3A_58 = arith.muli %add3A_2, %mul3A_57 : i32
      %add3A_59 = arith.addi %mul3A_58, %arg1 : i32
      %mul3A_60 = arith.constant 16 : i32
      %mul3A_61 = arith.muli %scan3A_56, %mul3A_60 : i32
      "tpu.region"() ({
        %run_scoped3A_819 = tpu.sem_alloc : memref<!tpu.dma_semaphore, #tpu.memory_space<semaphore_mem>>
        %dma_start3A_820 = arith.constant 0 : i32
        %dma_start3A_821 = tpu.memref_slice %arg3[%add3A_59, %mul3A_61, %dma_start3A_820] : memref<32x80x128xi32, #tpu.memory_space<hbm>> -> memref<1x16x128xi32, #tpu.memory_space<hbm>>
        %dma_start3A_822 = tpu.memref_squeeze %dma_start3A_821 : memref<1x16x128xi32, #tpu.memory_space<hbm>> -> memref<16x128xi32, #tpu.memory_space<hbm>>
        %dma_start3A_823 = arith.constant 0 : i32
        %dma_start3A_824 = tpu.memref_slice %arg3[%add3A_59, %mul3A_61, %dma_start3A_823] : memref<32x80x128xi32, #tpu.memory_space<hbm>> -> memref<1x16x128xi32, #tpu.memory_space<hbm>>
        %dma_start3A_825 = tpu.memref_squeeze %dma_start3A_824 : memref<1x16x128xi32, #tpu.memory_space<hbm>> -> memref<16x128xi32, #tpu.memory_space<hbm>>
        tpu.enqueue_dma source(%dma_start3A_825 : memref<16x128xi32, #tpu.memory_space<hbm>>) target(%arg6 : memref<16x128xi32, #tpu.memory_space<vmem>>) target_semaphore(%run_scoped3A_819 : memref<!tpu.dma_semaphore, #tpu.memory_space<semaphore_mem>>)
        %dma_wait3A_826 = arith.constant 0 : i32
        %dma_wait3A_827 = tpu.memref_slice %arg3[%add3A_59, %mul3A_61, %dma_wait3A_826] : memref<32x80x128xi32, #tpu.memory_space<hbm>> -> memref<1x16x128xi32, #tpu.memory_space<hbm>>
        %dma_wait3A_828 = tpu.memref_squeeze %dma_wait3A_827 : memref<1x16x128xi32, #tpu.memory_space<hbm>> -> memref<16x128xi32, #tpu.memory_space<hbm>>
        %dma_wait3A_829 = arith.constant 0 : i32
        %dma_wait3A_830 = tpu.memref_slice %arg3[%add3A_59, %mul3A_61, %dma_wait3A_829] : memref<32x80x128xi32, #tpu.memory_space<hbm>> -> memref<1x16x128xi32, #tpu.memory_space<hbm>>
        %dma_wait3A_831 = tpu.memref_squeeze %dma_wait3A_830 : memref<1x16x128xi32, #tpu.memory_space<hbm>> -> memref<16x128xi32, #tpu.memory_space<hbm>>
        tpu.wait_dma2 semaphore(%run_scoped3A_819 : memref<!tpu.dma_semaphore, #tpu.memory_space<semaphore_mem>>) src(%dma_wait3A_831 : memref<16x128xi32, #tpu.memory_space<hbm>>) dst(%arg6 : memref<16x128xi32, #tpu.memory_space<vmem>>)
        tpu.yield
      }) : () -> ()
      %mul3A_62 = arith.constant 16 : i32
      %mul3A_63 = arith.muli %add3A_2, %mul3A_62 : i32
      %add3A_64 = arith.addi %mul3A_63, %arg1 : i32
      %mul3A_65 = arith.constant 16 : i32
      %mul3A_66 = arith.muli %scan3A_56, %mul3A_65 : i32
      "tpu.region"() ({
        %run_scoped3A_819 = tpu.sem_alloc : memref<!tpu.dma_semaphore, #tpu.memory_space<semaphore_mem>>
        %dma_start3A_820 = arith.constant 0 : i32
        %dma_start3A_821 = tpu.memref_slice %arg4[%add3A_64, %mul3A_66, %dma_start3A_820] : memref<32x80x128xi32, #tpu.memory_space<hbm>> -> memref<1x16x128xi32, #tpu.memory_space<hbm>>
        %dma_start3A_822 = tpu.memref_squeeze %dma_start3A_821 : memref<1x16x128xi32, #tpu.memory_space<hbm>> -> memref<16x128xi32, #tpu.memory_space<hbm>>
        %dma_start3A_823 = arith.constant 0 : i32
        %dma_start3A_824 = tpu.memref_slice %arg4[%add3A_64, %mul3A_66, %dma_start3A_823] : memref<32x80x128xi32, #tpu.memory_space<hbm>> -> memref<1x16x128xi32, #tpu.memory_space<hbm>>
        %dma_start3A_825 = tpu.memref_squeeze %dma_start3A_824 : memref<1x16x128xi32, #tpu.memory_space<hbm>> -> memref<16x128xi32, #tpu.memory_space<hbm>>
        tpu.enqueue_dma source(%dma_start3A_825 : memref<16x128xi32, #tpu.memory_space<hbm>>) target(%arg7 : memref<16x128xi32, #tpu.memory_space<vmem>>) target_semaphore(%run_scoped3A_819 : memref<!tpu.dma_semaphore, #tpu.memory_space<semaphore_mem>>)
        %dma_wait3A_826 = arith.constant 0 : i32
        %dma_wait3A_827 = tpu.memref_slice %arg4[%add3A_64, %mul3A_66, %dma_wait3A_826] : memref<32x80x128xi32, #tpu.memory_space<hbm>> -> memref<1x16x128xi32, #tpu.memory_space<hbm>>
        %dma_wait3A_828 = tpu.memref_squeeze %dma_wait3A_827 : memref<1x16x128xi32, #tpu.memory_space<hbm>> -> memref<16x128xi32, #tpu.memory_space<hbm>>
        %dma_wait3A_829 = arith.constant 0 : i32
        %dma_wait3A_830 = tpu.memref_slice %arg4[%add3A_64, %mul3A_66, %dma_wait3A_829] : memref<32x80x128xi32, #tpu.memory_space<hbm>> -> memref<1x16x128xi32, #tpu.memory_space<hbm>>
        %dma_wait3A_831 = tpu.memref_squeeze %dma_wait3A_830 : memref<1x16x128xi32, #tpu.memory_space<hbm>> -> memref<16x128xi32, #tpu.memory_space<hbm>>
        tpu.wait_dma2 semaphore(%run_scoped3A_819 : memref<!tpu.dma_semaphore, #tpu.memory_space<semaphore_mem>>) src(%dma_wait3A_831 : memref<16x128xi32, #tpu.memory_space<hbm>>) dst(%arg7 : memref<16x128xi32, #tpu.memory_space<vmem>>)
        tpu.yield
      }) : () -> ()
      %gt3A = arith.constant 0 : i32
      %gt3A_67 = arith.cmpi sgt, %scan3A_56, %gt3A : i32
      %convert_element_type3A_68 = arith.extui %gt3A_67 : i1 to i32
      %cond3A_69 = arith.constant 0 : i32
      %cond3A_70 = arith.cmpi ne, %convert_element_type3A_68, %cond3A_69 : i32
      scf.if %cond3A_70 {
        %dma_wait3A_819 = arith.constant 0 : i32
        %dma_wait3A_820 = arith.constant 0 : i32
        %dma_wait3A_821 = arith.constant 0 : i32
        %dma_wait3A_822 = arith.constant 0 : i32
        %dma_wait3A_823 = tpu.memref_slice %arg8[%dma_wait3A_819, %dma_wait3A_821, %dma_wait3A_822] : memref<2x128x128xf32, #tpu.memory_space<vmem>> -> memref<1x128x128xf32, #tpu.memory_space<vmem>>
        %dma_wait3A_824 = tpu.memref_squeeze %dma_wait3A_823 : memref<1x128x128xf32, #tpu.memory_space<vmem>> -> memref<128x128xf32, #tpu.memory_space<vmem>>
        %dma_wait3A_825 = arith.constant 0 : i32
        %dma_wait3A_826 = tpu.memref_slice %arg7[%dma_wait3A_820, %dma_wait3A_825] : memref<16x128xi32, #tpu.memory_space<vmem>> -> memref<1x128xi32, #tpu.memory_space<vmem>>
        %dma_wait3A_827 = tpu.memref_squeeze %dma_wait3A_826 : memref<1x128xi32, #tpu.memory_space<vmem>> -> memref<128xi32, #tpu.memory_space<vmem>>
        %dma_wait3A_828 = arith.constant 0 : i32
        %dma_wait3A_829 = arith.constant 0 : i32
        %dma_wait3A_830 = tpu.memref_slice %arg9[%dma_wait3A_828, %dma_wait3A_829] : memref<10112x128xf32, #tpu.memory_space<vmem_shared>> -> memref<10112x128xf32, #tpu.memory_space<vmem_shared>>
        tpu.wait_indirect_dma semaphore(%arg12 : memref<!tpu.dma_semaphore, #tpu.memory_space<semaphore_mem>>) src(%dma_wait3A_824 : memref<128x128xf32, #tpu.memory_space<vmem>>) dst(%dma_wait3A_830 : memref<10112x128xf32, #tpu.memory_space<vmem_shared>>)
      } else {
      }
      %dma_start3A = arith.constant 0 : i32
      %dma_start3A_71 = arith.constant 0 : i32
      %dma_start3A_72 = arith.constant 0 : i32
      %dma_start3A_73 = arith.constant 0 : i32
      %dma_start3A_74 = tpu.memref_slice %arg8[%dma_start3A_71, %dma_start3A_72, %dma_start3A_73] : memref<2x128x128xf32, #tpu.memory_space<vmem>> -> memref<1x128x128xf32, #tpu.memory_space<vmem>>
      %dma_start3A_75 = tpu.memref_squeeze %dma_start3A_74 : memref<1x128x128xf32, #tpu.memory_space<vmem>> -> memref<128x128xf32, #tpu.memory_space<vmem>>
      %dma_start3A_76 = arith.constant 0 : i32
      %dma_start3A_77 = tpu.memref_slice %arg6[%dma_start3A, %dma_start3A_76] : memref<16x128xi32, #tpu.memory_space<vmem>> -> memref<1x128xi32, #tpu.memory_space<vmem>>
      %dma_start3A_78 = tpu.memref_squeeze %dma_start3A_77 : memref<1x128xi32, #tpu.memory_space<vmem>> -> memref<128xi32, #tpu.memory_space<vmem>>
      %dma_start3A_79 = arith.constant 0 : i32
      %dma_start3A_80 = arith.constant 0 : i32
      %dma_start3A_81 = tpu.memref_slice %arg2[%dma_start3A_79, %dma_start3A_80] : memref<10000x128xf32, #tpu.memory_space<hbm>> -> memref<10000x128xf32, #tpu.memory_space<hbm>>
      tpu.enqueue_indirect_dma source(%dma_start3A_81 : memref<10000x128xf32, #tpu.memory_space<hbm>>) target(%dma_start3A_75 : memref<128x128xf32, #tpu.memory_space<vmem>>) offsets(%dma_start3A_78 : memref<128xi32, #tpu.memory_space<vmem>>) semaphore(%arg10 : memref<!tpu.dma_semaphore, #tpu.memory_space<semaphore_mem>>)
      %dma_wait3A_82 = arith.constant 0 : i32
      %dma_wait3A_83 = arith.constant 0 : i32
      %dma_wait3A_84 = arith.constant 0 : i32
      %dma_wait3A_85 = arith.constant 0 : i32
      %dma_wait3A_86 = tpu.memref_slice %arg8[%dma_wait3A_83, %dma_wait3A_84, %dma_wait3A_85] : memref<2x128x128xf32, #tpu.memory_space<vmem>> -> memref<1x128x128xf32, #tpu.memory_space<vmem>>
      %dma_wait3A_87 = tpu.memref_squeeze %dma_wait3A_86 : memref<1x128x128xf32, #tpu.memory_space<vmem>> -> memref<128x128xf32, #tpu.memory_space<vmem>>
      %dma_wait3A_88 = arith.constant 0 : i32
      %dma_wait3A_89 = tpu.memref_slice %arg6[%dma_wait3A_82, %dma_wait3A_88] : memref<16x128xi32, #tpu.memory_space<vmem>> -> memref<1x128xi32, #tpu.memory_space<vmem>>
      %dma_wait3A_90 = tpu.memref_squeeze %dma_wait3A_89 : memref<1x128xi32, #tpu.memory_space<vmem>> -> memref<128xi32, #tpu.memory_space<vmem>>
      %dma_wait3A_91 = arith.constant 0 : i32
      %dma_wait3A_92 = arith.constant 0 : i32
      %dma_wait3A_93 = tpu.memref_slice %arg2[%dma_wait3A_91, %dma_wait3A_92] : memref<10000x128xf32, #tpu.memory_space<hbm>> -> memref<10000x128xf32, #tpu.memory_space<hbm>>
      tpu.wait_indirect_dma semaphore(%arg10 : memref<!tpu.dma_semaphore, #tpu.memory_space<semaphore_mem>>) src(%dma_wait3A_93 : memref<10000x128xf32, #tpu.memory_space<hbm>>) dst(%dma_wait3A_87 : memref<128x128xf32, #tpu.memory_space<vmem>>)
      %gt3A_94 = arith.constant 0 : i32
      %gt3A_95 = arith.cmpi sgt, %scan3A_56, %gt3A_94 : i32
      %convert_element_type3A_96 = arith.extui %gt3A_95 : i1 to i32
      %cond3A_97 = arith.constant 0 : i32
      %cond3A_98 = arith.cmpi ne, %convert_element_type3A_96, %cond3A_97 : i32
      scf.if %cond3A_98 {
        %dma_wait3A_819 = arith.constant 1 : i32
        %dma_wait3A_820 = arith.constant 0 : i32
        %dma_wait3A_821 = arith.constant 0 : i32
        %dma_wait3A_822 = arith.constant 0 : i32
        %dma_wait3A_823 = tpu.memref_slice %arg8[%dma_wait3A_819, %dma_wait3A_821, %dma_wait3A_822] : memref<2x128x128xf32, #tpu.memory_space<vmem>> -> memref<1x128x128xf32, #tpu.memory_space<vmem>>
        %dma_wait3A_824 = tpu.memref_squeeze %dma_wait3A_823 : memref<1x128x128xf32, #tpu.memory_space<vmem>> -> memref<128x128xf32, #tpu.memory_space<vmem>>
        %dma_wait3A_825 = arith.constant 0 : i32
        %dma_wait3A_826 = tpu.memref_slice %arg7[%dma_wait3A_820, %dma_wait3A_825] : memref<16x128xi32, #tpu.memory_space<vmem>> -> memref<1x128xi32, #tpu.memory_space<vmem>>
        %dma_wait3A_827 = tpu.memref_squeeze %dma_wait3A_826 : memref<1x128xi32, #tpu.memory_space<vmem>> -> memref<128xi32, #tpu.memory_space<vmem>>
        %dma_wait3A_828 = arith.constant 0 : i32
        %dma_wait3A_829 = arith.constant 0 : i32
        %dma_wait3A_830 = tpu.memref_slice %arg9[%dma_wait3A_828, %dma_wait3A_829] : memref<10112x128xf32, #tpu.memory_space<vmem_shared>> -> memref<10112x128xf32, #tpu.memory_space<vmem_shared>>
        tpu.wait_indirect_dma semaphore(%arg13 : memref<!tpu.dma_semaphore, #tpu.memory_space<semaphore_mem>>) src(%dma_wait3A_824 : memref<128x128xf32, #tpu.memory_space<vmem>>) dst(%dma_wait3A_830 : memref<10112x128xf32, #tpu.memory_space<vmem_shared>>)
      } else {
      }
      %dma_start3A_99 = arith.constant 0 : i32
      %dma_start3A_100 = arith.constant 0 : i32
      %dma_start3A_101 = arith.constant 0 : i32
      %dma_start3A_102 = arith.constant 0 : i32
      %dma_start3A_103 = tpu.memref_slice %arg8[%dma_start3A_99, %dma_start3A_101, %dma_start3A_102] : memref<2x128x128xf32, #tpu.memory_space<vmem>> -> memref<1x128x128xf32, #tpu.memory_space<vmem>>
      %dma_start3A_104 = tpu.memref_squeeze %dma_start3A_103 : memref<1x128x128xf32, #tpu.memory_space<vmem>> -> memref<128x128xf32, #tpu.memory_space<vmem>>
      %dma_start3A_105 = arith.constant 0 : i32
      %dma_start3A_106 = tpu.memref_slice %arg7[%dma_start3A_100, %dma_start3A_105] : memref<16x128xi32, #tpu.memory_space<vmem>> -> memref<1x128xi32, #tpu.memory_space<vmem>>
      %dma_start3A_107 = tpu.memref_squeeze %dma_start3A_106 : memref<1x128xi32, #tpu.memory_space<vmem>> -> memref<128xi32, #tpu.memory_space<vmem>>
      %dma_start3A_108 = arith.constant 0 : i32
      %dma_start3A_109 = arith.constant 0 : i32
      %dma_start3A_110 = tpu.memref_slice %arg9[%dma_start3A_108, %dma_start3A_109] : memref<10112x128xf32, #tpu.memory_space<vmem_shared>> -> memref<10112x128xf32, #tpu.memory_space<vmem_shared>>
      tpu.enqueue_indirect_dma source(%dma_start3A_104 : memref<128x128xf32, #tpu.memory_space<vmem>>) target(%dma_start3A_110 : memref<10112x128xf32, #tpu.memory_space<vmem_shared>>) offsets(%dma_start3A_107 : memref<128xi32, #tpu.memory_space<vmem>>) semaphore(%arg12 : memref<!tpu.dma_semaphore, #tpu.memory_space<semaphore_mem>>) {add = true}
      %dma_start3A_111 = arith.constant 1 : i32
      %dma_start3A_112 = arith.constant 1 : i32
      %dma_start3A_113 = arith.constant 0 : i32
      %dma_start3A_114 = arith.constant 0 : i32
      %dma_start3A_115 = tpu.memref_slice %arg8[%dma_start3A_112, %dma_start3A_113, %dma_start3A_114] : memref<2x128x128xf32, #tpu.memory_space<vmem>> -> memref<1x128x128xf32, #tpu.memory_space<vmem>>
      %dma_start3A_116 = tpu.memref_squeeze %dma_start3A_115 : memref<1x128x128xf32, #tpu.memory_space<vmem>> -> memref<128x128xf32, #tpu.memory_space<vmem>>
      %dma_start3A_117 = arith.constant 0 : i32
      %dma_start3A_118 = tpu.memref_slice %arg6[%dma_start3A_111, %dma_start3A_117] : memref<16x128xi32, #tpu.memory_space<vmem>> -> memref<1x128xi32, #tpu.memory_space<vmem>>
      %dma_start3A_119 = tpu.memref_squeeze %dma_start3A_118 : memref<1x128xi32, #tpu.memory_space<vmem>> -> memref<128xi32, #tpu.memory_space<vmem>>
      %dma_start3A_120 = arith.constant 0 : i32
      %dma_start3A_121 = arith.constant 0 : i32
      %dma_start3A_122 = tpu.memref_slice %arg2[%dma_start3A_120, %dma_start3A_121] : memref<10000x128xf32, #tpu.memory_space<hbm>> -> memref<10000x128xf32, #tpu.memory_space<hbm>>
      tpu.enqueue_indirect_dma source(%dma_start3A_122 : memref<10000x128xf32, #tpu.memory_space<hbm>>) target(%dma_start3A_116 : memref<128x128xf32, #tpu.memory_space<vmem>>) offsets(%dma_start3A_119 : memref<128xi32, #tpu.memory_space<vmem>>) semaphore(%arg11 : memref<!tpu.dma_semaphore, #tpu.memory_space<semaphore_mem>>)
      %dma_wait3A_123 = arith.constant 0 : i32
      %dma_wait3A_124 = arith.constant 1 : i32
      %dma_wait3A_125 = arith.constant 0 : i32
      %dma_wait3A_126 = arith.constant 0 : i32
      %dma_wait3A_127 = tpu.memref_slice %arg8[%dma_wait3A_124, %dma_wait3A_125, %dma_wait3A_126] : memref<2x128x128xf32, #tpu.memory_space<vmem>> -> memref<1x128x128xf32, #tpu.memory_space<vmem>>
      %dma_wait3A_128 = tpu.memref_squeeze %dma_wait3A_127 : memref<1x128x128xf32, #tpu.memory_space<vmem>> -> memref<128x128xf32, #tpu.memory_space<vmem>>
      %dma_wait3A_129 = arith.constant 0 : i32
      %dma_wait3A_130 = tpu.memref_slice %arg6[%dma_wait3A_123, %dma_wait3A_129] : memref<16x128xi32, #tpu.memory_space<vmem>> -> memref<1x128xi32, #tpu.memory_space<vmem>>
      %dma_wait3A_131 = tpu.memref_squeeze %dma_wait3A_130 : memref<1x128xi32, #tpu.memory_space<vmem>> -> memref<128xi32, #tpu.memory_space<vmem>>
      %dma_wait3A_132 = arith.constant 0 : i32
      %dma_wait3A_133 = arith.constant 0 : i32
      %dma_wait3A_134 = tpu.memref_slice %arg2[%dma_wait3A_132, %dma_wait3A_133] : memref<10000x128xf32, #tpu.memory_space<hbm>> -> memref<10000x128xf32, #tpu.memory_space<hbm>>
      tpu.wait_indirect_dma semaphore(%arg11 : memref<!tpu.dma_semaphore, #tpu.memory_space<semaphore_mem>>) src(%dma_wait3A_134 : memref<10000x128xf32, #tpu.memory_space<hbm>>) dst(%dma_wait3A_128 : memref<128x128xf32, #tpu.memory_space<vmem>>)
      %dma_start3A_135 = arith.constant 1 : i32
      %dma_start3A_136 = arith.constant 1 : i32
      %dma_start3A_137 = arith.constant 0 : i32
      %dma_start3A_138 = arith.constant 0 : i32
      %dma_start3A_139 = tpu.memref_slice %arg8[%dma_start3A_135, %dma_start3A_137, %dma_start3A_138] : memref<2x128x128xf32, #tpu.memory_space<vmem>> -> memref<1x128x128xf32, #tpu.memory_space<vmem>>
      %dma_start3A_140 = tpu.memref_squeeze %dma_start3A_139 : memref<1x128x128xf32, #tpu.memory_space<vmem>> -> memref<128x128xf32, #tpu.memory_space<vmem>>
      %dma_start3A_141 = arith.constant 0 : i32
      %dma_start3A_142 = tpu.memref_slice %arg7[%dma_start3A_136, %dma_start3A_141] : memref<16x128xi32, #tpu.memory_space<vmem>> -> memref<1x128xi32, #tpu.memory_space<vmem>>
      %dma_start3A_143 = tpu.memref_squeeze %dma_start3A_142 : memref<1x128xi32, #tpu.memory_space<vmem>> -> memref<128xi32, #tpu.memory_space<vmem>>
      %dma_start3A_144 = arith.constant 0 : i32
      %dma_start3A_145 = arith.constant 0 : i32
      %dma_start3A_146 = tpu.memref_slice %arg9[%dma_start3A_144, %dma_start3A_145] : memref<10112x128xf32, #tpu.memory_space<vmem_shared>> -> memref<10112x128xf32, #tpu.memory_space<vmem_shared>>
      tpu.enqueue_indirect_dma source(%dma_start3A_140 : memref<128x128xf32, #tpu.memory_space<vmem>>) target(%dma_start3A_146 : memref<10112x128xf32, #tpu.memory_space<vmem_shared>>) offsets(%dma_start3A_143 : memref<128xi32, #tpu.memory_space<vmem>>) semaphore(%arg13 : memref<!tpu.dma_semaphore, #tpu.memory_space<semaphore_mem>>) {add = true}
      %dma_wait3A_147 = arith.constant 0 : i32
      %dma_wait3A_148 = arith.constant 0 : i32
      %dma_wait3A_149 = arith.constant 0 : i32
      %dma_wait3A_150 = arith.constant 0 : i32
      %dma_wait3A_151 = tpu.memref_slice %arg8[%dma_wait3A_147, %dma_wait3A_149, %dma_wait3A_150] : memref<2x128x128xf32, #tpu.memory_space<vmem>> -> memref<1x128x128xf32, #tpu.memory_space<vmem>>
      %dma_wait3A_152 = tpu.memref_squeeze %dma_wait3A_151 : memref<1x128x128xf32, #tpu.memory_space<vmem>> -> memref<128x128xf32, #tpu.memory_space<vmem>>
      %dma_wait3A_153 = arith.constant 0 : i32
      %dma_wait3A_154 = tpu.memref_slice %arg7[%dma_wait3A_148, %dma_wait3A_153] : memref<16x128xi32, #tpu.memory_space<vmem>> -> memref<1x128xi32, #tpu.memory_space<vmem>>
      %dma_wait3A_155 = tpu.memref_squeeze %dma_wait3A_154 : memref<1x128xi32, #tpu.memory_space<vmem>> -> memref<128xi32, #tpu.memory_space<vmem>>
      %dma_wait3A_156 = arith.constant 0 : i32
      %dma_wait3A_157 = arith.constant 0 : i32
      %dma_wait3A_158 = tpu.memref_slice %arg9[%dma_wait3A_156, %dma_wait3A_157] : memref<10112x128xf32, #tpu.memory_space<vmem_shared>> -> memref<10112x128xf32, #tpu.memory_space<vmem_shared>>
      tpu.wait_indirect_dma semaphore(%arg12 : memref<!tpu.dma_semaphore, #tpu.memory_space<semaphore_mem>>) src(%dma_wait3A_152 : memref<128x128xf32, #tpu.memory_space<vmem>>) dst(%dma_wait3A_158 : memref<10112x128xf32, #tpu.memory_space<vmem_shared>>)
      %dma_start3A_159 = arith.constant 2 : i32
      %dma_start3A_160 = arith.constant 0 : i32
      %dma_start3A_161 = arith.constant 0 : i32
      %dma_start3A_162 = arith.constant 0 : i32
      %dma_start3A_163 = tpu.memref_slice %arg8[%dma_start3A_160, %dma_start3A_161, %dma_start3A_162] : memref<2x128x128xf32, #tpu.memory_space<vmem>> -> memref<1x128x128xf32, #tpu.memory_space<vmem>>
      %dma_start3A_164 = tpu.memref_squeeze %dma_start3A_163 : memref<1x128x128xf32, #tpu.memory_space<vmem>> -> memref<128x128xf32, #tpu.memory_space<vmem>>
      %dma_start3A_165 = arith.constant 0 : i32
      %dma_start3A_166 = tpu.memref_slice %arg6[%dma_start3A_159, %dma_start3A_165] : memref<16x128xi32, #tpu.memory_space<vmem>> -> memref<1x128xi32, #tpu.memory_space<vmem>>
      %dma_start3A_167 = tpu.memref_squeeze %dma_start3A_166 : memref<1x128xi32, #tpu.memory_space<vmem>> -> memref<128xi32, #tpu.memory_space<vmem>>
      %dma_start3A_168 = arith.constant 0 : i32
      %dma_start3A_169 = arith.constant 0 : i32
      %dma_start3A_170 = tpu.memref_slice %arg2[%dma_start3A_168, %dma_start3A_169] : memref<10000x128xf32, #tpu.memory_space<hbm>> -> memref<10000x128xf32, #tpu.memory_space<hbm>>
      tpu.enqueue_indirect_dma source(%dma_start3A_170 : memref<10000x128xf32, #tpu.memory_space<hbm>>) target(%dma_start3A_164 : memref<128x128xf32, #tpu.memory_space<vmem>>) offsets(%dma_start3A_167 : memref<128xi32, #tpu.memory_space<vmem>>) semaphore(%arg10 : memref<!tpu.dma_semaphore, #tpu.memory_space<semaphore_mem>>)
      %dma_wait3A_171 = arith.constant 0 : i32
      %dma_wait3A_172 = arith.constant 0 : i32
      %dma_wait3A_173 = arith.constant 0 : i32
      %dma_wait3A_174 = arith.constant 0 : i32
      %dma_wait3A_175 = tpu.memref_slice %arg8[%dma_wait3A_172, %dma_wait3A_173, %dma_wait3A_174] : memref<2x128x128xf32, #tpu.memory_space<vmem>> -> memref<1x128x128xf32, #tpu.memory_space<vmem>>
      %dma_wait3A_176 = tpu.memref_squeeze %dma_wait3A_175 : memref<1x128x128xf32, #tpu.memory_space<vmem>> -> memref<128x128xf32, #tpu.memory_space<vmem>>
      %dma_wait3A_177 = arith.constant 0 : i32
      %dma_wait3A_178 = tpu.memref_slice %arg6[%dma_wait3A_171, %dma_wait3A_177] : memref<16x128xi32, #tpu.memory_space<vmem>> -> memref<1x128xi32, #tpu.memory_space<vmem>>
      %dma_wait3A_179 = tpu.memref_squeeze %dma_wait3A_178 : memref<1x128xi32, #tpu.memory_space<vmem>> -> memref<128xi32, #tpu.memory_space<vmem>>
      %dma_wait3A_180 = arith.constant 0 : i32
      %dma_wait3A_181 = arith.constant 0 : i32
      %dma_wait3A_182 = tpu.memref_slice %arg2[%dma_wait3A_180, %dma_wait3A_181] : memref<10000x128xf32, #tpu.memory_space<hbm>> -> memref<10000x128xf32, #tpu.memory_space<hbm>>
      tpu.wait_indirect_dma semaphore(%arg10 : memref<!tpu.dma_semaphore, #tpu.memory_space<semaphore_mem>>) src(%dma_wait3A_182 : memref<10000x128xf32, #tpu.memory_space<hbm>>) dst(%dma_wait3A_176 : memref<128x128xf32, #tpu.memory_space<vmem>>)
      %dma_start3A_183 = arith.constant 0 : i32
      %dma_start3A_184 = arith.constant 2 : i32
      %dma_start3A_185 = arith.constant 0 : i32
      %dma_start3A_186 = arith.constant 0 : i32
      %dma_start3A_187 = tpu.memref_slice %arg8[%dma_start3A_183, %dma_start3A_185, %dma_start3A_186] : memref<2x128x128xf32, #tpu.memory_space<vmem>> -> memref<1x128x128xf32, #tpu.memory_space<vmem>>
      %dma_start3A_188 = tpu.memref_squeeze %dma_start3A_187 : memref<1x128x128xf32, #tpu.memory_space<vmem>> -> memref<128x128xf32, #tpu.memory_space<vmem>>
      %dma_start3A_189 = arith.constant 0 : i32
      %dma_start3A_190 = tpu.memref_slice %arg7[%dma_start3A_184, %dma_start3A_189] : memref<16x128xi32, #tpu.memory_space<vmem>> -> memref<1x128xi32, #tpu.memory_space<vmem>>
      %dma_start3A_191 = tpu.memref_squeeze %dma_start3A_190 : memref<1x128xi32, #tpu.memory_space<vmem>> -> memref<128xi32, #tpu.memory_space<vmem>>
      %dma_start3A_192 = arith.constant 0 : i32
      %dma_start3A_193 = arith.constant 0 : i32
      %dma_start3A_194 = tpu.memref_slice %arg9[%dma_start3A_192, %dma_start3A_193] : memref<10112x128xf32, #tpu.memory_space<vmem_shared>> -> memref<10112x128xf32, #tpu.memory_space<vmem_shared>>
      tpu.enqueue_indirect_dma source(%dma_start3A_188 : memref<128x128xf32, #tpu.memory_space<vmem>>) target(%dma_start3A_194 : memref<10112x128xf32, #tpu.memory_space<vmem_shared>>) offsets(%dma_start3A_191 : memref<128xi32, #tpu.memory_space<vmem>>) semaphore(%arg12 : memref<!tpu.dma_semaphore, #tpu.memory_space<semaphore_mem>>) {add = true}
      %dma_wait3A_195 = arith.constant 1 : i32
      %dma_wait3A_196 = arith.constant 0 : i32
      %dma_wait3A_197 = arith.constant 0 : i32
      %dma_wait3A_198 = arith.constant 0 : i32
      %dma_wait3A_199 = tpu.memref_slice %arg8[%dma_wait3A_195, %dma_wait3A_197, %dma_wait3A_198] : memref<2x128x128xf32, #tpu.memory_space<vmem>> -> memref<1x128x128xf32, #tpu.memory_space<vmem>>
      %dma_wait3A_200 = tpu.memref_squeeze %dma_wait3A_199 : memref<1x128x128xf32, #tpu.memory_space<vmem>> -> memref<128x128xf32, #tpu.memory_space<vmem>>
      %dma_wait3A_201 = arith.constant 0 : i32
      %dma_wait3A_202 = tpu.memref_slice %arg7[%dma_wait3A_196, %dma_wait3A_201] : memref<16x128xi32, #tpu.memory_space<vmem>> -> memref<1x128xi32, #tpu.memory_space<vmem>>
      %dma_wait3A_203 = tpu.memref_squeeze %dma_wait3A_202 : memref<1x128xi32, #tpu.memory_space<vmem>> -> memref<128xi32, #tpu.memory_space<vmem>>
      %dma_wait3A_204 = arith.constant 0 : i32
      %dma_wait3A_205 = arith.constant 0 : i32
      %dma_wait3A_206 = tpu.memref_slice %arg9[%dma_wait3A_204, %dma_wait3A_205] : memref<10112x128xf32, #tpu.memory_space<vmem_shared>> -> memref<10112x128xf32, #tpu.memory_space<vmem_shared>>
      tpu.wait_indirect_dma semaphore(%arg13 : memref<!tpu.dma_semaphore, #tpu.memory_space<semaphore_mem>>) src(%dma_wait3A_200 : memref<128x128xf32, #tpu.memory_space<vmem>>) dst(%dma_wait3A_206 : memref<10112x128xf32, #tpu.memory_space<vmem_shared>>)
      %dma_start3A_207 = arith.constant 3 : i32
      %dma_start3A_208 = arith.constant 1 : i32
      %dma_start3A_209 = arith.constant 0 : i32
      %dma_start3A_210 = arith.constant 0 : i32
      %dma_start3A_211 = tpu.memref_slice %arg8[%dma_start3A_208, %dma_start3A_209, %dma_start3A_210] : memref<2x128x128xf32, #tpu.memory_space<vmem>> -> memref<1x128x128xf32, #tpu.memory_space<vmem>>
      %dma_start3A_212 = tpu.memref_squeeze %dma_start3A_211 : memref<1x128x128xf32, #tpu.memory_space<vmem>> -> memref<128x128xf32, #tpu.memory_space<vmem>>
      %dma_start3A_213 = arith.constant 0 : i32
      %dma_start3A_214 = tpu.memref_slice %arg6[%dma_start3A_207, %dma_start3A_213] : memref<16x128xi32, #tpu.memory_space<vmem>> -> memref<1x128xi32, #tpu.memory_space<vmem>>
      %dma_start3A_215 = tpu.memref_squeeze %dma_start3A_214 : memref<1x128xi32, #tpu.memory_space<vmem>> -> memref<128xi32, #tpu.memory_space<vmem>>
      %dma_start3A_216 = arith.constant 0 : i32
      %dma_start3A_217 = arith.constant 0 : i32
      %dma_start3A_218 = tpu.memref_slice %arg2[%dma_start3A_216, %dma_start3A_217] : memref<10000x128xf32, #tpu.memory_space<hbm>> -> memref<10000x128xf32, #tpu.memory_space<hbm>>
      tpu.enqueue_indirect_dma source(%dma_start3A_218 : memref<10000x128xf32, #tpu.memory_space<hbm>>) target(%dma_start3A_212 : memref<128x128xf32, #tpu.memory_space<vmem>>) offsets(%dma_start3A_215 : memref<128xi32, #tpu.memory_space<vmem>>) semaphore(%arg11 : memref<!tpu.dma_semaphore, #tpu.memory_space<semaphore_mem>>)
      %dma_wait3A_219 = arith.constant 0 : i32
      %dma_wait3A_220 = arith.constant 1 : i32
      %dma_wait3A_221 = arith.constant 0 : i32
      %dma_wait3A_222 = arith.constant 0 : i32
      %dma_wait3A_223 = tpu.memref_slice %arg8[%dma_wait3A_220, %dma_wait3A_221, %dma_wait3A_222] : memref<2x128x128xf32, #tpu.memory_space<vmem>> -> memref<1x128x128xf32, #tpu.memory_space<vmem>>
      %dma_wait3A_224 = tpu.memref_squeeze %dma_wait3A_223 : memref<1x128x128xf32, #tpu.memory_space<vmem>> -> memref<128x128xf32, #tpu.memory_space<vmem>>
      %dma_wait3A_225 = arith.constant 0 : i32
      %dma_wait3A_226 = tpu.memref_slice %arg6[%dma_wait3A_219, %dma_wait3A_225] : memref<16x128xi32, #tpu.memory_space<vmem>> -> memref<1x128xi32, #tpu.memory_space<vmem>>
      %dma_wait3A_227 = tpu.memref_squeeze %dma_wait3A_226 : memref<1x128xi32, #tpu.memory_space<vmem>> -> memref<128xi32, #tpu.memory_space<vmem>>
      %dma_wait3A_228 = arith.constant 0 : i32
      %dma_wait3A_229 = arith.constant 0 : i32
      %dma_wait3A_230 = tpu.memref_slice %arg2[%dma_wait3A_228, %dma_wait3A_229] : memref<10000x128xf32, #tpu.memory_space<hbm>> -> memref<10000x128xf32, #tpu.memory_space<hbm>>
      tpu.wait_indirect_dma semaphore(%arg11 : memref<!tpu.dma_semaphore, #tpu.memory_space<semaphore_mem>>) src(%dma_wait3A_230 : memref<10000x128xf32, #tpu.memory_space<hbm>>) dst(%dma_wait3A_224 : memref<128x128xf32, #tpu.memory_space<vmem>>)
      %dma_start3A_231 = arith.constant 1 : i32
      %dma_start3A_232 = arith.constant 3 : i32
      %dma_start3A_233 = arith.constant 0 : i32
      %dma_start3A_234 = arith.constant 0 : i32
      %dma_start3A_235 = tpu.memref_slice %arg8[%dma_start3A_231, %dma_start3A_233, %dma_start3A_234] : memref<2x128x128xf32, #tpu.memory_space<vmem>> -> memref<1x128x128xf32, #tpu.memory_space<vmem>>
      %dma_start3A_236 = tpu.memref_squeeze %dma_start3A_235 : memref<1x128x128xf32, #tpu.memory_space<vmem>> -> memref<128x128xf32, #tpu.memory_space<vmem>>
      %dma_start3A_237 = arith.constant 0 : i32
      %dma_start3A_238 = tpu.memref_slice %arg7[%dma_start3A_232, %dma_start3A_237] : memref<16x128xi32, #tpu.memory_space<vmem>> -> memref<1x128xi32, #tpu.memory_space<vmem>>
      %dma_start3A_239 = tpu.memref_squeeze %dma_start3A_238 : memref<1x128xi32, #tpu.memory_space<vmem>> -> memref<128xi32, #tpu.memory_space<vmem>>
      %dma_start3A_240 = arith.constant 0 : i32
      %dma_start3A_241 = arith.constant 0 : i32
      %dma_start3A_242 = tpu.memref_slice %arg9[%dma_start3A_240, %dma_start3A_241] : memref<10112x128xf32, #tpu.memory_space<vmem_shared>> -> memref<10112x128xf32, #tpu.memory_space<vmem_shared>>
      tpu.enqueue_indirect_dma source(%dma_start3A_236 : memref<128x128xf32, #tpu.memory_space<vmem>>) target(%dma_start3A_242 : memref<10112x128xf32, #tpu.memory_space<vmem_shared>>) offsets(%dma_start3A_239 : memref<128xi32, #tpu.memory_space<vmem>>) semaphore(%arg13 : memref<!tpu.dma_semaphore, #tpu.memory_space<semaphore_mem>>) {add = true}
      %dma_wait3A_243 = arith.constant 0 : i32
      %dma_wait3A_244 = arith.constant 0 : i32
      %dma_wait3A_245 = arith.constant 0 : i32
      %dma_wait3A_246 = arith.constant 0 : i32
      %dma_wait3A_247 = tpu.memref_slice %arg8[%dma_wait3A_243, %dma_wait3A_245, %dma_wait3A_246] : memref<2x128x128xf32, #tpu.memory_space<vmem>> -> memref<1x128x128xf32, #tpu.memory_space<vmem>>
      %dma_wait3A_248 = tpu.memref_squeeze %dma_wait3A_247 : memref<1x128x128xf32, #tpu.memory_space<vmem>> -> memref<128x128xf32, #tpu.memory_space<vmem>>
      %dma_wait3A_249 = arith.constant 0 : i32
      %dma_wait3A_250 = tpu.memref_slice %arg7[%dma_wait3A_244, %dma_wait3A_249] : memref<16x128xi32, #tpu.memory_space<vmem>> -> memref<1x128xi32, #tpu.memory_space<vmem>>
      %dma_wait3A_251 = tpu.memref_squeeze %dma_wait3A_250 : memref<1x128xi32, #tpu.memory_space<vmem>> -> memref<128xi32, #tpu.memory_space<vmem>>
      %dma_wait3A_252 = arith.constant 0 : i32
      %dma_wait3A_253 = arith.constant 0 : i32
      %dma_wait3A_254 = tpu.memref_slice %arg9[%dma_wait3A_252, %dma_wait3A_253] : memref<10112x128xf32, #tpu.memory_space<vmem_shared>> -> memref<10112x128xf32, #tpu.memory_space<vmem_shared>>
      tpu.wait_indirect_dma semaphore(%arg12 : memref<!tpu.dma_semaphore, #tpu.memory_space<semaphore_mem>>) src(%dma_wait3A_248 : memref<128x128xf32, #tpu.memory_space<vmem>>) dst(%dma_wait3A_254 : memref<10112x128xf32, #tpu.memory_space<vmem_shared>>)
      %dma_start3A_255 = arith.constant 4 : i32
      %dma_start3A_256 = arith.constant 0 : i32
      %dma_start3A_257 = arith.constant 0 : i32
      %dma_start3A_258 = arith.constant 0 : i32
      %dma_start3A_259 = tpu.memref_slice %arg8[%dma_start3A_256, %dma_start3A_257, %dma_start3A_258] : memref<2x128x128xf32, #tpu.memory_space<vmem>> -> memref<1x128x128xf32, #tpu.memory_space<vmem>>
      %dma_start3A_260 = tpu.memref_squeeze %dma_start3A_259 : memref<1x128x128xf32, #tpu.memory_space<vmem>> -> memref<128x128xf32, #tpu.memory_space<vmem>>
      %dma_start3A_261 = arith.constant 0 : i32
      %dma_start3A_262 = tpu.memref_slice %arg6[%dma_start3A_255, %dma_start3A_261] : memref<16x128xi32, #tpu.memory_space<vmem>> -> memref<1x128xi32, #tpu.memory_space<vmem>>
      %dma_start3A_263 = tpu.memref_squeeze %dma_start3A_262 : memref<1x128xi32, #tpu.memory_space<vmem>> -> memref<128xi32, #tpu.memory_space<vmem>>
      %dma_start3A_264 = arith.constant 0 : i32
      %dma_start3A_265 = arith.constant 0 : i32
      %dma_start3A_266 = tpu.memref_slice %arg2[%dma_start3A_264, %dma_start3A_265] : memref<10000x128xf32, #tpu.memory_space<hbm>> -> memref<10000x128xf32, #tpu.memory_space<hbm>>
      tpu.enqueue_indirect_dma source(%dma_start3A_266 : memref<10000x128xf32, #tpu.memory_space<hbm>>) target(%dma_start3A_260 : memref<128x128xf32, #tpu.memory_space<vmem>>) offsets(%dma_start3A_263 : memref<128xi32, #tpu.memory_space<vmem>>) semaphore(%arg10 : memref<!tpu.dma_semaphore, #tpu.memory_space<semaphore_mem>>)
      %dma_wait3A_267 = arith.constant 0 : i32
      %dma_wait3A_268 = arith.constant 0 : i32
      %dma_wait3A_269 = arith.constant 0 : i32
      %dma_wait3A_270 = arith.constant 0 : i32
      %dma_wait3A_271 = tpu.memref_slice %arg8[%dma_wait3A_268, %dma_wait3A_269, %dma_wait3A_270] : memref<2x128x128xf32, #tpu.memory_space<vmem>> -> memref<1x128x128xf32, #tpu.memory_space<vmem>>
      %dma_wait3A_272 = tpu.memref_squeeze %dma_wait3A_271 : memref<1x128x128xf32, #tpu.memory_space<vmem>> -> memref<128x128xf32, #tpu.memory_space<vmem>>
      %dma_wait3A_273 = arith.constant 0 : i32
      %dma_wait3A_274 = tpu.memref_slice %arg6[%dma_wait3A_267, %dma_wait3A_273] : memref<16x128xi32, #tpu.memory_space<vmem>> -> memref<1x128xi32, #tpu.memory_space<vmem>>
      %dma_wait3A_275 = tpu.memref_squeeze %dma_wait3A_274 : memref<1x128xi32, #tpu.memory_space<vmem>> -> memref<128xi32, #tpu.memory_space<vmem>>
      %dma_wait3A_276 = arith.constant 0 : i32
      %dma_wait3A_277 = arith.constant 0 : i32
      %dma_wait3A_278 = tpu.memref_slice %arg2[%dma_wait3A_276, %dma_wait3A_277] : memref<10000x128xf32, #tpu.memory_space<hbm>> -> memref<10000x128xf32, #tpu.memory_space<hbm>>
      tpu.wait_indirect_dma semaphore(%arg10 : memref<!tpu.dma_semaphore, #tpu.memory_space<semaphore_mem>>) src(%dma_wait3A_278 : memref<10000x128xf32, #tpu.memory_space<hbm>>) dst(%dma_wait3A_272 : memref<128x128xf32, #tpu.memory_space<vmem>>)
      %dma_start3A_279 = arith.constant 0 : i32
      %dma_start3A_280 = arith.constant 4 : i32
      %dma_start3A_281 = arith.constant 0 : i32
      %dma_start3A_282 = arith.constant 0 : i32
      %dma_start3A_283 = tpu.memref_slice %arg8[%dma_start3A_279, %dma_start3A_281, %dma_start3A_282] : memref<2x128x128xf32, #tpu.memory_space<vmem>> -> memref<1x128x128xf32, #tpu.memory_space<vmem>>
      %dma_start3A_284 = tpu.memref_squeeze %dma_start3A_283 : memref<1x128x128xf32, #tpu.memory_space<vmem>> -> memref<128x128xf32, #tpu.memory_space<vmem>>
      %dma_start3A_285 = arith.constant 0 : i32
      %dma_start3A_286 = tpu.memref_slice %arg7[%dma_start3A_280, %dma_start3A_285] : memref<16x128xi32, #tpu.memory_space<vmem>> -> memref<1x128xi32, #tpu.memory_space<vmem>>
      %dma_start3A_287 = tpu.memref_squeeze %dma_start3A_286 : memref<1x128xi32, #tpu.memory_space<vmem>> -> memref<128xi32, #tpu.memory_space<vmem>>
      %dma_start3A_288 = arith.constant 0 : i32
      %dma_start3A_289 = arith.constant 0 : i32
      %dma_start3A_290 = tpu.memref_slice %arg9[%dma_start3A_288, %dma_start3A_289] : memref<10112x128xf32, #tpu.memory_space<vmem_shared>> -> memref<10112x128xf32, #tpu.memory_space<vmem_shared>>
      tpu.enqueue_indirect_dma source(%dma_start3A_284 : memref<128x128xf32, #tpu.memory_space<vmem>>) target(%dma_start3A_290 : memref<10112x128xf32, #tpu.memory_space<vmem_shared>>) offsets(%dma_start3A_287 : memref<128xi32, #tpu.memory_space<vmem>>) semaphore(%arg12 : memref<!tpu.dma_semaphore, #tpu.memory_space<semaphore_mem>>) {add = true}
      %dma_wait3A_291 = arith.constant 1 : i32
      %dma_wait3A_292 = arith.constant 0 : i32
      %dma_wait3A_293 = arith.constant 0 : i32
      %dma_wait3A_294 = arith.constant 0 : i32
      %dma_wait3A_295 = tpu.memref_slice %arg8[%dma_wait3A_291, %dma_wait3A_293, %dma_wait3A_294] : memref<2x128x128xf32, #tpu.memory_space<vmem>> -> memref<1x128x128xf32, #tpu.memory_space<vmem>>
      %dma_wait3A_296 = tpu.memref_squeeze %dma_wait3A_295 : memref<1x128x128xf32, #tpu.memory_space<vmem>> -> memref<128x128xf32, #tpu.memory_space<vmem>>
      %dma_wait3A_297 = arith.constant 0 : i32
      %dma_wait3A_298 = tpu.memref_slice %arg7[%dma_wait3A_292, %dma_wait3A_297] : memref<16x128xi32, #tpu.memory_space<vmem>> -> memref<1x128xi32, #tpu.memory_space<vmem>>
      %dma_wait3A_299 = tpu.memref_squeeze %dma_wait3A_298 : memref<1x128xi32, #tpu.memory_space<vmem>> -> memref<128xi32, #tpu.memory_space<vmem>>
      %dma_wait3A_300 = arith.constant 0 : i32
      %dma_wait3A_301 = arith.constant 0 : i32
      %dma_wait3A_302 = tpu.memref_slice %arg9[%dma_wait3A_300, %dma_wait3A_301] : memref<10112x128xf32, #tpu.memory_space<vmem_shared>> -> memref<10112x128xf32, #tpu.memory_space<vmem_shared>>
      tpu.wait_indirect_dma semaphore(%arg13 : memref<!tpu.dma_semaphore, #tpu.memory_space<semaphore_mem>>) src(%dma_wait3A_296 : memref<128x128xf32, #tpu.memory_space<vmem>>) dst(%dma_wait3A_302 : memref<10112x128xf32, #tpu.memory_space<vmem_shared>>)
      %dma_start3A_303 = arith.constant 5 : i32
      %dma_start3A_304 = arith.constant 1 : i32
      %dma_start3A_305 = arith.constant 0 : i32
      %dma_start3A_306 = arith.constant 0 : i32
      %dma_start3A_307 = tpu.memref_slice %arg8[%dma_start3A_304, %dma_start3A_305, %dma_start3A_306] : memref<2x128x128xf32, #tpu.memory_space<vmem>> -> memref<1x128x128xf32, #tpu.memory_space<vmem>>
      %dma_start3A_308 = tpu.memref_squeeze %dma_start3A_307 : memref<1x128x128xf32, #tpu.memory_space<vmem>> -> memref<128x128xf32, #tpu.memory_space<vmem>>
      %dma_start3A_309 = arith.constant 0 : i32
      %dma_start3A_310 = tpu.memref_slice %arg6[%dma_start3A_303, %dma_start3A_309] : memref<16x128xi32, #tpu.memory_space<vmem>> -> memref<1x128xi32, #tpu.memory_space<vmem>>
      %dma_start3A_311 = tpu.memref_squeeze %dma_start3A_310 : memref<1x128xi32, #tpu.memory_space<vmem>> -> memref<128xi32, #tpu.memory_space<vmem>>
      %dma_start3A_312 = arith.constant 0 : i32
      %dma_start3A_313 = arith.constant 0 : i32
      %dma_start3A_314 = tpu.memref_slice %arg2[%dma_start3A_312, %dma_start3A_313] : memref<10000x128xf32, #tpu.memory_space<hbm>> -> memref<10000x128xf32, #tpu.memory_space<hbm>>
      tpu.enqueue_indirect_dma source(%dma_start3A_314 : memref<10000x128xf32, #tpu.memory_space<hbm>>) target(%dma_start3A_308 : memref<128x128xf32, #tpu.memory_space<vmem>>) offsets(%dma_start3A_311 : memref<128xi32, #tpu.memory_space<vmem>>) semaphore(%arg11 : memref<!tpu.dma_semaphore, #tpu.memory_space<semaphore_mem>>)
      %dma_wait3A_315 = arith.constant 0 : i32
      %dma_wait3A_316 = arith.constant 1 : i32
      %dma_wait3A_317 = arith.constant 0 : i32
      %dma_wait3A_318 = arith.constant 0 : i32
      %dma_wait3A_319 = tpu.memref_slice %arg8[%dma_wait3A_316, %dma_wait3A_317, %dma_wait3A_318] : memref<2x128x128xf32, #tpu.memory_space<vmem>> -> memref<1x128x128xf32, #tpu.memory_space<vmem>>
      %dma_wait3A_320 = tpu.memref_squeeze %dma_wait3A_319 : memref<1x128x128xf32, #tpu.memory_space<vmem>> -> memref<128x128xf32, #tpu.memory_space<vmem>>
      %dma_wait3A_321 = arith.constant 0 : i32
      %dma_wait3A_322 = tpu.memref_slice %arg6[%dma_wait3A_315, %dma_wait3A_321] : memref<16x128xi32, #tpu.memory_space<vmem>> -> memref<1x128xi32, #tpu.memory_space<vmem>>
      %dma_wait3A_323 = tpu.memref_squeeze %dma_wait3A_322 : memref<1x128xi32, #tpu.memory_space<vmem>> -> memref<128xi32, #tpu.memory_space<vmem>>
      %dma_wait3A_324 = arith.constant 0 : i32
      %dma_wait3A_325 = arith.constant 0 : i32
      %dma_wait3A_326 = tpu.memref_slice %arg2[%dma_wait3A_324, %dma_wait3A_325] : memref<10000x128xf32, #tpu.memory_space<hbm>> -> memref<10000x128xf32, #tpu.memory_space<hbm>>
      tpu.wait_indirect_dma semaphore(%arg11 : memref<!tpu.dma_semaphore, #tpu.memory_space<semaphore_mem>>) src(%dma_wait3A_326 : memref<10000x128xf32, #tpu.memory_space<hbm>>) dst(%dma_wait3A_320 : memref<128x128xf32, #tpu.memory_space<vmem>>)
      %dma_start3A_327 = arith.constant 1 : i32
      %dma_start3A_328 = arith.constant 5 : i32
      %dma_start3A_329 = arith.constant 0 : i32
      %dma_start3A_330 = arith.constant 0 : i32
      %dma_start3A_331 = tpu.memref_slice %arg8[%dma_start3A_327, %dma_start3A_329, %dma_start3A_330] : memref<2x128x128xf32, #tpu.memory_space<vmem>> -> memref<1x128x128xf32, #tpu.memory_space<vmem>>
      %dma_start3A_332 = tpu.memref_squeeze %dma_start3A_331 : memref<1x128x128xf32, #tpu.memory_space<vmem>> -> memref<128x128xf32, #tpu.memory_space<vmem>>
      %dma_start3A_333 = arith.constant 0 : i32
      %dma_start3A_334 = tpu.memref_slice %arg7[%dma_start3A_328, %dma_start3A_333] : memref<16x128xi32, #tpu.memory_space<vmem>> -> memref<1x128xi32, #tpu.memory_space<vmem>>
      %dma_start3A_335 = tpu.memref_squeeze %dma_start3A_334 : memref<1x128xi32, #tpu.memory_space<vmem>> -> memref<128xi32, #tpu.memory_space<vmem>>
      %dma_start3A_336 = arith.constant 0 : i32
      %dma_start3A_337 = arith.constant 0 : i32
      %dma_start3A_338 = tpu.memref_slice %arg9[%dma_start3A_336, %dma_start3A_337] : memref<10112x128xf32, #tpu.memory_space<vmem_shared>> -> memref<10112x128xf32, #tpu.memory_space<vmem_shared>>
      tpu.enqueue_indirect_dma source(%dma_start3A_332 : memref<128x128xf32, #tpu.memory_space<vmem>>) target(%dma_start3A_338 : memref<10112x128xf32, #tpu.memory_space<vmem_shared>>) offsets(%dma_start3A_335 : memref<128xi32, #tpu.memory_space<vmem>>) semaphore(%arg13 : memref<!tpu.dma_semaphore, #tpu.memory_space<semaphore_mem>>) {add = true}
      %dma_wait3A_339 = arith.constant 0 : i32
      %dma_wait3A_340 = arith.constant 0 : i32
      %dma_wait3A_341 = arith.constant 0 : i32
      %dma_wait3A_342 = arith.constant 0 : i32
      %dma_wait3A_343 = tpu.memref_slice %arg8[%dma_wait3A_339, %dma_wait3A_341, %dma_wait3A_342] : memref<2x128x128xf32, #tpu.memory_space<vmem>> -> memref<1x128x128xf32, #tpu.memory_space<vmem>>
      %dma_wait3A_344 = tpu.memref_squeeze %dma_wait3A_343 : memref<1x128x128xf32, #tpu.memory_space<vmem>> -> memref<128x128xf32, #tpu.memory_space<vmem>>
      %dma_wait3A_345 = arith.constant 0 : i32
      %dma_wait3A_346 = tpu.memref_slice %arg7[%dma_wait3A_340, %dma_wait3A_345] : memref<16x128xi32, #tpu.memory_space<vmem>> -> memref<1x128xi32, #tpu.memory_space<vmem>>
      %dma_wait3A_347 = tpu.memref_squeeze %dma_wait3A_346 : memref<1x128xi32, #tpu.memory_space<vmem>> -> memref<128xi32, #tpu.memory_space<vmem>>
      %dma_wait3A_348 = arith.constant 0 : i32
      %dma_wait3A_349 = arith.constant 0 : i32
      %dma_wait3A_350 = tpu.memref_slice %arg9[%dma_wait3A_348, %dma_wait3A_349] : memref<10112x128xf32, #tpu.memory_space<vmem_shared>> -> memref<10112x128xf32, #tpu.memory_space<vmem_shared>>
      tpu.wait_indirect_dma semaphore(%arg12 : memref<!tpu.dma_semaphore, #tpu.memory_space<semaphore_mem>>) src(%dma_wait3A_344 : memref<128x128xf32, #tpu.memory_space<vmem>>) dst(%dma_wait3A_350 : memref<10112x128xf32, #tpu.memory_space<vmem_shared>>)
      %dma_start3A_351 = arith.constant 6 : i32
      %dma_start3A_352 = arith.constant 0 : i32
      %dma_start3A_353 = arith.constant 0 : i32
      %dma_start3A_354 = arith.constant 0 : i32
      %dma_start3A_355 = tpu.memref_slice %arg8[%dma_start3A_352, %dma_start3A_353, %dma_start3A_354] : memref<2x128x128xf32, #tpu.memory_space<vmem>> -> memref<1x128x128xf32, #tpu.memory_space<vmem>>
      %dma_start3A_356 = tpu.memref_squeeze %dma_start3A_355 : memref<1x128x128xf32, #tpu.memory_space<vmem>> -> memref<128x128xf32, #tpu.memory_space<vmem>>
      %dma_start3A_357 = arith.constant 0 : i32
      %dma_start3A_358 = tpu.memref_slice %arg6[%dma_start3A_351, %dma_start3A_357] : memref<16x128xi32, #tpu.memory_space<vmem>> -> memref<1x128xi32, #tpu.memory_space<vmem>>
      %dma_start3A_359 = tpu.memref_squeeze %dma_start3A_358 : memref<1x128xi32, #tpu.memory_space<vmem>> -> memref<128xi32, #tpu.memory_space<vmem>>
      %dma_start3A_360 = arith.constant 0 : i32
      %dma_start3A_361 = arith.constant 0 : i32
      %dma_start3A_362 = tpu.memref_slice %arg2[%dma_start3A_360, %dma_start3A_361] : memref<10000x128xf32, #tpu.memory_space<hbm>> -> memref<10000x128xf32, #tpu.memory_space<hbm>>
      tpu.enqueue_indirect_dma source(%dma_start3A_362 : memref<10000x128xf32, #tpu.memory_space<hbm>>) target(%dma_start3A_356 : memref<128x128xf32, #tpu.memory_space<vmem>>) offsets(%dma_start3A_359 : memref<128xi32, #tpu.memory_space<vmem>>) semaphore(%arg10 : memref<!tpu.dma_semaphore, #tpu.memory_space<semaphore_mem>>)
      %dma_wait3A_363 = arith.constant 0 : i32
      %dma_wait3A_364 = arith.constant 0 : i32
      %dma_wait3A_365 = arith.constant 0 : i32
      %dma_wait3A_366 = arith.constant 0 : i32
      %dma_wait3A_367 = tpu.memref_slice %arg8[%dma_wait3A_364, %dma_wait3A_365, %dma_wait3A_366] : memref<2x128x128xf32, #tpu.memory_space<vmem>> -> memref<1x128x128xf32, #tpu.memory_space<vmem>>
      %dma_wait3A_368 = tpu.memref_squeeze %dma_wait3A_367 : memref<1x128x128xf32, #tpu.memory_space<vmem>> -> memref<128x128xf32, #tpu.memory_space<vmem>>
      %dma_wait3A_369 = arith.constant 0 : i32
      %dma_wait3A_370 = tpu.memref_slice %arg6[%dma_wait3A_363, %dma_wait3A_369] : memref<16x128xi32, #tpu.memory_space<vmem>> -> memref<1x128xi32, #tpu.memory_space<vmem>>
      %dma_wait3A_371 = tpu.memref_squeeze %dma_wait3A_370 : memref<1x128xi32, #tpu.memory_space<vmem>> -> memref<128xi32, #tpu.memory_space<vmem>>
      %dma_wait3A_372 = arith.constant 0 : i32
      %dma_wait3A_373 = arith.constant 0 : i32
      %dma_wait3A_374 = tpu.memref_slice %arg2[%dma_wait3A_372, %dma_wait3A_373] : memref<10000x128xf32, #tpu.memory_space<hbm>> -> memref<10000x128xf32, #tpu.memory_space<hbm>>
      tpu.wait_indirect_dma semaphore(%arg10 : memref<!tpu.dma_semaphore, #tpu.memory_space<semaphore_mem>>) src(%dma_wait3A_374 : memref<10000x128xf32, #tpu.memory_space<hbm>>) dst(%dma_wait3A_368 : memref<128x128xf32, #tpu.memory_space<vmem>>)
      %dma_start3A_375 = arith.constant 0 : i32
      %dma_start3A_376 = arith.constant 6 : i32
      %dma_start3A_377 = arith.constant 0 : i32
      %dma_start3A_378 = arith.constant 0 : i32
      %dma_start3A_379 = tpu.memref_slice %arg8[%dma_start3A_375, %dma_start3A_377, %dma_start3A_378] : memref<2x128x128xf32, #tpu.memory_space<vmem>> -> memref<1x128x128xf32, #tpu.memory_space<vmem>>
      %dma_start3A_380 = tpu.memref_squeeze %dma_start3A_379 : memref<1x128x128xf32, #tpu.memory_space<vmem>> -> memref<128x128xf32, #tpu.memory_space<vmem>>
      %dma_start3A_381 = arith.constant 0 : i32
      %dma_start3A_382 = tpu.memref_slice %arg7[%dma_start3A_376, %dma_start3A_381] : memref<16x128xi32, #tpu.memory_space<vmem>> -> memref<1x128xi32, #tpu.memory_space<vmem>>
      %dma_start3A_383 = tpu.memref_squeeze %dma_start3A_382 : memref<1x128xi32, #tpu.memory_space<vmem>> -> memref<128xi32, #tpu.memory_space<vmem>>
      %dma_start3A_384 = arith.constant 0 : i32
      %dma_start3A_385 = arith.constant 0 : i32
      %dma_start3A_386 = tpu.memref_slice %arg9[%dma_start3A_384, %dma_start3A_385] : memref<10112x128xf32, #tpu.memory_space<vmem_shared>> -> memref<10112x128xf32, #tpu.memory_space<vmem_shared>>
      tpu.enqueue_indirect_dma source(%dma_start3A_380 : memref<128x128xf32, #tpu.memory_space<vmem>>) target(%dma_start3A_386 : memref<10112x128xf32, #tpu.memory_space<vmem_shared>>) offsets(%dma_start3A_383 : memref<128xi32, #tpu.memory_space<vmem>>) semaphore(%arg12 : memref<!tpu.dma_semaphore, #tpu.memory_space<semaphore_mem>>) {add = true}
      %dma_wait3A_387 = arith.constant 1 : i32
      %dma_wait3A_388 = arith.constant 0 : i32
      %dma_wait3A_389 = arith.constant 0 : i32
      %dma_wait3A_390 = arith.constant 0 : i32
      %dma_wait3A_391 = tpu.memref_slice %arg8[%dma_wait3A_387, %dma_wait3A_389, %dma_wait3A_390] : memref<2x128x128xf32, #tpu.memory_space<vmem>> -> memref<1x128x128xf32, #tpu.memory_space<vmem>>
      %dma_wait3A_392 = tpu.memref_squeeze %dma_wait3A_391 : memref<1x128x128xf32, #tpu.memory_space<vmem>> -> memref<128x128xf32, #tpu.memory_space<vmem>>
      %dma_wait3A_393 = arith.constant 0 : i32
      %dma_wait3A_394 = tpu.memref_slice %arg7[%dma_wait3A_388, %dma_wait3A_393] : memref<16x128xi32, #tpu.memory_space<vmem>> -> memref<1x128xi32, #tpu.memory_space<vmem>>
      %dma_wait3A_395 = tpu.memref_squeeze %dma_wait3A_394 : memref<1x128xi32, #tpu.memory_space<vmem>> -> memref<128xi32, #tpu.memory_space<vmem>>
      %dma_wait3A_396 = arith.constant 0 : i32
      %dma_wait3A_397 = arith.constant 0 : i32
      %dma_wait3A_398 = tpu.memref_slice %arg9[%dma_wait3A_396, %dma_wait3A_397] : memref<10112x128xf32, #tpu.memory_space<vmem_shared>> -> memref<10112x128xf32, #tpu.memory_space<vmem_shared>>
      tpu.wait_indirect_dma semaphore(%arg13 : memref<!tpu.dma_semaphore, #tpu.memory_space<semaphore_mem>>) src(%dma_wait3A_392 : memref<128x128xf32, #tpu.memory_space<vmem>>) dst(%dma_wait3A_398 : memref<10112x128xf32, #tpu.memory_space<vmem_shared>>)
      %dma_start3A_399 = arith.constant 7 : i32
      %dma_start3A_400 = arith.constant 1 : i32
      %dma_start3A_401 = arith.constant 0 : i32
      %dma_start3A_402 = arith.constant 0 : i32
      %dma_start3A_403 = tpu.memref_slice %arg8[%dma_start3A_400, %dma_start3A_401, %dma_start3A_402] : memref<2x128x128xf32, #tpu.memory_space<vmem>> -> memref<1x128x128xf32, #tpu.memory_space<vmem>>
      %dma_start3A_404 = tpu.memref_squeeze %dma_start3A_403 : memref<1x128x128xf32, #tpu.memory_space<vmem>> -> memref<128x128xf32, #tpu.memory_space<vmem>>
      %dma_start3A_405 = arith.constant 0 : i32
      %dma_start3A_406 = tpu.memref_slice %arg6[%dma_start3A_399, %dma_start3A_405] : memref<16x128xi32, #tpu.memory_space<vmem>> -> memref<1x128xi32, #tpu.memory_space<vmem>>
      %dma_start3A_407 = tpu.memref_squeeze %dma_start3A_406 : memref<1x128xi32, #tpu.memory_space<vmem>> -> memref<128xi32, #tpu.memory_space<vmem>>
      %dma_start3A_408 = arith.constant 0 : i32
      %dma_start3A_409 = arith.constant 0 : i32
      %dma_start3A_410 = tpu.memref_slice %arg2[%dma_start3A_408, %dma_start3A_409] : memref<10000x128xf32, #tpu.memory_space<hbm>> -> memref<10000x128xf32, #tpu.memory_space<hbm>>
      tpu.enqueue_indirect_dma source(%dma_start3A_410 : memref<10000x128xf32, #tpu.memory_space<hbm>>) target(%dma_start3A_404 : memref<128x128xf32, #tpu.memory_space<vmem>>) offsets(%dma_start3A_407 : memref<128xi32, #tpu.memory_space<vmem>>) semaphore(%arg11 : memref<!tpu.dma_semaphore, #tpu.memory_space<semaphore_mem>>)
      %dma_wait3A_411 = arith.constant 0 : i32
      %dma_wait3A_412 = arith.constant 1 : i32
      %dma_wait3A_413 = arith.constant 0 : i32
      %dma_wait3A_414 = arith.constant 0 : i32
      %dma_wait3A_415 = tpu.memref_slice %arg8[%dma_wait3A_412, %dma_wait3A_413, %dma_wait3A_414] : memref<2x128x128xf32, #tpu.memory_space<vmem>> -> memref<1x128x128xf32, #tpu.memory_space<vmem>>
      %dma_wait3A_416 = tpu.memref_squeeze %dma_wait3A_415 : memref<1x128x128xf32, #tpu.memory_space<vmem>> -> memref<128x128xf32, #tpu.memory_space<vmem>>
      %dma_wait3A_417 = arith.constant 0 : i32
      %dma_wait3A_418 = tpu.memref_slice %arg6[%dma_wait3A_411, %dma_wait3A_417] : memref<16x128xi32, #tpu.memory_space<vmem>> -> memref<1x128xi32, #tpu.memory_space<vmem>>
      %dma_wait3A_419 = tpu.memref_squeeze %dma_wait3A_418 : memref<1x128xi32, #tpu.memory_space<vmem>> -> memref<128xi32, #tpu.memory_space<vmem>>
      %dma_wait3A_420 = arith.constant 0 : i32
      %dma_wait3A_421 = arith.constant 0 : i32
      %dma_wait3A_422 = tpu.memref_slice %arg2[%dma_wait3A_420, %dma_wait3A_421] : memref<10000x128xf32, #tpu.memory_space<hbm>> -> memref<10000x128xf32, #tpu.memory_space<hbm>>
      tpu.wait_indirect_dma semaphore(%arg11 : memref<!tpu.dma_semaphore, #tpu.memory_space<semaphore_mem>>) src(%dma_wait3A_422 : memref<10000x128xf32, #tpu.memory_space<hbm>>) dst(%dma_wait3A_416 : memref<128x128xf32, #tpu.memory_space<vmem>>)
      %dma_start3A_423 = arith.constant 1 : i32
      %dma_start3A_424 = arith.constant 7 : i32
      %dma_start3A_425 = arith.constant 0 : i32
      %dma_start3A_426 = arith.constant 0 : i32
      %dma_start3A_427 = tpu.memref_slice %arg8[%dma_start3A_423, %dma_start3A_425, %dma_start3A_426] : memref<2x128x128xf32, #tpu.memory_space<vmem>> -> memref<1x128x128xf32, #tpu.memory_space<vmem>>
      %dma_start3A_428 = tpu.memref_squeeze %dma_start3A_427 : memref<1x128x128xf32, #tpu.memory_space<vmem>> -> memref<128x128xf32, #tpu.memory_space<vmem>>
      %dma_start3A_429 = arith.constant 0 : i32
      %dma_start3A_430 = tpu.memref_slice %arg7[%dma_start3A_424, %dma_start3A_429] : memref<16x128xi32, #tpu.memory_space<vmem>> -> memref<1x128xi32, #tpu.memory_space<vmem>>
      %dma_start3A_431 = tpu.memref_squeeze %dma_start3A_430 : memref<1x128xi32, #tpu.memory_space<vmem>> -> memref<128xi32, #tpu.memory_space<vmem>>
      %dma_start3A_432 = arith.constant 0 : i32
      %dma_start3A_433 = arith.constant 0 : i32
      %dma_start3A_434 = tpu.memref_slice %arg9[%dma_start3A_432, %dma_start3A_433] : memref<10112x128xf32, #tpu.memory_space<vmem_shared>> -> memref<10112x128xf32, #tpu.memory_space<vmem_shared>>
      tpu.enqueue_indirect_dma source(%dma_start3A_428 : memref<128x128xf32, #tpu.memory_space<vmem>>) target(%dma_start3A_434 : memref<10112x128xf32, #tpu.memory_space<vmem_shared>>) offsets(%dma_start3A_431 : memref<128xi32, #tpu.memory_space<vmem>>) semaphore(%arg13 : memref<!tpu.dma_semaphore, #tpu.memory_space<semaphore_mem>>) {add = true}
      %dma_wait3A_435 = arith.constant 0 : i32
      %dma_wait3A_436 = arith.constant 0 : i32
      %dma_wait3A_437 = arith.constant 0 : i32
      %dma_wait3A_438 = arith.constant 0 : i32
      %dma_wait3A_439 = tpu.memref_slice %arg8[%dma_wait3A_435, %dma_wait3A_437, %dma_wait3A_438] : memref<2x128x128xf32, #tpu.memory_space<vmem>> -> memref<1x128x128xf32, #tpu.memory_space<vmem>>
      %dma_wait3A_440 = tpu.memref_squeeze %dma_wait3A_439 : memref<1x128x128xf32, #tpu.memory_space<vmem>> -> memref<128x128xf32, #tpu.memory_space<vmem>>
      %dma_wait3A_441 = arith.constant 0 : i32
      %dma_wait3A_442 = tpu.memref_slice %arg7[%dma_wait3A_436, %dma_wait3A_441] : memref<16x128xi32, #tpu.memory_space<vmem>> -> memref<1x128xi32, #tpu.memory_space<vmem>>
      %dma_wait3A_443 = tpu.memref_squeeze %dma_wait3A_442 : memref<1x128xi32, #tpu.memory_space<vmem>> -> memref<128xi32, #tpu.memory_space<vmem>>
      %dma_wait3A_444 = arith.constant 0 : i32
      %dma_wait3A_445 = arith.constant 0 : i32
      %dma_wait3A_446 = tpu.memref_slice %arg9[%dma_wait3A_444, %dma_wait3A_445] : memref<10112x128xf32, #tpu.memory_space<vmem_shared>> -> memref<10112x128xf32, #tpu.memory_space<vmem_shared>>
      tpu.wait_indirect_dma semaphore(%arg12 : memref<!tpu.dma_semaphore, #tpu.memory_space<semaphore_mem>>) src(%dma_wait3A_440 : memref<128x128xf32, #tpu.memory_space<vmem>>) dst(%dma_wait3A_446 : memref<10112x128xf32, #tpu.memory_space<vmem_shared>>)
      %dma_start3A_447 = arith.constant 8 : i32
      %dma_start3A_448 = arith.constant 0 : i32
      %dma_start3A_449 = arith.constant 0 : i32
      %dma_start3A_450 = arith.constant 0 : i32
      %dma_start3A_451 = tpu.memref_slice %arg8[%dma_start3A_448, %dma_start3A_449, %dma_start3A_450] : memref<2x128x128xf32, #tpu.memory_space<vmem>> -> memref<1x128x128xf32, #tpu.memory_space<vmem>>
      %dma_start3A_452 = tpu.memref_squeeze %dma_start3A_451 : memref<1x128x128xf32, #tpu.memory_space<vmem>> -> memref<128x128xf32, #tpu.memory_space<vmem>>
      %dma_start3A_453 = arith.constant 0 : i32
      %dma_start3A_454 = tpu.memref_slice %arg6[%dma_start3A_447, %dma_start3A_453] : memref<16x128xi32, #tpu.memory_space<vmem>> -> memref<1x128xi32, #tpu.memory_space<vmem>>
      %dma_start3A_455 = tpu.memref_squeeze %dma_start3A_454 : memref<1x128xi32, #tpu.memory_space<vmem>> -> memref<128xi32, #tpu.memory_space<vmem>>
      %dma_start3A_456 = arith.constant 0 : i32
      %dma_start3A_457 = arith.constant 0 : i32
      %dma_start3A_458 = tpu.memref_slice %arg2[%dma_start3A_456, %dma_start3A_457] : memref<10000x128xf32, #tpu.memory_space<hbm>> -> memref<10000x128xf32, #tpu.memory_space<hbm>>
      tpu.enqueue_indirect_dma source(%dma_start3A_458 : memref<10000x128xf32, #tpu.memory_space<hbm>>) target(%dma_start3A_452 : memref<128x128xf32, #tpu.memory_space<vmem>>) offsets(%dma_start3A_455 : memref<128xi32, #tpu.memory_space<vmem>>) semaphore(%arg10 : memref<!tpu.dma_semaphore, #tpu.memory_space<semaphore_mem>>)
      %dma_wait3A_459 = arith.constant 0 : i32
      %dma_wait3A_460 = arith.constant 0 : i32
      %dma_wait3A_461 = arith.constant 0 : i32
      %dma_wait3A_462 = arith.constant 0 : i32
      %dma_wait3A_463 = tpu.memref_slice %arg8[%dma_wait3A_460, %dma_wait3A_461, %dma_wait3A_462] : memref<2x128x128xf32, #tpu.memory_space<vmem>> -> memref<1x128x128xf32, #tpu.memory_space<vmem>>
      %dma_wait3A_464 = tpu.memref_squeeze %dma_wait3A_463 : memref<1x128x128xf32, #tpu.memory_space<vmem>> -> memref<128x128xf32, #tpu.memory_space<vmem>>
      %dma_wait3A_465 = arith.constant 0 : i32
      %dma_wait3A_466 = tpu.memref_slice %arg6[%dma_wait3A_459, %dma_wait3A_465] : memref<16x128xi32, #tpu.memory_space<vmem>> -> memref<1x128xi32, #tpu.memory_space<vmem>>
      %dma_wait3A_467 = tpu.memref_squeeze %dma_wait3A_466 : memref<1x128xi32, #tpu.memory_space<vmem>> -> memref<128xi32, #tpu.memory_space<vmem>>
      %dma_wait3A_468 = arith.constant 0 : i32
      %dma_wait3A_469 = arith.constant 0 : i32
      %dma_wait3A_470 = tpu.memref_slice %arg2[%dma_wait3A_468, %dma_wait3A_469] : memref<10000x128xf32, #tpu.memory_space<hbm>> -> memref<10000x128xf32, #tpu.memory_space<hbm>>
      tpu.wait_indirect_dma semaphore(%arg10 : memref<!tpu.dma_semaphore, #tpu.memory_space<semaphore_mem>>) src(%dma_wait3A_470 : memref<10000x128xf32, #tpu.memory_space<hbm>>) dst(%dma_wait3A_464 : memref<128x128xf32, #tpu.memory_space<vmem>>)
      %dma_start3A_471 = arith.constant 0 : i32
      %dma_start3A_472 = arith.constant 8 : i32
      %dma_start3A_473 = arith.constant 0 : i32
      %dma_start3A_474 = arith.constant 0 : i32
      %dma_start3A_475 = tpu.memref_slice %arg8[%dma_start3A_471, %dma_start3A_473, %dma_start3A_474] : memref<2x128x128xf32, #tpu.memory_space<vmem>> -> memref<1x128x128xf32, #tpu.memory_space<vmem>>
      %dma_start3A_476 = tpu.memref_squeeze %dma_start3A_475 : memref<1x128x128xf32, #tpu.memory_space<vmem>> -> memref<128x128xf32, #tpu.memory_space<vmem>>
      %dma_start3A_477 = arith.constant 0 : i32
      %dma_start3A_478 = tpu.memref_slice %arg7[%dma_start3A_472, %dma_start3A_477] : memref<16x128xi32, #tpu.memory_space<vmem>> -> memref<1x128xi32, #tpu.memory_space<vmem>>
      %dma_start3A_479 = tpu.memref_squeeze %dma_start3A_478 : memref<1x128xi32, #tpu.memory_space<vmem>> -> memref<128xi32, #tpu.memory_space<vmem>>
      %dma_start3A_480 = arith.constant 0 : i32
      %dma_start3A_481 = arith.constant 0 : i32
      %dma_start3A_482 = tpu.memref_slice %arg9[%dma_start3A_480, %dma_start3A_481] : memref<10112x128xf32, #tpu.memory_space<vmem_shared>> -> memref<10112x128xf32, #tpu.memory_space<vmem_shared>>
      tpu.enqueue_indirect_dma source(%dma_start3A_476 : memref<128x128xf32, #tpu.memory_space<vmem>>) target(%dma_start3A_482 : memref<10112x128xf32, #tpu.memory_space<vmem_shared>>) offsets(%dma_start3A_479 : memref<128xi32, #tpu.memory_space<vmem>>) semaphore(%arg12 : memref<!tpu.dma_semaphore, #tpu.memory_space<semaphore_mem>>) {add = true}
      %dma_wait3A_483 = arith.constant 1 : i32
      %dma_wait3A_484 = arith.constant 0 : i32
      %dma_wait3A_485 = arith.constant 0 : i32
      %dma_wait3A_486 = arith.constant 0 : i32
      %dma_wait3A_487 = tpu.memref_slice %arg8[%dma_wait3A_483, %dma_wait3A_485, %dma_wait3A_486] : memref<2x128x128xf32, #tpu.memory_space<vmem>> -> memref<1x128x128xf32, #tpu.memory_space<vmem>>
      %dma_wait3A_488 = tpu.memref_squeeze %dma_wait3A_487 : memref<1x128x128xf32, #tpu.memory_space<vmem>> -> memref<128x128xf32, #tpu.memory_space<vmem>>
      %dma_wait3A_489 = arith.constant 0 : i32
      %dma_wait3A_490 = tpu.memref_slice %arg7[%dma_wait3A_484, %dma_wait3A_489] : memref<16x128xi32, #tpu.memory_space<vmem>> -> memref<1x128xi32, #tpu.memory_space<vmem>>
      %dma_wait3A_491 = tpu.memref_squeeze %dma_wait3A_490 : memref<1x128xi32, #tpu.memory_space<vmem>> -> memref<128xi32, #tpu.memory_space<vmem>>
      %dma_wait3A_492 = arith.constant 0 : i32
      %dma_wait3A_493 = arith.constant 0 : i32
      %dma_wait3A_494 = tpu.memref_slice %arg9[%dma_wait3A_492, %dma_wait3A_493] : memref<10112x128xf32, #tpu.memory_space<vmem_shared>> -> memref<10112x128xf32, #tpu.memory_space<vmem_shared>>
      tpu.wait_indirect_dma semaphore(%arg13 : memref<!tpu.dma_semaphore, #tpu.memory_space<semaphore_mem>>) src(%dma_wait3A_488 : memref<128x128xf32, #tpu.memory_space<vmem>>) dst(%dma_wait3A_494 : memref<10112x128xf32, #tpu.memory_space<vmem_shared>>)
      %dma_start3A_495 = arith.constant 9 : i32
      %dma_start3A_496 = arith.constant 1 : i32
      %dma_start3A_497 = arith.constant 0 : i32
      %dma_start3A_498 = arith.constant 0 : i32
      %dma_start3A_499 = tpu.memref_slice %arg8[%dma_start3A_496, %dma_start3A_497, %dma_start3A_498] : memref<2x128x128xf32, #tpu.memory_space<vmem>> -> memref<1x128x128xf32, #tpu.memory_space<vmem>>
      %dma_start3A_500 = tpu.memref_squeeze %dma_start3A_499 : memref<1x128x128xf32, #tpu.memory_space<vmem>> -> memref<128x128xf32, #tpu.memory_space<vmem>>
      %dma_start3A_501 = arith.constant 0 : i32
      %dma_start3A_502 = tpu.memref_slice %arg6[%dma_start3A_495, %dma_start3A_501] : memref<16x128xi32, #tpu.memory_space<vmem>> -> memref<1x128xi32, #tpu.memory_space<vmem>>
      %dma_start3A_503 = tpu.memref_squeeze %dma_start3A_502 : memref<1x128xi32, #tpu.memory_space<vmem>> -> memref<128xi32, #tpu.memory_space<vmem>>
      %dma_start3A_504 = arith.constant 0 : i32
      %dma_start3A_505 = arith.constant 0 : i32
      %dma_start3A_506 = tpu.memref_slice %arg2[%dma_start3A_504, %dma_start3A_505] : memref<10000x128xf32, #tpu.memory_space<hbm>> -> memref<10000x128xf32, #tpu.memory_space<hbm>>
      tpu.enqueue_indirect_dma source(%dma_start3A_506 : memref<10000x128xf32, #tpu.memory_space<hbm>>) target(%dma_start3A_500 : memref<128x128xf32, #tpu.memory_space<vmem>>) offsets(%dma_start3A_503 : memref<128xi32, #tpu.memory_space<vmem>>) semaphore(%arg11 : memref<!tpu.dma_semaphore, #tpu.memory_space<semaphore_mem>>)
      %dma_wait3A_507 = arith.constant 0 : i32
      %dma_wait3A_508 = arith.constant 1 : i32
      %dma_wait3A_509 = arith.constant 0 : i32
      %dma_wait3A_510 = arith.constant 0 : i32
      %dma_wait3A_511 = tpu.memref_slice %arg8[%dma_wait3A_508, %dma_wait3A_509, %dma_wait3A_510] : memref<2x128x128xf32, #tpu.memory_space<vmem>> -> memref<1x128x128xf32, #tpu.memory_space<vmem>>
      %dma_wait3A_512 = tpu.memref_squeeze %dma_wait3A_511 : memref<1x128x128xf32, #tpu.memory_space<vmem>> -> memref<128x128xf32, #tpu.memory_space<vmem>>
      %dma_wait3A_513 = arith.constant 0 : i32
      %dma_wait3A_514 = tpu.memref_slice %arg6[%dma_wait3A_507, %dma_wait3A_513] : memref<16x128xi32, #tpu.memory_space<vmem>> -> memref<1x128xi32, #tpu.memory_space<vmem>>
      %dma_wait3A_515 = tpu.memref_squeeze %dma_wait3A_514 : memref<1x128xi32, #tpu.memory_space<vmem>> -> memref<128xi32, #tpu.memory_space<vmem>>
      %dma_wait3A_516 = arith.constant 0 : i32
      %dma_wait3A_517 = arith.constant 0 : i32
      %dma_wait3A_518 = tpu.memref_slice %arg2[%dma_wait3A_516, %dma_wait3A_517] : memref<10000x128xf32, #tpu.memory_space<hbm>> -> memref<10000x128xf32, #tpu.memory_space<hbm>>
      tpu.wait_indirect_dma semaphore(%arg11 : memref<!tpu.dma_semaphore, #tpu.memory_space<semaphore_mem>>) src(%dma_wait3A_518 : memref<10000x128xf32, #tpu.memory_space<hbm>>) dst(%dma_wait3A_512 : memref<128x128xf32, #tpu.memory_space<vmem>>)
      %dma_start3A_519 = arith.constant 1 : i32
      %dma_start3A_520 = arith.constant 9 : i32
      %dma_start3A_521 = arith.constant 0 : i32
      %dma_start3A_522 = arith.constant 0 : i32
      %dma_start3A_523 = tpu.memref_slice %arg8[%dma_start3A_519, %dma_start3A_521, %dma_start3A_522] : memref<2x128x128xf32, #tpu.memory_space<vmem>> -> memref<1x128x128xf32, #tpu.memory_space<vmem>>
      %dma_start3A_524 = tpu.memref_squeeze %dma_start3A_523 : memref<1x128x128xf32, #tpu.memory_space<vmem>> -> memref<128x128xf32, #tpu.memory_space<vmem>>
      %dma_start3A_525 = arith.constant 0 : i32
      %dma_start3A_526 = tpu.memref_slice %arg7[%dma_start3A_520, %dma_start3A_525] : memref<16x128xi32, #tpu.memory_space<vmem>> -> memref<1x128xi32, #tpu.memory_space<vmem>>
      %dma_start3A_527 = tpu.memref_squeeze %dma_start3A_526 : memref<1x128xi32, #tpu.memory_space<vmem>> -> memref<128xi32, #tpu.memory_space<vmem>>
      %dma_start3A_528 = arith.constant 0 : i32
      %dma_start3A_529 = arith.constant 0 : i32
      %dma_start3A_530 = tpu.memref_slice %arg9[%dma_start3A_528, %dma_start3A_529] : memref<10112x128xf32, #tpu.memory_space<vmem_shared>> -> memref<10112x128xf32, #tpu.memory_space<vmem_shared>>
      tpu.enqueue_indirect_dma source(%dma_start3A_524 : memref<128x128xf32, #tpu.memory_space<vmem>>) target(%dma_start3A_530 : memref<10112x128xf32, #tpu.memory_space<vmem_shared>>) offsets(%dma_start3A_527 : memref<128xi32, #tpu.memory_space<vmem>>) semaphore(%arg13 : memref<!tpu.dma_semaphore, #tpu.memory_space<semaphore_mem>>) {add = true}
      %dma_wait3A_531 = arith.constant 0 : i32
      %dma_wait3A_532 = arith.constant 0 : i32
      %dma_wait3A_533 = arith.constant 0 : i32
      %dma_wait3A_534 = arith.constant 0 : i32
      %dma_wait3A_535 = tpu.memref_slice %arg8[%dma_wait3A_531, %dma_wait3A_533, %dma_wait3A_534] : memref<2x128x128xf32, #tpu.memory_space<vmem>> -> memref<1x128x128xf32, #tpu.memory_space<vmem>>
      %dma_wait3A_536 = tpu.memref_squeeze %dma_wait3A_535 : memref<1x128x128xf32, #tpu.memory_space<vmem>> -> memref<128x128xf32, #tpu.memory_space<vmem>>
      %dma_wait3A_537 = arith.constant 0 : i32
      %dma_wait3A_538 = tpu.memref_slice %arg7[%dma_wait3A_532, %dma_wait3A_537] : memref<16x128xi32, #tpu.memory_space<vmem>> -> memref<1x128xi32, #tpu.memory_space<vmem>>
      %dma_wait3A_539 = tpu.memref_squeeze %dma_wait3A_538 : memref<1x128xi32, #tpu.memory_space<vmem>> -> memref<128xi32, #tpu.memory_space<vmem>>
      %dma_wait3A_540 = arith.constant 0 : i32
      %dma_wait3A_541 = arith.constant 0 : i32
      %dma_wait3A_542 = tpu.memref_slice %arg9[%dma_wait3A_540, %dma_wait3A_541] : memref<10112x128xf32, #tpu.memory_space<vmem_shared>> -> memref<10112x128xf32, #tpu.memory_space<vmem_shared>>
      tpu.wait_indirect_dma semaphore(%arg12 : memref<!tpu.dma_semaphore, #tpu.memory_space<semaphore_mem>>) src(%dma_wait3A_536 : memref<128x128xf32, #tpu.memory_space<vmem>>) dst(%dma_wait3A_542 : memref<10112x128xf32, #tpu.memory_space<vmem_shared>>)
      %dma_start3A_543 = arith.constant 10 : i32
      %dma_start3A_544 = arith.constant 0 : i32
      %dma_start3A_545 = arith.constant 0 : i32
      %dma_start3A_546 = arith.constant 0 : i32
      %dma_start3A_547 = tpu.memref_slice %arg8[%dma_start3A_544, %dma_start3A_545, %dma_start3A_546] : memref<2x128x128xf32, #tpu.memory_space<vmem>> -> memref<1x128x128xf32, #tpu.memory_space<vmem>>
      %dma_start3A_548 = tpu.memref_squeeze %dma_start3A_547 : memref<1x128x128xf32, #tpu.memory_space<vmem>> -> memref<128x128xf32, #tpu.memory_space<vmem>>
      %dma_start3A_549 = arith.constant 0 : i32
      %dma_start3A_550 = tpu.memref_slice %arg6[%dma_start3A_543, %dma_start3A_549] : memref<16x128xi32, #tpu.memory_space<vmem>> -> memref<1x128xi32, #tpu.memory_space<vmem>>
      %dma_start3A_551 = tpu.memref_squeeze %dma_start3A_550 : memref<1x128xi32, #tpu.memory_space<vmem>> -> memref<128xi32, #tpu.memory_space<vmem>>
      %dma_start3A_552 = arith.constant 0 : i32
      %dma_start3A_553 = arith.constant 0 : i32
      %dma_start3A_554 = tpu.memref_slice %arg2[%dma_start3A_552, %dma_start3A_553] : memref<10000x128xf32, #tpu.memory_space<hbm>> -> memref<10000x128xf32, #tpu.memory_space<hbm>>
      tpu.enqueue_indirect_dma source(%dma_start3A_554 : memref<10000x128xf32, #tpu.memory_space<hbm>>) target(%dma_start3A_548 : memref<128x128xf32, #tpu.memory_space<vmem>>) offsets(%dma_start3A_551 : memref<128xi32, #tpu.memory_space<vmem>>) semaphore(%arg10 : memref<!tpu.dma_semaphore, #tpu.memory_space<semaphore_mem>>)
      %dma_wait3A_555 = arith.constant 0 : i32
      %dma_wait3A_556 = arith.constant 0 : i32
      %dma_wait3A_557 = arith.constant 0 : i32
      %dma_wait3A_558 = arith.constant 0 : i32
      %dma_wait3A_559 = tpu.memref_slice %arg8[%dma_wait3A_556, %dma_wait3A_557, %dma_wait3A_558] : memref<2x128x128xf32, #tpu.memory_space<vmem>> -> memref<1x128x128xf32, #tpu.memory_space<vmem>>
      %dma_wait3A_560 = tpu.memref_squeeze %dma_wait3A_559 : memref<1x128x128xf32, #tpu.memory_space<vmem>> -> memref<128x128xf32, #tpu.memory_space<vmem>>
      %dma_wait3A_561 = arith.constant 0 : i32
      %dma_wait3A_562 = tpu.memref_slice %arg6[%dma_wait3A_555, %dma_wait3A_561] : memref<16x128xi32, #tpu.memory_space<vmem>> -> memref<1x128xi32, #tpu.memory_space<vmem>>
      %dma_wait3A_563 = tpu.memref_squeeze %dma_wait3A_562 : memref<1x128xi32, #tpu.memory_space<vmem>> -> memref<128xi32, #tpu.memory_space<vmem>>
      %dma_wait3A_564 = arith.constant 0 : i32
      %dma_wait3A_565 = arith.constant 0 : i32
      %dma_wait3A_566 = tpu.memref_slice %arg2[%dma_wait3A_564, %dma_wait3A_565] : memref<10000x128xf32, #tpu.memory_space<hbm>> -> memref<10000x128xf32, #tpu.memory_space<hbm>>
      tpu.wait_indirect_dma semaphore(%arg10 : memref<!tpu.dma_semaphore, #tpu.memory_space<semaphore_mem>>) src(%dma_wait3A_566 : memref<10000x128xf32, #tpu.memory_space<hbm>>) dst(%dma_wait3A_560 : memref<128x128xf32, #tpu.memory_space<vmem>>)
      %dma_start3A_567 = arith.constant 0 : i32
      %dma_start3A_568 = arith.constant 10 : i32
      %dma_start3A_569 = arith.constant 0 : i32
      %dma_start3A_570 = arith.constant 0 : i32
      %dma_start3A_571 = tpu.memref_slice %arg8[%dma_start3A_567, %dma_start3A_569, %dma_start3A_570] : memref<2x128x128xf32, #tpu.memory_space<vmem>> -> memref<1x128x128xf32, #tpu.memory_space<vmem>>
      %dma_start3A_572 = tpu.memref_squeeze %dma_start3A_571 : memref<1x128x128xf32, #tpu.memory_space<vmem>> -> memref<128x128xf32, #tpu.memory_space<vmem>>
      %dma_start3A_573 = arith.constant 0 : i32
      %dma_start3A_574 = tpu.memref_slice %arg7[%dma_start3A_568, %dma_start3A_573] : memref<16x128xi32, #tpu.memory_space<vmem>> -> memref<1x128xi32, #tpu.memory_space<vmem>>
      %dma_start3A_575 = tpu.memref_squeeze %dma_start3A_574 : memref<1x128xi32, #tpu.memory_space<vmem>> -> memref<128xi32, #tpu.memory_space<vmem>>
      %dma_start3A_576 = arith.constant 0 : i32
      %dma_start3A_577 = arith.constant 0 : i32
      %dma_start3A_578 = tpu.memref_slice %arg9[%dma_start3A_576, %dma_start3A_577] : memref<10112x128xf32, #tpu.memory_space<vmem_shared>> -> memref<10112x128xf32, #tpu.memory_space<vmem_shared>>
      tpu.enqueue_indirect_dma source(%dma_start3A_572 : memref<128x128xf32, #tpu.memory_space<vmem>>) target(%dma_start3A_578 : memref<10112x128xf32, #tpu.memory_space<vmem_shared>>) offsets(%dma_start3A_575 : memref<128xi32, #tpu.memory_space<vmem>>) semaphore(%arg12 : memref<!tpu.dma_semaphore, #tpu.memory_space<semaphore_mem>>) {add = true}
      %dma_wait3A_579 = arith.constant 1 : i32
      %dma_wait3A_580 = arith.constant 0 : i32
      %dma_wait3A_581 = arith.constant 0 : i32
      %dma_wait3A_582 = arith.constant 0 : i32
      %dma_wait3A_583 = tpu.memref_slice %arg8[%dma_wait3A_579, %dma_wait3A_581, %dma_wait3A_582] : memref<2x128x128xf32, #tpu.memory_space<vmem>> -> memref<1x128x128xf32, #tpu.memory_space<vmem>>
      %dma_wait3A_584 = tpu.memref_squeeze %dma_wait3A_583 : memref<1x128x128xf32, #tpu.memory_space<vmem>> -> memref<128x128xf32, #tpu.memory_space<vmem>>
      %dma_wait3A_585 = arith.constant 0 : i32
      %dma_wait3A_586 = tpu.memref_slice %arg7[%dma_wait3A_580, %dma_wait3A_585] : memref<16x128xi32, #tpu.memory_space<vmem>> -> memref<1x128xi32, #tpu.memory_space<vmem>>
      %dma_wait3A_587 = tpu.memref_squeeze %dma_wait3A_586 : memref<1x128xi32, #tpu.memory_space<vmem>> -> memref<128xi32, #tpu.memory_space<vmem>>
      %dma_wait3A_588 = arith.constant 0 : i32
      %dma_wait3A_589 = arith.constant 0 : i32
      %dma_wait3A_590 = tpu.memref_slice %arg9[%dma_wait3A_588, %dma_wait3A_589] : memref<10112x128xf32, #tpu.memory_space<vmem_shared>> -> memref<10112x128xf32, #tpu.memory_space<vmem_shared>>
      tpu.wait_indirect_dma semaphore(%arg13 : memref<!tpu.dma_semaphore, #tpu.memory_space<semaphore_mem>>) src(%dma_wait3A_584 : memref<128x128xf32, #tpu.memory_space<vmem>>) dst(%dma_wait3A_590 : memref<10112x128xf32, #tpu.memory_space<vmem_shared>>)
      %dma_start3A_591 = arith.constant 11 : i32
      %dma_start3A_592 = arith.constant 1 : i32
      %dma_start3A_593 = arith.constant 0 : i32
      %dma_start3A_594 = arith.constant 0 : i32
      %dma_start3A_595 = tpu.memref_slice %arg8[%dma_start3A_592, %dma_start3A_593, %dma_start3A_594] : memref<2x128x128xf32, #tpu.memory_space<vmem>> -> memref<1x128x128xf32, #tpu.memory_space<vmem>>
      %dma_start3A_596 = tpu.memref_squeeze %dma_start3A_595 : memref<1x128x128xf32, #tpu.memory_space<vmem>> -> memref<128x128xf32, #tpu.memory_space<vmem>>
      %dma_start3A_597 = arith.constant 0 : i32
      %dma_start3A_598 = tpu.memref_slice %arg6[%dma_start3A_591, %dma_start3A_597] : memref<16x128xi32, #tpu.memory_space<vmem>> -> memref<1x128xi32, #tpu.memory_space<vmem>>
      %dma_start3A_599 = tpu.memref_squeeze %dma_start3A_598 : memref<1x128xi32, #tpu.memory_space<vmem>> -> memref<128xi32, #tpu.memory_space<vmem>>
      %dma_start3A_600 = arith.constant 0 : i32
      %dma_start3A_601 = arith.constant 0 : i32
      %dma_start3A_602 = tpu.memref_slice %arg2[%dma_start3A_600, %dma_start3A_601] : memref<10000x128xf32, #tpu.memory_space<hbm>> -> memref<10000x128xf32, #tpu.memory_space<hbm>>
      tpu.enqueue_indirect_dma source(%dma_start3A_602 : memref<10000x128xf32, #tpu.memory_space<hbm>>) target(%dma_start3A_596 : memref<128x128xf32, #tpu.memory_space<vmem>>) offsets(%dma_start3A_599 : memref<128xi32, #tpu.memory_space<vmem>>) semaphore(%arg11 : memref<!tpu.dma_semaphore, #tpu.memory_space<semaphore_mem>>)
      %dma_wait3A_603 = arith.constant 0 : i32
      %dma_wait3A_604 = arith.constant 1 : i32
      %dma_wait3A_605 = arith.constant 0 : i32
      %dma_wait3A_606 = arith.constant 0 : i32
      %dma_wait3A_607 = tpu.memref_slice %arg8[%dma_wait3A_604, %dma_wait3A_605, %dma_wait3A_606] : memref<2x128x128xf32, #tpu.memory_space<vmem>> -> memref<1x128x128xf32, #tpu.memory_space<vmem>>
      %dma_wait3A_608 = tpu.memref_squeeze %dma_wait3A_607 : memref<1x128x128xf32, #tpu.memory_space<vmem>> -> memref<128x128xf32, #tpu.memory_space<vmem>>
      %dma_wait3A_609 = arith.constant 0 : i32
      %dma_wait3A_610 = tpu.memref_slice %arg6[%dma_wait3A_603, %dma_wait3A_609] : memref<16x128xi32, #tpu.memory_space<vmem>> -> memref<1x128xi32, #tpu.memory_space<vmem>>
      %dma_wait3A_611 = tpu.memref_squeeze %dma_wait3A_610 : memref<1x128xi32, #tpu.memory_space<vmem>> -> memref<128xi32, #tpu.memory_space<vmem>>
      %dma_wait3A_612 = arith.constant 0 : i32
      %dma_wait3A_613 = arith.constant 0 : i32
      %dma_wait3A_614 = tpu.memref_slice %arg2[%dma_wait3A_612, %dma_wait3A_613] : memref<10000x128xf32, #tpu.memory_space<hbm>> -> memref<10000x128xf32, #tpu.memory_space<hbm>>
      tpu.wait_indirect_dma semaphore(%arg11 : memref<!tpu.dma_semaphore, #tpu.memory_space<semaphore_mem>>) src(%dma_wait3A_614 : memref<10000x128xf32, #tpu.memory_space<hbm>>) dst(%dma_wait3A_608 : memref<128x128xf32, #tpu.memory_space<vmem>>)
      %dma_start3A_615 = arith.constant 1 : i32
      %dma_start3A_616 = arith.constant 11 : i32
      %dma_start3A_617 = arith.constant 0 : i32
      %dma_start3A_618 = arith.constant 0 : i32
      %dma_start3A_619 = tpu.memref_slice %arg8[%dma_start3A_615, %dma_start3A_617, %dma_start3A_618] : memref<2x128x128xf32, #tpu.memory_space<vmem>> -> memref<1x128x128xf32, #tpu.memory_space<vmem>>
      %dma_start3A_620 = tpu.memref_squeeze %dma_start3A_619 : memref<1x128x128xf32, #tpu.memory_space<vmem>> -> memref<128x128xf32, #tpu.memory_space<vmem>>
      %dma_start3A_621 = arith.constant 0 : i32
      %dma_start3A_622 = tpu.memref_slice %arg7[%dma_start3A_616, %dma_start3A_621] : memref<16x128xi32, #tpu.memory_space<vmem>> -> memref<1x128xi32, #tpu.memory_space<vmem>>
      %dma_start3A_623 = tpu.memref_squeeze %dma_start3A_622 : memref<1x128xi32, #tpu.memory_space<vmem>> -> memref<128xi32, #tpu.memory_space<vmem>>
      %dma_start3A_624 = arith.constant 0 : i32
      %dma_start3A_625 = arith.constant 0 : i32
      %dma_start3A_626 = tpu.memref_slice %arg9[%dma_start3A_624, %dma_start3A_625] : memref<10112x128xf32, #tpu.memory_space<vmem_shared>> -> memref<10112x128xf32, #tpu.memory_space<vmem_shared>>
      tpu.enqueue_indirect_dma source(%dma_start3A_620 : memref<128x128xf32, #tpu.memory_space<vmem>>) target(%dma_start3A_626 : memref<10112x128xf32, #tpu.memory_space<vmem_shared>>) offsets(%dma_start3A_623 : memref<128xi32, #tpu.memory_space<vmem>>) semaphore(%arg13 : memref<!tpu.dma_semaphore, #tpu.memory_space<semaphore_mem>>) {add = true}
      %dma_wait3A_627 = arith.constant 0 : i32
      %dma_wait3A_628 = arith.constant 0 : i32
      %dma_wait3A_629 = arith.constant 0 : i32
      %dma_wait3A_630 = arith.constant 0 : i32
      %dma_wait3A_631 = tpu.memref_slice %arg8[%dma_wait3A_627, %dma_wait3A_629, %dma_wait3A_630] : memref<2x128x128xf32, #tpu.memory_space<vmem>> -> memref<1x128x128xf32, #tpu.memory_space<vmem>>
      %dma_wait3A_632 = tpu.memref_squeeze %dma_wait3A_631 : memref<1x128x128xf32, #tpu.memory_space<vmem>> -> memref<128x128xf32, #tpu.memory_space<vmem>>
      %dma_wait3A_633 = arith.constant 0 : i32
      %dma_wait3A_634 = tpu.memref_slice %arg7[%dma_wait3A_628, %dma_wait3A_633] : memref<16x128xi32, #tpu.memory_space<vmem>> -> memref<1x128xi32, #tpu.memory_space<vmem>>
      %dma_wait3A_635 = tpu.memref_squeeze %dma_wait3A_634 : memref<1x128xi32, #tpu.memory_space<vmem>> -> memref<128xi32, #tpu.memory_space<vmem>>
      %dma_wait3A_636 = arith.constant 0 : i32
      %dma_wait3A_637 = arith.constant 0 : i32
      %dma_wait3A_638 = tpu.memref_slice %arg9[%dma_wait3A_636, %dma_wait3A_637] : memref<10112x128xf32, #tpu.memory_space<vmem_shared>> -> memref<10112x128xf32, #tpu.memory_space<vmem_shared>>
      tpu.wait_indirect_dma semaphore(%arg12 : memref<!tpu.dma_semaphore, #tpu.memory_space<semaphore_mem>>) src(%dma_wait3A_632 : memref<128x128xf32, #tpu.memory_space<vmem>>) dst(%dma_wait3A_638 : memref<10112x128xf32, #tpu.memory_space<vmem_shared>>)
      %dma_start3A_639 = arith.constant 12 : i32
      %dma_start3A_640 = arith.constant 0 : i32
      %dma_start3A_641 = arith.constant 0 : i32
      %dma_start3A_642 = arith.constant 0 : i32
      %dma_start3A_643 = tpu.memref_slice %arg8[%dma_start3A_640, %dma_start3A_641, %dma_start3A_642] : memref<2x128x128xf32, #tpu.memory_space<vmem>> -> memref<1x128x128xf32, #tpu.memory_space<vmem>>
      %dma_start3A_644 = tpu.memref_squeeze %dma_start3A_643 : memref<1x128x128xf32, #tpu.memory_space<vmem>> -> memref<128x128xf32, #tpu.memory_space<vmem>>
      %dma_start3A_645 = arith.constant 0 : i32
      %dma_start3A_646 = tpu.memref_slice %arg6[%dma_start3A_639, %dma_start3A_645] : memref<16x128xi32, #tpu.memory_space<vmem>> -> memref<1x128xi32, #tpu.memory_space<vmem>>
      %dma_start3A_647 = tpu.memref_squeeze %dma_start3A_646 : memref<1x128xi32, #tpu.memory_space<vmem>> -> memref<128xi32, #tpu.memory_space<vmem>>
      %dma_start3A_648 = arith.constant 0 : i32
      %dma_start3A_649 = arith.constant 0 : i32
      %dma_start3A_650 = tpu.memref_slice %arg2[%dma_start3A_648, %dma_start3A_649] : memref<10000x128xf32, #tpu.memory_space<hbm>> -> memref<10000x128xf32, #tpu.memory_space<hbm>>
      tpu.enqueue_indirect_dma source(%dma_start3A_650 : memref<10000x128xf32, #tpu.memory_space<hbm>>) target(%dma_start3A_644 : memref<128x128xf32, #tpu.memory_space<vmem>>) offsets(%dma_start3A_647 : memref<128xi32, #tpu.memory_space<vmem>>) semaphore(%arg10 : memref<!tpu.dma_semaphore, #tpu.memory_space<semaphore_mem>>)
      %dma_wait3A_651 = arith.constant 0 : i32
      %dma_wait3A_652 = arith.constant 0 : i32
      %dma_wait3A_653 = arith.constant 0 : i32
      %dma_wait3A_654 = arith.constant 0 : i32
      %dma_wait3A_655 = tpu.memref_slice %arg8[%dma_wait3A_652, %dma_wait3A_653, %dma_wait3A_654] : memref<2x128x128xf32, #tpu.memory_space<vmem>> -> memref<1x128x128xf32, #tpu.memory_space<vmem>>
      %dma_wait3A_656 = tpu.memref_squeeze %dma_wait3A_655 : memref<1x128x128xf32, #tpu.memory_space<vmem>> -> memref<128x128xf32, #tpu.memory_space<vmem>>
      %dma_wait3A_657 = arith.constant 0 : i32
      %dma_wait3A_658 = tpu.memref_slice %arg6[%dma_wait3A_651, %dma_wait3A_657] : memref<16x128xi32, #tpu.memory_space<vmem>> -> memref<1x128xi32, #tpu.memory_space<vmem>>
      %dma_wait3A_659 = tpu.memref_squeeze %dma_wait3A_658 : memref<1x128xi32, #tpu.memory_space<vmem>> -> memref<128xi32, #tpu.memory_space<vmem>>
      %dma_wait3A_660 = arith.constant 0 : i32
      %dma_wait3A_661 = arith.constant 0 : i32
      %dma_wait3A_662 = tpu.memref_slice %arg2[%dma_wait3A_660, %dma_wait3A_661] : memref<10000x128xf32, #tpu.memory_space<hbm>> -> memref<10000x128xf32, #tpu.memory_space<hbm>>
      tpu.wait_indirect_dma semaphore(%arg10 : memref<!tpu.dma_semaphore, #tpu.memory_space<semaphore_mem>>) src(%dma_wait3A_662 : memref<10000x128xf32, #tpu.memory_space<hbm>>) dst(%dma_wait3A_656 : memref<128x128xf32, #tpu.memory_space<vmem>>)
      %dma_start3A_663 = arith.constant 0 : i32
      %dma_start3A_664 = arith.constant 12 : i32
      %dma_start3A_665 = arith.constant 0 : i32
      %dma_start3A_666 = arith.constant 0 : i32
      %dma_start3A_667 = tpu.memref_slice %arg8[%dma_start3A_663, %dma_start3A_665, %dma_start3A_666] : memref<2x128x128xf32, #tpu.memory_space<vmem>> -> memref<1x128x128xf32, #tpu.memory_space<vmem>>
      %dma_start3A_668 = tpu.memref_squeeze %dma_start3A_667 : memref<1x128x128xf32, #tpu.memory_space<vmem>> -> memref<128x128xf32, #tpu.memory_space<vmem>>
      %dma_start3A_669 = arith.constant 0 : i32
      %dma_start3A_670 = tpu.memref_slice %arg7[%dma_start3A_664, %dma_start3A_669] : memref<16x128xi32, #tpu.memory_space<vmem>> -> memref<1x128xi32, #tpu.memory_space<vmem>>
      %dma_start3A_671 = tpu.memref_squeeze %dma_start3A_670 : memref<1x128xi32, #tpu.memory_space<vmem>> -> memref<128xi32, #tpu.memory_space<vmem>>
      %dma_start3A_672 = arith.constant 0 : i32
      %dma_start3A_673 = arith.constant 0 : i32
      %dma_start3A_674 = tpu.memref_slice %arg9[%dma_start3A_672, %dma_start3A_673] : memref<10112x128xf32, #tpu.memory_space<vmem_shared>> -> memref<10112x128xf32, #tpu.memory_space<vmem_shared>>
      tpu.enqueue_indirect_dma source(%dma_start3A_668 : memref<128x128xf32, #tpu.memory_space<vmem>>) target(%dma_start3A_674 : memref<10112x128xf32, #tpu.memory_space<vmem_shared>>) offsets(%dma_start3A_671 : memref<128xi32, #tpu.memory_space<vmem>>) semaphore(%arg12 : memref<!tpu.dma_semaphore, #tpu.memory_space<semaphore_mem>>) {add = true}
      %dma_wait3A_675 = arith.constant 1 : i32
      %dma_wait3A_676 = arith.constant 0 : i32
      %dma_wait3A_677 = arith.constant 0 : i32
      %dma_wait3A_678 = arith.constant 0 : i32
      %dma_wait3A_679 = tpu.memref_slice %arg8[%dma_wait3A_675, %dma_wait3A_677, %dma_wait3A_678] : memref<2x128x128xf32, #tpu.memory_space<vmem>> -> memref<1x128x128xf32, #tpu.memory_space<vmem>>
      %dma_wait3A_680 = tpu.memref_squeeze %dma_wait3A_679 : memref<1x128x128xf32, #tpu.memory_space<vmem>> -> memref<128x128xf32, #tpu.memory_space<vmem>>
      %dma_wait3A_681 = arith.constant 0 : i32
      %dma_wait3A_682 = tpu.memref_slice %arg7[%dma_wait3A_676, %dma_wait3A_681] : memref<16x128xi32, #tpu.memory_space<vmem>> -> memref<1x128xi32, #tpu.memory_space<vmem>>
      %dma_wait3A_683 = tpu.memref_squeeze %dma_wait3A_682 : memref<1x128xi32, #tpu.memory_space<vmem>> -> memref<128xi32, #tpu.memory_space<vmem>>
      %dma_wait3A_684 = arith.constant 0 : i32
      %dma_wait3A_685 = arith.constant 0 : i32
      %dma_wait3A_686 = tpu.memref_slice %arg9[%dma_wait3A_684, %dma_wait3A_685] : memref<10112x128xf32, #tpu.memory_space<vmem_shared>> -> memref<10112x128xf32, #tpu.memory_space<vmem_shared>>
      tpu.wait_indirect_dma semaphore(%arg13 : memref<!tpu.dma_semaphore, #tpu.memory_space<semaphore_mem>>) src(%dma_wait3A_680 : memref<128x128xf32, #tpu.memory_space<vmem>>) dst(%dma_wait3A_686 : memref<10112x128xf32, #tpu.memory_space<vmem_shared>>)
      %dma_start3A_687 = arith.constant 13 : i32
      %dma_start3A_688 = arith.constant 1 : i32
      %dma_start3A_689 = arith.constant 0 : i32
      %dma_start3A_690 = arith.constant 0 : i32
      %dma_start3A_691 = tpu.memref_slice %arg8[%dma_start3A_688, %dma_start3A_689, %dma_start3A_690] : memref<2x128x128xf32, #tpu.memory_space<vmem>> -> memref<1x128x128xf32, #tpu.memory_space<vmem>>
      %dma_start3A_692 = tpu.memref_squeeze %dma_start3A_691 : memref<1x128x128xf32, #tpu.memory_space<vmem>> -> memref<128x128xf32, #tpu.memory_space<vmem>>
      %dma_start3A_693 = arith.constant 0 : i32
      %dma_start3A_694 = tpu.memref_slice %arg6[%dma_start3A_687, %dma_start3A_693] : memref<16x128xi32, #tpu.memory_space<vmem>> -> memref<1x128xi32, #tpu.memory_space<vmem>>
      %dma_start3A_695 = tpu.memref_squeeze %dma_start3A_694 : memref<1x128xi32, #tpu.memory_space<vmem>> -> memref<128xi32, #tpu.memory_space<vmem>>
      %dma_start3A_696 = arith.constant 0 : i32
      %dma_start3A_697 = arith.constant 0 : i32
      %dma_start3A_698 = tpu.memref_slice %arg2[%dma_start3A_696, %dma_start3A_697] : memref<10000x128xf32, #tpu.memory_space<hbm>> -> memref<10000x128xf32, #tpu.memory_space<hbm>>
      tpu.enqueue_indirect_dma source(%dma_start3A_698 : memref<10000x128xf32, #tpu.memory_space<hbm>>) target(%dma_start3A_692 : memref<128x128xf32, #tpu.memory_space<vmem>>) offsets(%dma_start3A_695 : memref<128xi32, #tpu.memory_space<vmem>>) semaphore(%arg11 : memref<!tpu.dma_semaphore, #tpu.memory_space<semaphore_mem>>)
      %dma_wait3A_699 = arith.constant 0 : i32
      %dma_wait3A_700 = arith.constant 1 : i32
      %dma_wait3A_701 = arith.constant 0 : i32
      %dma_wait3A_702 = arith.constant 0 : i32
      %dma_wait3A_703 = tpu.memref_slice %arg8[%dma_wait3A_700, %dma_wait3A_701, %dma_wait3A_702] : memref<2x128x128xf32, #tpu.memory_space<vmem>> -> memref<1x128x128xf32, #tpu.memory_space<vmem>>
      %dma_wait3A_704 = tpu.memref_squeeze %dma_wait3A_703 : memref<1x128x128xf32, #tpu.memory_space<vmem>> -> memref<128x128xf32, #tpu.memory_space<vmem>>
      %dma_wait3A_705 = arith.constant 0 : i32
      %dma_wait3A_706 = tpu.memref_slice %arg6[%dma_wait3A_699, %dma_wait3A_705] : memref<16x128xi32, #tpu.memory_space<vmem>> -> memref<1x128xi32, #tpu.memory_space<vmem>>
      %dma_wait3A_707 = tpu.memref_squeeze %dma_wait3A_706 : memref<1x128xi32, #tpu.memory_space<vmem>> -> memref<128xi32, #tpu.memory_space<vmem>>
      %dma_wait3A_708 = arith.constant 0 : i32
      %dma_wait3A_709 = arith.constant 0 : i32
      %dma_wait3A_710 = tpu.memref_slice %arg2[%dma_wait3A_708, %dma_wait3A_709] : memref<10000x128xf32, #tpu.memory_space<hbm>> -> memref<10000x128xf32, #tpu.memory_space<hbm>>
      tpu.wait_indirect_dma semaphore(%arg11 : memref<!tpu.dma_semaphore, #tpu.memory_space<semaphore_mem>>) src(%dma_wait3A_710 : memref<10000x128xf32, #tpu.memory_space<hbm>>) dst(%dma_wait3A_704 : memref<128x128xf32, #tpu.memory_space<vmem>>)
      %dma_start3A_711 = arith.constant 1 : i32
      %dma_start3A_712 = arith.constant 13 : i32
      %dma_start3A_713 = arith.constant 0 : i32
      %dma_start3A_714 = arith.constant 0 : i32
      %dma_start3A_715 = tpu.memref_slice %arg8[%dma_start3A_711, %dma_start3A_713, %dma_start3A_714] : memref<2x128x128xf32, #tpu.memory_space<vmem>> -> memref<1x128x128xf32, #tpu.memory_space<vmem>>
      %dma_start3A_716 = tpu.memref_squeeze %dma_start3A_715 : memref<1x128x128xf32, #tpu.memory_space<vmem>> -> memref<128x128xf32, #tpu.memory_space<vmem>>
      %dma_start3A_717 = arith.constant 0 : i32
      %dma_start3A_718 = tpu.memref_slice %arg7[%dma_start3A_712, %dma_start3A_717] : memref<16x128xi32, #tpu.memory_space<vmem>> -> memref<1x128xi32, #tpu.memory_space<vmem>>
      %dma_start3A_719 = tpu.memref_squeeze %dma_start3A_718 : memref<1x128xi32, #tpu.memory_space<vmem>> -> memref<128xi32, #tpu.memory_space<vmem>>
      %dma_start3A_720 = arith.constant 0 : i32
      %dma_start3A_721 = arith.constant 0 : i32
      %dma_start3A_722 = tpu.memref_slice %arg9[%dma_start3A_720, %dma_start3A_721] : memref<10112x128xf32, #tpu.memory_space<vmem_shared>> -> memref<10112x128xf32, #tpu.memory_space<vmem_shared>>
      tpu.enqueue_indirect_dma source(%dma_start3A_716 : memref<128x128xf32, #tpu.memory_space<vmem>>) target(%dma_start3A_722 : memref<10112x128xf32, #tpu.memory_space<vmem_shared>>) offsets(%dma_start3A_719 : memref<128xi32, #tpu.memory_space<vmem>>) semaphore(%arg13 : memref<!tpu.dma_semaphore, #tpu.memory_space<semaphore_mem>>) {add = true}
      %dma_wait3A_723 = arith.constant 0 : i32
      %dma_wait3A_724 = arith.constant 0 : i32
      %dma_wait3A_725 = arith.constant 0 : i32
      %dma_wait3A_726 = arith.constant 0 : i32
      %dma_wait3A_727 = tpu.memref_slice %arg8[%dma_wait3A_723, %dma_wait3A_725, %dma_wait3A_726] : memref<2x128x128xf32, #tpu.memory_space<vmem>> -> memref<1x128x128xf32, #tpu.memory_space<vmem>>
      %dma_wait3A_728 = tpu.memref_squeeze %dma_wait3A_727 : memref<1x128x128xf32, #tpu.memory_space<vmem>> -> memref<128x128xf32, #tpu.memory_space<vmem>>
      %dma_wait3A_729 = arith.constant 0 : i32
      %dma_wait3A_730 = tpu.memref_slice %arg7[%dma_wait3A_724, %dma_wait3A_729] : memref<16x128xi32, #tpu.memory_space<vmem>> -> memref<1x128xi32, #tpu.memory_space<vmem>>
      %dma_wait3A_731 = tpu.memref_squeeze %dma_wait3A_730 : memref<1x128xi32, #tpu.memory_space<vmem>> -> memref<128xi32, #tpu.memory_space<vmem>>
      %dma_wait3A_732 = arith.constant 0 : i32
      %dma_wait3A_733 = arith.constant 0 : i32
      %dma_wait3A_734 = tpu.memref_slice %arg9[%dma_wait3A_732, %dma_wait3A_733] : memref<10112x128xf32, #tpu.memory_space<vmem_shared>> -> memref<10112x128xf32, #tpu.memory_space<vmem_shared>>
      tpu.wait_indirect_dma semaphore(%arg12 : memref<!tpu.dma_semaphore, #tpu.memory_space<semaphore_mem>>) src(%dma_wait3A_728 : memref<128x128xf32, #tpu.memory_space<vmem>>) dst(%dma_wait3A_734 : memref<10112x128xf32, #tpu.memory_space<vmem_shared>>)
      %dma_start3A_735 = arith.constant 14 : i32
      %dma_start3A_736 = arith.constant 0 : i32
      %dma_start3A_737 = arith.constant 0 : i32
      %dma_start3A_738 = arith.constant 0 : i32
      %dma_start3A_739 = tpu.memref_slice %arg8[%dma_start3A_736, %dma_start3A_737, %dma_start3A_738] : memref<2x128x128xf32, #tpu.memory_space<vmem>> -> memref<1x128x128xf32, #tpu.memory_space<vmem>>
      %dma_start3A_740 = tpu.memref_squeeze %dma_start3A_739 : memref<1x128x128xf32, #tpu.memory_space<vmem>> -> memref<128x128xf32, #tpu.memory_space<vmem>>
      %dma_start3A_741 = arith.constant 0 : i32
      %dma_start3A_742 = tpu.memref_slice %arg6[%dma_start3A_735, %dma_start3A_741] : memref<16x128xi32, #tpu.memory_space<vmem>> -> memref<1x128xi32, #tpu.memory_space<vmem>>
      %dma_start3A_743 = tpu.memref_squeeze %dma_start3A_742 : memref<1x128xi32, #tpu.memory_space<vmem>> -> memref<128xi32, #tpu.memory_space<vmem>>
      %dma_start3A_744 = arith.constant 0 : i32
      %dma_start3A_745 = arith.constant 0 : i32
      %dma_start3A_746 = tpu.memref_slice %arg2[%dma_start3A_744, %dma_start3A_745] : memref<10000x128xf32, #tpu.memory_space<hbm>> -> memref<10000x128xf32, #tpu.memory_space<hbm>>
      tpu.enqueue_indirect_dma source(%dma_start3A_746 : memref<10000x128xf32, #tpu.memory_space<hbm>>) target(%dma_start3A_740 : memref<128x128xf32, #tpu.memory_space<vmem>>) offsets(%dma_start3A_743 : memref<128xi32, #tpu.memory_space<vmem>>) semaphore(%arg10 : memref<!tpu.dma_semaphore, #tpu.memory_space<semaphore_mem>>)
      %dma_wait3A_747 = arith.constant 0 : i32
      %dma_wait3A_748 = arith.constant 0 : i32
      %dma_wait3A_749 = arith.constant 0 : i32
      %dma_wait3A_750 = arith.constant 0 : i32
      %dma_wait3A_751 = tpu.memref_slice %arg8[%dma_wait3A_748, %dma_wait3A_749, %dma_wait3A_750] : memref<2x128x128xf32, #tpu.memory_space<vmem>> -> memref<1x128x128xf32, #tpu.memory_space<vmem>>
      %dma_wait3A_752 = tpu.memref_squeeze %dma_wait3A_751 : memref<1x128x128xf32, #tpu.memory_space<vmem>> -> memref<128x128xf32, #tpu.memory_space<vmem>>
      %dma_wait3A_753 = arith.constant 0 : i32
      %dma_wait3A_754 = tpu.memref_slice %arg6[%dma_wait3A_747, %dma_wait3A_753] : memref<16x128xi32, #tpu.memory_space<vmem>> -> memref<1x128xi32, #tpu.memory_space<vmem>>
      %dma_wait3A_755 = tpu.memref_squeeze %dma_wait3A_754 : memref<1x128xi32, #tpu.memory_space<vmem>> -> memref<128xi32, #tpu.memory_space<vmem>>
      %dma_wait3A_756 = arith.constant 0 : i32
      %dma_wait3A_757 = arith.constant 0 : i32
      %dma_wait3A_758 = tpu.memref_slice %arg2[%dma_wait3A_756, %dma_wait3A_757] : memref<10000x128xf32, #tpu.memory_space<hbm>> -> memref<10000x128xf32, #tpu.memory_space<hbm>>
      tpu.wait_indirect_dma semaphore(%arg10 : memref<!tpu.dma_semaphore, #tpu.memory_space<semaphore_mem>>) src(%dma_wait3A_758 : memref<10000x128xf32, #tpu.memory_space<hbm>>) dst(%dma_wait3A_752 : memref<128x128xf32, #tpu.memory_space<vmem>>)
      %dma_start3A_759 = arith.constant 0 : i32
      %dma_start3A_760 = arith.constant 14 : i32
      %dma_start3A_761 = arith.constant 0 : i32
      %dma_start3A_762 = arith.constant 0 : i32
      %dma_start3A_763 = tpu.memref_slice %arg8[%dma_start3A_759, %dma_start3A_761, %dma_start3A_762] : memref<2x128x128xf32, #tpu.memory_space<vmem>> -> memref<1x128x128xf32, #tpu.memory_space<vmem>>
      %dma_start3A_764 = tpu.memref_squeeze %dma_start3A_763 : memref<1x128x128xf32, #tpu.memory_space<vmem>> -> memref<128x128xf32, #tpu.memory_space<vmem>>
      %dma_start3A_765 = arith.constant 0 : i32
      %dma_start3A_766 = tpu.memref_slice %arg7[%dma_start3A_760, %dma_start3A_765] : memref<16x128xi32, #tpu.memory_space<vmem>> -> memref<1x128xi32, #tpu.memory_space<vmem>>
      %dma_start3A_767 = tpu.memref_squeeze %dma_start3A_766 : memref<1x128xi32, #tpu.memory_space<vmem>> -> memref<128xi32, #tpu.memory_space<vmem>>
      %dma_start3A_768 = arith.constant 0 : i32
      %dma_start3A_769 = arith.constant 0 : i32
      %dma_start3A_770 = tpu.memref_slice %arg9[%dma_start3A_768, %dma_start3A_769] : memref<10112x128xf32, #tpu.memory_space<vmem_shared>> -> memref<10112x128xf32, #tpu.memory_space<vmem_shared>>
      tpu.enqueue_indirect_dma source(%dma_start3A_764 : memref<128x128xf32, #tpu.memory_space<vmem>>) target(%dma_start3A_770 : memref<10112x128xf32, #tpu.memory_space<vmem_shared>>) offsets(%dma_start3A_767 : memref<128xi32, #tpu.memory_space<vmem>>) semaphore(%arg12 : memref<!tpu.dma_semaphore, #tpu.memory_space<semaphore_mem>>) {add = true}
      %dma_wait3A_771 = arith.constant 1 : i32
      %dma_wait3A_772 = arith.constant 0 : i32
      %dma_wait3A_773 = arith.constant 0 : i32
      %dma_wait3A_774 = arith.constant 0 : i32
      %dma_wait3A_775 = tpu.memref_slice %arg8[%dma_wait3A_771, %dma_wait3A_773, %dma_wait3A_774] : memref<2x128x128xf32, #tpu.memory_space<vmem>> -> memref<1x128x128xf32, #tpu.memory_space<vmem>>
      %dma_wait3A_776 = tpu.memref_squeeze %dma_wait3A_775 : memref<1x128x128xf32, #tpu.memory_space<vmem>> -> memref<128x128xf32, #tpu.memory_space<vmem>>
      %dma_wait3A_777 = arith.constant 0 : i32
      %dma_wait3A_778 = tpu.memref_slice %arg7[%dma_wait3A_772, %dma_wait3A_777] : memref<16x128xi32, #tpu.memory_space<vmem>> -> memref<1x128xi32, #tpu.memory_space<vmem>>
      %dma_wait3A_779 = tpu.memref_squeeze %dma_wait3A_778 : memref<1x128xi32, #tpu.memory_space<vmem>> -> memref<128xi32, #tpu.memory_space<vmem>>
      %dma_wait3A_780 = arith.constant 0 : i32
      %dma_wait3A_781 = arith.constant 0 : i32
      %dma_wait3A_782 = tpu.memref_slice %arg9[%dma_wait3A_780, %dma_wait3A_781] : memref<10112x128xf32, #tpu.memory_space<vmem_shared>> -> memref<10112x128xf32, #tpu.memory_space<vmem_shared>>
      tpu.wait_indirect_dma semaphore(%arg13 : memref<!tpu.dma_semaphore, #tpu.memory_space<semaphore_mem>>) src(%dma_wait3A_776 : memref<128x128xf32, #tpu.memory_space<vmem>>) dst(%dma_wait3A_782 : memref<10112x128xf32, #tpu.memory_space<vmem_shared>>)
      %dma_start3A_783 = arith.constant 15 : i32
      %dma_start3A_784 = arith.constant 1 : i32
      %dma_start3A_785 = arith.constant 0 : i32
      %dma_start3A_786 = arith.constant 0 : i32
      %dma_start3A_787 = tpu.memref_slice %arg8[%dma_start3A_784, %dma_start3A_785, %dma_start3A_786] : memref<2x128x128xf32, #tpu.memory_space<vmem>> -> memref<1x128x128xf32, #tpu.memory_space<vmem>>
      %dma_start3A_788 = tpu.memref_squeeze %dma_start3A_787 : memref<1x128x128xf32, #tpu.memory_space<vmem>> -> memref<128x128xf32, #tpu.memory_space<vmem>>
      %dma_start3A_789 = arith.constant 0 : i32
      %dma_start3A_790 = tpu.memref_slice %arg6[%dma_start3A_783, %dma_start3A_789] : memref<16x128xi32, #tpu.memory_space<vmem>> -> memref<1x128xi32, #tpu.memory_space<vmem>>
      %dma_start3A_791 = tpu.memref_squeeze %dma_start3A_790 : memref<1x128xi32, #tpu.memory_space<vmem>> -> memref<128xi32, #tpu.memory_space<vmem>>
      %dma_start3A_792 = arith.constant 0 : i32
      %dma_start3A_793 = arith.constant 0 : i32
      %dma_start3A_794 = tpu.memref_slice %arg2[%dma_start3A_792, %dma_start3A_793] : memref<10000x128xf32, #tpu.memory_space<hbm>> -> memref<10000x128xf32, #tpu.memory_space<hbm>>
      tpu.enqueue_indirect_dma source(%dma_start3A_794 : memref<10000x128xf32, #tpu.memory_space<hbm>>) target(%dma_start3A_788 : memref<128x128xf32, #tpu.memory_space<vmem>>) offsets(%dma_start3A_791 : memref<128xi32, #tpu.memory_space<vmem>>) semaphore(%arg11 : memref<!tpu.dma_semaphore, #tpu.memory_space<semaphore_mem>>)
      %dma_wait3A_795 = arith.constant 0 : i32
      %dma_wait3A_796 = arith.constant 1 : i32
      %dma_wait3A_797 = arith.constant 0 : i32
      %dma_wait3A_798 = arith.constant 0 : i32
      %dma_wait3A_799 = tpu.memref_slice %arg8[%dma_wait3A_796, %dma_wait3A_797, %dma_wait3A_798] : memref<2x128x128xf32, #tpu.memory_space<vmem>> -> memref<1x128x128xf32, #tpu.memory_space<vmem>>
      %dma_wait3A_800 = tpu.memref_squeeze %dma_wait3A_799 : memref<1x128x128xf32, #tpu.memory_space<vmem>> -> memref<128x128xf32, #tpu.memory_space<vmem>>
      %dma_wait3A_801 = arith.constant 0 : i32
      %dma_wait3A_802 = tpu.memref_slice %arg6[%dma_wait3A_795, %dma_wait3A_801] : memref<16x128xi32, #tpu.memory_space<vmem>> -> memref<1x128xi32, #tpu.memory_space<vmem>>
      %dma_wait3A_803 = tpu.memref_squeeze %dma_wait3A_802 : memref<1x128xi32, #tpu.memory_space<vmem>> -> memref<128xi32, #tpu.memory_space<vmem>>
      %dma_wait3A_804 = arith.constant 0 : i32
      %dma_wait3A_805 = arith.constant 0 : i32
      %dma_wait3A_806 = tpu.memref_slice %arg2[%dma_wait3A_804, %dma_wait3A_805] : memref<10000x128xf32, #tpu.memory_space<hbm>> -> memref<10000x128xf32, #tpu.memory_space<hbm>>
      tpu.wait_indirect_dma semaphore(%arg11 : memref<!tpu.dma_semaphore, #tpu.memory_space<semaphore_mem>>) src(%dma_wait3A_806 : memref<10000x128xf32, #tpu.memory_space<hbm>>) dst(%dma_wait3A_800 : memref<128x128xf32, #tpu.memory_space<vmem>>)
      %dma_start3A_807 = arith.constant 1 : i32
      %dma_start3A_808 = arith.constant 15 : i32
      %dma_start3A_809 = arith.constant 0 : i32
      %dma_start3A_810 = arith.constant 0 : i32
      %dma_start3A_811 = tpu.memref_slice %arg8[%dma_start3A_807, %dma_start3A_809, %dma_start3A_810] : memref<2x128x128xf32, #tpu.memory_space<vmem>> -> memref<1x128x128xf32, #tpu.memory_space<vmem>>
      %dma_start3A_812 = tpu.memref_squeeze %dma_start3A_811 : memref<1x128x128xf32, #tpu.memory_space<vmem>> -> memref<128x128xf32, #tpu.memory_space<vmem>>
      %dma_start3A_813 = arith.constant 0 : i32
      %dma_start3A_814 = tpu.memref_slice %arg7[%dma_start3A_808, %dma_start3A_813] : memref<16x128xi32, #tpu.memory_space<vmem>> -> memref<1x128xi32, #tpu.memory_space<vmem>>
      %dma_start3A_815 = tpu.memref_squeeze %dma_start3A_814 : memref<1x128xi32, #tpu.memory_space<vmem>> -> memref<128xi32, #tpu.memory_space<vmem>>
      %dma_start3A_816 = arith.constant 0 : i32
      %dma_start3A_817 = arith.constant 0 : i32
      %dma_start3A_818 = tpu.memref_slice %arg9[%dma_start3A_816, %dma_start3A_817] : memref<10112x128xf32, #tpu.memory_space<vmem_shared>> -> memref<10112x128xf32, #tpu.memory_space<vmem_shared>>
      tpu.enqueue_indirect_dma source(%dma_start3A_812 : memref<128x128xf32, #tpu.memory_space<vmem>>) target(%dma_start3A_818 : memref<10112x128xf32, #tpu.memory_space<vmem_shared>>) offsets(%dma_start3A_815 : memref<128xi32, #tpu.memory_space<vmem>>) semaphore(%arg13 : memref<!tpu.dma_semaphore, #tpu.memory_space<semaphore_mem>>) {add = true}
    }
    %scan3A_29 = arith.constant 5 : i32
    %dma_wait3A = arith.constant 0 : i32
    %dma_wait3A_30 = arith.constant 0 : i32
    %dma_wait3A_31 = arith.constant 0 : i32
    %dma_wait3A_32 = arith.constant 0 : i32
    %dma_wait3A_33 = tpu.memref_slice %arg8[%dma_wait3A, %dma_wait3A_31, %dma_wait3A_32] : memref<2x128x128xf32, #tpu.memory_space<vmem>> -> memref<1x128x128xf32, #tpu.memory_space<vmem>>
    %dma_wait3A_34 = tpu.memref_squeeze %dma_wait3A_33 : memref<1x128x128xf32, #tpu.memory_space<vmem>> -> memref<128x128xf32, #tpu.memory_space<vmem>>
    %dma_wait3A_35 = arith.constant 0 : i32
    %dma_wait3A_36 = tpu.memref_slice %arg7[%dma_wait3A_30, %dma_wait3A_35] : memref<16x128xi32, #tpu.memory_space<vmem>> -> memref<1x128xi32, #tpu.memory_space<vmem>>
    %dma_wait3A_37 = tpu.memref_squeeze %dma_wait3A_36 : memref<1x128xi32, #tpu.memory_space<vmem>> -> memref<128xi32, #tpu.memory_space<vmem>>
    %dma_wait3A_38 = arith.constant 0 : i32
    %dma_wait3A_39 = arith.constant 0 : i32
    %dma_wait3A_40 = tpu.memref_slice %arg9[%dma_wait3A_38, %dma_wait3A_39] : memref<10112x128xf32, #tpu.memory_space<vmem_shared>> -> memref<10112x128xf32, #tpu.memory_space<vmem_shared>>
    tpu.wait_indirect_dma semaphore(%arg12 : memref<!tpu.dma_semaphore, #tpu.memory_space<semaphore_mem>>) src(%dma_wait3A_34 : memref<128x128xf32, #tpu.memory_space<vmem>>) dst(%dma_wait3A_40 : memref<10112x128xf32, #tpu.memory_space<vmem_shared>>)
    %dma_wait3A_41 = arith.constant 1 : i32
    %dma_wait3A_42 = arith.constant 0 : i32
    %dma_wait3A_43 = arith.constant 0 : i32
    %dma_wait3A_44 = arith.constant 0 : i32
    %dma_wait3A_45 = tpu.memref_slice %arg8[%dma_wait3A_41, %dma_wait3A_43, %dma_wait3A_44] : memref<2x128x128xf32, #tpu.memory_space<vmem>> -> memref<1x128x128xf32, #tpu.memory_space<vmem>>
    %dma_wait3A_46 = tpu.memref_squeeze %dma_wait3A_45 : memref<1x128x128xf32, #tpu.memory_space<vmem>> -> memref<128x128xf32, #tpu.memory_space<vmem>>
    %dma_wait3A_47 = arith.constant 0 : i32
    %dma_wait3A_48 = tpu.memref_slice %arg7[%dma_wait3A_42, %dma_wait3A_47] : memref<16x128xi32, #tpu.memory_space<vmem>> -> memref<1x128xi32, #tpu.memory_space<vmem>>
    %dma_wait3A_49 = tpu.memref_squeeze %dma_wait3A_48 : memref<1x128xi32, #tpu.memory_space<vmem>> -> memref<128xi32, #tpu.memory_space<vmem>>
    %dma_wait3A_50 = arith.constant 0 : i32
    %dma_wait3A_51 = arith.constant 0 : i32
    %dma_wait3A_52 = tpu.memref_slice %arg9[%dma_wait3A_50, %dma_wait3A_51] : memref<10112x128xf32, #tpu.memory_space<vmem_shared>> -> memref<10112x128xf32, #tpu.memory_space<vmem_shared>>
    tpu.wait_indirect_dma semaphore(%arg13 : memref<!tpu.dma_semaphore, #tpu.memory_space<semaphore_mem>>) src(%dma_wait3A_46 : memref<128x128xf32, #tpu.memory_space<vmem>>) dst(%dma_wait3A_52 : memref<10112x128xf32, #tpu.memory_space<vmem_shared>>)
    %barrier3A_53 = arith.constant 0 : index
    tpu.barrier barrier_id(%barrier3A_53)
    %lt3A = arith.constant 10 : i32
    %lt3A_54 = arith.cmpi slt, %arg1, %lt3A : i32
    %convert_element_type3A = arith.extui %lt3A_54 : i1 to i32
    %cond3A = arith.constant 0 : i32
    %cond3A_55 = arith.cmpi ne, %convert_element_type3A, %cond3A : i32
    scf.if %cond3A_55 {
      %mul3A_56 = arith.constant 1000 : i32
      %mul3A_57 = arith.muli %arg1, %mul3A_56 : i32
      %mul3A_58 = arith.constant 10000 : i32
      %mul3A_59 = arith.muli %add3A_2, %mul3A_58 : i32
      %mul3A_60 = arith.constant 1000 : i32
      %mul3A_61 = arith.muli %arg1, %mul3A_60 : i32
      %add3A_62 = arith.addi %mul3A_59, %mul3A_61 : i32
      "tpu.region"() ({
        %run_scoped3A_63 = tpu.sem_alloc : memref<!tpu.dma_semaphore, #tpu.memory_space<semaphore_mem>>
        %dma_start3A = arith.constant 0 : i32
        %dma_start3A_64 = tpu.memref_slice %arg5[%add3A_62, %dma_start3A] : memref<20000x128xf32, #tpu.memory_space<hbm>> -> memref<1000x128xf32, #tpu.memory_space<hbm>>
        %dma_start3A_65 = arith.constant 0 : i32
        %dma_start3A_66 = tpu.memref_slice %arg9[%mul3A_57, %dma_start3A_65] : memref<10112x128xf32, #tpu.memory_space<vmem_shared>> -> memref<1000x128xf32, #tpu.memory_space<vmem_shared>>
        tpu.enqueue_dma source(%dma_start3A_66 : memref<1000x128xf32, #tpu.memory_space<vmem_shared>>) target(%dma_start3A_64 : memref<1000x128xf32, #tpu.memory_space<hbm>>) target_semaphore(%run_scoped3A_63 : memref<!tpu.dma_semaphore, #tpu.memory_space<semaphore_mem>>)
        %dma_wait3A_67 = arith.constant 0 : i32
        %dma_wait3A_68 = tpu.memref_slice %arg5[%add3A_62, %dma_wait3A_67] : memref<20000x128xf32, #tpu.memory_space<hbm>> -> memref<1000x128xf32, #tpu.memory_space<hbm>>
        %dma_wait3A_69 = arith.constant 0 : i32
        %dma_wait3A_70 = tpu.memref_slice %arg9[%mul3A_57, %dma_wait3A_69] : memref<10112x128xf32, #tpu.memory_space<vmem_shared>> -> memref<1000x128xf32, #tpu.memory_space<vmem_shared>>
        tpu.wait_dma2 semaphore(%run_scoped3A_63 : memref<!tpu.dma_semaphore, #tpu.memory_space<semaphore_mem>>) src(%dma_wait3A_70 : memref<1000x128xf32, #tpu.memory_space<vmem_shared>>) dst(%dma_wait3A_68 : memref<1000x128xf32, #tpu.memory_space<hbm>>)
        tpu.yield
      }) : () -> ()
    } else {
    }
    return
  }
}

#map = affine_map<(d0, d1) -> (0, 0, 0)>
#map1 = affine_map<(d0, d1) -> (0, 0)>
module attributes {stable_mosaic.version = 14 : i64} {
  func.func @deg(%arg0: i32, %arg1: i32, %arg2: memref<32x80x128xi32, #tpu.memory_space<hbm>>, %arg3: memref<20000x128xf32, #tpu.memory_space<hbm>>, %arg4: memref<80x128xi32, #tpu.memory_space<vmem>>, %arg5: memref<128x128xf32, #tpu.memory_space<vmem>>, %arg6: memref<10112x128xf32, #tpu.memory_space<vmem_shared>>, %arg7: memref<!tpu.dma_semaphore, #tpu.memory_space<semaphore_mem>>) attributes {dimension_semantics = [#tpu.dimension_semantics<core_parallel>, #tpu.dimension_semantics<subcore_parallel>], iteration_bounds = array<i64: 2, 16>, scalar_prefetch = 0 : i64, scratch_operands = 4 : i64, tpu.core_type = #tpu.core_type<sc_vector_subcore>, window_params = [{transform_indices = #map}, {transform_indices = #map1}]} {
    %mul3A = arith.constant 16 : i32
    %mul3A_0 = arith.muli %arg0, %mul3A : i32
    %add3A = arith.addi %mul3A_0, %arg1 : i32
    "tpu.region"() ({
      %run_scoped3A = tpu.sem_alloc : memref<!tpu.dma_semaphore, #tpu.memory_space<semaphore_mem>>
      %dma_start3A = arith.constant 0 : i32
      %dma_start3A_63 = arith.constant 0 : i32
      %dma_start3A_64 = tpu.memref_slice %arg2[%add3A, %dma_start3A, %dma_start3A_63] : memref<32x80x128xi32, #tpu.memory_space<hbm>> -> memref<1x80x128xi32, #tpu.memory_space<hbm>>
      %dma_start3A_65 = tpu.memref_squeeze %dma_start3A_64 : memref<1x80x128xi32, #tpu.memory_space<hbm>> -> memref<80x128xi32, #tpu.memory_space<hbm>>
      %dma_start3A_66 = arith.constant 0 : i32
      %dma_start3A_67 = arith.constant 0 : i32
      %dma_start3A_68 = tpu.memref_slice %arg2[%add3A, %dma_start3A_66, %dma_start3A_67] : memref<32x80x128xi32, #tpu.memory_space<hbm>> -> memref<1x80x128xi32, #tpu.memory_space<hbm>>
      %dma_start3A_69 = tpu.memref_squeeze %dma_start3A_68 : memref<1x80x128xi32, #tpu.memory_space<hbm>> -> memref<80x128xi32, #tpu.memory_space<hbm>>
      tpu.enqueue_dma source(%dma_start3A_69 : memref<80x128xi32, #tpu.memory_space<hbm>>) target(%arg4 : memref<80x128xi32, #tpu.memory_space<vmem>>) target_semaphore(%run_scoped3A : memref<!tpu.dma_semaphore, #tpu.memory_space<semaphore_mem>>)
      %dma_wait3A_70 = arith.constant 0 : i32
      %dma_wait3A_71 = arith.constant 0 : i32
      %dma_wait3A_72 = tpu.memref_slice %arg2[%add3A, %dma_wait3A_70, %dma_wait3A_71] : memref<32x80x128xi32, #tpu.memory_space<hbm>> -> memref<1x80x128xi32, #tpu.memory_space<hbm>>
      %dma_wait3A_73 = tpu.memref_squeeze %dma_wait3A_72 : memref<1x80x128xi32, #tpu.memory_space<hbm>> -> memref<80x128xi32, #tpu.memory_space<hbm>>
      %dma_wait3A_74 = arith.constant 0 : i32
      %dma_wait3A_75 = arith.constant 0 : i32
      %dma_wait3A_76 = tpu.memref_slice %arg2[%add3A, %dma_wait3A_74, %dma_wait3A_75] : memref<32x80x128xi32, #tpu.memory_space<hbm>> -> memref<1x80x128xi32, #tpu.memory_space<hbm>>
      %dma_wait3A_77 = tpu.memref_squeeze %dma_wait3A_76 : memref<1x80x128xi32, #tpu.memory_space<hbm>> -> memref<80x128xi32, #tpu.memory_space<hbm>>
      tpu.wait_dma2 semaphore(%run_scoped3A : memref<!tpu.dma_semaphore, #tpu.memory_space<semaphore_mem>>) src(%dma_wait3A_77 : memref<80x128xi32, #tpu.memory_space<hbm>>) dst(%arg4 : memref<80x128xi32, #tpu.memory_space<vmem>>)
      tpu.yield
    }) : () -> ()
    %broadcast_in_dim3A = arith.constant 0.000000e+00 : f32
    %broadcast_in_dim3A_1 = vector.broadcast %broadcast_in_dim3A : f32 to vector<16xf32>
    %scan3A = arith.constant 0 : i32
    %scan3A_2 = arith.constant 0 : i32
    %scan3A_3 = arith.constant 128 : i32
    %scan3A_4 = arith.addi %scan3A_2, %scan3A_3 : i32
    %scan3A_5 = arith.constant 1 : i32
    scf.for %scan3A_63 = %scan3A_2 to %scan3A_4 step %scan3A_5  : i32 {
      %swap3A = arith.index_cast %scan3A_63 : i32 to index
      %swap3A_64 = arith.constant 0 : index
      %swap3A_65 = tpu.vector_load %arg5[%swap3A, %swap3A_64] {strides = array<i32>} : memref<128x128xf32, #tpu.memory_space<vmem>>, vector<1x16xf32>,
      %swap3A_66 = vector.shape_cast %swap3A_65 : vector<1x16xf32> to vector<16xf32>
      %swap3A_67 = vector.shape_cast %broadcast_in_dim3A_1 : vector<16xf32> to vector<1x16xf32>
      tpu.vector_store %arg5[%swap3A, %swap3A_64], %swap3A_67 {strides = array<i32>} : memref<128x128xf32, #tpu.memory_space<vmem>>, vector<1x16xf32>,
      %swap3A_68 = arith.index_cast %scan3A_63 : i32 to index
      %swap3A_69 = arith.constant 16 : index
      %swap3A_70 = tpu.vector_load %arg5[%swap3A_68, %swap3A_69] {strides = array<i32>} : memref<128x128xf32, #tpu.memory_space<vmem>>, vector<1x16xf32>,
      %swap3A_71 = vector.shape_cast %swap3A_70 : vector<1x16xf32> to vector<16xf32>
      %swap3A_72 = vector.shape_cast %broadcast_in_dim3A_1 : vector<16xf32> to vector<1x16xf32>
      tpu.vector_store %arg5[%swap3A_68, %swap3A_69], %swap3A_72 {strides = array<i32>} : memref<128x128xf32, #tpu.memory_space<vmem>>, vector<1x16xf32>,
      %swap3A_73 = arith.index_cast %scan3A_63 : i32 to index
      %swap3A_74 = arith.constant 32 : index
      %swap3A_75 = tpu.vector_load %arg5[%swap3A_73, %swap3A_74] {strides = array<i32>} : memref<128x128xf32, #tpu.memory_space<vmem>>, vector<1x16xf32>,
      %swap3A_76 = vector.shape_cast %swap3A_75 : vector<1x16xf32> to vector<16xf32>
      %swap3A_77 = vector.shape_cast %broadcast_in_dim3A_1 : vector<16xf32> to vector<1x16xf32>
      tpu.vector_store %arg5[%swap3A_73, %swap3A_74], %swap3A_77 {strides = array<i32>} : memref<128x128xf32, #tpu.memory_space<vmem>>, vector<1x16xf32>,
      %swap3A_78 = arith.index_cast %scan3A_63 : i32 to index
      %swap3A_79 = arith.constant 48 : index
      %swap3A_80 = tpu.vector_load %arg5[%swap3A_78, %swap3A_79] {strides = array<i32>} : memref<128x128xf32, #tpu.memory_space<vmem>>, vector<1x16xf32>,
      %swap3A_81 = vector.shape_cast %swap3A_80 : vector<1x16xf32> to vector<16xf32>
      %swap3A_82 = vector.shape_cast %broadcast_in_dim3A_1 : vector<16xf32> to vector<1x16xf32>
      tpu.vector_store %arg5[%swap3A_78, %swap3A_79], %swap3A_82 {strides = array<i32>} : memref<128x128xf32, #tpu.memory_space<vmem>>, vector<1x16xf32>,
      %swap3A_83 = arith.index_cast %scan3A_63 : i32 to index
      %swap3A_84 = arith.constant 64 : index
      %swap3A_85 = tpu.vector_load %arg5[%swap3A_83, %swap3A_84] {strides = array<i32>} : memref<128x128xf32, #tpu.memory_space<vmem>>, vector<1x16xf32>,
      %swap3A_86 = vector.shape_cast %swap3A_85 : vector<1x16xf32> to vector<16xf32>
      %swap3A_87 = vector.shape_cast %broadcast_in_dim3A_1 : vector<16xf32> to vector<1x16xf32>
      tpu.vector_store %arg5[%swap3A_83, %swap3A_84], %swap3A_87 {strides = array<i32>} : memref<128x128xf32, #tpu.memory_space<vmem>>, vector<1x16xf32>,
      %swap3A_88 = arith.index_cast %scan3A_63 : i32 to index
      %swap3A_89 = arith.constant 80 : index
      %swap3A_90 = tpu.vector_load %arg5[%swap3A_88, %swap3A_89] {strides = array<i32>} : memref<128x128xf32, #tpu.memory_space<vmem>>, vector<1x16xf32>,
      %swap3A_91 = vector.shape_cast %swap3A_90 : vector<1x16xf32> to vector<16xf32>
      %swap3A_92 = vector.shape_cast %broadcast_in_dim3A_1 : vector<16xf32> to vector<1x16xf32>
      tpu.vector_store %arg5[%swap3A_88, %swap3A_89], %swap3A_92 {strides = array<i32>} : memref<128x128xf32, #tpu.memory_space<vmem>>, vector<1x16xf32>,
      %swap3A_93 = arith.index_cast %scan3A_63 : i32 to index
      %swap3A_94 = arith.constant 96 : index
      %swap3A_95 = tpu.vector_load %arg5[%swap3A_93, %swap3A_94] {strides = array<i32>} : memref<128x128xf32, #tpu.memory_space<vmem>>, vector<1x16xf32>,
      %swap3A_96 = vector.shape_cast %swap3A_95 : vector<1x16xf32> to vector<16xf32>
      %swap3A_97 = vector.shape_cast %broadcast_in_dim3A_1 : vector<16xf32> to vector<1x16xf32>
      tpu.vector_store %arg5[%swap3A_93, %swap3A_94], %swap3A_97 {strides = array<i32>} : memref<128x128xf32, #tpu.memory_space<vmem>>, vector<1x16xf32>,
      %swap3A_98 = arith.index_cast %scan3A_63 : i32 to index
      %swap3A_99 = arith.constant 112 : index
      %swap3A_100 = tpu.vector_load %arg5[%swap3A_98, %swap3A_99] {strides = array<i32>} : memref<128x128xf32, #tpu.memory_space<vmem>>, vector<1x16xf32>,
      %swap3A_101 = vector.shape_cast %swap3A_100 : vector<1x16xf32> to vector<16xf32>
      %swap3A_102 = vector.shape_cast %broadcast_in_dim3A_1 : vector<16xf32> to vector<1x16xf32>
      tpu.vector_store %arg5[%swap3A_98, %swap3A_99], %swap3A_102 {strides = array<i32>} : memref<128x128xf32, #tpu.memory_space<vmem>>, vector<1x16xf32>,
    }
    %scan3A_6 = arith.constant 128 : i32
    %mul3A_7 = arith.constant 632 : i32
    %mul3A_8 = arith.muli %arg1, %mul3A_7 : i32
    %add3A_9 = arith.constant 0 : i32
    %add3A_10 = arith.addi %mul3A_8, %add3A_9 : i32
    "tpu.region"() ({
      %run_scoped3A = tpu.sem_alloc : memref<!tpu.dma_semaphore, #tpu.memory_space<semaphore_mem>>
      %dma_start3A = arith.constant 0 : i32
      %dma_start3A_63 = arith.constant 0 : i32
      %dma_start3A_64 = tpu.memref_slice %arg5[%dma_start3A, %dma_start3A_63] : memref<128x128xf32, #tpu.memory_space<vmem>> -> memref<128x128xf32, #tpu.memory_space<vmem>>
      %dma_start3A_65 = arith.constant 0 : i32
      %dma_start3A_66 = tpu.memref_slice %arg6[%add3A_10, %dma_start3A_65] : memref<10112x128xf32, #tpu.memory_space<vmem_shared>> -> memref<128x128xf32, #tpu.memory_space<vmem_shared>>
      %dma_start3A_67 = arith.constant 0 : i32
      %dma_start3A_68 = tpu.memref_slice %arg6[%add3A_10, %dma_start3A_67] : memref<10112x128xf32, #tpu.memory_space<vmem_shared>> -> memref<128x128xf32, #tpu.memory_space<vmem_shared>>
      %dma_start3A_69 = arith.constant 0 : i32
      %dma_start3A_70 = arith.constant 0 : i32
      %dma_start3A_71 = tpu.memref_slice %arg5[%dma_start3A_69, %dma_start3A_70] : memref<128x128xf32, #tpu.memory_space<vmem>> -> memref<128x128xf32, #tpu.memory_space<vmem>>
      tpu.enqueue_dma source(%dma_start3A_71 : memref<128x128xf32, #tpu.memory_space<vmem>>) target(%dma_start3A_68 : memref<128x128xf32, #tpu.memory_space<vmem_shared>>) target_semaphore(%run_scoped3A : memref<!tpu.dma_semaphore, #tpu.memory_space<semaphore_mem>>)
      %dma_wait3A_72 = arith.constant 0 : i32
      %dma_wait3A_73 = arith.constant 0 : i32
      %dma_wait3A_74 = tpu.memref_slice %arg5[%dma_wait3A_72, %dma_wait3A_73] : memref<128x128xf32, #tpu.memory_space<vmem>> -> memref<128x128xf32, #tpu.memory_space<vmem>>
      %dma_wait3A_75 = arith.constant 0 : i32
      %dma_wait3A_76 = tpu.memref_slice %arg6[%add3A_10, %dma_wait3A_75] : memref<10112x128xf32, #tpu.memory_space<vmem_shared>> -> memref<128x128xf32, #tpu.memory_space<vmem_shared>>
      %dma_wait3A_77 = arith.constant 0 : i32
      %dma_wait3A_78 = tpu.memref_slice %arg6[%add3A_10, %dma_wait3A_77] : memref<10112x128xf32, #tpu.memory_space<vmem_shared>> -> memref<128x128xf32, #tpu.memory_space<vmem_shared>>
      %dma_wait3A_79 = arith.constant 0 : i32
      %dma_wait3A_80 = arith.constant 0 : i32
      %dma_wait3A_81 = tpu.memref_slice %arg5[%dma_wait3A_79, %dma_wait3A_80] : memref<128x128xf32, #tpu.memory_space<vmem>> -> memref<128x128xf32, #tpu.memory_space<vmem>>
      tpu.wait_dma2 semaphore(%run_scoped3A : memref<!tpu.dma_semaphore, #tpu.memory_space<semaphore_mem>>) src(%dma_wait3A_81 : memref<128x128xf32, #tpu.memory_space<vmem>>) dst(%dma_wait3A_78 : memref<128x128xf32, #tpu.memory_space<vmem_shared>>)
      tpu.yield
    }) : () -> ()
    %add3A_11 = arith.constant 128 : i32
    %add3A_12 = arith.addi %mul3A_8, %add3A_11 : i32
    "tpu.region"() ({
      %run_scoped3A = tpu.sem_alloc : memref<!tpu.dma_semaphore, #tpu.memory_space<semaphore_mem>>
      %dma_start3A = arith.constant 0 : i32
      %dma_start3A_63 = arith.constant 0 : i32
      %dma_start3A_64 = tpu.memref_slice %arg5[%dma_start3A, %dma_start3A_63] : memref<128x128xf32, #tpu.memory_space<vmem>> -> memref<128x128xf32, #tpu.memory_space<vmem>>
      %dma_start3A_65 = arith.constant 0 : i32
      %dma_start3A_66 = tpu.memref_slice %arg6[%add3A_12, %dma_start3A_65] : memref<10112x128xf32, #tpu.memory_space<vmem_shared>> -> memref<128x128xf32, #tpu.memory_space<vmem_shared>>
      %dma_start3A_67 = arith.constant 0 : i32
      %dma_start3A_68 = tpu.memref_slice %arg6[%add3A_12, %dma_start3A_67] : memref<10112x128xf32, #tpu.memory_space<vmem_shared>> -> memref<128x128xf32, #tpu.memory_space<vmem_shared>>
      %dma_start3A_69 = arith.constant 0 : i32
      %dma_start3A_70 = arith.constant 0 : i32
      %dma_start3A_71 = tpu.memref_slice %arg5[%dma_start3A_69, %dma_start3A_70] : memref<128x128xf32, #tpu.memory_space<vmem>> -> memref<128x128xf32, #tpu.memory_space<vmem>>
      tpu.enqueue_dma source(%dma_start3A_71 : memref<128x128xf32, #tpu.memory_space<vmem>>) target(%dma_start3A_68 : memref<128x128xf32, #tpu.memory_space<vmem_shared>>) target_semaphore(%run_scoped3A : memref<!tpu.dma_semaphore, #tpu.memory_space<semaphore_mem>>)
      %dma_wait3A_72 = arith.constant 0 : i32
      %dma_wait3A_73 = arith.constant 0 : i32
      %dma_wait3A_74 = tpu.memref_slice %arg5[%dma_wait3A_72, %dma_wait3A_73] : memref<128x128xf32, #tpu.memory_space<vmem>> -> memref<128x128xf32, #tpu.memory_space<vmem>>
      %dma_wait3A_75 = arith.constant 0 : i32
      %dma_wait3A_76 = tpu.memref_slice %arg6[%add3A_12, %dma_wait3A_75] : memref<10112x128xf32, #tpu.memory_space<vmem_shared>> -> memref<128x128xf32, #tpu.memory_space<vmem_shared>>
      %dma_wait3A_77 = arith.constant 0 : i32
      %dma_wait3A_78 = tpu.memref_slice %arg6[%add3A_12, %dma_wait3A_77] : memref<10112x128xf32, #tpu.memory_space<vmem_shared>> -> memref<128x128xf32, #tpu.memory_space<vmem_shared>>
      %dma_wait3A_79 = arith.constant 0 : i32
      %dma_wait3A_80 = arith.constant 0 : i32
      %dma_wait3A_81 = tpu.memref_slice %arg5[%dma_wait3A_79, %dma_wait3A_80] : memref<128x128xf32, #tpu.memory_space<vmem>> -> memref<128x128xf32, #tpu.memory_space<vmem>>
      tpu.wait_dma2 semaphore(%run_scoped3A : memref<!tpu.dma_semaphore, #tpu.memory_space<semaphore_mem>>) src(%dma_wait3A_81 : memref<128x128xf32, #tpu.memory_space<vmem>>) dst(%dma_wait3A_78 : memref<128x128xf32, #tpu.memory_space<vmem_shared>>)
      tpu.yield
    }) : () -> ()
    %add3A_13 = arith.constant 256 : i32
    %add3A_14 = arith.addi %mul3A_8, %add3A_13 : i32
    "tpu.region"() ({
      %run_scoped3A = tpu.sem_alloc : memref<!tpu.dma_semaphore, #tpu.memory_space<semaphore_mem>>
      %dma_start3A = arith.constant 0 : i32
      %dma_start3A_63 = arith.constant 0 : i32
      %dma_start3A_64 = tpu.memref_slice %arg5[%dma_start3A, %dma_start3A_63] : memref<128x128xf32, #tpu.memory_space<vmem>> -> memref<128x128xf32, #tpu.memory_space<vmem>>
      %dma_start3A_65 = arith.constant 0 : i32
      %dma_start3A_66 = tpu.memref_slice %arg6[%add3A_14, %dma_start3A_65] : memref<10112x128xf32, #tpu.memory_space<vmem_shared>> -> memref<128x128xf32, #tpu.memory_space<vmem_shared>>
      %dma_start3A_67 = arith.constant 0 : i32
      %dma_start3A_68 = tpu.memref_slice %arg6[%add3A_14, %dma_start3A_67] : memref<10112x128xf32, #tpu.memory_space<vmem_shared>> -> memref<128x128xf32, #tpu.memory_space<vmem_shared>>
      %dma_start3A_69 = arith.constant 0 : i32
      %dma_start3A_70 = arith.constant 0 : i32
      %dma_start3A_71 = tpu.memref_slice %arg5[%dma_start3A_69, %dma_start3A_70] : memref<128x128xf32, #tpu.memory_space<vmem>> -> memref<128x128xf32, #tpu.memory_space<vmem>>
      tpu.enqueue_dma source(%dma_start3A_71 : memref<128x128xf32, #tpu.memory_space<vmem>>) target(%dma_start3A_68 : memref<128x128xf32, #tpu.memory_space<vmem_shared>>) target_semaphore(%run_scoped3A : memref<!tpu.dma_semaphore, #tpu.memory_space<semaphore_mem>>)
      %dma_wait3A_72 = arith.constant 0 : i32
      %dma_wait3A_73 = arith.constant 0 : i32
      %dma_wait3A_74 = tpu.memref_slice %arg5[%dma_wait3A_72, %dma_wait3A_73] : memref<128x128xf32, #tpu.memory_space<vmem>> -> memref<128x128xf32, #tpu.memory_space<vmem>>
      %dma_wait3A_75 = arith.constant 0 : i32
      %dma_wait3A_76 = tpu.memref_slice %arg6[%add3A_14, %dma_wait3A_75] : memref<10112x128xf32, #tpu.memory_space<vmem_shared>> -> memref<128x128xf32, #tpu.memory_space<vmem_shared>>
      %dma_wait3A_77 = arith.constant 0 : i32
      %dma_wait3A_78 = tpu.memref_slice %arg6[%add3A_14, %dma_wait3A_77] : memref<10112x128xf32, #tpu.memory_space<vmem_shared>> -> memref<128x128xf32, #tpu.memory_space<vmem_shared>>
      %dma_wait3A_79 = arith.constant 0 : i32
      %dma_wait3A_80 = arith.constant 0 : i32
      %dma_wait3A_81 = tpu.memref_slice %arg5[%dma_wait3A_79, %dma_wait3A_80] : memref<128x128xf32, #tpu.memory_space<vmem>> -> memref<128x128xf32, #tpu.memory_space<vmem>>
      tpu.wait_dma2 semaphore(%run_scoped3A : memref<!tpu.dma_semaphore, #tpu.memory_space<semaphore_mem>>) src(%dma_wait3A_81 : memref<128x128xf32, #tpu.memory_space<vmem>>) dst(%dma_wait3A_78 : memref<128x128xf32, #tpu.memory_space<vmem_shared>>)
      tpu.yield
    }) : () -> ()
    %add3A_15 = arith.constant 384 : i32
    %add3A_16 = arith.addi %mul3A_8, %add3A_15 : i32
    "tpu.region"() ({
      %run_scoped3A = tpu.sem_alloc : memref<!tpu.dma_semaphore, #tpu.memory_space<semaphore_mem>>
      %dma_start3A = arith.constant 0 : i32
      %dma_start3A_63 = arith.constant 0 : i32
      %dma_start3A_64 = tpu.memref_slice %arg5[%dma_start3A, %dma_start3A_63] : memref<128x128xf32, #tpu.memory_space<vmem>> -> memref<128x128xf32, #tpu.memory_space<vmem>>
      %dma_start3A_65 = arith.constant 0 : i32
      %dma_start3A_66 = tpu.memref_slice %arg6[%add3A_16, %dma_start3A_65] : memref<10112x128xf32, #tpu.memory_space<vmem_shared>> -> memref<128x128xf32, #tpu.memory_space<vmem_shared>>
      %dma_start3A_67 = arith.constant 0 : i32
      %dma_start3A_68 = tpu.memref_slice %arg6[%add3A_16, %dma_start3A_67] : memref<10112x128xf32, #tpu.memory_space<vmem_shared>> -> memref<128x128xf32, #tpu.memory_space<vmem_shared>>
      %dma_start3A_69 = arith.constant 0 : i32
      %dma_start3A_70 = arith.constant 0 : i32
      %dma_start3A_71 = tpu.memref_slice %arg5[%dma_start3A_69, %dma_start3A_70] : memref<128x128xf32, #tpu.memory_space<vmem>> -> memref<128x128xf32, #tpu.memory_space<vmem>>
      tpu.enqueue_dma source(%dma_start3A_71 : memref<128x128xf32, #tpu.memory_space<vmem>>) target(%dma_start3A_68 : memref<128x128xf32, #tpu.memory_space<vmem_shared>>) target_semaphore(%run_scoped3A : memref<!tpu.dma_semaphore, #tpu.memory_space<semaphore_mem>>)
      %dma_wait3A_72 = arith.constant 0 : i32
      %dma_wait3A_73 = arith.constant 0 : i32
      %dma_wait3A_74 = tpu.memref_slice %arg5[%dma_wait3A_72, %dma_wait3A_73] : memref<128x128xf32, #tpu.memory_space<vmem>> -> memref<128x128xf32, #tpu.memory_space<vmem>>
      %dma_wait3A_75 = arith.constant 0 : i32
      %dma_wait3A_76 = tpu.memref_slice %arg6[%add3A_16, %dma_wait3A_75] : memref<10112x128xf32, #tpu.memory_space<vmem_shared>> -> memref<128x128xf32, #tpu.memory_space<vmem_shared>>
      %dma_wait3A_77 = arith.constant 0 : i32
      %dma_wait3A_78 = tpu.memref_slice %arg6[%add3A_16, %dma_wait3A_77] : memref<10112x128xf32, #tpu.memory_space<vmem_shared>> -> memref<128x128xf32, #tpu.memory_space<vmem_shared>>
      %dma_wait3A_79 = arith.constant 0 : i32
      %dma_wait3A_80 = arith.constant 0 : i32
      %dma_wait3A_81 = tpu.memref_slice %arg5[%dma_wait3A_79, %dma_wait3A_80] : memref<128x128xf32, #tpu.memory_space<vmem>> -> memref<128x128xf32, #tpu.memory_space<vmem>>
      tpu.wait_dma2 semaphore(%run_scoped3A : memref<!tpu.dma_semaphore, #tpu.memory_space<semaphore_mem>>) src(%dma_wait3A_81 : memref<128x128xf32, #tpu.memory_space<vmem>>) dst(%dma_wait3A_78 : memref<128x128xf32, #tpu.memory_space<vmem_shared>>)
      tpu.yield
    }) : () -> ()
    %add3A_17 = arith.constant 512 : i32
    %add3A_18 = arith.addi %mul3A_8, %add3A_17 : i32
    "tpu.region"() ({
      %run_scoped3A = tpu.sem_alloc : memref<!tpu.dma_semaphore, #tpu.memory_space<semaphore_mem>>
      %dma_start3A = arith.constant 0 : i32
      %dma_start3A_63 = arith.constant 0 : i32
      %dma_start3A_64 = tpu.memref_slice %arg5[%dma_start3A, %dma_start3A_63] : memref<128x128xf32, #tpu.memory_space<vmem>> -> memref<120x128xf32, #tpu.memory_space<vmem>>
      %dma_start3A_65 = arith.constant 0 : i32
      %dma_start3A_66 = tpu.memref_slice %arg6[%add3A_18, %dma_start3A_65] : memref<10112x128xf32, #tpu.memory_space<vmem_shared>> -> memref<120x128xf32, #tpu.memory_space<vmem_shared>>
      %dma_start3A_67 = arith.constant 0 : i32
      %dma_start3A_68 = tpu.memref_slice %arg6[%add3A_18, %dma_start3A_67] : memref<10112x128xf32, #tpu.memory_space<vmem_shared>> -> memref<120x128xf32, #tpu.memory_space<vmem_shared>>
      %dma_start3A_69 = arith.constant 0 : i32
      %dma_start3A_70 = arith.constant 0 : i32
      %dma_start3A_71 = tpu.memref_slice %arg5[%dma_start3A_69, %dma_start3A_70] : memref<128x128xf32, #tpu.memory_space<vmem>> -> memref<120x128xf32, #tpu.memory_space<vmem>>
      tpu.enqueue_dma source(%dma_start3A_71 : memref<120x128xf32, #tpu.memory_space<vmem>>) target(%dma_start3A_68 : memref<120x128xf32, #tpu.memory_space<vmem_shared>>) target_semaphore(%run_scoped3A : memref<!tpu.dma_semaphore, #tpu.memory_space<semaphore_mem>>)
      %dma_wait3A_72 = arith.constant 0 : i32
      %dma_wait3A_73 = arith.constant 0 : i32
      %dma_wait3A_74 = tpu.memref_slice %arg5[%dma_wait3A_72, %dma_wait3A_73] : memref<128x128xf32, #tpu.memory_space<vmem>> -> memref<120x128xf32, #tpu.memory_space<vmem>>
      %dma_wait3A_75 = arith.constant 0 : i32
      %dma_wait3A_76 = tpu.memref_slice %arg6[%add3A_18, %dma_wait3A_75] : memref<10112x128xf32, #tpu.memory_space<vmem_shared>> -> memref<120x128xf32, #tpu.memory_space<vmem_shared>>
      %dma_wait3A_77 = arith.constant 0 : i32
      %dma_wait3A_78 = tpu.memref_slice %arg6[%add3A_18, %dma_wait3A_77] : memref<10112x128xf32, #tpu.memory_space<vmem_shared>> -> memref<120x128xf32, #tpu.memory_space<vmem_shared>>
      %dma_wait3A_79 = arith.constant 0 : i32
      %dma_wait3A_80 = arith.constant 0 : i32
      %dma_wait3A_81 = tpu.memref_slice %arg5[%dma_wait3A_79, %dma_wait3A_80] : memref<128x128xf32, #tpu.memory_space<vmem>> -> memref<120x128xf32, #tpu.memory_space<vmem>>
      tpu.wait_dma2 semaphore(%run_scoped3A : memref<!tpu.dma_semaphore, #tpu.memory_space<semaphore_mem>>) src(%dma_wait3A_81 : memref<120x128xf32, #tpu.memory_space<vmem>>) dst(%dma_wait3A_78 : memref<120x128xf32, #tpu.memory_space<vmem_shared>>)
      tpu.yield
    }) : () -> ()
    %broadcast_in_dim3A_19 = arith.constant 1.000000e+00 : f32
    %broadcast_in_dim3A_20 = vector.broadcast %broadcast_in_dim3A_19 : f32 to vector<16xf32>
    %scan3A_21 = arith.constant 0 : i32
    %scan3A_22 = arith.constant 0 : i32
    %scan3A_23 = arith.constant 128 : i32
    %scan3A_24 = arith.addi %scan3A_22, %scan3A_23 : i32
    %scan3A_25 = arith.constant 1 : i32
    scf.for %scan3A_63 = %scan3A_22 to %scan3A_24 step %scan3A_25  : i32 {
      %swap3A = arith.index_cast %scan3A_63 : i32 to index
      %swap3A_64 = arith.constant 0 : index
      %swap3A_65 = tpu.vector_load %arg5[%swap3A, %swap3A_64] {strides = array<i32>} : memref<128x128xf32, #tpu.memory_space<vmem>>, vector<1x16xf32>,
      %swap3A_66 = vector.shape_cast %swap3A_65 : vector<1x16xf32> to vector<16xf32>
      %swap3A_67 = vector.shape_cast %broadcast_in_dim3A_20 : vector<16xf32> to vector<1x16xf32>
      tpu.vector_store %arg5[%swap3A, %swap3A_64], %swap3A_67 {strides = array<i32>} : memref<128x128xf32, #tpu.memory_space<vmem>>, vector<1x16xf32>,
      %swap3A_68 = arith.index_cast %scan3A_63 : i32 to index
      %swap3A_69 = arith.constant 16 : index
      %swap3A_70 = tpu.vector_load %arg5[%swap3A_68, %swap3A_69] {strides = array<i32>} : memref<128x128xf32, #tpu.memory_space<vmem>>, vector<1x16xf32>,
      %swap3A_71 = vector.shape_cast %swap3A_70 : vector<1x16xf32> to vector<16xf32>
      %swap3A_72 = vector.shape_cast %broadcast_in_dim3A_20 : vector<16xf32> to vector<1x16xf32>
      tpu.vector_store %arg5[%swap3A_68, %swap3A_69], %swap3A_72 {strides = array<i32>} : memref<128x128xf32, #tpu.memory_space<vmem>>, vector<1x16xf32>,
      %swap3A_73 = arith.index_cast %scan3A_63 : i32 to index
      %swap3A_74 = arith.constant 32 : index
      %swap3A_75 = tpu.vector_load %arg5[%swap3A_73, %swap3A_74] {strides = array<i32>} : memref<128x128xf32, #tpu.memory_space<vmem>>, vector<1x16xf32>,
      %swap3A_76 = vector.shape_cast %swap3A_75 : vector<1x16xf32> to vector<16xf32>
      %swap3A_77 = vector.shape_cast %broadcast_in_dim3A_20 : vector<16xf32> to vector<1x16xf32>
      tpu.vector_store %arg5[%swap3A_73, %swap3A_74], %swap3A_77 {strides = array<i32>} : memref<128x128xf32, #tpu.memory_space<vmem>>, vector<1x16xf32>,
      %swap3A_78 = arith.index_cast %scan3A_63 : i32 to index
      %swap3A_79 = arith.constant 48 : index
      %swap3A_80 = tpu.vector_load %arg5[%swap3A_78, %swap3A_79] {strides = array<i32>} : memref<128x128xf32, #tpu.memory_space<vmem>>, vector<1x16xf32>,
      %swap3A_81 = vector.shape_cast %swap3A_80 : vector<1x16xf32> to vector<16xf32>
      %swap3A_82 = vector.shape_cast %broadcast_in_dim3A_20 : vector<16xf32> to vector<1x16xf32>
      tpu.vector_store %arg5[%swap3A_78, %swap3A_79], %swap3A_82 {strides = array<i32>} : memref<128x128xf32, #tpu.memory_space<vmem>>, vector<1x16xf32>,
      %swap3A_83 = arith.index_cast %scan3A_63 : i32 to index
      %swap3A_84 = arith.constant 64 : index
      %swap3A_85 = tpu.vector_load %arg5[%swap3A_83, %swap3A_84] {strides = array<i32>} : memref<128x128xf32, #tpu.memory_space<vmem>>, vector<1x16xf32>,
      %swap3A_86 = vector.shape_cast %swap3A_85 : vector<1x16xf32> to vector<16xf32>
      %swap3A_87 = vector.shape_cast %broadcast_in_dim3A_20 : vector<16xf32> to vector<1x16xf32>
      tpu.vector_store %arg5[%swap3A_83, %swap3A_84], %swap3A_87 {strides = array<i32>} : memref<128x128xf32, #tpu.memory_space<vmem>>, vector<1x16xf32>,
      %swap3A_88 = arith.index_cast %scan3A_63 : i32 to index
      %swap3A_89 = arith.constant 80 : index
      %swap3A_90 = tpu.vector_load %arg5[%swap3A_88, %swap3A_89] {strides = array<i32>} : memref<128x128xf32, #tpu.memory_space<vmem>>, vector<1x16xf32>,
      %swap3A_91 = vector.shape_cast %swap3A_90 : vector<1x16xf32> to vector<16xf32>
      %swap3A_92 = vector.shape_cast %broadcast_in_dim3A_20 : vector<16xf32> to vector<1x16xf32>
      tpu.vector_store %arg5[%swap3A_88, %swap3A_89], %swap3A_92 {strides = array<i32>} : memref<128x128xf32, #tpu.memory_space<vmem>>, vector<1x16xf32>,
      %swap3A_93 = arith.index_cast %scan3A_63 : i32 to index
      %swap3A_94 = arith.constant 96 : index
      %swap3A_95 = tpu.vector_load %arg5[%swap3A_93, %swap3A_94] {strides = array<i32>} : memref<128x128xf32, #tpu.memory_space<vmem>>, vector<1x16xf32>,
      %swap3A_96 = vector.shape_cast %swap3A_95 : vector<1x16xf32> to vector<16xf32>
      %swap3A_97 = vector.shape_cast %broadcast_in_dim3A_20 : vector<16xf32> to vector<1x16xf32>
      tpu.vector_store %arg5[%swap3A_93, %swap3A_94], %swap3A_97 {strides = array<i32>} : memref<128x128xf32, #tpu.memory_space<vmem>>, vector<1x16xf32>,
      %swap3A_98 = arith.index_cast %scan3A_63 : i32 to index
      %swap3A_99 = arith.constant 112 : index
      %swap3A_100 = tpu.vector_load %arg5[%swap3A_98, %swap3A_99] {strides = array<i32>} : memref<128x128xf32, #tpu.memory_space<vmem>>, vector<1x16xf32>,
      %swap3A_101 = vector.shape_cast %swap3A_100 : vector<1x16xf32> to vector<16xf32>
      %swap3A_102 = vector.shape_cast %broadcast_in_dim3A_20 : vector<16xf32> to vector<1x16xf32>
      tpu.vector_store %arg5[%swap3A_98, %swap3A_99], %swap3A_102 {strides = array<i32>} : memref<128x128xf32, #tpu.memory_space<vmem>>, vector<1x16xf32>,
    }
    %scan3A_26 = arith.constant 128 : i32
    %barrier3A = arith.constant 0 : index
    tpu.barrier barrier_id(%barrier3A)
    %scan3A_27 = arith.constant 0 : i32
    %scan3A_28 = arith.constant 0 : i32
    %scan3A_29 = arith.constant 80 : i32
    %scan3A_30 = arith.addi %scan3A_28, %scan3A_29 : i32
    %scan3A_31 = arith.constant 1 : i32
    scf.for %scan3A_63 = %scan3A_28 to %scan3A_30 step %scan3A_31  : i32 {
      %dma_start3A = arith.constant 0 : i32
      %dma_start3A_64 = tpu.memref_slice %arg4[%scan3A_63, %dma_start3A] : memref<80x128xi32, #tpu.memory_space<vmem>> -> memref<1x128xi32, #tpu.memory_space<vmem>>
      %dma_start3A_65 = tpu.memref_squeeze %dma_start3A_64 : memref<1x128xi32, #tpu.memory_space<vmem>> -> memref<128xi32, #tpu.memory_space<vmem>>
      %dma_start3A_66 = arith.constant 0 : i32
      %dma_start3A_67 = arith.constant 0 : i32
      %dma_start3A_68 = tpu.memref_slice %arg6[%dma_start3A_66, %dma_start3A_67] : memref<10112x128xf32, #tpu.memory_space<vmem_shared>> -> memref<10112x128xf32, #tpu.memory_space<vmem_shared>>
      tpu.enqueue_indirect_dma source(%arg5 : memref<128x128xf32, #tpu.memory_space<vmem>>) target(%dma_start3A_68 : memref<10112x128xf32, #tpu.memory_space<vmem_shared>>) offsets(%dma_start3A_65 : memref<128xi32, #tpu.memory_space<vmem>>) semaphore(%arg7 : memref<!tpu.dma_semaphore, #tpu.memory_space<semaphore_mem>>) {add = true}
      %ge3A = arith.constant 4 : i32
      %ge3A_69 = arith.cmpi sge, %scan3A_63, %ge3A : i32
      %convert_element_type3A_70 = arith.extui %ge3A_69 : i1 to i32
      %cond3A_71 = arith.constant 0 : i32
      %cond3A_72 = arith.cmpi ne, %convert_element_type3A_70, %cond3A_71 : i32
      scf.if %cond3A_72 {
        %dma_wait3A_73 = arith.constant 0 : i32
        %dma_wait3A_74 = arith.constant 0 : i32
        %dma_wait3A_75 = tpu.memref_slice %arg4[%dma_wait3A_73, %dma_wait3A_74] : memref<80x128xi32, #tpu.memory_space<vmem>> -> memref<1x128xi32, #tpu.memory_space<vmem>>
        %dma_wait3A_76 = tpu.memref_squeeze %dma_wait3A_75 : memref<1x128xi32, #tpu.memory_space<vmem>> -> memref<128xi32, #tpu.memory_space<vmem>>
        %dma_wait3A_77 = arith.constant 0 : i32
        %dma_wait3A_78 = arith.constant 0 : i32
        %dma_wait3A_79 = tpu.memref_slice %arg6[%dma_wait3A_77, %dma_wait3A_78] : memref<10112x128xf32, #tpu.memory_space<vmem_shared>> -> memref<10112x128xf32, #tpu.memory_space<vmem_shared>>
        tpu.wait_indirect_dma semaphore(%arg7 : memref<!tpu.dma_semaphore, #tpu.memory_space<semaphore_mem>>) src(%arg5 : memref<128x128xf32, #tpu.memory_space<vmem>>) dst(%dma_wait3A_79 : memref<10112x128xf32, #tpu.memory_space<vmem_shared>>)
      } else {
      }
    }
    %scan3A_32 = arith.constant 80 : i32
    %dma_wait3A = arith.constant 0 : i32
    %dma_wait3A_33 = arith.constant 0 : i32
    %dma_wait3A_34 = tpu.memref_slice %arg4[%dma_wait3A, %dma_wait3A_33] : memref<80x128xi32, #tpu.memory_space<vmem>> -> memref<1x128xi32, #tpu.memory_space<vmem>>
    %dma_wait3A_35 = tpu.memref_squeeze %dma_wait3A_34 : memref<1x128xi32, #tpu.memory_space<vmem>> -> memref<128xi32, #tpu.memory_space<vmem>>
    %dma_wait3A_36 = arith.constant 0 : i32
    %dma_wait3A_37 = arith.constant 0 : i32
    %dma_wait3A_38 = tpu.memref_slice %arg6[%dma_wait3A_36, %dma_wait3A_37] : memref<10112x128xf32, #tpu.memory_space<vmem_shared>> -> memref<10112x128xf32, #tpu.memory_space<vmem_shared>>
    tpu.wait_indirect_dma semaphore(%arg7 : memref<!tpu.dma_semaphore, #tpu.memory_space<semaphore_mem>>) src(%arg5 : memref<128x128xf32, #tpu.memory_space<vmem>>) dst(%dma_wait3A_38 : memref<10112x128xf32, #tpu.memory_space<vmem_shared>>)
    %dma_wait3A_39 = arith.constant 0 : i32
    %dma_wait3A_40 = arith.constant 0 : i32
    %dma_wait3A_41 = tpu.memref_slice %arg4[%dma_wait3A_39, %dma_wait3A_40] : memref<80x128xi32, #tpu.memory_space<vmem>> -> memref<1x128xi32, #tpu.memory_space<vmem>>
    %dma_wait3A_42 = tpu.memref_squeeze %dma_wait3A_41 : memref<1x128xi32, #tpu.memory_space<vmem>> -> memref<128xi32, #tpu.memory_space<vmem>>
    %dma_wait3A_43 = arith.constant 0 : i32
    %dma_wait3A_44 = arith.constant 0 : i32
    %dma_wait3A_45 = tpu.memref_slice %arg6[%dma_wait3A_43, %dma_wait3A_44] : memref<10112x128xf32, #tpu.memory_space<vmem_shared>> -> memref<10112x128xf32, #tpu.memory_space<vmem_shared>>
    tpu.wait_indirect_dma semaphore(%arg7 : memref<!tpu.dma_semaphore, #tpu.memory_space<semaphore_mem>>) src(%arg5 : memref<128x128xf32, #tpu.memory_space<vmem>>) dst(%dma_wait3A_45 : memref<10112x128xf32, #tpu.memory_space<vmem_shared>>)
    %dma_wait3A_46 = arith.constant 0 : i32
    %dma_wait3A_47 = arith.constant 0 : i32
    %dma_wait3A_48 = tpu.memref_slice %arg4[%dma_wait3A_46, %dma_wait3A_47] : memref<80x128xi32, #tpu.memory_space<vmem>> -> memref<1x128xi32, #tpu.memory_space<vmem>>
    %dma_wait3A_49 = tpu.memref_squeeze %dma_wait3A_48 : memref<1x128xi32, #tpu.memory_space<vmem>> -> memref<128xi32, #tpu.memory_space<vmem>>
    %dma_wait3A_50 = arith.constant 0 : i32
    %dma_wait3A_51 = arith.constant 0 : i32
    %dma_wait3A_52 = tpu.memref_slice %arg6[%dma_wait3A_50, %dma_wait3A_51] : memref<10112x128xf32, #tpu.memory_space<vmem_shared>> -> memref<10112x128xf32, #tpu.memory_space<vmem_shared>>
    tpu.wait_indirect_dma semaphore(%arg7 : memref<!tpu.dma_semaphore, #tpu.memory_space<semaphore_mem>>) src(%arg5 : memref<128x128xf32, #tpu.memory_space<vmem>>) dst(%dma_wait3A_52 : memref<10112x128xf32, #tpu.memory_space<vmem_shared>>)
    %dma_wait3A_53 = arith.constant 0 : i32
    %dma_wait3A_54 = arith.constant 0 : i32
    %dma_wait3A_55 = tpu.memref_slice %arg4[%dma_wait3A_53, %dma_wait3A_54] : memref<80x128xi32, #tpu.memory_space<vmem>> -> memref<1x128xi32, #tpu.memory_space<vmem>>
    %dma_wait3A_56 = tpu.memref_squeeze %dma_wait3A_55 : memref<1x128xi32, #tpu.memory_space<vmem>> -> memref<128xi32, #tpu.memory_space<vmem>>
    %dma_wait3A_57 = arith.constant 0 : i32
    %dma_wait3A_58 = arith.constant 0 : i32
    %dma_wait3A_59 = tpu.memref_slice %arg6[%dma_wait3A_57, %dma_wait3A_58] : memref<10112x128xf32, #tpu.memory_space<vmem_shared>> -> memref<10112x128xf32, #tpu.memory_space<vmem_shared>>
    tpu.wait_indirect_dma semaphore(%arg7 : memref<!tpu.dma_semaphore, #tpu.memory_space<semaphore_mem>>) src(%arg5 : memref<128x128xf32, #tpu.memory_space<vmem>>) dst(%dma_wait3A_59 : memref<10112x128xf32, #tpu.memory_space<vmem_shared>>)
    %barrier3A_60 = arith.constant 0 : index
    tpu.barrier barrier_id(%barrier3A_60)
    %lt3A = arith.constant 10 : i32
    %lt3A_61 = arith.cmpi slt, %arg1, %lt3A : i32
    %convert_element_type3A = arith.extui %lt3A_61 : i1 to i32
    %cond3A = arith.constant 0 : i32
    %cond3A_62 = arith.cmpi ne, %convert_element_type3A, %cond3A : i32
    scf.if %cond3A_62 {
      %mul3A_63 = arith.constant 1000 : i32
      %mul3A_64 = arith.muli %arg1, %mul3A_63 : i32
      %mul3A_65 = arith.constant 10000 : i32
      %mul3A_66 = arith.muli %arg0, %mul3A_65 : i32
      %add3A_67 = arith.addi %mul3A_66, %mul3A_64 : i32
      "tpu.region"() ({
        %run_scoped3A = tpu.sem_alloc : memref<!tpu.dma_semaphore, #tpu.memory_space<semaphore_mem>>
        %dma_start3A = arith.constant 0 : i32
        %dma_start3A_68 = tpu.memref_slice %arg3[%add3A_67, %dma_start3A] : memref<20000x128xf32, #tpu.memory_space<hbm>> -> memref<1000x128xf32, #tpu.memory_space<hbm>>
        %dma_start3A_69 = arith.constant 0 : i32
        %dma_start3A_70 = tpu.memref_slice %arg6[%mul3A_64, %dma_start3A_69] : memref<10112x128xf32, #tpu.memory_space<vmem_shared>> -> memref<1000x128xf32, #tpu.memory_space<vmem_shared>>
        tpu.enqueue_dma source(%dma_start3A_70 : memref<1000x128xf32, #tpu.memory_space<vmem_shared>>) target(%dma_start3A_68 : memref<1000x128xf32, #tpu.memory_space<hbm>>) target_semaphore(%run_scoped3A : memref<!tpu.dma_semaphore, #tpu.memory_space<semaphore_mem>>)
        %dma_wait3A_71 = arith.constant 0 : i32
        %dma_wait3A_72 = tpu.memref_slice %arg3[%add3A_67, %dma_wait3A_71] : memref<20000x128xf32, #tpu.memory_space<hbm>> -> memref<1000x128xf32, #tpu.memory_space<hbm>>
        %dma_wait3A_73 = arith.constant 0 : i32
        %dma_wait3A_74 = tpu.memref_slice %arg6[%mul3A_64, %dma_wait3A_73] : memref<10112x128xf32, #tpu.memory_space<vmem_shared>> -> memref<1000x128xf32, #tpu.memory_space<vmem_shared>>
        tpu.wait_dma2 semaphore(%run_scoped3A : memref<!tpu.dma_semaphore, #tpu.memory_space<semaphore_mem>>) src(%dma_wait3A_74 : memref<1000x128xf32, #tpu.memory_space<vmem_shared>>) dst(%dma_wait3A_72 : memref<1000x128xf32, #tpu.memory_space<hbm>>)
        tpu.yield
      }) : () -> ()
    } else {
    }
    return
  }
}

module attributes {stable_mosaic.version = 14 : i64} {
  func.func @_mm1_body(%arg0: i32, %arg1: memref<2x1000x128xf32, #tpu.memory_space<vmem>>, %arg2: memref<1000x128xf32, #tpu.memory_space<vmem>>, %arg3: memref<128x256xf32, #tpu.memory_space<vmem>>, %arg4: memref<2x1000x128xf32, #tpu.memory_space<vmem>>, %arg5: memref<1000x256xf32, #tpu.memory_space<vmem>>) attributes {dimension_semantics = [#tpu.dimension_semantics<arbitrary>], iteration_bounds = array<i64: 10>, scalar_prefetch = 0 : i64, scratch_operands = 0 : i64, tpu.core_type = #tpu.core_type<tc>, window_params = [{transform_indices = @transform_0, window_bounds = array<i64: 2, 1000, 128>}, {transform_indices = @transform_1, window_bounds = array<i64: 1000, 128>}, {pipeline_mode = #tpu.pipeline_mode<synchronous>, transform_indices = @transform_2, window_bounds = array<i64: 128, 256>}, {transform_indices = @transform_3, window_bounds = array<i64: 2, 1000, 128>}, {transform_indices = @transform_4, window_bounds = array<i64: 1000, 256>}]} {
    %get3A = arith.constant 0 : index
    %get3A_0 = arith.constant 0 : index
    %get3A_1 = arith.constant 0 : index
    %get3A_2 = vector.load %arg1[%get3A, %get3A_0, %get3A_1] : memref<2x1000x128xf32, #tpu.memory_space<vmem>>, vector<1x1000x1xf32>
    %get3A_3 = vector.shape_cast %get3A_2 : vector<1x1000x1xf32> to vector<1000xf32>
    %get3A_4 = arith.constant 1 : index
    %get3A_5 = arith.constant 0 : index
    %get3A_6 = arith.constant 0 : index
    %get3A_7 = vector.load %arg1[%get3A_4, %get3A_5, %get3A_6] : memref<2x1000x128xf32, #tpu.memory_space<vmem>>, vector<1x1000x1xf32>
    %get3A_8 = vector.shape_cast %get3A_7 : vector<1x1000x1xf32> to vector<1000xf32>
    %add3A = arith.addf %get3A_3, %get3A_8 : vector<1000xf32>
    %add3A_9 = arith.constant 1.000000e+00 : f32
    %add3A_10 = vector.broadcast %add3A_9 : f32 to vector<1000xf32>
    %add3A_11 = arith.addf %add3A, %add3A_10 : vector<1000xf32>
    %rsqrt3A = math.rsqrt %add3A_11 : vector<1000xf32>
    %get3A_12 = arith.constant 0 : index
    %get3A_13 = arith.constant 0 : index
    %get3A_14 = vector.load %arg2[%get3A_12, %get3A_13] : memref<1000x128xf32, #tpu.memory_space<vmem>>, vector<1000x128xf32>
    %get3A_15 = arith.constant 0 : index
    %get3A_16 = arith.constant 0 : index
    %get3A_17 = vector.load %arg3[%get3A_15, %get3A_16] : memref<128x256xf32, #tpu.memory_space<vmem>>, vector<128x256xf32>
    %dot_general3A = arith.constant dense<0.000000e+00> : vector<1000x256xf32>
    %dot_general3A_18 = tpu.matmul %get3A_14, %get3A_17, %dot_general3A {dimension_numbers = #tpu.dot_dimension_numbers<[1], [0], [0], [1], [0, 0, 1, 1], [], []>, transpose_lhs_hint = false} : vector<1000x128xf32>, vector<128x256xf32>, vector<1000x256xf32> -> vector<1000x256xf32>
    %broadcast_in_dim3A = vector.shape_cast %rsqrt3A : vector<1000xf32> to vector<1000x1xf32>
    %mul3A = vector.broadcast %broadcast_in_dim3A : vector<1000x1xf32> to vector<1000x256xf32>
    %mul3A_19 = arith.mulf %dot_general3A_18, %mul3A : vector<1000x256xf32>
    %slice3A = vector.extract_strided_slice %mul3A_19 {offsets = [0, 0], sizes = [1000, 128], strides = [1, 1]} : vector<1000x256xf32> to vector<1000x128xf32>
    %swap3A = arith.constant 0 : index
    %swap3A_20 = arith.constant 0 : index
    %swap3A_21 = arith.constant 0 : index
    %swap3A_22 = vector.load %arg4[%swap3A, %swap3A_20, %swap3A_21] : memref<2x1000x128xf32, #tpu.memory_space<vmem>>, vector<1x1000x128xf32>
    %swap3A_23 = vector.shape_cast %swap3A_22 : vector<1x1000x128xf32> to vector<1000x128xf32>
    %swap3A_24 = vector.shape_cast %slice3A : vector<1000x128xf32> to vector<1x1000x128xf32>
    tpu.vector_store %arg4[%swap3A, %swap3A_20, %swap3A_21], %swap3A_24 {strides = array<i32>} : memref<2x1000x128xf32, #tpu.memory_space<vmem>>, vector<1x1000x128xf32>,
    %slice3A_25 = vector.extract_strided_slice %mul3A_19 {offsets = [0, 128], sizes = [1000, 128], strides = [1, 1]} : vector<1000x256xf32> to vector<1000x128xf32>
    %swap3A_26 = arith.constant 1 : index
    %swap3A_27 = arith.constant 0 : index
    %swap3A_28 = arith.constant 0 : index
    %swap3A_29 = vector.load %arg4[%swap3A_26, %swap3A_27, %swap3A_28] : memref<2x1000x128xf32, #tpu.memory_space<vmem>>, vector<1x1000x128xf32>
    %swap3A_30 = vector.shape_cast %swap3A_29 : vector<1x1000x128xf32> to vector<1000x128xf32>
    %swap3A_31 = vector.shape_cast %slice3A_25 : vector<1000x128xf32> to vector<1x1000x128xf32>
    tpu.vector_store %arg4[%swap3A_26, %swap3A_27, %swap3A_28], %swap3A_31 {strides = array<i32>} : memref<2x1000x128xf32, #tpu.memory_space<vmem>>, vector<1x1000x128xf32>,
    %div3A = arith.constant 1.000000e+00 : f32
    %div3A_32 = vector.broadcast %div3A : f32 to vector<1000xf32>
    %div3A_33 = arith.divf %div3A_32, %add3A_11 : vector<1000xf32>
    %broadcast_in_dim3A_34 = vector.shape_cast %div3A_33 : vector<1000xf32> to vector<1000x1xf32>
    %mul3A_35 = vector.broadcast %broadcast_in_dim3A_34 : vector<1000x1xf32> to vector<1000x256xf32>
    %mul3A_36 = arith.mulf %dot_general3A_18, %mul3A_35 : vector<1000x256xf32>
    %swap3A_37 = arith.constant 0 : index
    %swap3A_38 = arith.constant 0 : index
    %swap3A_39 = vector.load %arg5[%swap3A_37, %swap3A_38] : memref<1000x256xf32, #tpu.memory_space<vmem>>, vector<1000x256xf32>
    tpu.vector_store %arg5[%swap3A_37, %swap3A_38], %mul3A_36 {strides = array<i32>} : memref<1000x256xf32, #tpu.memory_space<vmem>>, vector<1000x256xf32>,
    return
  }
  func.func @transform_0(%arg0: i32) -> (i32, i32, i32) {
    %c0_i32 = arith.constant 0 : i32
    %c0_i32_0 = arith.constant 0 : i32
    %c0_i32_1 = arith.constant 0 : i32
    return %c0_i32, %arg0, %c0_i32_0 : i32, i32, i32
  }
  func.func @transform_1(%arg0: i32) -> (i32, i32) {
    %c0_i32 = arith.constant 0 : i32
    %c0_i32_0 = arith.constant 0 : i32
    return %arg0, %c0_i32 : i32, i32
  }
  func.func @transform_2(%arg0: i32) -> (i32, i32) {
    %c0_i32 = arith.constant 0 : i32
    %c0_i32_0 = arith.constant 0 : i32
    %c0_i32_1 = arith.constant 0 : i32
    return %c0_i32, %c0_i32_0 : i32, i32
  }
  func.func @transform_3(%arg0: i32) -> (i32, i32, i32) {
    %c0_i32 = arith.constant 0 : i32
    %c0_i32_0 = arith.constant 0 : i32
    %c0_i32_1 = arith.constant 0 : i32
    return %c0_i32, %arg0, %c0_i32_0 : i32, i32, i32
  }
  func.func @transform_4(%arg0: i32) -> (i32, i32) {
    %c0_i32 = arith.constant 0 : i32
    %c0_i32_0 = arith.constant 0 : i32
    return %arg0, %c0_i32 : i32, i32
  }
}

module attributes {stable_mosaic.version = 14 : i64} {
  func.func @_mm2_body(%arg0: i32, %arg1: memref<2x1000x128xf32, #tpu.memory_space<vmem>>, %arg2: memref<2x1000x128xf32, #tpu.memory_space<vmem>>, %arg3: memref<1000x256xf32, #tpu.memory_space<vmem>>, %arg4: memref<1x256xf32, #tpu.memory_space<vmem>>, %arg5: memref<256x128xf32, #tpu.memory_space<vmem>>, %arg6: memref<1x1000x128xf32, #tpu.memory_space<vmem>>, %arg7: memref<1000x128xf32, #tpu.memory_space<vmem>>) attributes {dimension_semantics = [#tpu.dimension_semantics<arbitrary>], iteration_bounds = array<i64: 10>, scalar_prefetch = 0 : i64, scratch_operands = 0 : i64, tpu.core_type = #tpu.core_type<tc>, window_params = [{transform_indices = @transform_0, window_bounds = array<i64: 2, 1000, 128>}, {transform_indices = @transform_1, window_bounds = array<i64: 2, 1000, 128>}, {transform_indices = @transform_2, window_bounds = array<i64: 1000, 256>}, {pipeline_mode = #tpu.pipeline_mode<synchronous>, transform_indices = @transform_3, window_bounds = array<i64: 1, 256>}, {pipeline_mode = #tpu.pipeline_mode<synchronous>, transform_indices = @transform_4, window_bounds = array<i64: 256, 128>}, {transform_indices = @transform_5, window_bounds = array<i64: 1, 1000, 128>}, {transform_indices = @transform_6, window_bounds = array<i64: 1000, 128>}]} {
    %get3A = arith.constant 0 : index
    %get3A_0 = arith.constant 0 : index
    %get3A_1 = arith.constant 0 : index
    %get3A_2 = vector.load %arg1[%get3A, %get3A_0, %get3A_1] : memref<2x1000x128xf32, #tpu.memory_space<vmem>>, vector<1x1000x1xf32>
    %get3A_3 = vector.shape_cast %get3A_2 : vector<1x1000x1xf32> to vector<1000xf32>
    %get3A_4 = arith.constant 1 : index
    %get3A_5 = arith.constant 0 : index
    %get3A_6 = arith.constant 0 : index
    %get3A_7 = vector.load %arg1[%get3A_4, %get3A_5, %get3A_6] : memref<2x1000x128xf32, #tpu.memory_space<vmem>>, vector<1x1000x1xf32>
    %get3A_8 = vector.shape_cast %get3A_7 : vector<1x1000x1xf32> to vector<1000xf32>
    %add3A = arith.addf %get3A_3, %get3A_8 : vector<1000xf32>
    %add3A_9 = arith.constant 1.000000e+00 : f32
    %add3A_10 = vector.broadcast %add3A_9 : f32 to vector<1000xf32>
    %add3A_11 = arith.addf %add3A, %add3A_10 : vector<1000xf32>
    %rsqrt3A = math.rsqrt %add3A_11 : vector<1000xf32>
    %get3A_12 = arith.constant 0 : index
    %get3A_13 = arith.constant 0 : index
    %get3A_14 = arith.constant 0 : index
    %get3A_15 = vector.load %arg2[%get3A_12, %get3A_13, %get3A_14] : memref<2x1000x128xf32, #tpu.memory_space<vmem>>, vector<1x1000x128xf32>
    %get3A_16 = vector.shape_cast %get3A_15 : vector<1x1000x128xf32> to vector<1000x128xf32>
    %get3A_17 = arith.constant 1 : index
    %get3A_18 = arith.constant 0 : index
    %get3A_19 = arith.constant 0 : index
    %get3A_20 = vector.load %arg2[%get3A_17, %get3A_18, %get3A_19] : memref<2x1000x128xf32, #tpu.memory_space<vmem>>, vector<1x1000x128xf32>
    %get3A_21 = vector.shape_cast %get3A_20 : vector<1x1000x128xf32> to vector<1000x128xf32>
    %concatenate3A = tpu.concatenate %get3A_16, %get3A_21 in 1 : vector<1000x128xf32>, vector<1000x128xf32> -> vector<1000x256xf32>
    %broadcast_in_dim3A = vector.shape_cast %rsqrt3A : vector<1000xf32> to vector<1000x1xf32>
    %mul3A = vector.broadcast %broadcast_in_dim3A : vector<1000x1xf32> to vector<1000x256xf32>
    %mul3A_22 = arith.mulf %concatenate3A, %mul3A : vector<1000x256xf32>
    %get3A_23 = arith.constant 0 : index
    %get3A_24 = arith.constant 0 : index
    %get3A_25 = vector.load %arg3[%get3A_23, %get3A_24] : memref<1000x256xf32, #tpu.memory_space<vmem>>, vector<1000x256xf32>
    %add3A_26 = arith.addf %mul3A_22, %get3A_25 : vector<1000x256xf32>
    %get3A_27 = arith.constant 0 : index
    %get3A_28 = arith.constant 0 : index
    %get3A_29 = vector.load %arg4[%get3A_27, %get3A_28] : memref<1x256xf32, #tpu.memory_space<vmem>>, vector<1x256xf32>
    %add3A_30 = vector.broadcast %get3A_29 : vector<1x256xf32> to vector<1000x256xf32>
    %add3A_31 = arith.addf %add3A_26, %add3A_30 : vector<1000x256xf32>
    %max3A = arith.constant 0.000000e+00 : f32
    %max3A_32 = vector.broadcast %max3A : f32 to vector<1000x256xf32>
    %max3A_33 = arith.maximumf %add3A_31, %max3A_32 : vector<1000x256xf32>
    %get3A_34 = arith.constant 0 : index
    %get3A_35 = arith.constant 0 : index
    %get3A_36 = vector.load %arg5[%get3A_34, %get3A_35] : memref<256x128xf32, #tpu.memory_space<vmem>>, vector<256x128xf32>
    %dot_general3A = arith.constant dense<0.000000e+00> : vector<1000x128xf32>
    %dot_general3A_37 = tpu.matmul %max3A_33, %get3A_36, %dot_general3A {dimension_numbers = #tpu.dot_dimension_numbers<[1], [0], [0], [1], [0, 0, 1, 1], [], []>, transpose_lhs_hint = false} : vector<1000x256xf32>, vector<256x128xf32>, vector<1000x128xf32> -> vector<1000x128xf32>
    %broadcast_in_dim3A_38 = vector.shape_cast %rsqrt3A : vector<1000xf32> to vector<1000x1xf32>
    %mul3A_39 = vector.broadcast %broadcast_in_dim3A_38 : vector<1000x1xf32> to vector<1000x128xf32>
    %mul3A_40 = arith.mulf %dot_general3A_37, %mul3A_39 : vector<1000x128xf32>
    %swap3A = arith.constant 0 : index
    %swap3A_41 = arith.constant 0 : index
    %swap3A_42 = arith.constant 0 : index
    %swap3A_43 = vector.load %arg6[%swap3A, %swap3A_41, %swap3A_42] : memref<1x1000x128xf32, #tpu.memory_space<vmem>>, vector<1x1000x128xf32>
    %swap3A_44 = vector.shape_cast %swap3A_43 : vector<1x1000x128xf32> to vector<1000x128xf32>
    %swap3A_45 = vector.shape_cast %mul3A_40 : vector<1000x128xf32> to vector<1x1000x128xf32>
    tpu.vector_store %arg6[%swap3A, %swap3A_41, %swap3A_42], %swap3A_45 {strides = array<i32>} : memref<1x1000x128xf32, #tpu.memory_space<vmem>>, vector<1x1000x128xf32>,
    %div3A = arith.constant 1.000000e+00 : f32
    %div3A_46 = vector.broadcast %div3A : f32 to vector<1000xf32>
    %div3A_47 = arith.divf %div3A_46, %add3A_11 : vector<1000xf32>
    %broadcast_in_dim3A_48 = vector.shape_cast %div3A_47 : vector<1000xf32> to vector<1000x1xf32>
    %mul3A_49 = vector.broadcast %broadcast_in_dim3A_48 : vector<1000x1xf32> to vector<1000x128xf32>
    %mul3A_50 = arith.mulf %dot_general3A_37, %mul3A_49 : vector<1000x128xf32>
    %swap3A_51 = arith.constant 0 : index
    %swap3A_52 = arith.constant 0 : index
    %swap3A_53 = vector.load %arg7[%swap3A_51, %swap3A_52] : memref<1000x128xf32, #tpu.memory_space<vmem>>, vector<1000x128xf32>
    tpu.vector_store %arg7[%swap3A_51, %swap3A_52], %mul3A_50 {strides = array<i32>} : memref<1000x128xf32, #tpu.memory_space<vmem>>, vector<1000x128xf32>,
    return
  }
  func.func @transform_0(%arg0: i32) -> (i32, i32, i32) {
    %c0_i32 = arith.constant 0 : i32
    %c0_i32_0 = arith.constant 0 : i32
    %c0_i32_1 = arith.constant 0 : i32
    return %c0_i32, %arg0, %c0_i32_0 : i32, i32, i32
  }
  func.func @transform_1(%arg0: i32) -> (i32, i32, i32) {
    %c0_i32 = arith.constant 0 : i32
    %c0_i32_0 = arith.constant 0 : i32
    %c0_i32_1 = arith.constant 0 : i32
    return %c0_i32, %arg0, %c0_i32_0 : i32, i32, i32
  }
  func.func @transform_2(%arg0: i32) -> (i32, i32) {
    %c0_i32 = arith.constant 0 : i32
    %c0_i32_0 = arith.constant 0 : i32
    return %arg0, %c0_i32 : i32, i32
  }
  func.func @transform_3(%arg0: i32) -> (i32, i32) {
    %c0_i32 = arith.constant 0 : i32
    %c0_i32_0 = arith.constant 0 : i32
    %c0_i32_1 = arith.constant 0 : i32
    return %c0_i32, %c0_i32_0 : i32, i32
  }
  func.func @transform_4(%arg0: i32) -> (i32, i32) {
    %c0_i32 = arith.constant 0 : i32
    %c0_i32_0 = arith.constant 0 : i32
    %c0_i32_1 = arith.constant 0 : i32
    return %c0_i32, %c0_i32_0 : i32, i32
  }
  func.func @transform_5(%arg0: i32) -> (i32, i32, i32) {
    %c0_i32 = arith.constant 0 : i32
    %c0_i32_0 = arith.constant 0 : i32
    %c0_i32_1 = arith.constant 0 : i32
    return %c0_i32, %arg0, %c0_i32_0 : i32, i32, i32
  }
  func.func @transform_6(%arg0: i32) -> (i32, i32) {
    %c0_i32 = arith.constant 0 : i32
    %c0_i32_0 = arith.constant 0 : i32
    return %arg0, %c0_i32 : i32, i32
  }
}

module attributes {stable_mosaic.version = 14 : i64} {
  func.func @_final_body(%arg0: i32, %arg1: memref<2x1000x128xf32, #tpu.memory_space<vmem>>, %arg2: memref<2x1000x128xf32, #tpu.memory_space<vmem>>, %arg3: memref<1000x128xf32, #tpu.memory_space<vmem>>, %arg4: memref<1x128xf32, #tpu.memory_space<vmem>>, %arg5: memref<1000x128xf32, #tpu.memory_space<vmem>>) attributes {dimension_semantics = [#tpu.dimension_semantics<arbitrary>], iteration_bounds = array<i64: 10>, scalar_prefetch = 0 : i64, scratch_operands = 0 : i64, tpu.core_type = #tpu.core_type<tc>, window_params = [{transform_indices = @transform_0, window_bounds = array<i64: 2, 1000, 128>}, {transform_indices = @transform_1, window_bounds = array<i64: 2, 1000, 128>}, {transform_indices = @transform_2, window_bounds = array<i64: 1000, 128>}, {pipeline_mode = #tpu.pipeline_mode<synchronous>, transform_indices = @transform_3, window_bounds = array<i64: 1, 128>}, {transform_indices = @transform_4, window_bounds = array<i64: 1000, 128>}]} {
    %get3A = arith.constant 0 : index
    %get3A_0 = arith.constant 0 : index
    %get3A_1 = arith.constant 0 : index
    %get3A_2 = vector.load %arg1[%get3A, %get3A_0, %get3A_1] : memref<2x1000x128xf32, #tpu.memory_space<vmem>>, vector<1x1000x1xf32>
    %get3A_3 = vector.shape_cast %get3A_2 : vector<1x1000x1xf32> to vector<1000xf32>
    %get3A_4 = arith.constant 1 : index
    %get3A_5 = arith.constant 0 : index
    %get3A_6 = arith.constant 0 : index
    %get3A_7 = vector.load %arg1[%get3A_4, %get3A_5, %get3A_6] : memref<2x1000x128xf32, #tpu.memory_space<vmem>>, vector<1x1000x1xf32>
    %get3A_8 = vector.shape_cast %get3A_7 : vector<1x1000x1xf32> to vector<1000xf32>
    %add3A = arith.addf %get3A_3, %get3A_8 : vector<1000xf32>
    %add3A_9 = arith.constant 1.000000e+00 : f32
    %add3A_10 = vector.broadcast %add3A_9 : f32 to vector<1000xf32>
    %add3A_11 = arith.addf %add3A, %add3A_10 : vector<1000xf32>
    %rsqrt3A = math.rsqrt %add3A_11 : vector<1000xf32>
    %get3A_12 = arith.constant 0 : index
    %get3A_13 = arith.constant 0 : index
    %get3A_14 = arith.constant 0 : index
    %get3A_15 = vector.load %arg2[%get3A_12, %get3A_13, %get3A_14] : memref<2x1000x128xf32, #tpu.memory_space<vmem>>, vector<1x1000x128xf32>
    %get3A_16 = vector.shape_cast %get3A_15 : vector<1x1000x128xf32> to vector<1000x128xf32>
    %get3A_17 = arith.constant 1 : index
    %get3A_18 = arith.constant 0 : index
    %get3A_19 = arith.constant 0 : index
    %get3A_20 = vector.load %arg2[%get3A_17, %get3A_18, %get3A_19] : memref<2x1000x128xf32, #tpu.memory_space<vmem>>, vector<1x1000x128xf32>
    %get3A_21 = vector.shape_cast %get3A_20 : vector<1x1000x128xf32> to vector<1000x128xf32>
    %add3A_22 = arith.addf %get3A_16, %get3A_21 : vector<1000x128xf32>
    %broadcast_in_dim3A = vector.shape_cast %rsqrt3A : vector<1000xf32> to vector<1000x1xf32>
    %mul3A = vector.broadcast %broadcast_in_dim3A : vector<1000x1xf32> to vector<1000x128xf32>
    %mul3A_23 = arith.mulf %add3A_22, %mul3A : vector<1000x128xf32>
    %get3A_24 = arith.constant 0 : index
    %get3A_25 = arith.constant 0 : index
    %get3A_26 = vector.load %arg3[%get3A_24, %get3A_25] : memref<1000x128xf32, #tpu.memory_space<vmem>>, vector<1000x128xf32>
    %add3A_27 = arith.addf %mul3A_23, %get3A_26 : vector<1000x128xf32>
    %get3A_28 = arith.constant 0 : index
    %get3A_29 = arith.constant 0 : index
    %get3A_30 = vector.load %arg4[%get3A_28, %get3A_29] : memref<1x128xf32, #tpu.memory_space<vmem>>, vector<1x128xf32>
    %add3A_31 = vector.broadcast %get3A_30 : vector<1x128xf32> to vector<1000x128xf32>
    %add3A_32 = arith.addf %add3A_27, %add3A_31 : vector<1000x128xf32>
    %max3A = arith.constant 0.000000e+00 : f32
    %max3A_33 = vector.broadcast %max3A : f32 to vector<1000x128xf32>
    %max3A_34 = arith.maximumf %add3A_32, %max3A_33 : vector<1000x128xf32>
    %swap3A = arith.constant 0 : index
    %swap3A_35 = arith.constant 0 : index
    %swap3A_36 = vector.load %arg5[%swap3A, %swap3A_35] : memref<1000x128xf32, #tpu.memory_space<vmem>>, vector<1000x128xf32>
    tpu.vector_store %arg5[%swap3A, %swap3A_35], %max3A_34 {strides = array<i32>} : memref<1000x128xf32, #tpu.memory_space<vmem>>, vector<1000x128xf32>,
    return
  }
  func.func @transform_0(%arg0: i32) -> (i32, i32, i32) {
    %c0_i32 = arith.constant 0 : i32
    %c0_i32_0 = arith.constant 0 : i32
    %c0_i32_1 = arith.constant 0 : i32
    return %c0_i32, %arg0, %c0_i32_0 : i32, i32, i32
  }
  func.func @transform_1(%arg0: i32) -> (i32, i32, i32) {
    %c0_i32 = arith.constant 0 : i32
    %c0_i32_0 = arith.constant 0 : i32
    %c0_i32_1 = arith.constant 0 : i32
    return %c0_i32, %arg0, %c0_i32_0 : i32, i32, i32
  }
  func.func @transform_2(%arg0: i32) -> (i32, i32) {
    %c0_i32 = arith.constant 0 : i32
    %c0_i32_0 = arith.constant 0 : i32
    return %arg0, %c0_i32 : i32, i32
  }
  func.func @transform_3(%arg0: i32) -> (i32, i32) {
    %c0_i32 = arith.constant 0 : i32
    %c0_i32_0 = arith.constant 0 : i32
    %c0_i32_1 = arith.constant 0 : i32
    return %c0_i32, %c0_i32_0 : i32, i32
  }
  func.func @transform_4(%arg0: i32) -> (i32, i32) {
    %c0_i32 = arith.constant 0 : i32
    %c0_i32_0 = arith.constant 0 : i32
    return %arg0, %c0_i32 : i32, i32
  }
}

</mosaic_0001>

<sc_bundles>
// kernel: kernel.11.cloned.1.call-start
scs
__scs_entry_jumppad:
0x0: {  	(pc) =	sbr.rel $0x88, $3  }
0x1: {  	(tag) =	ssettag $0x0;
	lr =	simm.s32 $0x1  }
0x2: {  	[smem:$0x3F9B] =	sst lr;
	_ =	strace $0xD0000000  }
0x3: {  	_ = 	snop  }
0x4: {  	_ = 	snop  }
0x5: {  	_ = 	snop  }
0x6: {  	_ = 	snop  }
0x7: {  	_ = 	snop  }
__scs_overlays_trampoline_lowered:
0x8: {  	[smem:$0x3FAA] =	sst s0  }
0x9: {  	[smem:$0x3FAB] =	sst s1  }
0xa: {  	[smem:$0x3FAC] =	sst s2  }
0xb: {  	[smem:$0x3FAD] =	sst s3  }
0xc: {  	[smem:$0x3FAE] =	sst s4  }
0xd: {  	[smem:$0x3FAF] =	sst s5  }
0xe: {  	[smem:$0x3FB0] =	sst s6  }
0xf: {  	[smem:$0x3FB1] =	sst s7  }
0x10: {  	[smem:$0x3FB2] =	sst s8  }
0x11: {  	[smem:$0x3FB3] =	sst s9;
	s0 =	simm.s32 @!p0 $0x0  }
0x12: {  	s1 =	sld [smem:$0x3F99];
	s0 =	simm.s32 @p0 $0x1  }
0x13: {  	[smem:$0x3FB4] =	sst s0;
	s0 =	simm.s32 @!p1 $0x0  }
0x14: {  	s2 =	sld [smem:$0x3F98];
	s0 =	simm.s32 @p1 $0x1  }
0x15: {  	[smem:$0x3FB5] =	sst s0;
	s0 =	simm.s32 @!p2 $0x0  }
0x16: {  	s3 =	sld [smem:$0x3FDB];
	s0 =	simm.s32 @p2 $0x1  }
0x17: {  	s4 =	simm.s32 $0x1BF5;
	[smem:$0x3FB7] =	sst s0  }
0x18: {  	s0 =	sld [smem:$0x3F9A];
	_ =	swait.ge [sflag:s4], $0x0  }
0x19: {  	s7 =	sld [smem:$0x3F9B]  }
0x1a: {  	s8 =	sadd.s32 $0xFFFFE003, lr  }
0x1b: {  	s9 =	sadd.s32 $0xFFFFFEF7, lr;
	s5 =	simm.s32 $0xFFFFFFFF;
	p2 =	slt.u32 s8, $0xFFFFF086  }
0x1c: {  	p1 =	slt.u32 s9, $0xF7A;
	s5 =	simm.s32 @!p2 $0x0  }
0x1d: {  	s5 =	simm.s32 @p1 $0x1;
	p0 =	seq.s32 s7, s2  }
0x1e: {  	s7 =	smul.u32 @!p0 $0xF7A, s2;
	p2 =	seq.s32 @!p0 s5, $0x0  }
0x1f: {  	s9 =	smul.u32 $0xF7A, s1;
	s8 =	simm.s32 @!p0 $0x1BF5;
	p2 =	por !p2, p0  }
0x20: {  	[sflag:s8] =	ssyncset.s32 @!p0 $0xFFFFF086;
	s6 =	sadd.s32 @!p0 s3, s7;
	s7 =	simm.s32 @!p0 $0x108  }
0x21: {  	s3 =	sadd.s32 s3, s9;
	s6 =	sadd.s32 @!p0 $0x88, s6;
	s7 =	simm.s32 @p2 $0x1082  }
0x22: {  	[simem:s7], [sflag:s8] =	dma.local @!p0 [hbm:s6], $0xF7A  }
0x23: {  	s9 =	sor.u32 $0xD0000000, s2;
	s6 =	simm.s32 $0x108;
	_ =	swait.ge @!p0 [sflag:s8], $0x0  }
0x24: {  	s3 =	sadd.s32 $0x88, s3;
	s6 =	simm.s32 @!p1 $0x1082;
	[sflag:s4] =	ssyncset.s32 $0xFFFFF086  }
0x25: {  	[simem:s6], [sflag:s4] =	dma.local [hbm:s3], $0xF7A  }
0x26: {  	[smem:$0x3F9B] =	sst s1;
	(tag) =	ssettag s2;
	_ =	strace s9  }
0x27: {  	s1 =	sld [smem:$0x3FAB]  }
0x28: {  	s2 =	sld [smem:$0x3FAC]  }
0x29: {  	s4 =	sld [smem:$0x3FAE]  }
0x2a: {  	p0 =	seq.s32 s5, $0x0;
	s5 =	sld [smem:$0x3FAF]  }
0x2b: {  	s6 =	sld [smem:$0x3FB0]  }
0x2c: {  	s7 =	sld [smem:$0x3FB1]  }
0x2d: {  	s3 =	simm.s32 $0x108;
	s8 =	sld [smem:$0x3FB2]  }
0x2e: {  	s3 =	simm.s32 @!p0 $0x1082;
	s9 =	sld [smem:$0x3FB3]  }
0x2f: {  	lr =	sadd.s32 s0, s3;
	s0 =	sld [smem:$0x3FAA]  }
0x30: {  	s3 =	sld [smem:$0x3FAD]  }
0x31: {  	[smem:$0x3FB6] =	sst s10  }
0x32: {  	s10 =	sld [smem:$0x3FB4];
	_ =	sdelay $0x3  }
0x33: {  	p0 =	seq.s32 s10, $0x1;
	s10 =	sld [smem:$0x3FB6];
	_ =	sdelay $0x3  }
0x34: {  	[smem:$0x3FB6] =	sst s10  }
0x35: {  	s10 =	sld [smem:$0x3FB5];
	_ =	sdelay $0x3  }
0x36: {  	p1 =	seq.s32 s10, $0x1;
	s10 =	sld [smem:$0x3FB6];
	_ =	sdelay $0x3  }
0x37: {  	[smem:$0x3FB6] =	sst s10  }
0x38: {  	s10 =	sld [smem:$0x3FB7]  }
0x39: {  	_ = 	snop;
	(pc) =	sbr.ind lr, $3  }
0x3a: {  	_ = 	snop  }
0x3b: {  	_ = 	snop  }
0x3c: {  	p2 =	seq.s32 s10, $0x1;
	s10 =	sld [smem:$0x3FB6]  }
0x3d: {  	_ =	shalt  }
0x3e: {  	_ =	shalt  }
0x3f: {  	_ =	shalt  }
0x40: {  	_ =	shalt  }
0x41: {  	_ =	shalt  }
0x42: {  	_ =	shalt  }
0x43: {  	_ =	shalt  }
0x44: {  	_ =	shalt  }
0x45: {  	_ =	shalt  }
0x46: {  	_ =	shalt  }
0x47: {  	_ =	shalt  }
0x48: {  	_ =	shalt  }
0x49: {  	_ =	shalt  }
0x4a: {  	_ =	shalt  }
0x4b: {  	_ =	shalt  }
0x4c: {  	_ =	shalt  }
0x4d: {  	_ =	shalt  }
0x4e: {  	_ =	shalt  }
0x4f: {  	_ =	shalt  }
0x50: {  	_ =	shalt  }
0x51: {  	_ =	shalt  }
0x52: {  	_ =	shalt  }
0x53: {  	_ =	shalt  }
0x54: {  	_ =	shalt  }
0x55: {  	_ =	shalt  }
0x56: {  	_ =	shalt  }
0x57: {  	_ =	shalt  }
0x58: {  	_ =	shalt  }
0x59: {  	_ =	shalt  }
0x5a: {  	_ =	shalt  }
0x5b: {  	_ =	shalt  }
0x5c: {  	_ =	shalt  }
0x5d: {  	_ =	shalt  }
0x5e: {  	_ =	shalt  }
0x5f: {  	_ =	shalt  }
0x60: {  	_ =	shalt  }
0x61: {  	_ =	shalt  }
0x62: {  	_ =	shalt  }
0x63: {  	_ =	shalt  }
0x64: {  	_ =	shalt  }
0x65: {  	_ =	shalt  }
0x66: {  	_ =	shalt  }
0x67: {  	_ =	shalt  }
0x68: {  	_ =	shalt  }
0x69: {  	_ =	shalt  }
0x6a: {  	_ =	shalt  }
0x6b: {  	_ =	shalt  }
0x6c: {  	_ =	shalt  }
0x6d: {  	_ =	shalt  }
0x6e: {  	_ =	shalt  }
0x6f: {  	_ =	shalt  }
0x70: {  	_ =	shalt  }
0x71: {  	_ =	shalt  }
0x72: {  	_ =	shalt  }
0x73: {  	_ =	shalt  }
0x74: {  	_ =	shalt  }
0x75: {  	_ =	shalt  }
0x76: {  	_ =	shalt  }
0x77: {  	_ =	shalt  }
0x78: {  	_ =	shalt  }
0x79: {  	_ =	shalt  }
0x7a: {  	_ =	shalt  }
0x7b: {  	_ =	shalt  }
0x7c: {  	_ =	shalt  }
0x7d: {  	_ =	shalt  }
0x7e: {  	_ =	shalt  }
0x7f: {  	_ =	shalt  }
0x80: {  	_ =	shalt  }
0x81: {  	_ =	shalt  }
0x82: {  	_ =	shalt  }
0x83: {  	_ =	shalt  }
0x84: {  	_ =	shalt  }
0x85: {  	_ =	shalt  }
0x86: {  	_ =	shalt  }
0x87: {  	_ =	shalt  }
.Lfunc_end0:
.L_simem_size_0:
called_computation.1_lowered:
.L_overlay_start_0:
0x88: {  	s2 =	sld [smem:$0x3FD9]  }
0x89: {  	s3 =	sld [smem:$0x3FFE];
	_ =	sdelay $0x1  }
0x8a: {  	s1 =	srdreg.scid  }
0x8b: {  	s0 =	sand.u32 $0x1, s1  }
0x8c: {  	s17 =	sshll.u32 s0, $0xA;
	s2 =	sadd.s32 s3, s2  }
0x8d: {  	s2 =	sadd.s32 s2, s17  }
0x8e: {  	[smem:$0x3FC2] =	sst s2  }
0x8f: {  	_ = 	snop  }
0x90: {  	s2 =	sld [smem:$0x3FD0];
	(tm) =	ssettm $0x1  }
0x91: {  	s18 =	sld [smem:$0x3FFB];
	_ =	sdelay $0x3  }
0x92: {  	_ =	strace s18  }
0x93: {  	s3 =	sld [smem:$0x3FFC];
	_ =	sdelay $0x3  }
0x94: {  	_ =	strace s3  }
0x95: {  	s3 =	sld [smem:$0x3FFD];
	_ =	sdelay $0x3  }
0x96: {  	_ =	strace s3  }
0x97: {  	_ =	strace $0x8FFFFFFF  }
0x98: {  	s19 =	sld [smem:$0x3FDB];
	_ =	sdelay $0x1  }
0x99: {  	s4 =	simm.s32 $_scs_section_size  }
0x9a: {  	s5 =	simm.s32 $_size__tile_overlayer_lowered;
	s6 =	simm.s32 $_tile_overlayer_lowered  }
0x9b: {  	s22 =	simm.s32 $0x1BFF;
	s21 =	sshll.u32 s6, $0x1;
	s3 =	sadd.s32 s4, s19  }
0x9c: {  	s7 =	simm.s32 $0x0;
	s20 =	sshll.u32 s5, $0x1;
	s5 =	sadd.s32 s21, s3  }
0x9d: {  	[timem:s7], [sflag:s22] =	dma.local [hbm:s5], s20  }
0x9e: {  	_ =	swait.ge [sflag:s22], s20  }
0x9f: {  	s4 =	ssub.s32 $0x0, s20;
	[sflag:s22] =	ssyncset.done $0x0  }
0xa0: {  	[sflag:s22] =	ssyncadd.s32 s4;
	_ =	sdelay $0x1  }
0xa1: {  	s23 =	simm.s32 $0x1B8B  }
0xa2: {  	_ =	swait.ge [sflag:s23], $0x1  }
0xa3: {  	[sflag:s23] =	ssyncset.done $0x0  }
0xa4: {  	s25 =	simm.s32 $0x1B8E;
	s24 =	sld [smem:$0x3FFE];
	[sflag:s23] =	ssyncadd.s32 $0xFFFFFFFF  }
0xa5: {  	s26 =	simm.s32 $execute0_lowered;
	[smem:$0x3FD2] =	sst s25  }
0xa6: {  	s5 =	sshll.u32 s26, $0x1;
	_ =	strace $0x80000049;
	[dreg:$0x1] =	wrdreg $0xFFFFFFFF  }
0xa7: {  	s28 =	simm.s32 $_size_execute0_lowered;
	s3 =	sadd.s32 s3, s5;
	[dreg:$0x0] =	wrdreg $0x0  }
0xa8: {  	s5 =	sshll.u32 s28, $0x1;
	[dreg:$0x2] =	wrdreg s3  }
0xa9: {  	[dreg:$0x3] =	wrdreg s5  }
0xaa: {  	[dreg:$0x4] =	wrdreg $0xC0  }
0xab: {  	_ =	task [dreg:s7], $0x5FFFF  }
0xac: {  	[dreg:$0x1] =	wrdreg $0xFFFFFFFF  }
0xad: {  	[dreg:$0x0] =	wrdreg $0x60  }
0xae: {  	[dreg:$0x2] =	wrdreg s24  }
0xaf: {  	[dreg:$0x3] =	wrdreg s2  }
0xb0: {  	[dreg:$0x4] =	wrdreg $0x90000  }
0xb1: {  	[dreg:$0x5] =	wrdreg $0x9  }
0xb2: {  	_ =	task.clear_ibuf [dreg:s7], $0x6FFFF;
	_ =	strace $0x90000049  }
0xb3: {  	s29 =	simm.s32 $0x9;
	_ =	strace $0x8000004B  }
0xb4: {  	_ =	swait.ge [sflag:s29], $0x1  }
0xb5: {  	[sflag:s29] =	ssyncadd.s32 $0xFFFFFFFF  }
0xb6: {  	_ =	strace $0x9000004B  }
0xb7: {  	_ =	sfence  }
0xb8: {  	s30 =	sld [smem:$0x0];
	_ =	sdelay $0x2  }
0xb9: {  	s31 =	sshll.u32 s1, $0xD;
	s1 =	sshrl.u32 s1, $0x2  }
0xba: {  	s3 =	sand.u32 $0x4000, s31;
	s1 =	sadd.s32 s1, s30  }
0xbb: {  	s0 =	sor.u32 s3, s0;
	s1 =	sshll.u32 s1, $0x11  }
0xbc: {  	s0 =	sor.u32 s1, s0  }
0xbd: {  	s0 =	sadd.s32 $0x8F2B, s0  }
0xbe: {  	[sflag:s0] =	ssyncadd.remote.s32 $0x1  }
0xbf: {  	_ =	sfence.sel $0xFFFF  }
0xc0: {  	[dreg:$0x0] =	wrdreg $0xFFFFFFFF;
	(pc) =	sbr.abs _section_cstart, $3  }
0xc1: {  	[dreg:$0x1] =	wrdreg $0xFFFFFFFF  }
0xc2: {  	_ =	task.clear_ibuf [dreg:s7], $0x2FFFF;
	_ =	strace $0x9FFFFFFF  }
0xc3: {  	(tm) =	ssettm $0x7FFFFFFF  }
tec
execute0_lowered:
.L_overlay_start_1:
0x0: {  	(tag) =	ssettag $0x1  }
0x1: {  	s0 =	rddreg [dreg:$0x0]  }
0x2: {  	s1 =	srdreg.scid;
	s5 =	rddreg [dreg:$0x1]  }
0x3: {  	s24 =	stileid.u32;
	s2 =	rddreg [dreg:$0x2];
	s3 =	simm.s32 $0x0  }
0x4: {  	s19 =	simm.s32 $0x880;
	s21 =	simm.s32 $0x100;
	s22 =	simm.s32 $0x900  }
0x5: {  	s25 =	simm.s32 $0x180;
	s26 =	simm.s32 $0x980;
	[smem:$0x7FF] =	sst s3  }
0x6: {  	s31 =	simm.s32 $0x200;
	_ =	strace $0x8000004A;
	[dreg:$0x6] =	wrdreg s19  }
0x7: {  	s11 =	simm.s32 $0x280;
	s13 =	simm.s32 $0x300;
	[dreg:$0x7] =	wrdreg s21  }
0x8: {  	s14 =	simm.s32 $0xB00;
	s15 =	simm.s32 $0x380;
	[dreg:$0x8] =	wrdreg s22  }
0x9: {  	s28 =	simm.s32 $0x780;
	s6 =	smul.u32 $0x5000, s24;
	[dreg:$0x9] =	wrdreg s25  }
0xa: {  	s29 =	simm.s32 $0xF80;
	s16 =	smul.u32 $0x3E80, s24;
	[dreg:$0xa] =	wrdreg s26  }
0xb: {  	s1 =	sand.u32 $0x1, s1;
	s20 =	smul.u32 $0x4F000, s24;
	[dreg:$0xb] =	wrdreg s31  }
0xc: {  	s30 =	simm.s32 $0x0;
	s4 =	smul.u32 $0x50000, s1;
	[dreg:$0xd] =	wrdreg s11  }
0xd: {  	p0 =	sgt.u32 s24, $0x9;
	s7 =	smul.u32 $0x27100, s1;
	[dreg:$0xf] =	wrdreg s13  }
0xe: {  	s1 =	ssub.s32 $0x2, s1;
	s11 =	simm.s32 $0xA80;
	[dreg:$0x10] =	wrdreg s14  }
0xf: {  	[dreg:$0x11] =	wrdreg s15;
	s13 =	simm.s32 $0x5;
	s19 =	simm.s32 $0x480  }
0x10: {  	s14 =	simm.s32 $0x800;
	s15 =	simm.s32 $0x80;
	[dreg:$0xe] =	wrdreg s11  }
0x11: {  	s21 =	simm.s32 $0x500;
	s22 =	simm.s32 $0xD00;
	[dreg:$0x15] =	wrdreg s19  }
0x12: {  	s26 =	simm.s32 $0xD80;
	s31 =	simm.s32 $0x600;
	[dreg:$0x17] =	wrdreg s21  }
0x13: {  	s18 =	sshrl.u32 s1, $0x1;
	s23 =	sshrl.u32 s20, $0x2;
	[dreg:$0x18] =	wrdreg s22  }
0x14: {  	s20 =	simm.s32 $0xC80;
	s19 =	simm.s32 $0x1;
	[dreg:$0x1a] =	wrdreg s26  }
0x15: {  	[dreg:$0x1b] =	wrdreg s31;
	s21 =	simm.s32 $0xE00;
	s22 =	simm.s32 $0x680  }
0x16: {  	s26 =	simm.s32 $0xF00;
	s4 =	sadd.s32 s6, s4;
	s6 =	sadd.s32 s16, s7  }
0x17: {  	s1 =	ssub.s32 s1, s18;
	s16 =	simm.s32 $0xB80;
	s18 =	simm.s32 $0xC00  }
0x18: {  	[dreg:$0x16] =	wrdreg s20;
	s20 =	simm.s32 $0x4;
	s8 =	sshrl.u32 s4, $0x3  }
0x19: {  	s4 =	sadd.s32 $0xBCE00, s0;
	s11 =	smax.u32 s1, $0x1;
	[dreg:$0x12] =	wrdreg s16  }
0x1a: {  	[dreg:$0x14] =	wrdreg s18;
	s16 =	simm.s32 $0x5000;
	s5 =	sadd.s32 s8, s5  }
0x1b: {  	s9 =	sadd.s32 s8, s0;
	s8 =	simm.s32 $0xA00;
	[dreg:$0x5] =	wrdreg s5  }
0x1c: {  	s18 =	simm.s32 $0x3;
	s17 =	sadd.s32 $0x5AC00, s9;
	[dreg:$0xc] =	wrdreg s8  }
0x1d: {  	s5 =	sadd.s32 s23, s2;
	s23 =	simm.s32 $0x580;
	[dreg:$0x4] =	wrdreg s17  }
0x1e: {  	s0 =	sadd.s32 s6, s0;
	s6 =	sadd.s32 $0x4000, s5;
	[dreg:$0x19] =	wrdreg s23  }
0x1f: {  	s7 =	sadd.s32 $0x8000, s5;
	s10 =	sadd.s32 $0xC000, s5;
	[dreg:$0x1c] =	wrdreg s6  }
0x20: {  	s12 =	sadd.s32 $0x10000, s5;
	[dreg:$0x1e] =	wrdreg s10;
	s10 =	smul.u32 $0x7D000, s24  }
0x21: {  	s17 =	simm.s32 $0x400;
	s23 =	simm.s32 $0xE80;
	[dreg:$0x1d] =	wrdreg s7  }
0x22: {  	[dreg:$0x1f] =	wrdreg s12;
	s12 =	simm.s32 $0x1000;
	s10 =	sshrl.u32 s10, $0x2  }
0x23: {  	[dreg:$0x13] =	wrdreg s17;
	s17 =	simm.s32 $0x2;
	s25 =	sadd.s32 s10, s2  }
0x24: {  	v0 =	vimm.f32 $0.0e+00;
	s24 =	simm.s32 $0x700;
	s10 =	sadd.s32 $0x10B000, s0;
	s25 =	sshrl.u32 @!p0 s25, $0x3  }
.LBB2_1:
0x25: {  	s1 =	simm.s32 $0x0;
	s31 =	simm.s32 $0x200  }
.LBB2_2:
0x26: {  	p1 =	sne.s32 s31, $0xFE00;
	[tilespmem:s1+$0x1070] =	vst v0  }
0x27: {  	[tilespmem:s1+$0x1000] =	vst v0  }
0x28: {  	[tilespmem:s1+$0x1010] =	vst v0  }
.Ltmp0:
0x29: {  	[tilespmem:s1+$0x1020] =	vst v0;
	(pc) =	sbr.rel @p1 .LBB2_2-.Ltmp0, $4  }
0x2a: {  	[tilespmem:s1+$0x1030] =	vst v0  }
0x2b: {  	[tilespmem:s1+$0x1040] =	vst v0  }
0x2c: {  	[tilespmem:s1+$0x1050] =	vst v0  }
0x2d: {  	[tilespmem:s1+$0x1060] =	vst v0;
	s1 =	sshra.s32 s31, $0x2;
	s31 =	sadd.s32 $0x200, s31  }
0x2e: {  	[tilespmem:s1+$0x1070] =	vst v0  }
0x2f: {  	[tilespmem:s1+$0x1000] =	vst v0  }
0x30: {  	[tilespmem:s1+$0x1010] =	vst v0  }
0x31: {  	[tilespmem:s1+$0x1020] =	vst v0  }
0x32: {  	[tilespmem:s1+$0x1030] =	vst v0  }
0x33: {  	[tilespmem:s1+$0x1040] =	vst v0  }
0x34: {  	[tilespmem:s1+$0x1050] =	vst v0  }
0x35: {  	[tilespmem:s1+$0x1060] =	vst v0  }
0x36: {  	[spmem:s5] =	stream.linear.scatter [tilespmem:s12], [sflag:$0x5], $0x4000, $0x38;
	[tilespmem:$0x1CC00] =	vst v63  }
0x37: {  	_ =	swait.ge [sflag:s13], $0x4000  }
0x38: {  	[sflag:s13] =	ssyncset.done $0x0  }
0x39: {  	s0 =	rddreg [dreg:$0x1c];
	[sflag:s13] =	ssyncadd.s32 $0xFFFFC000  }
0x3a: {  	[spmem:s0] =	stream.linear.scatter [tilespmem:s12], [sflag:$0x5], $0x4000, $0x38;
	[tilespmem:$0x1CC00] =	vst v63  }
0x3b: {  	_ =	swait.ge [sflag:s13], $0x4000  }
0x3c: {  	[sflag:s13] =	ssyncset.done $0x0  }
0x3d: {  	s8 =	rddreg [dreg:$0x1d];
	[sflag:s13] =	ssyncadd.s32 $0xFFFFC000  }
0x3e: {  	[spmem:s8] =	stream.linear.scatter [tilespmem:s12], [sflag:$0x5], $0x4000, $0x38;
	[tilespmem:$0x1CC00] =	vst v63  }
0x3f: {  	_ =	swait.ge [sflag:s13], $0x4000  }
0x40: {  	[sflag:s13] =	ssyncset.done $0x0  }
0x41: {  	s9 =	rddreg [dreg:$0x1e];
	[sflag:s13] =	ssyncadd.s32 $0xFFFFC000  }
0x42: {  	[spmem:s9] =	stream.linear.scatter [tilespmem:s12], [sflag:$0x5], $0x4000, $0x38;
	[tilespmem:$0x1CC00] =	vst v63  }
0x43: {  	_ =	swait.ge [sflag:s13], $0x4000  }
0x44: {  	[sflag:s13] =	ssyncset.done $0x0  }
0x45: {  	s1 =	rddreg [dreg:$0x1f];
	[sflag:s13] =	ssyncadd.s32 $0xFFFFC000  }
0x46: {  	[spmem:s1] =	stream.linear.scatter [tilespmem:s12], [sflag:$0x5], $0x3C00, $0x38;
	[tilespmem:$0x1CC00] =	vst v63  }
0x47: {  	_ =	swait.ge [sflag:s13], $0x3C00  }
0x48: {  	[sflag:s13] =	ssyncset.done $0x0  }
0x49: {  	[sflag:s13] =	ssyncadd.s32 $0xFFFFC400  }
0x4a: {  	[bflag:$0x0] =	sbarrier.arrive $0xFFFF  }
0x4b: {  	s6 =	rddreg [dreg:$0x5]  }
0x4c: {  	s0 =	sadd.s32 $0x0, s6  }
0x4d: {  	[tilespmem:s3], [sflag:$0x5] =	stream.linear.gather [hbm4b:s0+s3], $0x800, $0x38;
	[tilespmem:$0x1CC00] =	vst v63  }
0x4e: {  	_ =	swait.ge [sflag:s13], $0x800  }
0x4f: {  	s7 =	rddreg [dreg:$0x4];
	[sflag:s13] =	ssyncset.done $0x0  }
0x50: {  	[sflag:s13] =	ssyncadd.s32 $0xFFFFF800;
	s0 =	sadd.s32 $0x0, s7  }
0x51: {  	[tilespmem:s14], [sflag:$0x5] =	stream.linear.gather [hbm4b:s0+s3], $0x800, $0x38;
	[tilespmem:$0x1CC00] =	vst v63  }
0x52: {  	p1 =	por $0x1, $0x1;
	_ =	swait.ge [sflag:s13], $0x800  }
0x53: {  	s31 =	simm.s32 @p1 $0x1000;
	[sflag:s13] =	ssyncset.done $0x0  }
0x54: {  	s1 =	simm.s32 @p1 $0x0;
	s0 =	simm.s32 @p1 $0x80;
	[sflag:s13] =	ssyncadd.s32 $0xFFFFF800  }
0x55: {  	[tilespmem:s31], [sflag:$0x1] =	stream.indirect.gather @p1 [hbm4b:s4+s0], $0x80, s1, s0, $0xb8;
	[tilespmem:$0x1CC00] =	vst v63  }
0x56: {  	s0 =	simm.s32 @!p1 $0x3  }
0x57: {  	_ =	swait.ge @!p1 [sflag:s0], $0x4000  }
0x58: {  	s1 =	simm.s32 @!p1 $0x1000;
	[sflag:s0] =	ssyncset.done @!p1 $0x0  }
0x59: {  	s31 =	simm.s32 @!p1 $0x80;
	[sflag:s0] =	ssyncadd.s32 @!p1 $0xFFFFC000;
	s0 =	simm.s32 @!p1 $0x0  }
0x5a: {  	[tilespmem:s1], [sflag:$0x1] =	stream.indirect.gather @!p1 [hbm4b:s4+s31], $0x80, s0, s31, $0xb8;
	[tilespmem:$0x1CC00] =	vst v63  }
0x5b: {  	s0 =	simm.s32 @!p1 $0x1  }
0x5c: {  	_ =	swait.ge @!p1 [sflag:s0], $0x4000  }
0x5d: {  	s1 =	simm.s32 @!p1 $0x4;
	[sflag:s0] =	ssyncset.done @!p1 $0x0  }
0x5e: {  	s1 =	simm.s32 @p1 $0x1;
	[sflag:s0] =	ssyncadd.s32 @!p1 $0xFFFFC000  }
0x5f: {  	_ =	swait.ge [sflag:s1], $0x4000  }
0x60: {  	[sflag:s1] =	ssyncset.done $0x0  }
0x61: {  	[sflag:s1] =	ssyncadd.s32 $0xFFFFC000  }
0x62: {  	[spmem:s2] =	stream.indirect.scatter.add.f32 [tilespmem:s12], [sflag:$0x3], $0x80, s14, s15, $0xb8;
	[tilespmem:$0x1CC00] =	vst v63  }
0x63: {  	_ = 	snop  }
0x64: {  	[tilespmem:s16], [sflag:$0x2] =	stream.indirect.gather [hbm4b:s4+s15], $0x80, s15, s15, $0xb8;
	[tilespmem:$0x1CC00] =	vst v63  }
0x65: {  	_ =	swait.ge [sflag:s17], $0x4000  }
0x66: {  	[sflag:s17] =	ssyncset.done $0x0  }
0x67: {  	s8 =	rddreg [dreg:$0x6];
	[sflag:s17] =	ssyncadd.s32 $0xFFFFC000  }
0x68: {  	[spmem:s2] =	stream.indirect.scatter.add.f32 [tilespmem:s16], [sflag:$0x4], $0x80, s8, s15, $0xb8;
	[tilespmem:$0x1CC00] =	vst v63  }
0x69: {  	_ =	swait.ge [sflag:s18], $0x4000  }
0x6a: {  	[sflag:s18] =	ssyncset.done $0x0  }
0x6b: {  	s9 =	rddreg [dreg:$0x7];
	[sflag:s18] =	ssyncadd.s32 $0xFFFFC000  }
0x6c: {  	[tilespmem:s12], [sflag:$0x1] =	stream.indirect.gather [hbm4b:s4+s15], $0x80, s9, s15, $0xb8;
	[tilespmem:$0x1CC00] =	vst v63  }
0x6d: {  	_ =	swait.ge [sflag:s19], $0x4000  }
0x6e: {  	[sflag:s19] =	ssyncset.done $0x0  }
0x6f: {  	s1 =	rddreg [dreg:$0x8];
	[sflag:s19] =	ssyncadd.s32 $0xFFFFC000  }
0x70: {  	[spmem:s2] =	stream.indirect.scatter.add.f32 [tilespmem:s12], [sflag:$0x3], $0x80, s1, s15, $0xb8;
	[tilespmem:$0x1CC00] =	vst v63  }
0x71: {  	_ =	swait.ge [sflag:s20], $0x4000  }
0x72: {  	[sflag:s20] =	ssyncset.done $0x0  }
0x73: {  	s6 =	rddreg [dreg:$0x9];
	[sflag:s20] =	ssyncadd.s32 $0xFFFFC000  }
0x74: {  	[tilespmem:s16], [sflag:$0x2] =	stream.indirect.gather [hbm4b:s4+s15], $0x80, s6, s15, $0xb8;
	[tilespmem:$0x1CC00] =	vst v63  }
0x75: {  	_ =	swait.ge [sflag:s17], $0x4000  }
0x76: {  	[sflag:s17] =	ssyncset.done $0x0  }
0x77: {  	s7 =	rddreg [dreg:$0xa];
	[sflag:s17] =	ssyncadd.s32 $0xFFFFC000  }
0x78: {  	[spmem:s2] =	stream.indirect.scatter.add.f32 [tilespmem:s16], [sflag:$0x4], $0x80, s7, s15, $0xb8;
	[tilespmem:$0x1CC00] =	vst v63  }
0x79: {  	_ =	swait.ge [sflag:s18], $0x4000  }
0x7a: {  	[sflag:s18] =	ssyncset.done $0x0  }
0x7b: {  	s8 =	rddreg [dreg:$0xb];
	[sflag:s18] =	ssyncadd.s32 $0xFFFFC000  }
0x7c: {  	[tilespmem:s12], [sflag:$0x1] =	stream.indirect.gather [hbm4b:s4+s15], $0x80, s8, s15, $0xb8;
	[tilespmem:$0x1CC00] =	vst v63  }
0x7d: {  	_ =	swait.ge [sflag:s19], $0x4000  }
0x7e: {  	[sflag:s19] =	ssyncset.done $0x0  }
0x7f: {  	s9 =	rddreg [dreg:$0xc];
	[sflag:s19] =	ssyncadd.s32 $0xFFFFC000  }
0x80: {  	[spmem:s2] =	stream.indirect.scatter.add.f32 [tilespmem:s12], [sflag:$0x3], $0x80, s9, s15, $0xb8;
	[tilespmem:$0x1CC00] =	vst v63  }
0x81: {  	_ =	swait.ge [sflag:s20], $0x4000  }
0x82: {  	[sflag:s20] =	ssyncset.done $0x0  }
0x83: {  	s1 =	rddreg [dreg:$0xd];
	[sflag:s20] =	ssyncadd.s32 $0xFFFFC000  }
0x84: {  	[tilespmem:s16], [sflag:$0x2] =	stream.indirect.gather [hbm4b:s4+s15], $0x80, s1, s15, $0xb8;
	[tilespmem:$0x1CC00] =	vst v63  }
0x85: {  	_ =	swait.ge [sflag:s17], $0x4000  }
0x86: {  	[sflag:s17] =	ssyncset.done $0x0  }
0x87: {  	s6 =	rddreg [dreg:$0xe];
	[sflag:s17] =	ssyncadd.s32 $0xFFFFC000  }
0x88: {  	[spmem:s2] =	stream.indirect.scatter.add.f32 [tilespmem:s16], [sflag:$0x4], $0x80, s6, s15, $0xb8;
	[tilespmem:$0x1CC00] =	vst v63  }
0x89: {  	_ =	swait.ge [sflag:s18], $0x4000  }
0x8a: {  	[sflag:s18] =	ssyncset.done $0x0  }
0x8b: {  	s7 =	rddreg [dreg:$0xf];
	[sflag:s18] =	ssyncadd.s32 $0xFFFFC000  }
0x8c: {  	[tilespmem:s12], [sflag:$0x1] =	stream.indirect.gather [hbm4b:s4+s15], $0x80, s7, s15, $0xb8;
	[tilespmem:$0x1CC00] =	vst v63  }
0x8d: {  	_ =	swait.ge [sflag:s19], $0x4000  }
0x8e: {  	[sflag:s19] =	ssyncset.done $0x0  }
0x8f: {  	s8 =	rddreg [dreg:$0x10];
	[sflag:s19] =	ssyncadd.s32 $0xFFFFC000  }
0x90: {  	[spmem:s2] =	stream.indirect.scatter.add.f32 [tilespmem:s12], [sflag:$0x3], $0x80, s8, s15, $0xb8;
	[tilespmem:$0x1CC00] =	vst v63  }
0x91: {  	_ =	swait.ge [sflag:s20], $0x4000  }
0x92: {  	[sflag:s20] =	ssyncset.done $0x0  }
0x93: {  	s9 =	rddreg [dreg:$0x11];
	[sflag:s20] =	ssyncadd.s32 $0xFFFFC000  }
0x94: {  	[tilespmem:s16], [sflag:$0x2] =	stream.indirect.gather [hbm4b:s4+s15], $0x80, s9, s15, $0xb8;
	[tilespmem:$0x1CC00] =	vst v63  }
0x95: {  	_ =	swait.ge [sflag:s17], $0x4000  }
0x96: {  	[sflag:s17] =	ssyncset.done $0x0  }
0x97: {  	s1 =	rddreg [dreg:$0x12];
	[sflag:s17] =	ssyncadd.s32 $0xFFFFC000  }
0x98: {  	[spmem:s2] =	stream.indirect.scatter.add.f32 [tilespmem:s16], [sflag:$0x4], $0x80, s1, s15, $0xb8;
	[tilespmem:$0x1CC00] =	vst v63  }
0x99: {  	_ =	swait.ge [sflag:s18], $0x4000  }
0x9a: {  	[sflag:s18] =	ssyncset.done $0x0  }
0x9b: {  	s6 =	rddreg [dreg:$0x13];
	[sflag:s18] =	ssyncadd.s32 $0xFFFFC000  }
0x9c: {  	[tilespmem:s12], [sflag:$0x1] =	stream.indirect.gather [hbm4b:s4+s15], $0x80, s6, s15, $0xb8;
	[tilespmem:$0x1CC00] =	vst v63  }
0x9d: {  	_ =	swait.ge [sflag:s19], $0x4000  }
0x9e: {  	[sflag:s19] =	ssyncset.done $0x0  }
0x9f: {  	s7 =	rddreg [dreg:$0x14];
	[sflag:s19] =	ssyncadd.s32 $0xFFFFC000  }
0xa0: {  	[spmem:s2] =	stream.indirect.scatter.add.f32 [tilespmem:s12], [sflag:$0x3], $0x80, s7, s15, $0xb8;
	[tilespmem:$0x1CC00] =	vst v63  }
0xa1: {  	_ =	swait.ge [sflag:s20], $0x4000  }
0xa2: {  	[sflag:s20] =	ssyncset.done $0x0  }
0xa3: {  	s8 =	rddreg [dreg:$0x15];
	[sflag:s20] =	ssyncadd.s32 $0xFFFFC000  }
0xa4: {  	[tilespmem:s16], [sflag:$0x2] =	stream.indirect.gather [hbm4b:s4+s15], $0x80, s8, s15, $0xb8;
	[tilespmem:$0x1CC00] =	vst v63  }
0xa5: {  	_ =	swait.ge [sflag:s17], $0x4000  }
0xa6: {  	[sflag:s17] =	ssyncset.done $0x0  }
0xa7: {  	s9 =	rddreg [dreg:$0x16];
	[sflag:s17] =	ssyncadd.s32 $0xFFFFC000  }
0xa8: {  	[spmem:s2] =	stream.indirect.scatter.add.f32 [tilespmem:s16], [sflag:$0x4], $0x80, s9, s15, $0xb8;
	[tilespmem:$0x1CC00] =	vst v63  }
0xa9: {  	_ =	swait.ge [sflag:s18], $0x4000  }
0xaa: {  	[sflag:s18] =	ssyncset.done $0x0  }
0xab: {  	s1 =	rddreg [dreg:$0x17];
	[sflag:s18] =	ssyncadd.s32 $0xFFFFC000  }
0xac: {  	[tilespmem:s12], [sflag:$0x1] =	stream.indirect.gather [hbm4b:s4+s15], $0x80, s1, s15, $0xb8;
	[tilespmem:$0x1CC00] =	vst v63  }
0xad: {  	_ =	swait.ge [sflag:s19], $0x4000  }
0xae: {  	[sflag:s19] =	ssyncset.done $0x0  }
0xaf: {  	s6 =	rddreg [dreg:$0x18];
	[sflag:s19] =	ssyncadd.s32 $0xFFFFC000  }
0xb0: {  	[spmem:s2] =	stream.indirect.scatter.add.f32 [tilespmem:s12], [sflag:$0x3], $0x80, s6, s15, $0xb8;
	[tilespmem:$0x1CC00] =	vst v63  }
0xb1: {  	_ =	swait.ge [sflag:s20], $0x4000  }
0xb2: {  	[sflag:s20] =	ssyncset.done $0x0  }
0xb3: {  	s7 =	rddreg [dreg:$0x19];
	[sflag:s20] =	ssyncadd.s32 $0xFFFFC000  }
0xb4: {  	[tilespmem:s16], [sflag:$0x2] =	stream.indirect.gather [hbm4b:s4+s15], $0x80, s7, s15, $0xb8;
	[tilespmem:$0x1CC00] =	vst v63  }
0xb5: {  	_ =	swait.ge [sflag:s17], $0x4000  }
0xb6: {  	[sflag:s17] =	ssyncset.done $0x0  }
0xb7: {  	s8 =	rddreg [dreg:$0x1a];
	[sflag:s17] =	ssyncadd.s32 $0xFFFFC000  }
0xb8: {  	[spmem:s2] =	stream.indirect.scatter.add.f32 [tilespmem:s16], [sflag:$0x4], $0x80, s8, s15, $0xb8;
	[tilespmem:$0x1CC00] =	vst v63  }
0xb9: {  	_ =	swait.ge [sflag:s18], $0x4000  }
0xba: {  	[sflag:s18] =	ssyncset.done $0x0  }
0xbb: {  	s9 =	rddreg [dreg:$0x1b];
	[sflag:s18] =	ssyncadd.s32 $0xFFFFC000  }
0xbc: {  	[tilespmem:s12], [sflag:$0x1] =	stream.indirect.gather [hbm4b:s4+s15], $0x80, s9, s15, $0xb8;
	[tilespmem:$0x1CC00] =	vst v63  }
0xbd: {  	_ =	swait.ge [sflag:s19], $0x4000  }
0xbe: {  	[sflag:s19] =	ssyncset.done $0x0  }
0xbf: {  	[sflag:s19] =	ssyncadd.s32 $0xFFFFC000  }
0xc0: {  	[spmem:s2] =	stream.indirect.scatter.add.f32 [tilespmem:s12], [sflag:$0x3], $0x80, s21, s15, $0xb8;
	[tilespmem:$0x1CC00] =	vst v63  }
0xc1: {  	_ =	swait.ge [sflag:s20], $0x4000  }
0xc2: {  	[sflag:s20] =	ssyncset.done $0x0  }
0xc3: {  	[sflag:s20] =	ssyncadd.s32 $0xFFFFC000  }
0xc4: {  	[tilespmem:s16], [sflag:$0x2] =	stream.indirect.gather [hbm4b:s4+s15], $0x80, s22, s15, $0xb8;
	[tilespmem:$0x1CC00] =	vst v63  }
0xc5: {  	_ =	swait.ge [sflag:s17], $0x4000  }
0xc6: {  	[sflag:s17] =	ssyncset.done $0x0  }
0xc7: {  	[sflag:s17] =	ssyncadd.s32 $0xFFFFC000  }
0xc8: {  	[spmem:s2] =	stream.indirect.scatter.add.f32 [tilespmem:s16], [sflag:$0x4], $0x80, s23, s15, $0xb8;
	[tilespmem:$0x1CC00] =	vst v63  }
0xc9: {  	_ =	swait.ge [sflag:s18], $0x4000  }
0xca: {  	[sflag:s18] =	ssyncset.done $0x0  }
0xcb: {  	[sflag:s18] =	ssyncadd.s32 $0xFFFFC000  }
0xcc: {  	[tilespmem:s12], [sflag:$0x1] =	stream.indirect.gather [hbm4b:s4+s15], $0x80, s24, s15, $0xb8;
	[tilespmem:$0x1CC00] =	vst v63  }
0xcd: {  	_ =	swait.ge [sflag:s19], $0x4000  }
0xce: {  	[sflag:s19] =	ssyncset.done $0x0  }
0xcf: {  	[sflag:s19] =	ssyncadd.s32 $0xFFFFC000  }
0xd0: {  	[spmem:s2] =	stream.indirect.scatter.add.f32 [tilespmem:s12], [sflag:$0x3], $0x80, s26, s15, $0xb8;
	[tilespmem:$0x1CC00] =	vst v63  }
0xd1: {  	_ =	swait.ge [sflag:s20], $0x4000  }
0xd2: {  	[sflag:s20] =	ssyncset.done $0x0  }
0xd3: {  	[sflag:s20] =	ssyncadd.s32 $0xFFFFC000  }
0xd4: {  	[tilespmem:s16], [sflag:$0x2] =	stream.indirect.gather [hbm4b:s4+s15], $0x80, s28, s15, $0xb8;
	[tilespmem:$0x1CC00] =	vst v63  }
0xd5: {  	s31 =	simm.s32 $0x100;
	_ =	swait.ge [sflag:s17], $0x4000  }
0xd6: {  	s1 =	simm.s32 $0x200;
	s0 =	rddreg [dreg:$0x5];
	[sflag:s17] =	ssyncset.done $0x0  }
.LBB2_4:
0xd7: {  	[sflag:s17] =	ssyncadd.s32 $0xFFFFC000  }
0xd8: {  	[spmem:s2] =	stream.indirect.scatter.add.f32 [tilespmem:s16], [sflag:$0x4], $0x80, s29, s15, $0xb8;
	[tilespmem:$0x1CC00] =	vst v63  }
0xd9: {  	s0 =	sadd.s32 s31, s0  }
0xda: {  	[tilespmem:s3], [sflag:$0x5] =	stream.linear.gather [hbm4b:s0+s3], $0x800, $0x38;
	[tilespmem:$0x1CC00] =	vst v63  }
0xdb: {  	_ =	swait.ge [sflag:s13], $0x800  }
0xdc: {  	s7 =	rddreg [dreg:$0x4];
	[sflag:s13] =	ssyncset.done $0x0  }
0xdd: {  	p2 =	seq.s32 s31, $0x0;
	[sflag:s13] =	ssyncadd.s32 $0xFFFFF800;
	s0 =	sadd.s32 s31, s7  }
0xde: {  	[tilespmem:s14], [sflag:$0x5] =	stream.linear.gather [hbm4b:s0+s3], $0x800, $0x38;
	[tilespmem:$0x1CC00] =	vst v63  }
0xdf: {  	s6 =	smov.u32 s1;
	s8 =	simm.s32 @!p2 $0x3;
	_ =	swait.ge [sflag:s13], $0x800  }
0xe0: {  	s31 =	smov.u32 s6;
	s6 =	simm.s32 @p2 $0x0;
	[sflag:s13] =	ssyncset.done $0x0  }
0xe1: {  	s7 =	simm.s32 @p2 $0x1000;
	s0 =	simm.s32 @p2 $0x80;
	[sflag:s13] =	ssyncadd.s32 $0xFFFFF800  }
0xe2: {  	[tilespmem:s7], [sflag:$0x1] =	stream.indirect.gather @p2 [hbm4b:s4+s0], $0x80, s6, s0, $0xb8;
	[tilespmem:$0x1CC00] =	vst v63  }
0xe3: {  	_ =	swait.ge @!p2 [sflag:s8], $0x4000  }
0xe4: {  	s9 =	simm.s32 @!p2 $0x0;
	s0 =	simm.s32 @!p2 $0x1000;
	[sflag:s8] =	ssyncset.done @!p2 $0x0  }
0xe5: {  	s7 =	simm.s32 @!p2 $0x80;
	[sflag:s8] =	ssyncadd.s32 @!p2 $0xFFFFC000;
	s8 =	simm.s32 @!p2 $0x1  }
0xe6: {  	[tilespmem:s0], [sflag:$0x1] =	stream.indirect.gather @!p2 [hbm4b:s4+s7], $0x80, s9, s7, $0xb8;
	[tilespmem:$0x1CC00] =	vst v63  }
0xe7: {  	_ =	swait.ge @!p2 [sflag:s8], $0x4000  }
0xe8: {  	s6 =	simm.s32 @!p2 $0x4;
	[sflag:s8] =	ssyncset.done @!p2 $0x0  }
0xe9: {  	s6 =	simm.s32 @p2 $0x1;
	[sflag:s8] =	ssyncadd.s32 @!p2 $0xFFFFC000  }
0xea: {  	_ =	swait.ge [sflag:s6], $0x4000  }
0xeb: {  	[sflag:s6] =	ssyncset.done $0x0  }
0xec: {  	[sflag:s6] =	ssyncadd.s32 $0xFFFFC000  }
0xed: {  	[spmem:s2] =	stream.indirect.scatter.add.f32 [tilespmem:s12], [sflag:$0x3], $0x80, s14, s15, $0xb8;
	[tilespmem:$0x1CC00] =	vst v63  }
0xee: {  	_ = 	snop  }
0xef: {  	[tilespmem:s16], [sflag:$0x2] =	stream.indirect.gather [hbm4b:s4+s15], $0x80, s15, s15, $0xb8;
	[tilespmem:$0x1CC00] =	vst v63  }
0xf0: {  	_ =	swait.ge [sflag:s17], $0x4000  }
0xf1: {  	[sflag:s17] =	ssyncset.done $0x0  }
0xf2: {  	s8 =	rddreg [dreg:$0x6];
	[sflag:s17] =	ssyncadd.s32 $0xFFFFC000  }
0xf3: {  	[spmem:s2] =	stream.indirect.scatter.add.f32 [tilespmem:s16], [sflag:$0x4], $0x80, s8, s15, $0xb8;
	[tilespmem:$0x1CC00] =	vst v63  }
0xf4: {  	_ =	swait.ge [sflag:s18], $0x4000  }
0xf5: {  	[sflag:s18] =	ssyncset.done $0x0  }
0xf6: {  	s9 =	rddreg [dreg:$0x7];
	[sflag:s18] =	ssyncadd.s32 $0xFFFFC000  }
0xf7: {  	[tilespmem:s12], [sflag:$0x1] =	stream.indirect.gather [hbm4b:s4+s15], $0x80, s9, s15, $0xb8;
	[tilespmem:$0x1CC00] =	vst v63  }
0xf8: {  	_ =	swait.ge [sflag:s19], $0x4000  }
0xf9: {  	[sflag:s19] =	ssyncset.done $0x0  }
0xfa: {  	s6 =	rddreg [dreg:$0x8];
	[sflag:s19] =	ssyncadd.s32 $0xFFFFC000  }
0xfb: {  	[spmem:s2] =	stream.indirect.scatter.add.f32 [tilespmem:s12], [sflag:$0x3], $0x80, s6, s15, $0xb8;
	[tilespmem:$0x1CC00] =	vst v63  }
0xfc: {  	_ =	swait.ge [sflag:s20], $0x4000  }
0xfd: {  	[sflag:s20] =	ssyncset.done $0x0  }
0xfe: {  	s7 =	rddreg [dreg:$0x9];
	[sflag:s20] =	ssyncadd.s32 $0xFFFFC000  }
0xff: {  	[tilespmem:s16], [sflag:$0x2] =	stream.indirect.gather [hbm4b:s4+s15], $0x80, s7, s15, $0xb8;
	[tilespmem:$0x1CC00] =	vst v63  }
0x100: {  	_ =	swait.ge [sflag:s17], $0x4000  }
0x101: {  	[sflag:s17] =	ssyncset.done $0x0  }
0x102: {  	s8 =	rddreg [dreg:$0xa];
	[sflag:s17] =	ssyncadd.s32 $0xFFFFC000  }
0x103: {  	[spmem:s2] =	stream.indirect.scatter.add.f32 [tilespmem:s16], [sflag:$0x4], $0x80, s8, s15, $0xb8;
	[tilespmem:$0x1CC00] =	vst v63  }
0x104: {  	_ =	swait.ge [sflag:s18], $0x4000  }
0x105: {  	[sflag:s18] =	ssyncset.done $0x0  }
0x106: {  	s9 =	rddreg [dreg:$0xb];
	[sflag:s18] =	ssyncadd.s32 $0xFFFFC000  }
0x107: {  	[tilespmem:s12], [sflag:$0x1] =	stream.indirect.gather [hbm4b:s4+s15], $0x80, s9, s15, $0xb8;
	[tilespmem:$0x1CC00] =	vst v63  }
0x108: {  	_ =	swait.ge [sflag:s19], $0x4000  }
0x109: {  	[sflag:s19] =	ssyncset.done $0x0  }
0x10a: {  	s6 =	rddreg [dreg:$0xc];
	[sflag:s19] =	ssyncadd.s32 $0xFFFFC000  }
0x10b: {  	[spmem:s2] =	stream.indirect.scatter.add.f32 [tilespmem:s12], [sflag:$0x3], $0x80, s6, s15, $0xb8;
	[tilespmem:$0x1CC00] =	vst v63  }
0x10c: {  	_ =	swait.ge [sflag:s20], $0x4000  }
0x10d: {  	[sflag:s20] =	ssyncset.done $0x0  }
0x10e: {  	s7 =	rddreg [dreg:$0xd];
	[sflag:s20] =	ssyncadd.s32 $0xFFFFC000  }
0x10f: {  	[tilespmem:s16], [sflag:$0x2] =	stream.indirect.gather [hbm4b:s4+s15], $0x80, s7, s15, $0xb8;
	[tilespmem:$0x1CC00] =	vst v63  }
0x110: {  	_ =	swait.ge [sflag:s17], $0x4000  }
0x111: {  	[sflag:s17] =	ssyncset.done $0x0  }
0x112: {  	s8 =	rddreg [dreg:$0xe];
	[sflag:s17] =	ssyncadd.s32 $0xFFFFC000  }
0x113: {  	[spmem:s2] =	stream.indirect.scatter.add.f32 [tilespmem:s16], [sflag:$0x4], $0x80, s8, s15, $0xb8;
	[tilespmem:$0x1CC00] =	vst v63  }
0x114: {  	_ =	swait.ge [sflag:s18], $0x4000  }
0x115: {  	[sflag:s18] =	ssyncset.done $0x0  }
0x116: {  	s9 =	rddreg [dreg:$0xf];
	[sflag:s18] =	ssyncadd.s32 $0xFFFFC000  }
0x117: {  	[tilespmem:s12], [sflag:$0x1] =	stream.indirect.gather [hbm4b:s4+s15], $0x80, s9, s15, $0xb8;
	[tilespmem:$0x1CC00] =	vst v63  }
0x118: {  	_ =	swait.ge [sflag:s19], $0x4000  }
0x119: {  	[sflag:s19] =	ssyncset.done $0x0  }
0x11a: {  	s6 =	rddreg [dreg:$0x10];
	[sflag:s19] =	ssyncadd.s32 $0xFFFFC000  }
0x11b: {  	[spmem:s2] =	stream.indirect.scatter.add.f32 [tilespmem:s12], [sflag:$0x3], $0x80, s6, s15, $0xb8;
	[tilespmem:$0x1CC00] =	vst v63  }
0x11c: {  	_ =	swait.ge [sflag:s20], $0x4000  }
0x11d: {  	[sflag:s20] =	ssyncset.done $0x0  }
0x11e: {  	s7 =	rddreg [dreg:$0x11];
	[sflag:s20] =	ssyncadd.s32 $0xFFFFC000  }
0x11f: {  	[tilespmem:s16], [sflag:$0x2] =	stream.indirect.gather [hbm4b:s4+s15], $0x80, s7, s15, $0xb8;
	[tilespmem:$0x1CC00] =	vst v63  }
0x120: {  	_ =	swait.ge [sflag:s17], $0x4000  }
0x121: {  	[sflag:s17] =	ssyncset.done $0x0  }
0x122: {  	s8 =	rddreg [dreg:$0x12];
	[sflag:s17] =	ssyncadd.s32 $0xFFFFC000  }
0x123: {  	[spmem:s2] =	stream.indirect.scatter.add.f32 [tilespmem:s16], [sflag:$0x4], $0x80, s8, s15, $0xb8;
	[tilespmem:$0x1CC00] =	vst v63  }
0x124: {  	_ =	swait.ge [sflag:s18], $0x4000  }
0x125: {  	[sflag:s18] =	ssyncset.done $0x0  }
0x126: {  	s9 =	rddreg [dreg:$0x13];
	[sflag:s18] =	ssyncadd.s32 $0xFFFFC000  }
0x127: {  	[tilespmem:s12], [sflag:$0x1] =	stream.indirect.gather [hbm4b:s4+s15], $0x80, s9, s15, $0xb8;
	[tilespmem:$0x1CC00] =	vst v63  }
0x128: {  	_ =	swait.ge [sflag:s19], $0x4000  }
0x129: {  	[sflag:s19] =	ssyncset.done $0x0  }
0x12a: {  	s6 =	rddreg [dreg:$0x14];
	[sflag:s19] =	ssyncadd.s32 $0xFFFFC000  }
0x12b: {  	[spmem:s2] =	stream.indirect.scatter.add.f32 [tilespmem:s12], [sflag:$0x3], $0x80, s6, s15, $0xb8;
	[tilespmem:$0x1CC00] =	vst v63  }
0x12c: {  	_ =	swait.ge [sflag:s20], $0x4000  }
0x12d: {  	[sflag:s20] =	ssyncset.done $0x0  }
0x12e: {  	s7 =	rddreg [dreg:$0x15];
	[sflag:s20] =	ssyncadd.s32 $0xFFFFC000  }
0x12f: {  	[tilespmem:s16], [sflag:$0x2] =	stream.indirect.gather [hbm4b:s4+s15], $0x80, s7, s15, $0xb8;
	[tilespmem:$0x1CC00] =	vst v63  }
0x130: {  	_ =	swait.ge [sflag:s17], $0x4000  }
0x131: {  	[sflag:s17] =	ssyncset.done $0x0  }
0x132: {  	s8 =	rddreg [dreg:$0x16];
	[sflag:s17] =	ssyncadd.s32 $0xFFFFC000  }
0x133: {  	[spmem:s2] =	stream.indirect.scatter.add.f32 [tilespmem:s16], [sflag:$0x4], $0x80, s8, s15, $0xb8;
	[tilespmem:$0x1CC00] =	vst v63  }
0x134: {  	_ =	swait.ge [sflag:s18], $0x4000  }
0x135: {  	[sflag:s18] =	ssyncset.done $0x0  }
0x136: {  	s9 =	rddreg [dreg:$0x17];
	[sflag:s18] =	ssyncadd.s32 $0xFFFFC000  }
0x137: {  	[tilespmem:s12], [sflag:$0x1] =	stream.indirect.gather [hbm4b:s4+s15], $0x80, s9, s15, $0xb8;
	[tilespmem:$0x1CC00] =	vst v63  }
0x138: {  	_ =	swait.ge [sflag:s19], $0x4000  }
0x139: {  	[sflag:s19] =	ssyncset.done $0x0  }
0x13a: {  	s6 =	rddreg [dreg:$0x18];
	[sflag:s19] =	ssyncadd.s32 $0xFFFFC000  }
0x13b: {  	[spmem:s2] =	stream.indirect.scatter.add.f32 [tilespmem:s12], [sflag:$0x3], $0x80, s6, s15, $0xb8;
	[tilespmem:$0x1CC00] =	vst v63  }
0x13c: {  	_ =	swait.ge [sflag:s20], $0x4000  }
0x13d: {  	[sflag:s20] =	ssyncset.done $0x0  }
0x13e: {  	s7 =	rddreg [dreg:$0x19];
	[sflag:s20] =	ssyncadd.s32 $0xFFFFC000  }
0x13f: {  	[tilespmem:s16], [sflag:$0x2] =	stream.indirect.gather [hbm4b:s4+s15], $0x80, s7, s15, $0xb8;
	[tilespmem:$0x1CC00] =	vst v63  }
0x140: {  	_ =	swait.ge [sflag:s17], $0x4000  }
0x141: {  	[sflag:s17] =	ssyncset.done $0x0  }
0x142: {  	s8 =	rddreg [dreg:$0x1a];
	[sflag:s17] =	ssyncadd.s32 $0xFFFFC000  }
0x143: {  	[spmem:s2] =	stream.indirect.scatter.add.f32 [tilespmem:s16], [sflag:$0x4], $0x80, s8, s15, $0xb8;
	[tilespmem:$0x1CC00] =	vst v63  }
0x144: {  	_ =	swait.ge [sflag:s18], $0x4000  }
0x145: {  	[sflag:s18] =	ssyncset.done $0x0  }
0x146: {  	s9 =	rddreg [dreg:$0x1b];
	[sflag:s18] =	ssyncadd.s32 $0xFFFFC000  }
0x147: {  	[tilespmem:s12], [sflag:$0x1] =	stream.indirect.gather [hbm4b:s4+s15], $0x80, s9, s15, $0xb8;
	[tilespmem:$0x1CC00] =	vst v63  }
0x148: {  	_ =	swait.ge [sflag:s19], $0x4000  }
0x149: {  	[sflag:s19] =	ssyncset.done $0x0  }
0x14a: {  	[sflag:s19] =	ssyncadd.s32 $0xFFFFC000  }
0x14b: {  	[spmem:s2] =	stream.indirect.scatter.add.f32 [tilespmem:s12], [sflag:$0x3], $0x80, s21, s15, $0xb8;
	[tilespmem:$0x1CC00] =	vst v63  }
0x14c: {  	_ =	swait.ge [sflag:s20], $0x4000  }
0x14d: {  	[sflag:s20] =	ssyncset.done $0x0  }
0x14e: {  	[sflag:s20] =	ssyncadd.s32 $0xFFFFC000  }
0x14f: {  	[tilespmem:s16], [sflag:$0x2] =	stream.indirect.gather [hbm4b:s4+s15], $0x80, s22, s15, $0xb8;
	[tilespmem:$0x1CC00] =	vst v63  }
0x150: {  	_ =	swait.ge [sflag:s17], $0x4000  }
0x151: {  	[sflag:s17] =	ssyncset.done $0x0  }
0x152: {  	[sflag:s17] =	ssyncadd.s32 $0xFFFFC000  }
0x153: {  	[spmem:s2] =	stream.indirect.scatter.add.f32 [tilespmem:s16], [sflag:$0x4], $0x80, s23, s15, $0xb8;
	[tilespmem:$0x1CC00] =	vst v63  }
0x154: {  	_ =	swait.ge [sflag:s18], $0x4000  }
0x155: {  	[sflag:s18] =	ssyncset.done $0x0  }
0x156: {  	[sflag:s18] =	ssyncadd.s32 $0xFFFFC000  }
0x157: {  	[tilespmem:s12], [sflag:$0x1] =	stream.indirect.gather [hbm4b:s4+s15], $0x80, s24, s15, $0xb8;
	[tilespmem:$0x1CC00] =	vst v63  }
0x158: {  	_ =	swait.ge [sflag:s19], $0x4000  }
0x159: {  	[sflag:s19] =	ssyncset.done $0x0  }
0x15a: {  	s1 =	sadd.s32 $0x100, s1;
	[sflag:s19] =	ssyncadd.s32 $0xFFFFC000  }
0x15b: {  	[spmem:s2] =	stream.indirect.scatter.add.f32 [tilespmem:s12], [sflag:$0x3], $0x80, s26, s15, $0xb8;
	[tilespmem:$0x1CC00] =	vst v63  }
0x15c: {  	p1 =	sne.s32 s1, $0xA00;
	_ =	swait.ge [sflag:s20], $0x4000  }
.Ltmp1:
0x15d: {  	[sflag:s20] =	ssyncset.done $0x0;
	(pc) =	sbr.rel @p1 .LBB2_4-.Ltmp1, $4  }
0x15e: {  	[sflag:s20] =	ssyncadd.s32 $0xFFFFC000  }
0x15f: {  	[tilespmem:s16], [sflag:$0x2] =	stream.indirect.gather [hbm4b:s4+s15], $0x80, s28, s15, $0xb8;
	[tilespmem:$0x1CC00] =	vst v63  }
0x160: {  	_ =	swait.ge [sflag:s17], $0x4000  }
0x161: {  	s0 =	rddreg [dreg:$0x5];
	[sflag:s17] =	ssyncset.done $0x0  }
0x162: {  	[sflag:s17] =	ssyncadd.s32 $0xFFFFC000  }
0x163: {  	[spmem:s2] =	stream.indirect.scatter.add.f32 [tilespmem:s16], [sflag:$0x4], $0x80, s29, s15, $0xb8;
	[tilespmem:$0x1CC00] =	vst v63  }
0x164: {  	s0 =	sadd.s32 s31, s0  }
0x165: {  	[tilespmem:s3], [sflag:$0x5] =	stream.linear.gather [hbm4b:s0+s3], $0x800, $0x38;
	[tilespmem:$0x1CC00] =	vst v63  }
0x166: {  	_ =	swait.ge [sflag:s13], $0x800  }
0x167: {  	s6 =	rddreg [dreg:$0x4];
	[sflag:s13] =	ssyncset.done $0x0  }
0x168: {  	[sflag:s13] =	ssyncadd.s32 $0xFFFFF800;
	s0 =	sadd.s32 s31, s6  }
0x169: {  	[tilespmem:s14], [sflag:$0x5] =	stream.linear.gather [hbm4b:s0+s3], $0x800, $0x38;
	[tilespmem:$0x1CC00] =	vst v63  }
0x16a: {  	p1 =	seq.s32 s31, $0x0;
	_ =	swait.ge [sflag:s13], $0x800  }
0x16b: {  	s1 =	simm.s32 @p1 $0x0;
	[sflag:s13] =	ssyncset.done $0x0  }
0x16c: {  	s6 =	simm.s32 @p1 $0x1000;
	s0 =	simm.s32 @p1 $0x80;
	[sflag:s13] =	ssyncadd.s32 $0xFFFFF800  }
0x16d: {  	[tilespmem:s6], [sflag:$0x1] =	stream.indirect.gather @p1 [hbm4b:s4+s0], $0x80, s1, s0, $0xb8;
	[tilespmem:$0x1CC00] =	vst v63  }
0x16e: {  	s0 =	simm.s32 @!p1 $0x3  }
0x16f: {  	_ =	swait.ge @!p1 [sflag:s0], $0x4000  }
0x170: {  	s1 =	simm.s32 @!p1 $0x1000;
	[sflag:s0] =	ssyncset.done @!p1 $0x0  }
0x171: {  	s6 =	simm.s32 @!p1 $0x80;
	[sflag:s0] =	ssyncadd.s32 @!p1 $0xFFFFC000;
	s0 =	simm.s32 @!p1 $0x0  }
0x172: {  	[tilespmem:s1], [sflag:$0x1] =	stream.indirect.gather @!p1 [hbm4b:s4+s6], $0x80, s0, s6, $0xb8;
	[tilespmem:$0x1CC00] =	vst v63  }
0x173: {  	s0 =	simm.s32 @!p1 $0x1  }
0x174: {  	_ =	swait.ge @!p1 [sflag:s0], $0x4000  }
0x175: {  	s1 =	simm.s32 @!p1 $0x4;
	[sflag:s0] =	ssyncset.done @!p1 $0x0  }
0x176: {  	s1 =	simm.s32 @p1 $0x1;
	[sflag:s0] =	ssyncadd.s32 @!p1 $0xFFFFC000  }
0x177: {  	_ =	swait.ge [sflag:s1], $0x4000  }
0x178: {  	[sflag:s1] =	ssyncset.done $0x0  }
0x179: {  	[sflag:s1] =	ssyncadd.s32 $0xFFFFC000  }
0x17a: {  	[spmem:s2] =	stream.indirect.scatter.add.f32 [tilespmem:s12], [sflag:$0x3], $0x80, s14, s15, $0xb8;
	[tilespmem:$0x1CC00] =	vst v63  }
0x17b: {  	_ = 	snop  }
0x17c: {  	[tilespmem:s16], [sflag:$0x2] =	stream.indirect.gather [hbm4b:s4+s15], $0x80, s15, s15, $0xb8;
	[tilespmem:$0x1CC00] =	vst v63  }
0x17d: {  	_ =	swait.ge [sflag:s17], $0x4000  }
0x17e: {  	[sflag:s17] =	ssyncset.done $0x0  }
0x17f: {  	s7 =	rddreg [dreg:$0x6];
	[sflag:s17] =	ssyncadd.s32 $0xFFFFC000  }
0x180: {  	[spmem:s2] =	stream.indirect.scatter.add.f32 [tilespmem:s16], [sflag:$0x4], $0x80, s7, s15, $0xb8;
	[tilespmem:$0x1CC00] =	vst v63  }
0x181: {  	_ =	swait.ge [sflag:s18], $0x4000  }
0x182: {  	[sflag:s18] =	ssyncset.done $0x0  }
0x183: {  	s8 =	rddreg [dreg:$0x7];
	[sflag:s18] =	ssyncadd.s32 $0xFFFFC000  }
0x184: {  	[tilespmem:s12], [sflag:$0x1] =	stream.indirect.gather [hbm4b:s4+s15], $0x80, s8, s15, $0xb8;
	[tilespmem:$0x1CC00] =	vst v63  }
0x185: {  	_ =	swait.ge [sflag:s19], $0x4000  }
0x186: {  	[sflag:s19] =	ssyncset.done $0x0  }
0x187: {  	s9 =	rddreg [dreg:$0x8];
	[sflag:s19] =	ssyncadd.s32 $0xFFFFC000  }
0x188: {  	[spmem:s2] =	stream.indirect.scatter.add.f32 [tilespmem:s12], [sflag:$0x3], $0x80, s9, s15, $0xb8;
	[tilespmem:$0x1CC00] =	vst v63  }
0x189: {  	_ =	swait.ge [sflag:s20], $0x4000  }
0x18a: {  	[sflag:s20] =	ssyncset.done $0x0  }
0x18b: {  	s31 =	rddreg [dreg:$0x9];
	[sflag:s20] =	ssyncadd.s32 $0xFFFFC000  }
0x18c: {  	[tilespmem:s16], [sflag:$0x2] =	stream.indirect.gather [hbm4b:s4+s15], $0x80, s31, s15, $0xb8;
	[tilespmem:$0x1CC00] =	vst v63  }
0x18d: {  	_ =	swait.ge [sflag:s17], $0x4000  }
0x18e: {  	[sflag:s17] =	ssyncset.done $0x0  }
0x18f: {  	s1 =	rddreg [dreg:$0xa];
	[sflag:s17] =	ssyncadd.s32 $0xFFFFC000  }
0x190: {  	[spmem:s2] =	stream.indirect.scatter.add.f32 [tilespmem:s16], [sflag:$0x4], $0x80, s1, s15, $0xb8;
	[tilespmem:$0x1CC00] =	vst v63  }
0x191: {  	_ =	swait.ge [sflag:s18], $0x4000  }
0x192: {  	[sflag:s18] =	ssyncset.done $0x0  }
0x193: {  	s6 =	rddreg [dreg:$0xb];
	[sflag:s18] =	ssyncadd.s32 $0xFFFFC000  }
0x194: {  	[tilespmem:s12], [sflag:$0x1] =	stream.indirect.gather [hbm4b:s4+s15], $0x80, s6, s15, $0xb8;
	[tilespmem:$0x1CC00] =	vst v63  }
0x195: {  	_ =	swait.ge [sflag:s19], $0x4000  }
0x196: {  	[sflag:s19] =	ssyncset.done $0x0  }
0x197: {  	s7 =	rddreg [dreg:$0xc];
	[sflag:s19] =	ssyncadd.s32 $0xFFFFC000  }
0x198: {  	[spmem:s2] =	stream.indirect.scatter.add.f32 [tilespmem:s12], [sflag:$0x3], $0x80, s7, s15, $0xb8;
	[tilespmem:$0x1CC00] =	vst v63  }
0x199: {  	_ =	swait.ge [sflag:s20], $0x4000  }
0x19a: {  	[sflag:s20] =	ssyncset.done $0x0  }
0x19b: {  	s8 =	rddreg [dreg:$0xd];
	[sflag:s20] =	ssyncadd.s32 $0xFFFFC000  }
0x19c: {  	[tilespmem:s16], [sflag:$0x2] =	stream.indirect.gather [hbm4b:s4+s15], $0x80, s8, s15, $0xb8;
	[tilespmem:$0x1CC00] =	vst v63  }
0x19d: {  	_ =	swait.ge [sflag:s17], $0x4000  }
0x19e: {  	[sflag:s17] =	ssyncset.done $0x0  }
0x19f: {  	s9 =	rddreg [dreg:$0xe];
	[sflag:s17] =	ssyncadd.s32 $0xFFFFC000  }
0x1a0: {  	[spmem:s2] =	stream.indirect.scatter.add.f32 [tilespmem:s16], [sflag:$0x4], $0x80, s9, s15, $0xb8;
	[tilespmem:$0x1CC00] =	vst v63  }
0x1a1: {  	_ =	swait.ge [sflag:s18], $0x4000  }
0x1a2: {  	[sflag:s18] =	ssyncset.done $0x0  }
0x1a3: {  	s31 =	rddreg [dreg:$0xf];
	[sflag:s18] =	ssyncadd.s32 $0xFFFFC000  }
0x1a4: {  	[tilespmem:s12], [sflag:$0x1] =	stream.indirect.gather [hbm4b:s4+s15], $0x80, s31, s15, $0xb8;
	[tilespmem:$0x1CC00] =	vst v63  }
0x1a5: {  	_ =	swait.ge [sflag:s19], $0x4000  }
0x1a6: {  	[sflag:s19] =	ssyncset.done $0x0  }
0x1a7: {  	s1 =	rddreg [dreg:$0x10];
	[sflag:s19] =	ssyncadd.s32 $0xFFFFC000  }
0x1a8: {  	[spmem:s2] =	stream.indirect.scatter.add.f32 [tilespmem:s12], [sflag:$0x3], $0x80, s1, s15, $0xb8;
	[tilespmem:$0x1CC00] =	vst v63  }
0x1a9: {  	_ =	swait.ge [sflag:s20], $0x4000  }
0x1aa: {  	[sflag:s20] =	ssyncset.done $0x0  }
0x1ab: {  	s6 =	rddreg [dreg:$0x11];
	[sflag:s20] =	ssyncadd.s32 $0xFFFFC000  }
0x1ac: {  	[tilespmem:s16], [sflag:$0x2] =	stream.indirect.gather [hbm4b:s4+s15], $0x80, s6, s15, $0xb8;
	[tilespmem:$0x1CC00] =	vst v63  }
0x1ad: {  	_ =	swait.ge [sflag:s17], $0x4000  }
0x1ae: {  	[sflag:s17] =	ssyncset.done $0x0  }
0x1af: {  	s7 =	rddreg [dreg:$0x12];
	[sflag:s17] =	ssyncadd.s32 $0xFFFFC000  }
0x1b0: {  	[spmem:s2] =	stream.indirect.scatter.add.f32 [tilespmem:s16], [sflag:$0x4], $0x80, s7, s15, $0xb8;
	[tilespmem:$0x1CC00] =	vst v63  }
0x1b1: {  	_ =	swait.ge [sflag:s18], $0x4000  }
0x1b2: {  	[sflag:s18] =	ssyncset.done $0x0  }
0x1b3: {  	s8 =	rddreg [dreg:$0x13];
	[sflag:s18] =	ssyncadd.s32 $0xFFFFC000  }
0x1b4: {  	[tilespmem:s12], [sflag:$0x1] =	stream.indirect.gather [hbm4b:s4+s15], $0x80, s8, s15, $0xb8;
	[tilespmem:$0x1CC00] =	vst v63  }
0x1b5: {  	_ =	swait.ge [sflag:s19], $0x4000  }
0x1b6: {  	[sflag:s19] =	ssyncset.done $0x0  }
0x1b7: {  	s9 =	rddreg [dreg:$0x14];
	[sflag:s19] =	ssyncadd.s32 $0xFFFFC000  }
0x1b8: {  	[spmem:s2] =	stream.indirect.scatter.add.f32 [tilespmem:s12], [sflag:$0x3], $0x80, s9, s15, $0xb8;
	[tilespmem:$0x1CC00] =	vst v63  }
0x1b9: {  	_ =	swait.ge [sflag:s20], $0x4000  }
0x1ba: {  	[sflag:s20] =	ssyncset.done $0x0  }
0x1bb: {  	s31 =	rddreg [dreg:$0x15];
	[sflag:s20] =	ssyncadd.s32 $0xFFFFC000  }
0x1bc: {  	[tilespmem:s16], [sflag:$0x2] =	stream.indirect.gather [hbm4b:s4+s15], $0x80, s31, s15, $0xb8;
	[tilespmem:$0x1CC00] =	vst v63  }
0x1bd: {  	_ =	swait.ge [sflag:s17], $0x4000  }
0x1be: {  	[sflag:s17] =	ssyncset.done $0x0  }
0x1bf: {  	s1 =	rddreg [dreg:$0x16];
	[sflag:s17] =	ssyncadd.s32 $0xFFFFC000  }
0x1c0: {  	[spmem:s2] =	stream.indirect.scatter.add.f32 [tilespmem:s16], [sflag:$0x4], $0x80, s1, s15, $0xb8;
	[tilespmem:$0x1CC00] =	vst v63  }
0x1c1: {  	_ =	swait.ge [sflag:s18], $0x4000  }
0x1c2: {  	[sflag:s18] =	ssyncset.done $0x0  }
0x1c3: {  	s6 =	rddreg [dreg:$0x17];
	[sflag:s18] =	ssyncadd.s32 $0xFFFFC000  }
0x1c4: {  	[tilespmem:s12], [sflag:$0x1] =	stream.indirect.gather [hbm4b:s4+s15], $0x80, s6, s15, $0xb8;
	[tilespmem:$0x1CC00] =	vst v63  }
0x1c5: {  	_ =	swait.ge [sflag:s19], $0x4000  }
0x1c6: {  	[sflag:s19] =	ssyncset.done $0x0  }
0x1c7: {  	s7 =	rddreg [dreg:$0x18];
	[sflag:s19] =	ssyncadd.s32 $0xFFFFC000  }
0x1c8: {  	[spmem:s2] =	stream.indirect.scatter.add.f32 [tilespmem:s12], [sflag:$0x3], $0x80, s7, s15, $0xb8;
	[tilespmem:$0x1CC00] =	vst v63  }
0x1c9: {  	_ =	swait.ge [sflag:s20], $0x4000  }
0x1ca: {  	[sflag:s20] =	ssyncset.done $0x0  }
0x1cb: {  	s8 =	rddreg [dreg:$0x19];
	[sflag:s20] =	ssyncadd.s32 $0xFFFFC000  }
0x1cc: {  	[tilespmem:s16], [sflag:$0x2] =	stream.indirect.gather [hbm4b:s4+s15], $0x80, s8, s15, $0xb8;
	[tilespmem:$0x1CC00] =	vst v63  }
0x1cd: {  	_ =	swait.ge [sflag:s17], $0x4000  }
0x1ce: {  	[sflag:s17] =	ssyncset.done $0x0  }
0x1cf: {  	s9 =	rddreg [dreg:$0x1a];
	[sflag:s17] =	ssyncadd.s32 $0xFFFFC000  }
0x1d0: {  	[spmem:s2] =	stream.indirect.scatter.add.f32 [tilespmem:s16], [sflag:$0x4], $0x80, s9, s15, $0xb8;
	[tilespmem:$0x1CC00] =	vst v63  }
0x1d1: {  	_ =	swait.ge [sflag:s18], $0x4000  }
0x1d2: {  	[sflag:s18] =	ssyncset.done $0x0  }
0x1d3: {  	s31 =	rddreg [dreg:$0x1b];
	[sflag:s18] =	ssyncadd.s32 $0xFFFFC000  }
0x1d4: {  	[tilespmem:s12], [sflag:$0x1] =	stream.indirect.gather [hbm4b:s4+s15], $0x80, s31, s15, $0xb8;
	[tilespmem:$0x1CC00] =	vst v63  }
0x1d5: {  	_ =	swait.ge [sflag:s19], $0x4000  }
0x1d6: {  	[sflag:s19] =	ssyncset.done $0x0  }
0x1d7: {  	[sflag:s19] =	ssyncadd.s32 $0xFFFFC000  }
0x1d8: {  	[spmem:s2] =	stream.indirect.scatter.add.f32 [tilespmem:s12], [sflag:$0x3], $0x80, s21, s15, $0xb8;
	[tilespmem:$0x1CC00] =	vst v63  }
0x1d9: {  	_ =	swait.ge [sflag:s20], $0x4000  }
0x1da: {  	[sflag:s20] =	ssyncset.done $0x0  }
0x1db: {  	[sflag:s20] =	ssyncadd.s32 $0xFFFFC000  }
0x1dc: {  	[tilespmem:s16], [sflag:$0x2] =	stream.indirect.gather [hbm4b:s4+s15], $0x80, s22, s15, $0xb8;
	[tilespmem:$0x1CC00] =	vst v63  }
0x1dd: {  	_ =	swait.ge [sflag:s17], $0x4000  }
0x1de: {  	[sflag:s17] =	ssyncset.done $0x0  }
0x1df: {  	[sflag:s17] =	ssyncadd.s32 $0xFFFFC000  }
0x1e0: {  	[spmem:s2] =	stream.indirect.scatter.add.f32 [tilespmem:s16], [sflag:$0x4], $0x80, s23, s15, $0xb8;
	[tilespmem:$0x1CC00] =	vst v63  }
0x1e1: {  	_ =	swait.ge [sflag:s18], $0x4000  }
0x1e2: {  	[sflag:s18] =	ssyncset.done $0x0  }
0x1e3: {  	[sflag:s18] =	ssyncadd.s32 $0xFFFFC000  }
0x1e4: {  	[tilespmem:s12], [sflag:$0x1] =	stream.indirect.gather [hbm4b:s4+s15], $0x80, s24, s15, $0xb8;
	[tilespmem:$0x1CC00] =	vst v63  }
0x1e5: {  	_ =	swait.ge [sflag:s19], $0x4000  }
0x1e6: {  	[sflag:s19] =	ssyncset.done $0x0  }
0x1e7: {  	[sflag:s19] =	ssyncadd.s32 $0xFFFFC000  }
0x1e8: {  	[spmem:s2] =	stream.indirect.scatter.add.f32 [tilespmem:s12], [sflag:$0x3], $0x80, s26, s15, $0xb8;
	[tilespmem:$0x1CC00] =	vst v63  }
0x1e9: {  	_ =	swait.ge [sflag:s20], $0x4000  }
0x1ea: {  	[sflag:s20] =	ssyncset.done $0x0  }
0x1eb: {  	[sflag:s20] =	ssyncadd.s32 $0xFFFFC000  }
0x1ec: {  	[tilespmem:s16], [sflag:$0x2] =	stream.indirect.gather [hbm4b:s4+s15], $0x80, s28, s15, $0xb8;
	[tilespmem:$0x1CC00] =	vst v63  }
0x1ed: {  	_ =	swait.ge [sflag:s17], $0x4000  }
0x1ee: {  	[sflag:s17] =	ssyncset.done $0x0  }
0x1ef: {  	[sflag:s17] =	ssyncadd.s32 $0xFFFFC000  }
0x1f0: {  	[spmem:s2] =	stream.indirect.scatter.add.f32 [tilespmem:s16], [sflag:$0x4], $0x80, s29, s15, $0xb8;
	[tilespmem:$0x1CC00] =	vst v63  }
0x1f1: {  	_ =	swait.ge [sflag:s18], $0x4000  }
0x1f2: {  	[sflag:s18] =	ssyncset.done $0x0  }
0x1f3: {  	[sflag:s18] =	ssyncadd.s32 $0xFFFFC000  }
0x1f4: {  	_ =	swait.ge [sflag:s20], $0x4000  }
0x1f5: {  	s0 =	stileid.u32;
	[sflag:s20] =	ssyncset.done $0x0  }
0x1f6: {  	s30 =	sadd.s32 $0x1, s30;
	s0 =	sshll.u32 @!p0 s0, $0x6;
	[sflag:s20] =	ssyncadd.s32 $0xFFFFC000  }
0x1f7: {  	p1 =	sne.s32 s30, s11;
	s0 =	sor.u32 @!p0 $0x1C05, s0;
	[bflag:$0x0] =	sbarrier.arrive $0xFFFF  }
0x1f8: {  	[hbm:s10], [sflag:s0] =	dma.local @!p0 [spmem:s25], $0x3E80  }
.Ltmp2:
0x1f9: {  	_ = 	snop;
	(pc) =	sbr.rel @p1 .LBB2_1-.Ltmp2, $4  }
0x1fa: {  	s0 =	simm.s32 @!p0 $0x5  }
0x1fb: {  	_ =	swait.ge @!p0 [sflag:s0], $0x3E80  }
0x1fc: {  	[sflag:s0] =	ssyncset.done @!p0 $0x0  }
0x1fd: {  	[sflag:s0] =	ssyncadd.s32 @!p0 $0xFFFFC180  }
0x1fe: {  	_ =	sfence.sel $0x180000  }
0x1ff: {  	[bflag:$0x0] =	sbarrier.arrive $0xFFFF  }
0x200: {  	_ =	strace $0x9000004A  }
0x201: {  	s0 =	stileid.u32;
	[bflag:$0x2] =	sbarrier.arrive $0xFFFF  }
0x202: {  	p0 =	sne.s32 s0, $0x0;
	s0 =	rddreg [dreg:$0x3]  }
0x203: {  	s0 =	sadd.s32 @!p0 $0x100000, s0  }
0x204: {  	[sflag:s0] =	ssyncadd.tile.s32 @!p0 $0x1;
	_ =	shalt  }
.Lfunc_end2:
_tile_overlayer_lowered:
.L_overlay_start_2:
0x205: {  	(tag) =	ssettag $0x2  }
0x206: {  	s0 =	rddreg [dreg:$0x0];
	s2 =	stileid.u32  }
0x207: {  	s1 =	rddreg [dreg:$0x1];
	p0 =	sne.s32 s2, $0x0  }
0x208: {  	s3 =	rddreg [dreg:$0x2];
	[bflag:$0x3] =	sbarrier.arrive $0xFFFF;
	s2 =	simm.s32 @!p0 $0x1C05  }
0x209: {  	[timem:s3], [sflag:s2] =	dma.local @!p0 [hbm:s0], s1  }
0x20a: {  	s0 =	simm.s32 @!p0 $0x5  }
0x20b: {  	_ =	swait.ge @!p0 [sflag:s0], s1  }
0x20c: {  	s1 =	ssub.s32 @!p0 $0x0, s1;
	[sflag:s0] =	ssyncset.done @!p0 $0x0  }
0x20d: {  	[sflag:s0] =	ssyncadd.s32 @!p0 s1  }
0x20e: {  	[bflag:$0x3] =	sbarrier.arrive $0xFFFF  }
0x20f: {  	_ =	shalt  }

// kernel: kernel.14.cloned.1.call-start
scs
__scs_entry_jumppad:
0x0: {  	(pc) =	sbr.rel $0x88, $3  }
0x1: {  	(tag) =	ssettag $0x0;
	lr =	simm.s32 $0x1  }
0x2: {  	[smem:$0x3F9B] =	sst lr;
	_ =	strace $0xD0000000  }
0x3: {  	_ = 	snop  }
0x4: {  	_ = 	snop  }
0x5: {  	_ = 	snop  }
0x6: {  	_ = 	snop  }
0x7: {  	_ = 	snop  }
__scs_overlays_trampoline_lowered:
0x8: {  	[smem:$0x3FAA] =	sst s0  }
0x9: {  	[smem:$0x3FAB] =	sst s1  }
0xa: {  	[smem:$0x3FAC] =	sst s2  }
0xb: {  	[smem:$0x3FAD] =	sst s3  }
0xc: {  	[smem:$0x3FAE] =	sst s4  }
0xd: {  	[smem:$0x3FAF] =	sst s5  }
0xe: {  	[smem:$0x3FB0] =	sst s6  }
0xf: {  	[smem:$0x3FB1] =	sst s7  }
0x10: {  	[smem:$0x3FB2] =	sst s8  }
0x11: {  	[smem:$0x3FB3] =	sst s9;
	s0 =	simm.s32 @!p0 $0x0  }
0x12: {  	s1 =	sld [smem:$0x3F99];
	s0 =	simm.s32 @p0 $0x1  }
0x13: {  	[smem:$0x3FB4] =	sst s0;
	s0 =	simm.s32 @!p1 $0x0  }
0x14: {  	s2 =	sld [smem:$0x3F98];
	s0 =	simm.s32 @p1 $0x1  }
0x15: {  	[smem:$0x3FB5] =	sst s0;
	s0 =	simm.s32 @!p2 $0x0  }
0x16: {  	s3 =	sld [smem:$0x3FDB];
	s0 =	simm.s32 @p2 $0x1  }
0x17: {  	s4 =	simm.s32 $0x1BF5;
	[smem:$0x3FB7] =	sst s0  }
0x18: {  	s0 =	sld [smem:$0x3F9A];
	_ =	swait.ge [sflag:s4], $0x0  }
0x19: {  	s7 =	sld [smem:$0x3F9B]  }
0x1a: {  	s8 =	sadd.s32 $0xFFFFE003, lr  }
0x1b: {  	s9 =	sadd.s32 $0xFFFFFEF7, lr;
	s5 =	simm.s32 $0xFFFFFFFF;
	p2 =	slt.u32 s8, $0xFFFFF086  }
0x1c: {  	p1 =	slt.u32 s9, $0xF7A;
	s5 =	simm.s32 @!p2 $0x0  }
0x1d: {  	s5 =	simm.s32 @p1 $0x1;
	p0 =	seq.s32 s7, s2  }
0x1e: {  	s7 =	smul.u32 @!p0 $0xF7A, s2;
	p2 =	seq.s32 @!p0 s5, $0x0  }
0x1f: {  	s9 =	smul.u32 $0xF7A, s1;
	s8 =	simm.s32 @!p0 $0x1BF5;
	p2 =	por !p2, p0  }
0x20: {  	[sflag:s8] =	ssyncset.s32 @!p0 $0xFFFFF086;
	s6 =	sadd.s32 @!p0 s3, s7;
	s7 =	simm.s32 @!p0 $0x108  }
0x21: {  	s3 =	sadd.s32 s3, s9;
	s6 =	sadd.s32 @!p0 $0x88, s6;
	s7 =	simm.s32 @p2 $0x1082  }
0x22: {  	[simem:s7], [sflag:s8] =	dma.local @!p0 [hbm:s6], $0xF7A  }
0x23: {  	s9 =	sor.u32 $0xD0000000, s2;
	s6 =	simm.s32 $0x108;
	_ =	swait.ge @!p0 [sflag:s8], $0x0  }
0x24: {  	s3 =	sadd.s32 $0x88, s3;
	s6 =	simm.s32 @!p1 $0x1082;
	[sflag:s4] =	ssyncset.s32 $0xFFFFF086  }
0x25: {  	[simem:s6], [sflag:s4] =	dma.local [hbm:s3], $0xF7A  }
0x26: {  	[smem:$0x3F9B] =	sst s1;
	(tag) =	ssettag s2;
	_ =	strace s9  }
0x27: {  	s1 =	sld [smem:$0x3FAB]  }
0x28: {  	s2 =	sld [smem:$0x3FAC]  }
0x29: {  	s4 =	sld [smem:$0x3FAE]  }
0x2a: {  	p0 =	seq.s32 s5, $0x0;
	s5 =	sld [smem:$0x3FAF]  }
0x2b: {  	s6 =	sld [smem:$0x3FB0]  }
0x2c: {  	s7 =	sld [smem:$0x3FB1]  }
0x2d: {  	s3 =	simm.s32 $0x108;
	s8 =	sld [smem:$0x3FB2]  }
0x2e: {  	s3 =	simm.s32 @!p0 $0x1082;
	s9 =	sld [smem:$0x3FB3]  }
0x2f: {  	lr =	sadd.s32 s0, s3;
	s0 =	sld [smem:$0x3FAA]  }
0x30: {  	s3 =	sld [smem:$0x3FAD]  }
0x31: {  	[smem:$0x3FB6] =	sst s10  }
0x32: {  	s10 =	sld [smem:$0x3FB4];
	_ =	sdelay $0x3  }
0x33: {  	p0 =	seq.s32 s10, $0x1;
	s10 =	sld [smem:$0x3FB6];
	_ =	sdelay $0x3  }
0x34: {  	[smem:$0x3FB6] =	sst s10  }
0x35: {  	s10 =	sld [smem:$0x3FB5];
	_ =	sdelay $0x3  }
0x36: {  	p1 =	seq.s32 s10, $0x1;
	s10 =	sld [smem:$0x3FB6];
	_ =	sdelay $0x3  }
0x37: {  	[smem:$0x3FB6] =	sst s10  }
0x38: {  	s10 =	sld [smem:$0x3FB7]  }
0x39: {  	_ = 	snop;
	(pc) =	sbr.ind lr, $3  }
0x3a: {  	_ = 	snop  }
0x3b: {  	_ = 	snop  }
0x3c: {  	p2 =	seq.s32 s10, $0x1;
	s10 =	sld [smem:$0x3FB6]  }
0x3d: {  	_ =	shalt  }
0x3e: {  	_ =	shalt  }
0x3f: {  	_ =	shalt  }
0x40: {  	_ =	shalt  }
0x41: {  	_ =	shalt  }
0x42: {  	_ =	shalt  }
0x43: {  	_ =	shalt  }
0x44: {  	_ =	shalt  }
0x45: {  	_ =	shalt  }
0x46: {  	_ =	shalt  }
0x47: {  	_ =	shalt  }
0x48: {  	_ =	shalt  }
0x49: {  	_ =	shalt  }
0x4a: {  	_ =	shalt  }
0x4b: {  	_ =	shalt  }
0x4c: {  	_ =	shalt  }
0x4d: {  	_ =	shalt  }
0x4e: {  	_ =	shalt  }
0x4f: {  	_ =	shalt  }
0x50: {  	_ =	shalt  }
0x51: {  	_ =	shalt  }
0x52: {  	_ =	shalt  }
0x53: {  	_ =	shalt  }
0x54: {  	_ =	shalt  }
0x55: {  	_ =	shalt  }
0x56: {  	_ =	shalt  }
0x57: {  	_ =	shalt  }
0x58: {  	_ =	shalt  }
0x59: {  	_ =	shalt  }
0x5a: {  	_ =	shalt  }
0x5b: {  	_ =	shalt  }
0x5c: {  	_ =	shalt  }
0x5d: {  	_ =	shalt  }
0x5e: {  	_ =	shalt  }
0x5f: {  	_ =	shalt  }
0x60: {  	_ =	shalt  }
0x61: {  	_ =	shalt  }
0x62: {  	_ =	shalt  }
0x63: {  	_ =	shalt  }
0x64: {  	_ =	shalt  }
0x65: {  	_ =	shalt  }
0x66: {  	_ =	shalt  }
0x67: {  	_ =	shalt  }
0x68: {  	_ =	shalt  }
0x69: {  	_ =	shalt  }
0x6a: {  	_ =	shalt  }
0x6b: {  	_ =	shalt  }
0x6c: {  	_ =	shalt  }
0x6d: {  	_ =	shalt  }
0x6e: {  	_ =	shalt  }
0x6f: {  	_ =	shalt  }
0x70: {  	_ =	shalt  }
0x71: {  	_ =	shalt  }
0x72: {  	_ =	shalt  }
0x73: {  	_ =	shalt  }
0x74: {  	_ =	shalt  }
0x75: {  	_ =	shalt  }
0x76: {  	_ =	shalt  }
0x77: {  	_ =	shalt  }
0x78: {  	_ =	shalt  }
0x79: {  	_ =	shalt  }
0x7a: {  	_ =	shalt  }
0x7b: {  	_ =	shalt  }
0x7c: {  	_ =	shalt  }
0x7d: {  	_ =	shalt  }
0x7e: {  	_ =	shalt  }
0x7f: {  	_ =	shalt  }
0x80: {  	_ =	shalt  }
0x81: {  	_ =	shalt  }
0x82: {  	_ =	shalt  }
0x83: {  	_ =	shalt  }
0x84: {  	_ =	shalt  }
0x85: {  	_ =	shalt  }
0x86: {  	_ =	shalt  }
0x87: {  	_ =	shalt  }
.Lfunc_end0:
.L_simem_size_0:
called_computation.2_lowered:
.L_overlay_start_0:
0x88: {  	s2 =	sld [smem:$0x3FD9]  }
0x89: {  	s3 =	sld [smem:$0x3FFE];
	_ =	sdelay $0x1  }
0x8a: {  	s1 =	srdreg.scid  }
0x8b: {  	s0 =	sand.u32 $0x1, s1  }
0x8c: {  	s17 =	sshll.u32 s0, $0xA;
	s2 =	sadd.s32 s3, s2  }
0x8d: {  	s2 =	sadd.s32 s2, s17  }
0x8e: {  	[smem:$0x3FC2] =	sst s2  }
0x8f: {  	_ = 	snop  }
0x90: {  	s2 =	sld [smem:$0x3FD0];
	(tm) =	ssettm $0x1  }
0x91: {  	s18 =	sld [smem:$0x3FFB];
	_ =	sdelay $0x3  }
0x92: {  	_ =	strace s18  }
0x93: {  	s3 =	sld [smem:$0x3FFC];
	_ =	sdelay $0x3  }
0x94: {  	_ =	strace s3  }
0x95: {  	s3 =	sld [smem:$0x3FFD];
	_ =	sdelay $0x3  }
0x96: {  	_ =	strace s3  }
0x97: {  	_ =	strace $0x8FFFFFFF  }
0x98: {  	s19 =	sld [smem:$0x3FDB];
	_ =	sdelay $0x1  }
0x99: {  	s4 =	simm.s32 $_scs_section_size  }
0x9a: {  	s5 =	simm.s32 $_size__tile_overlayer_lowered;
	s6 =	simm.s32 $_tile_overlayer_lowered  }
0x9b: {  	s22 =	simm.s32 $0x1BFF;
	s21 =	sshll.u32 s6, $0x1;
	s3 =	sadd.s32 s4, s19  }
0x9c: {  	s7 =	simm.s32 $0x0;
	s20 =	sshll.u32 s5, $0x1;
	s5 =	sadd.s32 s21, s3  }
0x9d: {  	[timem:s7], [sflag:s22] =	dma.local [hbm:s5], s20  }
0x9e: {  	_ =	swait.ge [sflag:s22], s20  }
0x9f: {  	s4 =	ssub.s32 $0x0, s20;
	[sflag:s22] =	ssyncset.done $0x0  }
0xa0: {  	[sflag:s22] =	ssyncadd.s32 s4;
	_ =	sdelay $0x1  }
0xa1: {  	s23 =	simm.s32 $0x1B8B  }
0xa2: {  	_ =	swait.ge [sflag:s23], $0x1  }
0xa3: {  	[sflag:s23] =	ssyncset.done $0x0  }
0xa4: {  	s25 =	simm.s32 $0x1B8E;
	s24 =	sld [smem:$0x3FFE];
	[sflag:s23] =	ssyncadd.s32 $0xFFFFFFFF  }
0xa5: {  	s26 =	simm.s32 $execute0_lowered;
	[smem:$0x3FD2] =	sst s25  }
0xa6: {  	s5 =	sshll.u32 s26, $0x1;
	_ =	strace $0x8000004C;
	[dreg:$0x1] =	wrdreg $0xFFFFFFFF  }
0xa7: {  	s28 =	simm.s32 $_size_execute0_lowered;
	s3 =	sadd.s32 s3, s5;
	[dreg:$0x0] =	wrdreg $0x0  }
0xa8: {  	s5 =	sshll.u32 s28, $0x1;
	[dreg:$0x2] =	wrdreg s3  }
0xa9: {  	[dreg:$0x3] =	wrdreg s5  }
0xaa: {  	[dreg:$0x4] =	wrdreg $0xC0  }
0xab: {  	_ =	task [dreg:s7], $0x5FFFF  }
0xac: {  	[dreg:$0x1] =	wrdreg $0xFFFFFFFF  }
0xad: {  	[dreg:$0x0] =	wrdreg $0x60  }
0xae: {  	[dreg:$0x2] =	wrdreg s2  }
0xaf: {  	[dreg:$0x3] =	wrdreg s24  }
0xb0: {  	[dreg:$0x4] =	wrdreg $0x90000  }
0xb1: {  	[dreg:$0x5] =	wrdreg $0x9  }
0xb2: {  	_ =	task.clear_ibuf [dreg:s7], $0x6FFFF;
	_ =	strace $0x9000004C  }
0xb3: {  	s29 =	simm.s32 $0x9;
	_ =	strace $0x8000004E  }
0xb4: {  	_ =	swait.ge [sflag:s29], $0x1  }
0xb5: {  	[sflag:s29] =	ssyncadd.s32 $0xFFFFFFFF  }
0xb6: {  	_ =	strace $0x9000004E  }
0xb7: {  	_ =	sfence  }
0xb8: {  	s30 =	sld [smem:$0x0];
	_ =	sdelay $0x2  }
0xb9: {  	s31 =	sshll.u32 s1, $0xD;
	s1 =	sshrl.u32 s1, $0x2  }
0xba: {  	s3 =	sand.u32 $0x4000, s31;
	s1 =	sadd.s32 s1, s30  }
0xbb: {  	s0 =	sor.u32 s3, s0;
	s1 =	sshll.u32 s1, $0x11  }
0xbc: {  	s0 =	sor.u32 s1, s0  }
0xbd: {  	s0 =	sadd.s32 $0x8F2B, s0  }
0xbe: {  	[sflag:s0] =	ssyncadd.remote.s32 $0x1  }
0xbf: {  	_ =	sfence.sel $0xFFFF  }
0xc0: {  	[dreg:$0x0] =	wrdreg $0xFFFFFFFF;
	(pc) =	sbr.abs _section_cstart, $3  }
0xc1: {  	[dreg:$0x1] =	wrdreg $0xFFFFFFFF  }
0xc2: {  	_ =	task.clear_ibuf [dreg:s7], $0x2FFFF;
	_ =	strace $0x9FFFFFFF  }
0xc3: {  	(tm) =	ssettm $0x7FFFFFFF  }
tec
execute0_lowered:
.L_overlay_start_1:
0x0: {  	(tag) =	ssettag $0x1  }
0x1: {  	s1 =	rddreg [dreg:$0x0]  }
0x2: {  	s0 =	srdreg.scid;
	s5 =	rddreg [dreg:$0x1]  }
0x3: {  	s8 =	stileid.u32;
	s3 =	rddreg [dreg:$0x2]  }
0x4: {  	s17 =	simm.s32 $0x880;
	s0 =	sand.u32 $0x1, s0;
	s4 =	smul.u32 $0x2800, s8  }
0x5: {  	s19 =	simm.s32 $0x100;
	s20 =	simm.s32 $0x900;
	s2 =	smul.u32 $0x28000, s0  }
0x6: {  	s22 =	simm.s32 $0x180;
	s23 =	simm.s32 $0x980;
	s25 =	simm.s32 $0x200  }
0x7: {  	s31 =	simm.s32 $0xA00;
	s2 =	sadd.s32 s4, s2;
	s4 =	simm.s32 $0x0  }
0x8: {  	s9 =	simm.s32 $0x280;
	s12 =	simm.s32 $0xA80;
	[smem:$0x7FF] =	sst s4  }
0x9: {  	s14 =	simm.s32 $0x300;
	_ =	strace $0x8000004D;
	[dreg:$0x6] =	wrdreg s17  }
0xa: {  	s28 =	simm.s32 $0x780;
	s7 =	smul.u32 $0x3E80, s8;
	[dreg:$0x7] =	wrdreg s19  }
0xb: {  	s29 =	simm.s32 $0xF80;
	s18 =	smul.u32 $0x4F000, s8;
	[dreg:$0x8] =	wrdreg s20  }
0xc: {  	s30 =	simm.s32 $0x0;
	s11 =	smul.u32 $0x7D000, s8;
	[dreg:$0x9] =	wrdreg s22  }
0xd: {  	s6 =	smul.u32 $0x27100, s0;
	s0 =	ssub.s32 $0x2, s0;
	[dreg:$0xa] =	wrdreg s23  }
0xe: {  	p0 =	sgt.u32 s8, $0x9;
	s16 =	sshrl.u32 s0, $0x1;
	[dreg:$0xb] =	wrdreg s25  }
0xf: {  	s21 =	sshrl.u32 s18, $0x2;
	s11 =	sshrl.u32 s11, $0x2;
	[dreg:$0xc] =	wrdreg s31  }
0x10: {  	s18 =	simm.s32 $0x400;
	s6 =	sadd.s32 s7, s6;
	[dreg:$0xd] =	wrdreg s9  }
0x11: {  	s0 =	ssub.s32 s0, s16;
	s16 =	simm.s32 $0x380;
	[dreg:$0xe] =	wrdreg s12  }
0x12: {  	s2 =	sshrl.u32 s2, $0x3;
	s10 =	sadd.s32 s6, s5;
	[dreg:$0xf] =	wrdreg s14  }
0x13: {  	s2 =	sadd.s32 s2, s5;
	s5 =	sadd.s32 s21, s3;
	[dreg:$0x11] =	wrdreg s16  }
0x14: {  	s25 =	sadd.s32 s11, s3;
	s17 =	simm.s32 $0xB80;
	[dreg:$0x13] =	wrdreg s18  }
0x15: {  	s10 =	sadd.s32 $0xCA00, s10;
	s19 =	simm.s32 $0xC00;
	[dreg:$0x12] =	wrdreg s17  }
0x16: {  	s11 =	smax.u32 s0, $0x1;
	s20 =	simm.s32 $0x480;
	[dreg:$0x14] =	wrdreg s19  }
0x17: {  	s12 =	simm.s32 $0x1000;
	s21 =	simm.s32 $0xC80;
	[dreg:$0x15] =	wrdreg s20  }
0x18: {  	s14 =	simm.s32 $0x800;
	s22 =	simm.s32 $0x500;
	[dreg:$0x16] =	wrdreg s21  }
0x19: {  	s16 =	simm.s32 $0x5000;
	s23 =	simm.s32 $0xD00;
	[dreg:$0x17] =	wrdreg s22  }
0x1a: {  	s18 =	simm.s32 $0x3;
	s31 =	simm.s32 $0x600;
	[dreg:$0x18] =	wrdreg s23  }
0x1b: {  	s15 =	sadd.s32 $0x2A00, s2;
	s2 =	sadd.s32 $0x159200, s2;
	[dreg:$0x1b] =	wrdreg s31  }
0x1c: {  	s24 =	sadd.s32 $0x4000, s5;
	s26 =	sadd.s32 $0x8000, s5;
	[dreg:$0x4] =	wrdreg s15  }
0x1d: {  	s7 =	sadd.s32 $0xC000, s5;
	s13 =	sadd.s32 $0x10000, s5;
	[dreg:$0x5] =	wrdreg s2  }
0x1e: {  	s17 =	simm.s32 $0x2;
	s19 =	simm.s32 $0x1;
	[dreg:$0x1c] =	wrdreg s24  }
0x1f: {  	s20 =	simm.s32 $0x4;
	s21 =	simm.s32 $0xE00;
	[dreg:$0x1d] =	wrdreg s26  }
0x20: {  	s22 =	simm.s32 $0x680;
	s23 =	simm.s32 $0xE80;
	[dreg:$0x1e] =	wrdreg s7  }
0x21: {  	s25 =	sshrl.u32 @!p0 s25, $0x3;
	[dreg:$0x1f] =	wrdreg s13;
	s15 =	simm.s32 $0xB00  }
0x22: {  	s13 =	simm.s32 $0x5;
	s24 =	simm.s32 $0x580;
	[dreg:$0x10] =	wrdreg s15  }
0x23: {  	s26 =	simm.s32 $0xD80;
	s15 =	simm.s32 $0x80;
	[dreg:$0x19] =	wrdreg s24  }
0x24: {  	v0 =	vimm.f32 $0.0e+00;
	[dreg:$0x1a] =	wrdreg s26;
	s24 =	simm.s32 $0x700;
	s26 =	simm.s32 $0xF00  }
.LBB2_1:
0x25: {  	s2 =	simm.s32 $0x0;
	s31 =	simm.s32 $0x200  }
.LBB2_2:
0x26: {  	p1 =	sne.s32 s31, $0xFE00;
	[tilespmem:s2+$0x1070] =	vst v0  }
0x27: {  	[tilespmem:s2+$0x1000] =	vst v0  }
0x28: {  	[tilespmem:s2+$0x1010] =	vst v0  }
.Ltmp0:
0x29: {  	[tilespmem:s2+$0x1020] =	vst v0;
	(pc) =	sbr.rel @p1 .LBB2_2-.Ltmp0, $4  }
0x2a: {  	[tilespmem:s2+$0x1030] =	vst v0  }
0x2b: {  	[tilespmem:s2+$0x1040] =	vst v0  }
0x2c: {  	[tilespmem:s2+$0x1050] =	vst v0  }
0x2d: {  	[tilespmem:s2+$0x1060] =	vst v0;
	s2 =	sshra.s32 s31, $0x2;
	s31 =	sadd.s32 $0x200, s31  }
0x2e: {  	[tilespmem:s2+$0x1070] =	vst v0  }
0x2f: {  	[tilespmem:s2+$0x1000] =	vst v0  }
0x30: {  	[tilespmem:s2+$0x1010] =	vst v0  }
0x31: {  	[tilespmem:s2+$0x1020] =	vst v0  }
0x32: {  	[tilespmem:s2+$0x1030] =	vst v0  }
0x33: {  	[tilespmem:s2+$0x1040] =	vst v0  }
0x34: {  	[tilespmem:s2+$0x1050] =	vst v0  }
0x35: {  	[tilespmem:s2+$0x1060] =	vst v0  }
0x36: {  	[spmem:s5] =	stream.linear.scatter [tilespmem:s12], [sflag:$0x5], $0x4000, $0x38;
	[tilespmem:$0x1CC00] =	vst v63  }
0x37: {  	_ =	swait.ge [sflag:s13], $0x4000  }
0x38: {  	[sflag:s13] =	ssyncset.done $0x0  }
0x39: {  	s0 =	rddreg [dreg:$0x1c];
	[sflag:s13] =	ssyncadd.s32 $0xFFFFC000  }
0x3a: {  	[spmem:s0] =	stream.linear.scatter [tilespmem:s12], [sflag:$0x5], $0x4000, $0x38;
	[tilespmem:$0x1CC00] =	vst v63  }
0x3b: {  	_ =	swait.ge [sflag:s13], $0x4000  }
0x3c: {  	[sflag:s13] =	ssyncset.done $0x0  }
0x3d: {  	s8 =	rddreg [dreg:$0x1d];
	[sflag:s13] =	ssyncadd.s32 $0xFFFFC000  }
0x3e: {  	[spmem:s8] =	stream.linear.scatter [tilespmem:s12], [sflag:$0x5], $0x4000, $0x38;
	[tilespmem:$0x1CC00] =	vst v63  }
0x3f: {  	_ =	swait.ge [sflag:s13], $0x4000  }
0x40: {  	[sflag:s13] =	ssyncset.done $0x0  }
0x41: {  	s9 =	rddreg [dreg:$0x1e];
	[sflag:s13] =	ssyncadd.s32 $0xFFFFC000  }
0x42: {  	[spmem:s9] =	stream.linear.scatter [tilespmem:s12], [sflag:$0x5], $0x4000, $0x38;
	[tilespmem:$0x1CC00] =	vst v63  }
0x43: {  	_ =	swait.ge [sflag:s13], $0x4000  }
0x44: {  	[sflag:s13] =	ssyncset.done $0x0  }
0x45: {  	s2 =	rddreg [dreg:$0x1f];
	[sflag:s13] =	ssyncadd.s32 $0xFFFFC000  }
0x46: {  	[spmem:s2] =	stream.linear.scatter [tilespmem:s12], [sflag:$0x5], $0x3C00, $0x38;
	[tilespmem:$0x1CC00] =	vst v63  }
0x47: {  	_ =	swait.ge [sflag:s13], $0x3C00  }
0x48: {  	[sflag:s13] =	ssyncset.done $0x0  }
0x49: {  	[sflag:s13] =	ssyncadd.s32 $0xFFFFC400  }
0x4a: {  	[bflag:$0x0] =	sbarrier.arrive $0xFFFF  }
0x4b: {  	s6 =	rddreg [dreg:$0x5]  }
0x4c: {  	s0 =	sadd.s32 $0x0, s6  }
0x4d: {  	[tilespmem:s4], [sflag:$0x5] =	stream.linear.gather [hbm4b:s0+s4], $0x800, $0x38;
	[tilespmem:$0x1CC00] =	vst v63  }
0x4e: {  	_ =	swait.ge [sflag:s13], $0x800  }
0x4f: {  	s7 =	rddreg [dreg:$0x4];
	[sflag:s13] =	ssyncset.done $0x0  }
0x50: {  	[sflag:s13] =	ssyncadd.s32 $0xFFFFF800;
	s0 =	sadd.s32 $0x0, s7  }
0x51: {  	[tilespmem:s14], [sflag:$0x5] =	stream.linear.gather [hbm4b:s0+s4], $0x800, $0x38;
	[tilespmem:$0x1CC00] =	vst v63  }
0x52: {  	p1 =	por $0x1, $0x1;
	_ =	swait.ge [sflag:s13], $0x800  }
0x53: {  	s31 =	simm.s32 @p1 $0x1000;
	[sflag:s13] =	ssyncset.done $0x0  }
0x54: {  	s2 =	simm.s32 @p1 $0x0;
	s0 =	simm.s32 @p1 $0x80;
	[sflag:s13] =	ssyncadd.s32 $0xFFFFF800  }
0x55: {  	[tilespmem:s31], [sflag:$0x1] =	stream.indirect.gather @p1 [hbm4b:s1+s0], $0x80, s2, s0, $0xb8;
	[tilespmem:$0x1CC00] =	vst v63  }
0x56: {  	s0 =	simm.s32 @!p1 $0x3  }
0x57: {  	_ =	swait.ge @!p1 [sflag:s0], $0x4000  }
0x58: {  	s2 =	simm.s32 @!p1 $0x1000;
	[sflag:s0] =	ssyncset.done @!p1 $0x0  }
0x59: {  	s31 =	simm.s32 @!p1 $0x80;
	[sflag:s0] =	ssyncadd.s32 @!p1 $0xFFFFC000;
	s0 =	simm.s32 @!p1 $0x0  }
0x5a: {  	[tilespmem:s2], [sflag:$0x1] =	stream.indirect.gather @!p1 [hbm4b:s1+s31], $0x80, s0, s31, $0xb8;
	[tilespmem:$0x1CC00] =	vst v63  }
0x5b: {  	s0 =	simm.s32 @!p1 $0x1  }
0x5c: {  	_ =	swait.ge @!p1 [sflag:s0], $0x4000  }
0x5d: {  	s2 =	simm.s32 @!p1 $0x4;
	[sflag:s0] =	ssyncset.done @!p1 $0x0  }
0x5e: {  	s2 =	simm.s32 @p1 $0x1;
	[sflag:s0] =	ssyncadd.s32 @!p1 $0xFFFFC000  }
0x5f: {  	_ =	swait.ge [sflag:s2], $0x4000  }
0x60: {  	[sflag:s2] =	ssyncset.done $0x0  }
0x61: {  	[sflag:s2] =	ssyncadd.s32 $0xFFFFC000  }
0x62: {  	[spmem:s3] =	stream.indirect.scatter.add.f32 [tilespmem:s12], [sflag:$0x3], $0x80, s14, s15, $0xb8;
	[tilespmem:$0x1CC00] =	vst v63  }
0x63: {  	_ = 	snop  }
0x64: {  	[tilespmem:s16], [sflag:$0x2] =	stream.indirect.gather [hbm4b:s1+s15], $0x80, s15, s15, $0xb8;
	[tilespmem:$0x1CC00] =	vst v63  }
0x65: {  	_ =	swait.ge [sflag:s17], $0x4000  }
0x66: {  	[sflag:s17] =	ssyncset.done $0x0  }
0x67: {  	s8 =	rddreg [dreg:$0x6];
	[sflag:s17] =	ssyncadd.s32 $0xFFFFC000  }
0x68: {  	[spmem:s3] =	stream.indirect.scatter.add.f32 [tilespmem:s16], [sflag:$0x4], $0x80, s8, s15, $0xb8;
	[tilespmem:$0x1CC00] =	vst v63  }
0x69: {  	_ =	swait.ge [sflag:s18], $0x4000  }
0x6a: {  	[sflag:s18] =	ssyncset.done $0x0  }
0x6b: {  	s9 =	rddreg [dreg:$0x7];
	[sflag:s18] =	ssyncadd.s32 $0xFFFFC000  }
0x6c: {  	[tilespmem:s12], [sflag:$0x1] =	stream.indirect.gather [hbm4b:s1+s15], $0x80, s9, s15, $0xb8;
	[tilespmem:$0x1CC00] =	vst v63  }
0x6d: {  	_ =	swait.ge [sflag:s19], $0x4000  }
0x6e: {  	[sflag:s19] =	ssyncset.done $0x0  }
0x6f: {  	s2 =	rddreg [dreg:$0x8];
	[sflag:s19] =	ssyncadd.s32 $0xFFFFC000  }
0x70: {  	[spmem:s3] =	stream.indirect.scatter.add.f32 [tilespmem:s12], [sflag:$0x3], $0x80, s2, s15, $0xb8;
	[tilespmem:$0x1CC00] =	vst v63  }
0x71: {  	_ =	swait.ge [sflag:s20], $0x4000  }
0x72: {  	[sflag:s20] =	ssyncset.done $0x0  }
0x73: {  	s6 =	rddreg [dreg:$0x9];
	[sflag:s20] =	ssyncadd.s32 $0xFFFFC000  }
0x74: {  	[tilespmem:s16], [sflag:$0x2] =	stream.indirect.gather [hbm4b:s1+s15], $0x80, s6, s15, $0xb8;
	[tilespmem:$0x1CC00] =	vst v63  }
0x75: {  	_ =	swait.ge [sflag:s17], $0x4000  }
0x76: {  	[sflag:s17] =	ssyncset.done $0x0  }
0x77: {  	s7 =	rddreg [dreg:$0xa];
	[sflag:s17] =	ssyncadd.s32 $0xFFFFC000  }
0x78: {  	[spmem:s3] =	stream.indirect.scatter.add.f32 [tilespmem:s16], [sflag:$0x4], $0x80, s7, s15, $0xb8;
	[tilespmem:$0x1CC00] =	vst v63  }
0x79: {  	_ =	swait.ge [sflag:s18], $0x4000  }
0x7a: {  	[sflag:s18] =	ssyncset.done $0x0  }
0x7b: {  	s8 =	rddreg [dreg:$0xb];
	[sflag:s18] =	ssyncadd.s32 $0xFFFFC000  }
0x7c: {  	[tilespmem:s12], [sflag:$0x1] =	stream.indirect.gather [hbm4b:s1+s15], $0x80, s8, s15, $0xb8;
	[tilespmem:$0x1CC00] =	vst v63  }
0x7d: {  	_ =	swait.ge [sflag:s19], $0x4000  }
0x7e: {  	[sflag:s19] =	ssyncset.done $0x0  }
0x7f: {  	s9 =	rddreg [dreg:$0xc];
	[sflag:s19] =	ssyncadd.s32 $0xFFFFC000  }
0x80: {  	[spmem:s3] =	stream.indirect.scatter.add.f32 [tilespmem:s12], [sflag:$0x3], $0x80, s9, s15, $0xb8;
	[tilespmem:$0x1CC00] =	vst v63  }
0x81: {  	_ =	swait.ge [sflag:s20], $0x4000  }
0x82: {  	[sflag:s20] =	ssyncset.done $0x0  }
0x83: {  	s2 =	rddreg [dreg:$0xd];
	[sflag:s20] =	ssyncadd.s32 $0xFFFFC000  }
0x84: {  	[tilespmem:s16], [sflag:$0x2] =	stream.indirect.gather [hbm4b:s1+s15], $0x80, s2, s15, $0xb8;
	[tilespmem:$0x1CC00] =	vst v63  }
0x85: {  	_ =	swait.ge [sflag:s17], $0x4000  }
0x86: {  	[sflag:s17] =	ssyncset.done $0x0  }
0x87: {  	s6 =	rddreg [dreg:$0xe];
	[sflag:s17] =	ssyncadd.s32 $0xFFFFC000  }
0x88: {  	[spmem:s3] =	stream.indirect.scatter.add.f32 [tilespmem:s16], [sflag:$0x4], $0x80, s6, s15, $0xb8;
	[tilespmem:$0x1CC00] =	vst v63  }
0x89: {  	_ =	swait.ge [sflag:s18], $0x4000  }
0x8a: {  	[sflag:s18] =	ssyncset.done $0x0  }
0x8b: {  	s7 =	rddreg [dreg:$0xf];
	[sflag:s18] =	ssyncadd.s32 $0xFFFFC000  }
0x8c: {  	[tilespmem:s12], [sflag:$0x1] =	stream.indirect.gather [hbm4b:s1+s15], $0x80, s7, s15, $0xb8;
	[tilespmem:$0x1CC00] =	vst v63  }
0x8d: {  	_ =	swait.ge [sflag:s19], $0x4000  }
0x8e: {  	[sflag:s19] =	ssyncset.done $0x0  }
0x8f: {  	s8 =	rddreg [dreg:$0x10];
	[sflag:s19] =	ssyncadd.s32 $0xFFFFC000  }
0x90: {  	[spmem:s3] =	stream.indirect.scatter.add.f32 [tilespmem:s12], [sflag:$0x3], $0x80, s8, s15, $0xb8;
	[tilespmem:$0x1CC00] =	vst v63  }
0x91: {  	_ =	swait.ge [sflag:s20], $0x4000  }
0x92: {  	[sflag:s20] =	ssyncset.done $0x0  }
0x93: {  	s9 =	rddreg [dreg:$0x11];
	[sflag:s20] =	ssyncadd.s32 $0xFFFFC000  }
0x94: {  	[tilespmem:s16], [sflag:$0x2] =	stream.indirect.gather [hbm4b:s1+s15], $0x80, s9, s15, $0xb8;
	[tilespmem:$0x1CC00] =	vst v63  }
0x95: {  	_ =	swait.ge [sflag:s17], $0x4000  }
0x96: {  	[sflag:s17] =	ssyncset.done $0x0  }
0x97: {  	s2 =	rddreg [dreg:$0x12];
	[sflag:s17] =	ssyncadd.s32 $0xFFFFC000  }
0x98: {  	[spmem:s3] =	stream.indirect.scatter.add.f32 [tilespmem:s16], [sflag:$0x4], $0x80, s2, s15, $0xb8;
	[tilespmem:$0x1CC00] =	vst v63  }
0x99: {  	_ =	swait.ge [sflag:s18], $0x4000  }
0x9a: {  	[sflag:s18] =	ssyncset.done $0x0  }
0x9b: {  	s6 =	rddreg [dreg:$0x13];
	[sflag:s18] =	ssyncadd.s32 $0xFFFFC000  }
0x9c: {  	[tilespmem:s12], [sflag:$0x1] =	stream.indirect.gather [hbm4b:s1+s15], $0x80, s6, s15, $0xb8;
	[tilespmem:$0x1CC00] =	vst v63  }
0x9d: {  	_ =	swait.ge [sflag:s19], $0x4000  }
0x9e: {  	[sflag:s19] =	ssyncset.done $0x0  }
0x9f: {  	s7 =	rddreg [dreg:$0x14];
	[sflag:s19] =	ssyncadd.s32 $0xFFFFC000  }
0xa0: {  	[spmem:s3] =	stream.indirect.scatter.add.f32 [tilespmem:s12], [sflag:$0x3], $0x80, s7, s15, $0xb8;
	[tilespmem:$0x1CC00] =	vst v63  }
0xa1: {  	_ =	swait.ge [sflag:s20], $0x4000  }
0xa2: {  	[sflag:s20] =	ssyncset.done $0x0  }
0xa3: {  	s8 =	rddreg [dreg:$0x15];
	[sflag:s20] =	ssyncadd.s32 $0xFFFFC000  }
0xa4: {  	[tilespmem:s16], [sflag:$0x2] =	stream.indirect.gather [hbm4b:s1+s15], $0x80, s8, s15, $0xb8;
	[tilespmem:$0x1CC00] =	vst v63  }
0xa5: {  	_ =	swait.ge [sflag:s17], $0x4000  }
0xa6: {  	[sflag:s17] =	ssyncset.done $0x0  }
0xa7: {  	s9 =	rddreg [dreg:$0x16];
	[sflag:s17] =	ssyncadd.s32 $0xFFFFC000  }
0xa8: {  	[spmem:s3] =	stream.indirect.scatter.add.f32 [tilespmem:s16], [sflag:$0x4], $0x80, s9, s15, $0xb8;
	[tilespmem:$0x1CC00] =	vst v63  }
0xa9: {  	_ =	swait.ge [sflag:s18], $0x4000  }
0xaa: {  	[sflag:s18] =	ssyncset.done $0x0  }
0xab: {  	s2 =	rddreg [dreg:$0x17];
	[sflag:s18] =	ssyncadd.s32 $0xFFFFC000  }
0xac: {  	[tilespmem:s12], [sflag:$0x1] =	stream.indirect.gather [hbm4b:s1+s15], $0x80, s2, s15, $0xb8;
	[tilespmem:$0x1CC00] =	vst v63  }
0xad: {  	_ =	swait.ge [sflag:s19], $0x4000  }
0xae: {  	[sflag:s19] =	ssyncset.done $0x0  }
0xaf: {  	s6 =	rddreg [dreg:$0x18];
	[sflag:s19] =	ssyncadd.s32 $0xFFFFC000  }
0xb0: {  	[spmem:s3] =	stream.indirect.scatter.add.f32 [tilespmem:s12], [sflag:$0x3], $0x80, s6, s15, $0xb8;
	[tilespmem:$0x1CC00] =	vst v63  }
0xb1: {  	_ =	swait.ge [sflag:s20], $0x4000  }
0xb2: {  	[sflag:s20] =	ssyncset.done $0x0  }
0xb3: {  	s7 =	rddreg [dreg:$0x19];
	[sflag:s20] =	ssyncadd.s32 $0xFFFFC000  }
0xb4: {  	[tilespmem:s16], [sflag:$0x2] =	stream.indirect.gather [hbm4b:s1+s15], $0x80, s7, s15, $0xb8;
	[tilespmem:$0x1CC00] =	vst v63  }
0xb5: {  	_ =	swait.ge [sflag:s17], $0x4000  }
0xb6: {  	[sflag:s17] =	ssyncset.done $0x0  }
0xb7: {  	s8 =	rddreg [dreg:$0x1a];
	[sflag:s17] =	ssyncadd.s32 $0xFFFFC000  }
0xb8: {  	[spmem:s3] =	stream.indirect.scatter.add.f32 [tilespmem:s16], [sflag:$0x4], $0x80, s8, s15, $0xb8;
	[tilespmem:$0x1CC00] =	vst v63  }
0xb9: {  	_ =	swait.ge [sflag:s18], $0x4000  }
0xba: {  	[sflag:s18] =	ssyncset.done $0x0  }
0xbb: {  	s9 =	rddreg [dreg:$0x1b];
	[sflag:s18] =	ssyncadd.s32 $0xFFFFC000  }
0xbc: {  	[tilespmem:s12], [sflag:$0x1] =	stream.indirect.gather [hbm4b:s1+s15], $0x80, s9, s15, $0xb8;
	[tilespmem:$0x1CC00] =	vst v63  }
0xbd: {  	_ =	swait.ge [sflag:s19], $0x4000  }
0xbe: {  	[sflag:s19] =	ssyncset.done $0x0  }
0xbf: {  	[sflag:s19] =	ssyncadd.s32 $0xFFFFC000  }
0xc0: {  	[spmem:s3] =	stream.indirect.scatter.add.f32 [tilespmem:s12], [sflag:$0x3], $0x80, s21, s15, $0xb8;
	[tilespmem:$0x1CC00] =	vst v63  }
0xc1: {  	_ =	swait.ge [sflag:s20], $0x4000  }
0xc2: {  	[sflag:s20] =	ssyncset.done $0x0  }
0xc3: {  	[sflag:s20] =	ssyncadd.s32 $0xFFFFC000  }
0xc4: {  	[tilespmem:s16], [sflag:$0x2] =	stream.indirect.gather [hbm4b:s1+s15], $0x80, s22, s15, $0xb8;
	[tilespmem:$0x1CC00] =	vst v63  }
0xc5: {  	_ =	swait.ge [sflag:s17], $0x4000  }
0xc6: {  	[sflag:s17] =	ssyncset.done $0x0  }
0xc7: {  	[sflag:s17] =	ssyncadd.s32 $0xFFFFC000  }
0xc8: {  	[spmem:s3] =	stream.indirect.scatter.add.f32 [tilespmem:s16], [sflag:$0x4], $0x80, s23, s15, $0xb8;
	[tilespmem:$0x1CC00] =	vst v63  }
0xc9: {  	_ =	swait.ge [sflag:s18], $0x4000  }
0xca: {  	[sflag:s18] =	ssyncset.done $0x0  }
0xcb: {  	[sflag:s18] =	ssyncadd.s32 $0xFFFFC000  }
0xcc: {  	[tilespmem:s12], [sflag:$0x1] =	stream.indirect.gather [hbm4b:s1+s15], $0x80, s24, s15, $0xb8;
	[tilespmem:$0x1CC00] =	vst v63  }
0xcd: {  	_ =	swait.ge [sflag:s19], $0x4000  }
0xce: {  	[sflag:s19] =	ssyncset.done $0x0  }
0xcf: {  	[sflag:s19] =	ssyncadd.s32 $0xFFFFC000  }
0xd0: {  	[spmem:s3] =	stream.indirect.scatter.add.f32 [tilespmem:s12], [sflag:$0x3], $0x80, s26, s15, $0xb8;
	[tilespmem:$0x1CC00] =	vst v63  }
0xd1: {  	_ =	swait.ge [sflag:s20], $0x4000  }
0xd2: {  	[sflag:s20] =	ssyncset.done $0x0  }
0xd3: {  	[sflag:s20] =	ssyncadd.s32 $0xFFFFC000  }
0xd4: {  	[tilespmem:s16], [sflag:$0x2] =	stream.indirect.gather [hbm4b:s1+s15], $0x80, s28, s15, $0xb8;
	[tilespmem:$0x1CC00] =	vst v63  }
0xd5: {  	s31 =	simm.s32 $0x100;
	_ =	swait.ge [sflag:s17], $0x4000  }
0xd6: {  	s2 =	simm.s32 $0x200;
	s0 =	rddreg [dreg:$0x5];
	[sflag:s17] =	ssyncset.done $0x0  }
.LBB2_4:
0xd7: {  	[sflag:s17] =	ssyncadd.s32 $0xFFFFC000  }
0xd8: {  	[spmem:s3] =	stream.indirect.scatter.add.f32 [tilespmem:s16], [sflag:$0x4], $0x80, s29, s15, $0xb8;
	[tilespmem:$0x1CC00] =	vst v63  }
0xd9: {  	s0 =	sadd.s32 s31, s0  }
0xda: {  	[tilespmem:s4], [sflag:$0x5] =	stream.linear.gather [hbm4b:s0+s4], $0x800, $0x38;
	[tilespmem:$0x1CC00] =	vst v63  }
0xdb: {  	_ =	swait.ge [sflag:s13], $0x800  }
0xdc: {  	s7 =	rddreg [dreg:$0x4];
	[sflag:s13] =	ssyncset.done $0x0  }
0xdd: {  	p2 =	seq.s32 s31, $0x0;
	[sflag:s13] =	ssyncadd.s32 $0xFFFFF800;
	s0 =	sadd.s32 s31, s7  }
0xde: {  	[tilespmem:s14], [sflag:$0x5] =	stream.linear.gather [hbm4b:s0+s4], $0x800, $0x38;
	[tilespmem:$0x1CC00] =	vst v63  }
0xdf: {  	s6 =	smov.u32 s2;
	s8 =	simm.s32 @!p2 $0x3;
	_ =	swait.ge [sflag:s13], $0x800  }
0xe0: {  	s31 =	smov.u32 s6;
	s6 =	simm.s32 @p2 $0x0;
	[sflag:s13] =	ssyncset.done $0x0  }
0xe1: {  	s7 =	simm.s32 @p2 $0x1000;
	s0 =	simm.s32 @p2 $0x80;
	[sflag:s13] =	ssyncadd.s32 $0xFFFFF800  }
0xe2: {  	[tilespmem:s7], [sflag:$0x1] =	stream.indirect.gather @p2 [hbm4b:s1+s0], $0x80, s6, s0, $0xb8;
	[tilespmem:$0x1CC00] =	vst v63  }
0xe3: {  	_ =	swait.ge @!p2 [sflag:s8], $0x4000  }
0xe4: {  	s9 =	simm.s32 @!p2 $0x0;
	s0 =	simm.s32 @!p2 $0x1000;
	[sflag:s8] =	ssyncset.done @!p2 $0x0  }
0xe5: {  	s7 =	simm.s32 @!p2 $0x80;
	[sflag:s8] =	ssyncadd.s32 @!p2 $0xFFFFC000;
	s8 =	simm.s32 @!p2 $0x1  }
0xe6: {  	[tilespmem:s0], [sflag:$0x1] =	stream.indirect.gather @!p2 [hbm4b:s1+s7], $0x80, s9, s7, $0xb8;
	[tilespmem:$0x1CC00] =	vst v63  }
0xe7: {  	_ =	swait.ge @!p2 [sflag:s8], $0x4000  }
0xe8: {  	s6 =	simm.s32 @!p2 $0x4;
	[sflag:s8] =	ssyncset.done @!p2 $0x0  }
0xe9: {  	s6 =	simm.s32 @p2 $0x1;
	[sflag:s8] =	ssyncadd.s32 @!p2 $0xFFFFC000  }
0xea: {  	_ =	swait.ge [sflag:s6], $0x4000  }
0xeb: {  	[sflag:s6] =	ssyncset.done $0x0  }
0xec: {  	[sflag:s6] =	ssyncadd.s32 $0xFFFFC000  }
0xed: {  	[spmem:s3] =	stream.indirect.scatter.add.f32 [tilespmem:s12], [sflag:$0x3], $0x80, s14, s15, $0xb8;
	[tilespmem:$0x1CC00] =	vst v63  }
0xee: {  	_ = 	snop  }
0xef: {  	[tilespmem:s16], [sflag:$0x2] =	stream.indirect.gather [hbm4b:s1+s15], $0x80, s15, s15, $0xb8;
	[tilespmem:$0x1CC00] =	vst v63  }
0xf0: {  	_ =	swait.ge [sflag:s17], $0x4000  }
0xf1: {  	[sflag:s17] =	ssyncset.done $0x0  }
0xf2: {  	s8 =	rddreg [dreg:$0x6];
	[sflag:s17] =	ssyncadd.s32 $0xFFFFC000  }
0xf3: {  	[spmem:s3] =	stream.indirect.scatter.add.f32 [tilespmem:s16], [sflag:$0x4], $0x80, s8, s15, $0xb8;
	[tilespmem:$0x1CC00] =	vst v63  }
0xf4: {  	_ =	swait.ge [sflag:s18], $0x4000  }
0xf5: {  	[sflag:s18] =	ssyncset.done $0x0  }
0xf6: {  	s9 =	rddreg [dreg:$0x7];
	[sflag:s18] =	ssyncadd.s32 $0xFFFFC000  }
0xf7: {  	[tilespmem:s12], [sflag:$0x1] =	stream.indirect.gather [hbm4b:s1+s15], $0x80, s9, s15, $0xb8;
	[tilespmem:$0x1CC00] =	vst v63  }
0xf8: {  	_ =	swait.ge [sflag:s19], $0x4000  }
0xf9: {  	[sflag:s19] =	ssyncset.done $0x0  }
0xfa: {  	s6 =	rddreg [dreg:$0x8];
	[sflag:s19] =	ssyncadd.s32 $0xFFFFC000  }
0xfb: {  	[spmem:s3] =	stream.indirect.scatter.add.f32 [tilespmem:s12], [sflag:$0x3], $0x80, s6, s15, $0xb8;
	[tilespmem:$0x1CC00] =	vst v63  }
0xfc: {  	_ =	swait.ge [sflag:s20], $0x4000  }
0xfd: {  	[sflag:s20] =	ssyncset.done $0x0  }
0xfe: {  	s7 =	rddreg [dreg:$0x9];
	[sflag:s20] =	ssyncadd.s32 $0xFFFFC000  }
0xff: {  	[tilespmem:s16], [sflag:$0x2] =	stream.indirect.gather [hbm4b:s1+s15], $0x80, s7, s15, $0xb8;
	[tilespmem:$0x1CC00] =	vst v63  }
0x100: {  	_ =	swait.ge [sflag:s17], $0x4000  }
0x101: {  	[sflag:s17] =	ssyncset.done $0x0  }
0x102: {  	s8 =	rddreg [dreg:$0xa];
	[sflag:s17] =	ssyncadd.s32 $0xFFFFC000  }
0x103: {  	[spmem:s3] =	stream.indirect.scatter.add.f32 [tilespmem:s16], [sflag:$0x4], $0x80, s8, s15, $0xb8;
	[tilespmem:$0x1CC00] =	vst v63  }
0x104: {  	_ =	swait.ge [sflag:s18], $0x4000  }
0x105: {  	[sflag:s18] =	ssyncset.done $0x0  }
0x106: {  	s9 =	rddreg [dreg:$0xb];
	[sflag:s18] =	ssyncadd.s32 $0xFFFFC000  }
0x107: {  	[tilespmem:s12], [sflag:$0x1] =	stream.indirect.gather [hbm4b:s1+s15], $0x80, s9, s15, $0xb8;
	[tilespmem:$0x1CC00] =	vst v63  }
0x108: {  	_ =	swait.ge [sflag:s19], $0x4000  }
0x109: {  	[sflag:s19] =	ssyncset.done $0x0  }
0x10a: {  	s6 =	rddreg [dreg:$0xc];
	[sflag:s19] =	ssyncadd.s32 $0xFFFFC000  }
0x10b: {  	[spmem:s3] =	stream.indirect.scatter.add.f32 [tilespmem:s12], [sflag:$0x3], $0x80, s6, s15, $0xb8;
	[tilespmem:$0x1CC00] =	vst v63  }
0x10c: {  	_ =	swait.ge [sflag:s20], $0x4000  }
0x10d: {  	[sflag:s20] =	ssyncset.done $0x0  }
0x10e: {  	s7 =	rddreg [dreg:$0xd];
	[sflag:s20] =	ssyncadd.s32 $0xFFFFC000  }
0x10f: {  	[tilespmem:s16], [sflag:$0x2] =	stream.indirect.gather [hbm4b:s1+s15], $0x80, s7, s15, $0xb8;
	[tilespmem:$0x1CC00] =	vst v63  }
0x110: {  	_ =	swait.ge [sflag:s17], $0x4000  }
0x111: {  	[sflag:s17] =	ssyncset.done $0x0  }
0x112: {  	s8 =	rddreg [dreg:$0xe];
	[sflag:s17] =	ssyncadd.s32 $0xFFFFC000  }
0x113: {  	[spmem:s3] =	stream.indirect.scatter.add.f32 [tilespmem:s16], [sflag:$0x4], $0x80, s8, s15, $0xb8;
	[tilespmem:$0x1CC00] =	vst v63  }
0x114: {  	_ =	swait.ge [sflag:s18], $0x4000  }
0x115: {  	[sflag:s18] =	ssyncset.done $0x0  }
0x116: {  	s9 =	rddreg [dreg:$0xf];
	[sflag:s18] =	ssyncadd.s32 $0xFFFFC000  }
0x117: {  	[tilespmem:s12], [sflag:$0x1] =	stream.indirect.gather [hbm4b:s1+s15], $0x80, s9, s15, $0xb8;
	[tilespmem:$0x1CC00] =	vst v63  }
0x118: {  	_ =	swait.ge [sflag:s19], $0x4000  }
0x119: {  	[sflag:s19] =	ssyncset.done $0x0  }
0x11a: {  	s6 =	rddreg [dreg:$0x10];
	[sflag:s19] =	ssyncadd.s32 $0xFFFFC000  }
0x11b: {  	[spmem:s3] =	stream.indirect.scatter.add.f32 [tilespmem:s12], [sflag:$0x3], $0x80, s6, s15, $0xb8;
	[tilespmem:$0x1CC00] =	vst v63  }
0x11c: {  	_ =	swait.ge [sflag:s20], $0x4000  }
0x11d: {  	[sflag:s20] =	ssyncset.done $0x0  }
0x11e: {  	s7 =	rddreg [dreg:$0x11];
	[sflag:s20] =	ssyncadd.s32 $0xFFFFC000  }
0x11f: {  	[tilespmem:s16], [sflag:$0x2] =	stream.indirect.gather [hbm4b:s1+s15], $0x80, s7, s15, $0xb8;
	[tilespmem:$0x1CC00] =	vst v63  }
0x120: {  	_ =	swait.ge [sflag:s17], $0x4000  }
0x121: {  	[sflag:s17] =	ssyncset.done $0x0  }
0x122: {  	s8 =	rddreg [dreg:$0x12];
	[sflag:s17] =	ssyncadd.s32 $0xFFFFC000  }
0x123: {  	[spmem:s3] =	stream.indirect.scatter.add.f32 [tilespmem:s16], [sflag:$0x4], $0x80, s8, s15, $0xb8;
	[tilespmem:$0x1CC00] =	vst v63  }
0x124: {  	_ =	swait.ge [sflag:s18], $0x4000  }
0x125: {  	[sflag:s18] =	ssyncset.done $0x0  }
0x126: {  	s9 =	rddreg [dreg:$0x13];
	[sflag:s18] =	ssyncadd.s32 $0xFFFFC000  }
0x127: {  	[tilespmem:s12], [sflag:$0x1] =	stream.indirect.gather [hbm4b:s1+s15], $0x80, s9, s15, $0xb8;
	[tilespmem:$0x1CC00] =	vst v63  }
0x128: {  	_ =	swait.ge [sflag:s19], $0x4000  }
0x129: {  	[sflag:s19] =	ssyncset.done $0x0  }
0x12a: {  	s6 =	rddreg [dreg:$0x14];
	[sflag:s19] =	ssyncadd.s32 $0xFFFFC000  }
0x12b: {  	[spmem:s3] =	stream.indirect.scatter.add.f32 [tilespmem:s12], [sflag:$0x3], $0x80, s6, s15, $0xb8;
	[tilespmem:$0x1CC00] =	vst v63  }
0x12c: {  	_ =	swait.ge [sflag:s20], $0x4000  }
0x12d: {  	[sflag:s20] =	ssyncset.done $0x0  }
0x12e: {  	s7 =	rddreg [dreg:$0x15];
	[sflag:s20] =	ssyncadd.s32 $0xFFFFC000  }
0x12f: {  	[tilespmem:s16], [sflag:$0x2] =	stream.indirect.gather [hbm4b:s1+s15], $0x80, s7, s15, $0xb8;
	[tilespmem:$0x1CC00] =	vst v63  }
0x130: {  	_ =	swait.ge [sflag:s17], $0x4000  }
0x131: {  	[sflag:s17] =	ssyncset.done $0x0  }
0x132: {  	s8 =	rddreg [dreg:$0x16];
	[sflag:s17] =	ssyncadd.s32 $0xFFFFC000  }
0x133: {  	[spmem:s3] =	stream.indirect.scatter.add.f32 [tilespmem:s16], [sflag:$0x4], $0x80, s8, s15, $0xb8;
	[tilespmem:$0x1CC00] =	vst v63  }
0x134: {  	_ =	swait.ge [sflag:s18], $0x4000  }
0x135: {  	[sflag:s18] =	ssyncset.done $0x0  }
0x136: {  	s9 =	rddreg [dreg:$0x17];
	[sflag:s18] =	ssyncadd.s32 $0xFFFFC000  }
0x137: {  	[tilespmem:s12], [sflag:$0x1] =	stream.indirect.gather [hbm4b:s1+s15], $0x80, s9, s15, $0xb8;
	[tilespmem:$0x1CC00] =	vst v63  }
0x138: {  	_ =	swait.ge [sflag:s19], $0x4000  }
0x139: {  	[sflag:s19] =	ssyncset.done $0x0  }
0x13a: {  	s6 =	rddreg [dreg:$0x18];
	[sflag:s19] =	ssyncadd.s32 $0xFFFFC000  }
0x13b: {  	[spmem:s3] =	stream.indirect.scatter.add.f32 [tilespmem:s12], [sflag:$0x3], $0x80, s6, s15, $0xb8;
	[tilespmem:$0x1CC00] =	vst v63  }
0x13c: {  	_ =	swait.ge [sflag:s20], $0x4000  }
0x13d: {  	[sflag:s20] =	ssyncset.done $0x0  }
0x13e: {  	s7 =	rddreg [dreg:$0x19];
	[sflag:s20] =	ssyncadd.s32 $0xFFFFC000  }
0x13f: {  	[tilespmem:s16], [sflag:$0x2] =	stream.indirect.gather [hbm4b:s1+s15], $0x80, s7, s15, $0xb8;
	[tilespmem:$0x1CC00] =	vst v63  }
0x140: {  	_ =	swait.ge [sflag:s17], $0x4000  }
0x141: {  	[sflag:s17] =	ssyncset.done $0x0  }
0x142: {  	s8 =	rddreg [dreg:$0x1a];
	[sflag:s17] =	ssyncadd.s32 $0xFFFFC000  }
0x143: {  	[spmem:s3] =	stream.indirect.scatter.add.f32 [tilespmem:s16], [sflag:$0x4], $0x80, s8, s15, $0xb8;
	[tilespmem:$0x1CC00] =	vst v63  }
0x144: {  	_ =	swait.ge [sflag:s18], $0x4000  }
0x145: {  	[sflag:s18] =	ssyncset.done $0x0  }
0x146: {  	s9 =	rddreg [dreg:$0x1b];
	[sflag:s18] =	ssyncadd.s32 $0xFFFFC000  }
0x147: {  	[tilespmem:s12], [sflag:$0x1] =	stream.indirect.gather [hbm4b:s1+s15], $0x80, s9, s15, $0xb8;
	[tilespmem:$0x1CC00] =	vst v63  }
0x148: {  	_ =	swait.ge [sflag:s19], $0x4000  }
0x149: {  	[sflag:s19] =	ssyncset.done $0x0  }
0x14a: {  	[sflag:s19] =	ssyncadd.s32 $0xFFFFC000  }
0x14b: {  	[spmem:s3] =	stream.indirect.scatter.add.f32 [tilespmem:s12], [sflag:$0x3], $0x80, s21, s15, $0xb8;
	[tilespmem:$0x1CC00] =	vst v63  }
0x14c: {  	_ =	swait.ge [sflag:s20], $0x4000  }
0x14d: {  	[sflag:s20] =	ssyncset.done $0x0  }
0x14e: {  	[sflag:s20] =	ssyncadd.s32 $0xFFFFC000  }
0x14f: {  	[tilespmem:s16], [sflag:$0x2] =	stream.indirect.gather [hbm4b:s1+s15], $0x80, s22, s15, $0xb8;
	[tilespmem:$0x1CC00] =	vst v63  }
0x150: {  	_ =	swait.ge [sflag:s17], $0x4000  }
0x151: {  	[sflag:s17] =	ssyncset.done $0x0  }
0x152: {  	[sflag:s17] =	ssyncadd.s32 $0xFFFFC000  }
0x153: {  	[spmem:s3] =	stream.indirect.scatter.add.f32 [tilespmem:s16], [sflag:$0x4], $0x80, s23, s15, $0xb8;
	[tilespmem:$0x1CC00] =	vst v63  }
0x154: {  	_ =	swait.ge [sflag:s18], $0x4000  }
0x155: {  	[sflag:s18] =	ssyncset.done $0x0  }
0x156: {  	[sflag:s18] =	ssyncadd.s32 $0xFFFFC000  }
0x157: {  	[tilespmem:s12], [sflag:$0x1] =	stream.indirect.gather [hbm4b:s1+s15], $0x80, s24, s15, $0xb8;
	[tilespmem:$0x1CC00] =	vst v63  }
0x158: {  	_ =	swait.ge [sflag:s19], $0x4000  }
0x159: {  	[sflag:s19] =	ssyncset.done $0x0  }
0x15a: {  	s2 =	sadd.s32 $0x100, s2;
	[sflag:s19] =	ssyncadd.s32 $0xFFFFC000  }
0x15b: {  	[spmem:s3] =	stream.indirect.scatter.add.f32 [tilespmem:s12], [sflag:$0x3], $0x80, s26, s15, $0xb8;
	[tilespmem:$0x1CC00] =	vst v63  }
0x15c: {  	p1 =	sne.s32 s2, $0x500;
	_ =	swait.ge [sflag:s20], $0x4000  }
.Ltmp1:
0x15d: {  	[sflag:s20] =	ssyncset.done $0x0;
	(pc) =	sbr.rel @p1 .LBB2_4-.Ltmp1, $4  }
0x15e: {  	[sflag:s20] =	ssyncadd.s32 $0xFFFFC000  }
0x15f: {  	[tilespmem:s16], [sflag:$0x2] =	stream.indirect.gather [hbm4b:s1+s15], $0x80, s28, s15, $0xb8;
	[tilespmem:$0x1CC00] =	vst v63  }
0x160: {  	_ =	swait.ge [sflag:s17], $0x4000  }
0x161: {  	s0 =	rddreg [dreg:$0x5];
	[sflag:s17] =	ssyncset.done $0x0  }
0x162: {  	[sflag:s17] =	ssyncadd.s32 $0xFFFFC000  }
0x163: {  	[spmem:s3] =	stream.indirect.scatter.add.f32 [tilespmem:s16], [sflag:$0x4], $0x80, s29, s15, $0xb8;
	[tilespmem:$0x1CC00] =	vst v63  }
0x164: {  	s0 =	sadd.s32 s31, s0  }
0x165: {  	[tilespmem:s4], [sflag:$0x5] =	stream.linear.gather [hbm4b:s0+s4], $0x800, $0x38;
	[tilespmem:$0x1CC00] =	vst v63  }
0x166: {  	_ =	swait.ge [sflag:s13], $0x800  }
0x167: {  	s6 =	rddreg [dreg:$0x4];
	[sflag:s13] =	ssyncset.done $0x0  }
0x168: {  	[sflag:s13] =	ssyncadd.s32 $0xFFFFF800;
	s0 =	sadd.s32 s31, s6  }
0x169: {  	[tilespmem:s14], [sflag:$0x5] =	stream.linear.gather [hbm4b:s0+s4], $0x800, $0x38;
	[tilespmem:$0x1CC00] =	vst v63  }
0x16a: {  	p1 =	seq.s32 s31, $0x0;
	_ =	swait.ge [sflag:s13], $0x800  }
0x16b: {  	s2 =	simm.s32 @p1 $0x0;
	[sflag:s13] =	ssyncset.done $0x0  }
0x16c: {  	s6 =	simm.s32 @p1 $0x1000;
	s0 =	simm.s32 @p1 $0x80;
	[sflag:s13] =	ssyncadd.s32 $0xFFFFF800  }
0x16d: {  	[tilespmem:s6], [sflag:$0x1] =	stream.indirect.gather @p1 [hbm4b:s1+s0], $0x80, s2, s0, $0xb8;
	[tilespmem:$0x1CC00] =	vst v63  }
0x16e: {  	s0 =	simm.s32 @!p1 $0x3  }
0x16f: {  	_ =	swait.ge @!p1 [sflag:s0], $0x4000  }
0x170: {  	s2 =	simm.s32 @!p1 $0x1000;
	[sflag:s0] =	ssyncset.done @!p1 $0x0  }
0x171: {  	s6 =	simm.s32 @!p1 $0x80;
	[sflag:s0] =	ssyncadd.s32 @!p1 $0xFFFFC000;
	s0 =	simm.s32 @!p1 $0x0  }
0x172: {  	[tilespmem:s2], [sflag:$0x1] =	stream.indirect.gather @!p1 [hbm4b:s1+s6], $0x80, s0, s6, $0xb8;
	[tilespmem:$0x1CC00] =	vst v63  }
0x173: {  	s0 =	simm.s32 @!p1 $0x1  }
0x174: {  	_ =	swait.ge @!p1 [sflag:s0], $0x4000  }
0x175: {  	s2 =	simm.s32 @!p1 $0x4;
	[sflag:s0] =	ssyncset.done @!p1 $0x0  }
0x176: {  	s2 =	simm.s32 @p1 $0x1;
	[sflag:s0] =	ssyncadd.s32 @!p1 $0xFFFFC000  }
0x177: {  	_ =	swait.ge [sflag:s2], $0x4000  }
0x178: {  	[sflag:s2] =	ssyncset.done $0x0  }
0x179: {  	[sflag:s2] =	ssyncadd.s32 $0xFFFFC000  }
0x17a: {  	[spmem:s3] =	stream.indirect.scatter.add.f32 [tilespmem:s12], [sflag:$0x3], $0x80, s14, s15, $0xb8;
	[tilespmem:$0x1CC00] =	vst v63  }
0x17b: {  	_ = 	snop  }
0x17c: {  	[tilespmem:s16], [sflag:$0x2] =	stream.indirect.gather [hbm4b:s1+s15], $0x80, s15, s15, $0xb8;
	[tilespmem:$0x1CC00] =	vst v63  }
0x17d: {  	_ =	swait.ge [sflag:s17], $0x4000  }
0x17e: {  	[sflag:s17] =	ssyncset.done $0x0  }
0x17f: {  	s7 =	rddreg [dreg:$0x6];
	[sflag:s17] =	ssyncadd.s32 $0xFFFFC000  }
0x180: {  	[spmem:s3] =	stream.indirect.scatter.add.f32 [tilespmem:s16], [sflag:$0x4], $0x80, s7, s15, $0xb8;
	[tilespmem:$0x1CC00] =	vst v63  }
0x181: {  	_ =	swait.ge [sflag:s18], $0x4000  }
0x182: {  	[sflag:s18] =	ssyncset.done $0x0  }
0x183: {  	s8 =	rddreg [dreg:$0x7];
	[sflag:s18] =	ssyncadd.s32 $0xFFFFC000  }
0x184: {  	[tilespmem:s12], [sflag:$0x1] =	stream.indirect.gather [hbm4b:s1+s15], $0x80, s8, s15, $0xb8;
	[tilespmem:$0x1CC00] =	vst v63  }
0x185: {  	_ =	swait.ge [sflag:s19], $0x4000  }
0x186: {  	[sflag:s19] =	ssyncset.done $0x0  }
0x187: {  	s9 =	rddreg [dreg:$0x8];
	[sflag:s19] =	ssyncadd.s32 $0xFFFFC000  }
0x188: {  	[spmem:s3] =	stream.indirect.scatter.add.f32 [tilespmem:s12], [sflag:$0x3], $0x80, s9, s15, $0xb8;
	[tilespmem:$0x1CC00] =	vst v63  }
0x189: {  	_ =	swait.ge [sflag:s20], $0x4000  }
0x18a: {  	[sflag:s20] =	ssyncset.done $0x0  }
0x18b: {  	s31 =	rddreg [dreg:$0x9];
	[sflag:s20] =	ssyncadd.s32 $0xFFFFC000  }
0x18c: {  	[tilespmem:s16], [sflag:$0x2] =	stream.indirect.gather [hbm4b:s1+s15], $0x80, s31, s15, $0xb8;
	[tilespmem:$0x1CC00] =	vst v63  }
0x18d: {  	_ =	swait.ge [sflag:s17], $0x4000  }
0x18e: {  	[sflag:s17] =	ssyncset.done $0x0  }
0x18f: {  	s2 =	rddreg [dreg:$0xa];
	[sflag:s17] =	ssyncadd.s32 $0xFFFFC000  }
0x190: {  	[spmem:s3] =	stream.indirect.scatter.add.f32 [tilespmem:s16], [sflag:$0x4], $0x80, s2, s15, $0xb8;
	[tilespmem:$0x1CC00] =	vst v63  }
0x191: {  	_ =	swait.ge [sflag:s18], $0x4000  }
0x192: {  	[sflag:s18] =	ssyncset.done $0x0  }
0x193: {  	s6 =	rddreg [dreg:$0xb];
	[sflag:s18] =	ssyncadd.s32 $0xFFFFC000  }
0x194: {  	[tilespmem:s12], [sflag:$0x1] =	stream.indirect.gather [hbm4b:s1+s15], $0x80, s6, s15, $0xb8;
	[tilespmem:$0x1CC00] =	vst v63  }
0x195: {  	_ =	swait.ge [sflag:s19], $0x4000  }
0x196: {  	[sflag:s19] =	ssyncset.done $0x0  }
0x197: {  	s7 =	rddreg [dreg:$0xc];
	[sflag:s19] =	ssyncadd.s32 $0xFFFFC000  }
0x198: {  	[spmem:s3] =	stream.indirect.scatter.add.f32 [tilespmem:s12], [sflag:$0x3], $0x80, s7, s15, $0xb8;
	[tilespmem:$0x1CC00] =	vst v63  }
0x199: {  	_ =	swait.ge [sflag:s20], $0x4000  }
0x19a: {  	[sflag:s20] =	ssyncset.done $0x0  }
0x19b: {  	s8 =	rddreg [dreg:$0xd];
	[sflag:s20] =	ssyncadd.s32 $0xFFFFC000  }
0x19c: {  	[tilespmem:s16], [sflag:$0x2] =	stream.indirect.gather [hbm4b:s1+s15], $0x80, s8, s15, $0xb8;
	[tilespmem:$0x1CC00] =	vst v63  }
0x19d: {  	_ =	swait.ge [sflag:s17], $0x4000  }
0x19e: {  	[sflag:s17] =	ssyncset.done $0x0  }
0x19f: {  	s9 =	rddreg [dreg:$0xe];
	[sflag:s17] =	ssyncadd.s32 $0xFFFFC000  }
0x1a0: {  	[spmem:s3] =	stream.indirect.scatter.add.f32 [tilespmem:s16], [sflag:$0x4], $0x80, s9, s15, $0xb8;
	[tilespmem:$0x1CC00] =	vst v63  }
0x1a1: {  	_ =	swait.ge [sflag:s18], $0x4000  }
0x1a2: {  	[sflag:s18] =	ssyncset.done $0x0  }
0x1a3: {  	s31 =	rddreg [dreg:$0xf];
	[sflag:s18] =	ssyncadd.s32 $0xFFFFC000  }
0x1a4: {  	[tilespmem:s12], [sflag:$0x1] =	stream.indirect.gather [hbm4b:s1+s15], $0x80, s31, s15, $0xb8;
	[tilespmem:$0x1CC00] =	vst v63  }
0x1a5: {  	_ =	swait.ge [sflag:s19], $0x4000  }
0x1a6: {  	[sflag:s19] =	ssyncset.done $0x0  }
0x1a7: {  	s2 =	rddreg [dreg:$0x10];
	[sflag:s19] =	ssyncadd.s32 $0xFFFFC000  }
0x1a8: {  	[spmem:s3] =	stream.indirect.scatter.add.f32 [tilespmem:s12], [sflag:$0x3], $0x80, s2, s15, $0xb8;
	[tilespmem:$0x1CC00] =	vst v63  }
0x1a9: {  	_ =	swait.ge [sflag:s20], $0x4000  }
0x1aa: {  	[sflag:s20] =	ssyncset.done $0x0  }
0x1ab: {  	s6 =	rddreg [dreg:$0x11];
	[sflag:s20] =	ssyncadd.s32 $0xFFFFC000  }
0x1ac: {  	[tilespmem:s16], [sflag:$0x2] =	stream.indirect.gather [hbm4b:s1+s15], $0x80, s6, s15, $0xb8;
	[tilespmem:$0x1CC00] =	vst v63  }
0x1ad: {  	_ =	swait.ge [sflag:s17], $0x4000  }
0x1ae: {  	[sflag:s17] =	ssyncset.done $0x0  }
0x1af: {  	s7 =	rddreg [dreg:$0x12];
	[sflag:s17] =	ssyncadd.s32 $0xFFFFC000  }
0x1b0: {  	[spmem:s3] =	stream.indirect.scatter.add.f32 [tilespmem:s16], [sflag:$0x4], $0x80, s7, s15, $0xb8;
	[tilespmem:$0x1CC00] =	vst v63  }
0x1b1: {  	_ =	swait.ge [sflag:s18], $0x4000  }
0x1b2: {  	[sflag:s18] =	ssyncset.done $0x0  }
0x1b3: {  	s8 =	rddreg [dreg:$0x13];
	[sflag:s18] =	ssyncadd.s32 $0xFFFFC000  }
0x1b4: {  	[tilespmem:s12], [sflag:$0x1] =	stream.indirect.gather [hbm4b:s1+s15], $0x80, s8, s15, $0xb8;
	[tilespmem:$0x1CC00] =	vst v63  }
0x1b5: {  	_ =	swait.ge [sflag:s19], $0x4000  }
0x1b6: {  	[sflag:s19] =	ssyncset.done $0x0  }
0x1b7: {  	s9 =	rddreg [dreg:$0x14];
	[sflag:s19] =	ssyncadd.s32 $0xFFFFC000  }
0x1b8: {  	[spmem:s3] =	stream.indirect.scatter.add.f32 [tilespmem:s12], [sflag:$0x3], $0x80, s9, s15, $0xb8;
	[tilespmem:$0x1CC00] =	vst v63  }
0x1b9: {  	_ =	swait.ge [sflag:s20], $0x4000  }
0x1ba: {  	[sflag:s20] =	ssyncset.done $0x0  }
0x1bb: {  	s31 =	rddreg [dreg:$0x15];
	[sflag:s20] =	ssyncadd.s32 $0xFFFFC000  }
0x1bc: {  	[tilespmem:s16], [sflag:$0x2] =	stream.indirect.gather [hbm4b:s1+s15], $0x80, s31, s15, $0xb8;
	[tilespmem:$0x1CC00] =	vst v63  }
0x1bd: {  	_ =	swait.ge [sflag:s17], $0x4000  }
0x1be: {  	[sflag:s17] =	ssyncset.done $0x0  }
0x1bf: {  	s2 =	rddreg [dreg:$0x16];
	[sflag:s17] =	ssyncadd.s32 $0xFFFFC000  }
0x1c0: {  	[spmem:s3] =	stream.indirect.scatter.add.f32 [tilespmem:s16], [sflag:$0x4], $0x80, s2, s15, $0xb8;
	[tilespmem:$0x1CC00] =	vst v63  }
0x1c1: {  	_ =	swait.ge [sflag:s18], $0x4000  }
0x1c2: {  	[sflag:s18] =	ssyncset.done $0x0  }
0x1c3: {  	s6 =	rddreg [dreg:$0x17];
	[sflag:s18] =	ssyncadd.s32 $0xFFFFC000  }
0x1c4: {  	[tilespmem:s12], [sflag:$0x1] =	stream.indirect.gather [hbm4b:s1+s15], $0x80, s6, s15, $0xb8;
	[tilespmem:$0x1CC00] =	vst v63  }
0x1c5: {  	_ =	swait.ge [sflag:s19], $0x4000  }
0x1c6: {  	[sflag:s19] =	ssyncset.done $0x0  }
0x1c7: {  	s7 =	rddreg [dreg:$0x18];
	[sflag:s19] =	ssyncadd.s32 $0xFFFFC000  }
0x1c8: {  	[spmem:s3] =	stream.indirect.scatter.add.f32 [tilespmem:s12], [sflag:$0x3], $0x80, s7, s15, $0xb8;
	[tilespmem:$0x1CC00] =	vst v63  }
0x1c9: {  	_ =	swait.ge [sflag:s20], $0x4000  }
0x1ca: {  	[sflag:s20] =	ssyncset.done $0x0  }
0x1cb: {  	s8 =	rddreg [dreg:$0x19];
	[sflag:s20] =	ssyncadd.s32 $0xFFFFC000  }
0x1cc: {  	[tilespmem:s16], [sflag:$0x2] =	stream.indirect.gather [hbm4b:s1+s15], $0x80, s8, s15, $0xb8;
	[tilespmem:$0x1CC00] =	vst v63  }
0x1cd: {  	_ =	swait.ge [sflag:s17], $0x4000  }
0x1ce: {  	[sflag:s17] =	ssyncset.done $0x0  }
0x1cf: {  	s9 =	rddreg [dreg:$0x1a];
	[sflag:s17] =	ssyncadd.s32 $0xFFFFC000  }
0x1d0: {  	[spmem:s3] =	stream.indirect.scatter.add.f32 [tilespmem:s16], [sflag:$0x4], $0x80, s9, s15, $0xb8;
	[tilespmem:$0x1CC00] =	vst v63  }
0x1d1: {  	_ =	swait.ge [sflag:s18], $0x4000  }
0x1d2: {  	[sflag:s18] =	ssyncset.done $0x0  }
0x1d3: {  	s31 =	rddreg [dreg:$0x1b];
	[sflag:s18] =	ssyncadd.s32 $0xFFFFC000  }
0x1d4: {  	[tilespmem:s12], [sflag:$0x1] =	stream.indirect.gather [hbm4b:s1+s15], $0x80, s31, s15, $0xb8;
	[tilespmem:$0x1CC00] =	vst v63  }
0x1d5: {  	_ =	swait.ge [sflag:s19], $0x4000  }
0x1d6: {  	[sflag:s19] =	ssyncset.done $0x0  }
0x1d7: {  	[sflag:s19] =	ssyncadd.s32 $0xFFFFC000  }
0x1d8: {  	[spmem:s3] =	stream.indirect.scatter.add.f32 [tilespmem:s12], [sflag:$0x3], $0x80, s21, s15, $0xb8;
	[tilespmem:$0x1CC00] =	vst v63  }
0x1d9: {  	_ =	swait.ge [sflag:s20], $0x4000  }
0x1da: {  	[sflag:s20] =	ssyncset.done $0x0  }
0x1db: {  	[sflag:s20] =	ssyncadd.s32 $0xFFFFC000  }
0x1dc: {  	[tilespmem:s16], [sflag:$0x2] =	stream.indirect.gather [hbm4b:s1+s15], $0x80, s22, s15, $0xb8;
	[tilespmem:$0x1CC00] =	vst v63  }
0x1dd: {  	_ =	swait.ge [sflag:s17], $0x4000  }
0x1de: {  	[sflag:s17] =	ssyncset.done $0x0  }
0x1df: {  	[sflag:s17] =	ssyncadd.s32 $0xFFFFC000  }
0x1e0: {  	[spmem:s3] =	stream.indirect.scatter.add.f32 [tilespmem:s16], [sflag:$0x4], $0x80, s23, s15, $0xb8;
	[tilespmem:$0x1CC00] =	vst v63  }
0x1e1: {  	_ =	swait.ge [sflag:s18], $0x4000  }
0x1e2: {  	[sflag:s18] =	ssyncset.done $0x0  }
0x1e3: {  	[sflag:s18] =	ssyncadd.s32 $0xFFFFC000  }
0x1e4: {  	[tilespmem:s12], [sflag:$0x1] =	stream.indirect.gather [hbm4b:s1+s15], $0x80, s24, s15, $0xb8;
	[tilespmem:$0x1CC00] =	vst v63  }
0x1e5: {  	_ =	swait.ge [sflag:s19], $0x4000  }
0x1e6: {  	[sflag:s19] =	ssyncset.done $0x0  }
0x1e7: {  	[sflag:s19] =	ssyncadd.s32 $0xFFFFC000  }
0x1e8: {  	[spmem:s3] =	stream.indirect.scatter.add.f32 [tilespmem:s12], [sflag:$0x3], $0x80, s26, s15, $0xb8;
	[tilespmem:$0x1CC00] =	vst v63  }
0x1e9: {  	_ =	swait.ge [sflag:s20], $0x4000  }
0x1ea: {  	[sflag:s20] =	ssyncset.done $0x0  }
0x1eb: {  	[sflag:s20] =	ssyncadd.s32 $0xFFFFC000  }
0x1ec: {  	[tilespmem:s16], [sflag:$0x2] =	stream.indirect.gather [hbm4b:s1+s15], $0x80, s28, s15, $0xb8;
	[tilespmem:$0x1CC00] =	vst v63  }
0x1ed: {  	_ =	swait.ge [sflag:s17], $0x4000  }
0x1ee: {  	[sflag:s17] =	ssyncset.done $0x0  }
0x1ef: {  	[sflag:s17] =	ssyncadd.s32 $0xFFFFC000  }
0x1f0: {  	[spmem:s3] =	stream.indirect.scatter.add.f32 [tilespmem:s16], [sflag:$0x4], $0x80, s29, s15, $0xb8;
	[tilespmem:$0x1CC00] =	vst v63  }
0x1f1: {  	_ =	swait.ge [sflag:s18], $0x4000  }
0x1f2: {  	[sflag:s18] =	ssyncset.done $0x0  }
0x1f3: {  	[sflag:s18] =	ssyncadd.s32 $0xFFFFC000  }
0x1f4: {  	_ =	swait.ge [sflag:s20], $0x4000  }
0x1f5: {  	s0 =	stileid.u32;
	[sflag:s20] =	ssyncset.done $0x0  }
0x1f6: {  	s30 =	sadd.s32 $0x1, s30;
	s0 =	sshll.u32 @!p0 s0, $0x6;
	[sflag:s20] =	ssyncadd.s32 $0xFFFFC000  }
0x1f7: {  	p1 =	sne.s32 s30, s11;
	s0 =	sor.u32 @!p0 $0x1C05, s0;
	[bflag:$0x0] =	sbarrier.arrive $0xFFFF  }
0x1f8: {  	[hbm:s10], [sflag:s0] =	dma.local @!p0 [spmem:s25], $0x3E80  }
.Ltmp2:
0x1f9: {  	_ = 	snop;
	(pc) =	sbr.rel @p1 .LBB2_1-.Ltmp2, $4  }
0x1fa: {  	s0 =	simm.s32 @!p0 $0x5  }
0x1fb: {  	_ =	swait.ge @!p0 [sflag:s0], $0x3E80  }
0x1fc: {  	[sflag:s0] =	ssyncset.done @!p0 $0x0  }
0x1fd: {  	[sflag:s0] =	ssyncadd.s32 @!p0 $0xFFFFC180  }
0x1fe: {  	_ =	sfence.sel $0x180000  }
0x1ff: {  	[bflag:$0x0] =	sbarrier.arrive $0xFFFF  }
0x200: {  	_ =	strace $0x9000004D  }
0x201: {  	s0 =	stileid.u32;
	[bflag:$0x2] =	sbarrier.arrive $0xFFFF  }
0x202: {  	p0 =	sne.s32 s0, $0x0;
	s0 =	rddreg [dreg:$0x3]  }
0x203: {  	s0 =	sadd.s32 @!p0 $0x100000, s0  }
0x204: {  	[sflag:s0] =	ssyncadd.tile.s32 @!p0 $0x1;
	_ =	shalt  }
.Lfunc_end2:
_tile_overlayer_lowered:
.L_overlay_start_2:
0x205: {  	(tag) =	ssettag $0x2  }
0x206: {  	s0 =	rddreg [dreg:$0x0];
	s2 =	stileid.u32  }
0x207: {  	s1 =	rddreg [dreg:$0x1];
	p0 =	sne.s32 s2, $0x0  }
0x208: {  	s3 =	rddreg [dreg:$0x2];
	[bflag:$0x3] =	sbarrier.arrive $0xFFFF;
	s2 =	simm.s32 @!p0 $0x1C05  }
0x209: {  	[timem:s3], [sflag:s2] =	dma.local @!p0 [hbm:s0], s1  }
0x20a: {  	s0 =	simm.s32 @!p0 $0x5  }
0x20b: {  	_ =	swait.ge @!p0 [sflag:s0], s1  }
0x20c: {  	s1 =	ssub.s32 @!p0 $0x0, s1;
	[sflag:s0] =	ssyncset.done @!p0 $0x0  }
0x20d: {  	[sflag:s0] =	ssyncadd.s32 @!p0 s1  }
0x20e: {  	[bflag:$0x3] =	sbarrier.arrive $0xFFFF  }
0x20f: {  	_ =	shalt  }

// kernel: kernel.8.cloned.1.call-start
scs
__scs_entry_jumppad:
0x0: {  	(pc) =	sbr.rel $0x88, $3  }
0x1: {  	(tag) =	ssettag $0x0;
	lr =	simm.s32 $0x1  }
0x2: {  	[smem:$0x3F9B] =	sst lr;
	_ =	strace $0xD0000000  }
0x3: {  	_ = 	snop  }
0x4: {  	_ = 	snop  }
0x5: {  	_ = 	snop  }
0x6: {  	_ = 	snop  }
0x7: {  	_ = 	snop  }
__scs_overlays_trampoline_lowered:
0x8: {  	[smem:$0x3FAA] =	sst s0  }
0x9: {  	[smem:$0x3FAB] =	sst s1  }
0xa: {  	[smem:$0x3FAC] =	sst s2  }
0xb: {  	[smem:$0x3FAD] =	sst s3  }
0xc: {  	[smem:$0x3FAE] =	sst s4  }
0xd: {  	[smem:$0x3FAF] =	sst s5  }
0xe: {  	[smem:$0x3FB0] =	sst s6  }
0xf: {  	[smem:$0x3FB1] =	sst s7  }
0x10: {  	[smem:$0x3FB2] =	sst s8  }
0x11: {  	[smem:$0x3FB3] =	sst s9;
	s0 =	simm.s32 @!p0 $0x0  }
0x12: {  	s1 =	sld [smem:$0x3F99];
	s0 =	simm.s32 @p0 $0x1  }
0x13: {  	[smem:$0x3FB4] =	sst s0;
	s0 =	simm.s32 @!p1 $0x0  }
0x14: {  	s2 =	sld [smem:$0x3F98];
	s0 =	simm.s32 @p1 $0x1  }
0x15: {  	[smem:$0x3FB5] =	sst s0;
	s0 =	simm.s32 @!p2 $0x0  }
0x16: {  	s3 =	sld [smem:$0x3FDB];
	s0 =	simm.s32 @p2 $0x1  }
0x17: {  	s4 =	simm.s32 $0x1BF5;
	[smem:$0x3FB7] =	sst s0  }
0x18: {  	s0 =	sld [smem:$0x3F9A];
	_ =	swait.ge [sflag:s4], $0x0  }
0x19: {  	s7 =	sld [smem:$0x3F9B]  }
0x1a: {  	s8 =	sadd.s32 $0xFFFFE003, lr  }
0x1b: {  	s9 =	sadd.s32 $0xFFFFFEF7, lr;
	s5 =	simm.s32 $0xFFFFFFFF;
	p2 =	slt.u32 s8, $0xFFFFF086  }
0x1c: {  	p1 =	slt.u32 s9, $0xF7A;
	s5 =	simm.s32 @!p2 $0x0  }
0x1d: {  	s5 =	simm.s32 @p1 $0x1;
	p0 =	seq.s32 s7, s2  }
0x1e: {  	s7 =	smul.u32 @!p0 $0xF7A, s2;
	p2 =	seq.s32 @!p0 s5, $0x0  }
0x1f: {  	s9 =	smul.u32 $0xF7A, s1;
	s8 =	simm.s32 @!p0 $0x1BF5;
	p2 =	por !p2, p0  }
0x20: {  	[sflag:s8] =	ssyncset.s32 @!p0 $0xFFFFF086;
	s6 =	sadd.s32 @!p0 s3, s7;
	s7 =	simm.s32 @!p0 $0x108  }
0x21: {  	s3 =	sadd.s32 s3, s9;
	s6 =	sadd.s32 @!p0 $0x88, s6;
	s7 =	simm.s32 @p2 $0x1082  }
0x22: {  	[simem:s7], [sflag:s8] =	dma.local @!p0 [hbm:s6], $0xF7A  }
0x23: {  	s9 =	sor.u32 $0xD0000000, s2;
	s6 =	simm.s32 $0x108;
	_ =	swait.ge @!p0 [sflag:s8], $0x0  }
0x24: {  	s3 =	sadd.s32 $0x88, s3;
	s6 =	simm.s32 @!p1 $0x1082;
	[sflag:s4] =	ssyncset.s32 $0xFFFFF086  }
0x25: {  	[simem:s6], [sflag:s4] =	dma.local [hbm:s3], $0xF7A  }
0x26: {  	[smem:$0x3F9B] =	sst s1;
	(tag) =	ssettag s2;
	_ =	strace s9  }
0x27: {  	s1 =	sld [smem:$0x3FAB]  }
0x28: {  	s2 =	sld [smem:$0x3FAC]  }
0x29: {  	s4 =	sld [smem:$0x3FAE]  }
0x2a: {  	p0 =	seq.s32 s5, $0x0;
	s5 =	sld [smem:$0x3FAF]  }
0x2b: {  	s6 =	sld [smem:$0x3FB0]  }
0x2c: {  	s7 =	sld [smem:$0x3FB1]  }
0x2d: {  	s3 =	simm.s32 $0x108;
	s8 =	sld [smem:$0x3FB2]  }
0x2e: {  	s3 =	simm.s32 @!p0 $0x1082;
	s9 =	sld [smem:$0x3FB3]  }
0x2f: {  	lr =	sadd.s32 s0, s3;
	s0 =	sld [smem:$0x3FAA]  }
0x30: {  	s3 =	sld [smem:$0x3FAD]  }
0x31: {  	[smem:$0x3FB6] =	sst s10  }
0x32: {  	s10 =	sld [smem:$0x3FB4];
	_ =	sdelay $0x3  }
0x33: {  	p0 =	seq.s32 s10, $0x1;
	s10 =	sld [smem:$0x3FB6];
	_ =	sdelay $0x3  }
0x34: {  	[smem:$0x3FB6] =	sst s10  }
0x35: {  	s10 =	sld [smem:$0x3FB5];
	_ =	sdelay $0x3  }
0x36: {  	p1 =	seq.s32 s10, $0x1;
	s10 =	sld [smem:$0x3FB6];
	_ =	sdelay $0x3  }
0x37: {  	[smem:$0x3FB6] =	sst s10  }
0x38: {  	s10 =	sld [smem:$0x3FB7]  }
0x39: {  	_ = 	snop;
	(pc) =	sbr.ind lr, $3  }
0x3a: {  	_ = 	snop  }
0x3b: {  	_ = 	snop  }
0x3c: {  	p2 =	seq.s32 s10, $0x1;
	s10 =	sld [smem:$0x3FB6]  }
0x3d: {  	_ =	shalt  }
0x3e: {  	_ =	shalt  }
0x3f: {  	_ =	shalt  }
0x40: {  	_ =	shalt  }
0x41: {  	_ =	shalt  }
0x42: {  	_ =	shalt  }
0x43: {  	_ =	shalt  }
0x44: {  	_ =	shalt  }
0x45: {  	_ =	shalt  }
0x46: {  	_ =	shalt  }
0x47: {  	_ =	shalt  }
0x48: {  	_ =	shalt  }
0x49: {  	_ =	shalt  }
0x4a: {  	_ =	shalt  }
0x4b: {  	_ =	shalt  }
0x4c: {  	_ =	shalt  }
0x4d: {  	_ =	shalt  }
0x4e: {  	_ =	shalt  }
0x4f: {  	_ =	shalt  }
0x50: {  	_ =	shalt  }
0x51: {  	_ =	shalt  }
0x52: {  	_ =	shalt  }
0x53: {  	_ =	shalt  }
0x54: {  	_ =	shalt  }
0x55: {  	_ =	shalt  }
0x56: {  	_ =	shalt  }
0x57: {  	_ =	shalt  }
0x58: {  	_ =	shalt  }
0x59: {  	_ =	shalt  }
0x5a: {  	_ =	shalt  }
0x5b: {  	_ =	shalt  }
0x5c: {  	_ =	shalt  }
0x5d: {  	_ =	shalt  }
0x5e: {  	_ =	shalt  }
0x5f: {  	_ =	shalt  }
0x60: {  	_ =	shalt  }
0x61: {  	_ =	shalt  }
0x62: {  	_ =	shalt  }
0x63: {  	_ =	shalt  }
0x64: {  	_ =	shalt  }
0x65: {  	_ =	shalt  }
0x66: {  	_ =	shalt  }
0x67: {  	_ =	shalt  }
0x68: {  	_ =	shalt  }
0x69: {  	_ =	shalt  }
0x6a: {  	_ =	shalt  }
0x6b: {  	_ =	shalt  }
0x6c: {  	_ =	shalt  }
0x6d: {  	_ =	shalt  }
0x6e: {  	_ =	shalt  }
0x6f: {  	_ =	shalt  }
0x70: {  	_ =	shalt  }
0x71: {  	_ =	shalt  }
0x72: {  	_ =	shalt  }
0x73: {  	_ =	shalt  }
0x74: {  	_ =	shalt  }
0x75: {  	_ =	shalt  }
0x76: {  	_ =	shalt  }
0x77: {  	_ =	shalt  }
0x78: {  	_ =	shalt  }
0x79: {  	_ =	shalt  }
0x7a: {  	_ =	shalt  }
0x7b: {  	_ =	shalt  }
0x7c: {  	_ =	shalt  }
0x7d: {  	_ =	shalt  }
0x7e: {  	_ =	shalt  }
0x7f: {  	_ =	shalt  }
0x80: {  	_ =	shalt  }
0x81: {  	_ =	shalt  }
0x82: {  	_ =	shalt  }
0x83: {  	_ =	shalt  }
0x84: {  	_ =	shalt  }
0x85: {  	_ =	shalt  }
0x86: {  	_ =	shalt  }
0x87: {  	_ =	shalt  }
.Lfunc_end0:
.L_simem_size_0:
called_computation_lowered:
.L_overlay_start_0:
0x88: {  	s2 =	sld [smem:$0x3FD9]  }
0x89: {  	s3 =	sld [smem:$0x3FFE];
	_ =	sdelay $0x1  }
0x8a: {  	s1 =	srdreg.scid  }
0x8b: {  	s0 =	sand.u32 $0x1, s1  }
0x8c: {  	s16 =	sshll.u32 s0, $0xA;
	s2 =	sadd.s32 s3, s2  }
0x8d: {  	s2 =	sadd.s32 s2, s16  }
0x8e: {  	[smem:$0x3FC2] =	sst s2  }
0x8f: {  	_ = 	snop  }
0x90: {  	(tm) =	ssettm $0x1  }
0x91: {  	s17 =	sld [smem:$0x3FFB];
	_ =	sdelay $0x3  }
0x92: {  	_ =	strace s17  }
0x93: {  	s2 =	sld [smem:$0x3FFC];
	_ =	sdelay $0x3  }
0x94: {  	_ =	strace s2  }
0x95: {  	s2 =	sld [smem:$0x3FFD];
	_ =	sdelay $0x3  }
0x96: {  	_ =	strace s2  }
0x97: {  	_ =	strace $0x8FFFFFFF  }
0x98: {  	s18 =	sld [smem:$0x3FDB];
	_ =	sdelay $0x1  }
0x99: {  	s19 =	simm.s32 $_scs_section_size  }
0x9a: {  	s4 =	simm.s32 $_size__tile_overlayer_lowered;
	s5 =	simm.s32 $_tile_overlayer_lowered  }
0x9b: {  	s22 =	simm.s32 $0x1BFF;
	s21 =	sshll.u32 s5, $0x1;
	s2 =	sadd.s32 s19, s18  }
0x9c: {  	s6 =	simm.s32 $0x0;
	s20 =	sshll.u32 s4, $0x1;
	s4 =	sadd.s32 s21, s2  }
0x9d: {  	[timem:s6], [sflag:s22] =	dma.local [hbm:s4], s20  }
0x9e: {  	_ =	swait.ge [sflag:s22], s20  }
0x9f: {  	s3 =	ssub.s32 $0x0, s20;
	[sflag:s22] =	ssyncset.done $0x0  }
0xa0: {  	[sflag:s22] =	ssyncadd.s32 s3;
	_ =	sdelay $0x1  }
0xa1: {  	s23 =	simm.s32 $0x1B8B  }
0xa2: {  	_ =	swait.ge [sflag:s23], $0x1  }
0xa3: {  	[sflag:s23] =	ssyncset.done $0x0  }
0xa4: {  	s25 =	simm.s32 $0x1B8E;
	s24 =	sld [smem:$0x3FFE];
	[sflag:s23] =	ssyncadd.s32 $0xFFFFFFFF  }
0xa5: {  	s26 =	simm.s32 $execute0_lowered;
	[smem:$0x3FD2] =	sst s25  }
0xa6: {  	s4 =	sshll.u32 s26, $0x1;
	_ =	strace $0x80000046;
	[dreg:$0x1] =	wrdreg $0xFFFFFFFF  }
0xa7: {  	s28 =	simm.s32 $_size_execute0_lowered;
	s2 =	sadd.s32 s2, s4;
	[dreg:$0x0] =	wrdreg $0x0  }
0xa8: {  	s4 =	sshll.u32 s28, $0x1;
	[dreg:$0x2] =	wrdreg s2  }
0xa9: {  	[dreg:$0x3] =	wrdreg s4  }
0xaa: {  	[dreg:$0x4] =	wrdreg $0xC0  }
0xab: {  	_ =	task [dreg:s6], $0x5FFFF  }
0xac: {  	[dreg:$0x1] =	wrdreg $0xFFFFFFFF  }
0xad: {  	[dreg:$0x0] =	wrdreg $0x60  }
0xae: {  	[dreg:$0x2] =	wrdreg s24  }
0xaf: {  	[dreg:$0x3] =	wrdreg $0x68000  }
0xb0: {  	[dreg:$0x4] =	wrdreg $0x9  }
0xb1: {  	_ =	task.clear_ibuf [dreg:s6], $0x5FFFF;
	_ =	strace $0x90000046  }
0xb2: {  	s29 =	simm.s32 $0x9;
	_ =	strace $0x80000048  }
0xb3: {  	_ =	swait.ge [sflag:s29], $0x1  }
0xb4: {  	[sflag:s29] =	ssyncadd.s32 $0xFFFFFFFF  }
0xb5: {  	_ =	strace $0x90000048  }
0xb6: {  	_ =	sfence  }
0xb7: {  	s30 =	sld [smem:$0x0];
	_ =	sdelay $0x2  }
0xb8: {  	s31 =	sshll.u32 s1, $0xD;
	s1 =	sshrl.u32 s1, $0x2  }
0xb9: {  	s3 =	sand.u32 $0x4000, s31;
	s1 =	sadd.s32 s1, s30  }
0xba: {  	s0 =	sor.u32 s3, s0;
	s1 =	sshll.u32 s1, $0x11  }
0xbb: {  	s0 =	sor.u32 s1, s0  }
0xbc: {  	s0 =	sadd.s32 $0x8F2B, s0  }
0xbd: {  	[sflag:s0] =	ssyncadd.remote.s32 $0x1  }
0xbe: {  	_ =	sfence.sel $0xFFFF  }
0xbf: {  	[dreg:$0x0] =	wrdreg $0xFFFFFFFF;
	(pc) =	sbr.abs _section_cstart, $3  }
0xc0: {  	[dreg:$0x1] =	wrdreg $0xFFFFFFFF  }
0xc1: {  	_ =	task.clear_ibuf [dreg:s6], $0x2FFFF;
	_ =	strace $0x9FFFFFFF  }
0xc2: {  	(tm) =	ssettm $0x7FFFFFFF  }
0xc3: {  	_ =	shalt  }
tec
execute0_lowered:
.L_overlay_start_1:
0x0: {  	(tag) =	ssettag $0x1  }
0x1: {  	s0 =	srdreg.scid;
	s5 =	rddreg [dreg:$0x0]  }
0x2: {  	s2 =	rddreg [dreg:$0x1];
	s3 =	simm.s32 $0x0;
	s13 =	simm.s32 $0x2800  }
0x3: {  	s14 =	simm.s32 $0x80;
	s15 =	simm.s32 $0x100;
	s4 =	sand.u32 $0x1, s0  }
0x4: {  	s16 =	simm.s32 $0x180;
	s0 =	stileid.u32;
	s7 =	smul.u32 $0x27100, s4  }
0x5: {  	s17 =	simm.s32 $0x1;
	s20 =	simm.s32 $0x0;
	s8 =	smul.u32 $0x3E80, s0  }
0x6: {  	[smem:$0x7FF] =	sst s3;
	s1 =	sshll.u32 s4, $0x4;
	s9 =	smul.u32 $0x4F000, s0  }
0x7: {  	s28 =	ssub.s32 $0x2, s4;
	s31 =	smul.u32 $0x7D000, s0;
	p0 =	sgt.u32 s0, $0x9  }
0x8: {  	s1 =	sor.u32 s0, s1;
	s30 =	sshrl.u32 s28, $0x1;
	s18 =	sshll.u32 @!p0 s0, $0x6  }
0x9: {  	s6 =	smul.u32 $0x500, s1;
	s1 =	rddreg [dreg:$0x2];
	_ =	strace $0x80000047  }
0xa: {  	s7 =	sadd.s32 s8, s7;
	s29 =	sshrl.u32 s9, $0x2;
	s11 =	ssub.s32 s28, s30  }
0xb: {  	s12 =	sshrl.u32 s31, $0x2;
	s18 =	sor.u32 @!p0 $0x1C02, s18;
	s10 =	sadd.s32 s7, s5  }
0xc: {  	s4 =	sadd.s32 s29, s2;
	s19 =	sadd.s32 s12, s2;
	s11 =	smax.u32 s11, $0x1  }
0xd: {  	s12 =	simm.s32 $0x2;
	s6 =	sadd.s32 s6, s5;
	s7 =	sadd.s32 $0x8000, s4  }
0xe: {  	s8 =	sadd.s32 $0xC000, s4;
	s9 =	sadd.s32 $0x10000, s4;
	s10 =	sadd.s32 $0xCA00, s10  }
0xf: {  	v0 =	vimm.f32 $0.0e+00;
	v1 =	vimm.f32 $1.000000000e+00;
	s19 =	sshrl.u32 @!p0 s19, $0x3;
	s5 =	sadd.s32 $0x2A00, s6;
	s6 =	sadd.s32 $0x4000, s4  }
.LBB2_1:
0x10: {  	[tilespmem:s3], [sflag:$0x2] =	stream.linear.gather [hbm4b:s5+s3], $0x2800, $0x38;
	[tilespmem:$0x1A400] =	vst v63  }
0x11: {  	_ =	swait.ge [sflag:s12], $0x2800  }
0x12: {  	[sflag:s12] =	ssyncset.done $0x0  }
0x13: {  	s21 =	simm.s32 $0x0;
	s22 =	simm.s32 $0x200;
	[sflag:s12] =	ssyncadd.s32 $0xFFFFD800  }
.LBB2_2:
0x14: {  	p1 =	sne.s32 s22, $0xFE00;
	[tilespmem:s21+$0x2870] =	vst v0  }
0x15: {  	[tilespmem:s21+$0x2800] =	vst v0  }
0x16: {  	[tilespmem:s21+$0x2810] =	vst v0  }
.Ltmp0:
0x17: {  	[tilespmem:s21+$0x2820] =	vst v0;
	(pc) =	sbr.rel @p1 .LBB2_2-.Ltmp0, $4  }
0x18: {  	[tilespmem:s21+$0x2830] =	vst v0  }
0x19: {  	[tilespmem:s21+$0x2840] =	vst v0  }
0x1a: {  	[tilespmem:s21+$0x2850] =	vst v0  }
0x1b: {  	[tilespmem:s21+$0x2860] =	vst v0;
	s21 =	sshra.s32 s22, $0x2;
	s22 =	sadd.s32 $0x200, s22  }
0x1c: {  	[tilespmem:s21+$0x2870] =	vst v0  }
0x1d: {  	[tilespmem:s21+$0x2800] =	vst v0  }
0x1e: {  	[tilespmem:s21+$0x2810] =	vst v0  }
0x1f: {  	[tilespmem:s21+$0x2820] =	vst v0  }
0x20: {  	[tilespmem:s21+$0x2830] =	vst v0  }
0x21: {  	[tilespmem:s21+$0x2840] =	vst v0  }
0x22: {  	[tilespmem:s21+$0x2850] =	vst v0  }
0x23: {  	[tilespmem:s21+$0x2860] =	vst v0  }
0x24: {  	[spmem:s4] =	stream.linear.scatter [tilespmem:s13], [sflag:$0x2], $0x4000, $0x38;
	[tilespmem:$0x1A400] =	vst v63  }
0x25: {  	_ =	swait.ge [sflag:s12], $0x4000  }
0x26: {  	[sflag:s12] =	ssyncset.done $0x0  }
0x27: {  	[sflag:s12] =	ssyncadd.s32 $0xFFFFC000  }
0x28: {  	[spmem:s6] =	stream.linear.scatter [tilespmem:s13], [sflag:$0x2], $0x4000, $0x38;
	[tilespmem:$0x1A400] =	vst v63  }
0x29: {  	_ =	swait.ge [sflag:s12], $0x4000  }
0x2a: {  	[sflag:s12] =	ssyncset.done $0x0  }
0x2b: {  	[sflag:s12] =	ssyncadd.s32 $0xFFFFC000  }
0x2c: {  	[spmem:s7] =	stream.linear.scatter [tilespmem:s13], [sflag:$0x2], $0x4000, $0x38;
	[tilespmem:$0x1A400] =	vst v63  }
0x2d: {  	_ =	swait.ge [sflag:s12], $0x4000  }
0x2e: {  	[sflag:s12] =	ssyncset.done $0x0  }
0x2f: {  	[sflag:s12] =	ssyncadd.s32 $0xFFFFC000  }
0x30: {  	[spmem:s8] =	stream.linear.scatter [tilespmem:s13], [sflag:$0x2], $0x4000, $0x38;
	[tilespmem:$0x1A400] =	vst v63  }
0x31: {  	_ =	swait.ge [sflag:s12], $0x4000  }
0x32: {  	[sflag:s12] =	ssyncset.done $0x0  }
0x33: {  	[sflag:s12] =	ssyncadd.s32 $0xFFFFC000  }
0x34: {  	[spmem:s9] =	stream.linear.scatter [tilespmem:s13], [sflag:$0x2], $0x3C00, $0x38;
	[tilespmem:$0x1A400] =	vst v63  }
0x35: {  	_ =	swait.ge [sflag:s12], $0x3C00  }
0x36: {  	[sflag:s12] =	ssyncset.done $0x0  }
0x37: {  	s21 =	simm.s32 $0x0;
	s22 =	simm.s32 $0x200;
	[sflag:s12] =	ssyncadd.s32 $0xFFFFC400  }
.LBB2_4:
0x38: {  	p1 =	sne.s32 s22, $0xFE00;
	[tilespmem:s21+$0x2870] =	vst v1  }
0x39: {  	[tilespmem:s21+$0x2800] =	vst v1  }
0x3a: {  	[tilespmem:s21+$0x2810] =	vst v1  }
.Ltmp1:
0x3b: {  	[tilespmem:s21+$0x2820] =	vst v1;
	(pc) =	sbr.rel @p1 .LBB2_4-.Ltmp1, $4  }
0x3c: {  	[tilespmem:s21+$0x2830] =	vst v1  }
0x3d: {  	[tilespmem:s21+$0x2840] =	vst v1  }
0x3e: {  	[tilespmem:s21+$0x2850] =	vst v1  }
0x3f: {  	[tilespmem:s21+$0x2860] =	vst v1;
	s21 =	sshra.s32 s22, $0x2;
	s22 =	sadd.s32 $0x200, s22  }
0x40: {  	[tilespmem:s21+$0x2870] =	vst v1  }
0x41: {  	[tilespmem:s21+$0x2800] =	vst v1  }
0x42: {  	[tilespmem:s21+$0x2810] =	vst v1  }
0x43: {  	[tilespmem:s21+$0x2820] =	vst v1  }
0x44: {  	[tilespmem:s21+$0x2830] =	vst v1  }
0x45: {  	[tilespmem:s21+$0x2840] =	vst v1  }
0x46: {  	[tilespmem:s21+$0x2850] =	vst v1  }
0x47: {  	[tilespmem:s21+$0x2860] =	vst v1  }
0x48: {  	[bflag:$0x0] =	sbarrier.arrive $0xFFFF  }
0x49: {  	[spmem:s2] =	stream.indirect.scatter.add.f32 [tilespmem:s13], [sflag:$0x1], $0x80, s3, s14, $0xb8;
	[tilespmem:$0x1A400] =	vst v63  }
0x4a: {  	_ = 	snop  }
0x4b: {  	[spmem:s2] =	stream.indirect.scatter.add.f32 [tilespmem:s13], [sflag:$0x1], $0x80, s14, s14, $0xb8;
	[tilespmem:$0x1A400] =	vst v63  }
0x4c: {  	_ = 	snop  }
0x4d: {  	[spmem:s2] =	stream.indirect.scatter.add.f32 [tilespmem:s13], [sflag:$0x1], $0x80, s15, s14, $0xb8;
	[tilespmem:$0x1A400] =	vst v63  }
0x4e: {  	_ = 	snop  }
0x4f: {  	[spmem:s2] =	stream.indirect.scatter.add.f32 [tilespmem:s13], [sflag:$0x1], $0x80, s16, s14, $0xb8;
	[tilespmem:$0x1A400] =	vst v63  }
0x50: {  	s31 =	simm.s32 $0x200  }
0x51: {  	[spmem:s2] =	stream.indirect.scatter.add.f32 [tilespmem:s13], [sflag:$0x1], $0x80, s31, s14, $0xb8;
	[tilespmem:$0x1A400] =	vst v63  }
0x52: {  	_ =	swait.ge [sflag:s17], $0x4000  }
0x53: {  	s21 =	simm.s32 $0xA00;
	[sflag:s17] =	ssyncset.done $0x0  }
.LBB2_6:
0x54: {  	s22 =	sshra.s32 s21, $0x2;
	[sflag:s17] =	ssyncadd.s32 $0xFFFFC000;
	p1 =	sne.s32 s21, $0x9E00  }
0x55: {  	[spmem:s2] =	stream.indirect.scatter.add.f32 [tilespmem:s13], [sflag:$0x1], $0x80, s22, s14, $0xb8;
	[tilespmem:$0x1A400] =	vst v63  }
.Ltmp2:
0x56: {  	_ = 	snop;
	(pc) =	sbr.rel @p1 .LBB2_6-.Ltmp2, $4  }
0x57: {  	_ = 	snop  }
0x58: {  	s21 =	sadd.s32 $0x200, s21  }
0x59: {  	_ =	swait.ge [sflag:s17], $0x4000  }
0x5a: {  	[sflag:s17] =	ssyncset.done $0x0  }
0x5b: {  	[sflag:s17] =	ssyncadd.s32 $0xFFFFC000  }
0x5c: {  	_ =	swait.ge [sflag:s17], $0x4000  }
0x5d: {  	[sflag:s17] =	ssyncset.done $0x0  }
0x5e: {  	[sflag:s17] =	ssyncadd.s32 $0xFFFFC000  }
0x5f: {  	_ =	swait.ge [sflag:s17], $0x4000  }
0x60: {  	[sflag:s17] =	ssyncset.done $0x0  }
0x61: {  	[sflag:s17] =	ssyncadd.s32 $0xFFFFC000  }
0x62: {  	_ =	swait.ge [sflag:s17], $0x4000  }
0x63: {  	[sflag:s17] =	ssyncset.done $0x0  }
0x64: {  	[sflag:s17] =	ssyncadd.s32 $0xFFFFC000  }
0x65: {  	_ =	swait.ge [sflag:s17], $0x4000  }
0x66: {  	s20 =	sadd.s32 $0x1, s20;
	[sflag:s17] =	ssyncset.done $0x0  }
0x67: {  	p1 =	sne.s32 s20, s11;
	[sflag:s17] =	ssyncadd.s32 $0xFFFFC000  }
.Ltmp3:
0x68: {  	s21 =	simm.s32 @!p0 $0x2;
	[bflag:$0x0] =	sbarrier.arrive $0xFFFF;
	(pc) =	sbr.rel @p1 .LBB2_1-.Ltmp3, $4  }
0x69: {  	[hbm:s10], [sflag:s18] =	dma.local @!p0 [spmem:s19], $0x3E80  }
0x6a: {  	_ =	swait.ge @!p0 [sflag:s21], $0x3E80  }
0x6b: {  	[sflag:s21] =	ssyncset.done @!p0 $0x0  }
0x6c: {  	[sflag:s21] =	ssyncadd.s32 @!p0 $0xFFFFC180  }
0x6d: {  	_ =	sfence.sel $0x180000  }
0x6e: {  	[bflag:$0x0] =	sbarrier.arrive $0xFFFF  }
0x6f: {  	p0 =	sne.s32 s0, $0x0;
	_ =	strace $0x90000047  }
0x70: {  	s0 =	sadd.s32 @!p0 $0x100000, s1;
	[bflag:$0x2] =	sbarrier.arrive $0xFFFF  }
0x71: {  	[sflag:s0] =	ssyncadd.tile.s32 @!p0 $0x1;
	_ =	shalt  }
.Lfunc_end2:
_tile_overlayer_lowered:
.L_overlay_start_2:
0x72: {  	(tag) =	ssettag $0x2  }
0x73: {  	s0 =	rddreg [dreg:$0x0];
	s2 =	stileid.u32  }
0x74: {  	s1 =	rddreg [dreg:$0x1];
	p0 =	sne.s32 s2, $0x0  }
0x75: {  	s3 =	rddreg [dreg:$0x2];
	[bflag:$0x3] =	sbarrier.arrive $0xFFFF;
	s2 =	simm.s32 @!p0 $0x1C02  }
0x76: {  	[timem:s3], [sflag:s2] =	dma.local @!p0 [hbm:s0], s1  }
0x77: {  	s0 =	simm.s32 @!p0 $0x2  }
0x78: {  	_ =	swait.ge @!p0 [sflag:s0], s1  }
0x79: {  	s1 =	ssub.s32 @!p0 $0x0, s1;
	[sflag:s0] =	ssyncset.done @!p0 $0x0  }
0x7a: {  	[sflag:s0] =	ssyncadd.s32 @!p0 s1  }
0x7b: {  	[bflag:$0x3] =	sbarrier.arrive $0xFFFF  }
0x7c: {  	_ =	shalt  }

</sc_bundles>
